<compile_context>
chip_gen: v7x
topology: tpu7x:2x2x1
jax: 0.10.2.dev20260603
libtpu: 0.0.44.dev20260713+nightly
codegen_flags: <defaults>
</compile_context>

<pallas_src>
import functools

import jax
import jax.numpy as jnp
from jax import lax
from jax.experimental import pallas as pl
from jax.experimental.pallas import tpu as pltpu
from jax.experimental.pallas import tpu_sc as plsc

_B = 16384
_D = 32
_LN2 = 0.6931471805599453


def _rsqrt16(x):
    i = lax.bitcast_convert_type(x, jnp.int32)
    one = jnp.full((16,), 1, jnp.int32)
    y = lax.bitcast_convert_type(
        jnp.full((16,), 0x5F3759DF, jnp.int32) - lax.shift_right_logical(i, one),
        jnp.float32)
    for _ in range(3):
        y = y * (1.5 - 0.5 * x * y * y)
    return y


def _ln16(x):
    f = lax.bitcast_convert_type(x, jnp.int32).astype(jnp.float32)
    y = f * (_LN2 / (1 << 23)) - (127.0 * _LN2 + 0.0298)
    for _ in range(3):
        y = y + x * jnp.exp(-y) - 1.0
    return y


def _sc_loss_parts(uid, ipid, inid, hid, rid, ptid, ntid, ut, it, et, rt):
    info = plsc.get_sparse_core_info()
    nc, ns = info.num_cores, info.num_subcores
    nw = nc * ns
    rpw = _B // nw
    ngrp = rpw // 16

    mesh = plsc.VectorSubcoreMesh(core_axis_name="c", subcore_axis_name="s")

    @functools.partial(
        pl.kernel,
        mesh=mesh,
        compiler_params=pltpu.CompilerParams(use_tc_tiling_on_sc=False, needs_layout_passes=False),
        out_type=jax.ShapeDtypeStruct((nw, 16, 16), jnp.float32),
        scratch_types=(
            [pltpu.VMEM((rpw,), jnp.int32)] * 7
            + [pltpu.VMEM((rpw, _D), jnp.float32)] * 5
            + [pltpu.VMEM((16, 16), jnp.float32), pltpu.SemaphoreType.DMA]
        ),
    )
    def body(uid_h, ipid_h, inid_h, hid_h, rid_h, ptid_h, ntid_h,
             ut_h, it_h, et_h, rt_h, out_h,
             xu, xip, xin, xh, xr, xpt, xnt,
             b0, b1, b2, b3, b4, accv, sem):
        wid = lax.axis_index("s") * nc + lax.axis_index("c")
        sl = pl.ds(wid * rpw, rpw)
        pltpu.sync_copy(hid_h.at[sl], xh)
        pltpu.sync_copy(rid_h.at[sl], xr)
        pltpu.sync_copy(ptid_h.at[sl], xpt)
        pltpu.sync_copy(ntid_h.at[sl], xnt)
        pltpu.sync_copy(uid_h.at[sl], xu)
        pltpu.sync_copy(ipid_h.at[sl], xip)
        pltpu.sync_copy(inid_h.at[sl], xin)

        ch = pltpu.async_copy(et_h.at[xh], b0, sem)
        cr = pltpu.async_copy(rt_h.at[xr], b1, sem)
        cp = pltpu.async_copy(et_h.at[xpt], b2, sem)
        cn = pltpu.async_copy(et_h.at[xnt], b3, sem)
        ch.wait(); cr.wait(); cp.wait(); cn.wait()

        iota = lax.iota(jnp.int32, 16)
        zero = jnp.zeros((16,), jnp.float32)

        def kg_group(g, carry):
            a_h, a_r, a_p, a_n, c_hr, c_hp, c_hn, c_rp, c_rn = carry
            row = g * 16 + iota
            sh = sr = sp = sn = hr = hp = hn = rp = rn = zero
            for d in range(_D):
                col = jnp.full((16,), d, jnp.int32)
                hv = plsc.load_gather(b0, [row, col])
                rv = plsc.load_gather(b1, [row, col])
                pv = plsc.load_gather(b2, [row, col])
                nv = plsc.load_gather(b3, [row, col])
                sh = sh + hv * hv
                sr = sr + rv * rv
                sp = sp + pv * pv
                sn = sn + nv * nv
                hr = hr + hv * rv
                hp = hp + hv * pv
                hn = hn + hv * nv
                rp = rp + rv * pv
                rn = rn + rv * nv
            ih = _rsqrt16(jnp.maximum(sh, 1e-24))
            ir = _rsqrt16(jnp.maximum(sr, 1e-24))
            ip_ = _rsqrt16(jnp.maximum(sp, 1e-24))
            in_ = _rsqrt16(jnp.maximum(sn, 1e-24))
            return (a_h + sh * ih * ih, a_r + sr * ir * ir,
                    a_p + sp * ip_ * ip_, a_n + sn * in_ * in_,
                    c_hr + hr * ih * ir, c_hp + hp * ih * ip_,
                    c_hn + hn * ih * in_, c_rp + rp * ir * ip_,
                    c_rn + rn * ir * in_)

        kg = lax.fori_loop(0, ngrp, kg_group, (zero,) * 9)

        cu = pltpu.async_copy(ut_h.at[xu], b0, sem)
        cip = pltpu.async_copy(it_h.at[xip], b1, sem)
        cep = pltpu.async_copy(et_h.at[xip], b2, sem)
        cin = pltpu.async_copy(it_h.at[xin], b3, sem)
        cen = pltpu.async_copy(et_h.at[xin], b4, sem)
        cu.wait(); cip.wait(); cep.wait(); cin.wait(); cen.wait()

        def cf_group(g, carry):
            slog, su, sp2, sn2 = carry
            row = g * 16 + iota
            up = un = ru = rp_ = rn_ = zero
            for d in range(_D):
                col = jnp.full((16,), d, jnp.int32)
                uv = plsc.load_gather(b0, [row, col])
                ipv = plsc.load_gather(b1, [row, col])
                epv = plsc.load_gather(b2, [row, col])
                inv = plsc.load_gather(b3, [row, col])
                env = plsc.load_gather(b4, [row, col])
                pv = ipv + epv
                nv = inv + env
                up = up + uv * pv
                un = un + uv * nv
                ru = ru + uv * uv
                rp_ = rp_ + pv * pv
                rn_ = rn_ + nv * nv
            dlt = up - un
            sig = 1.0 / (1.0 + jnp.exp(-dlt))
            y = _ln16(sig + 1e-10)
            return (slog - y, su + ru, sp2 + rp_, sn2 + rn_)

        cf = lax.fori_loop(0, ngrp, cf_group, (zero,) * 4)

        vals = list(kg) + list(cf)
        for k in range(13):
            accv[k, :] = vals[k]
        for k in range(13, 16):
            accv[k, :] = zero
        pltpu.sync_copy(accv, out_h.at[wid])

    return body(uid, ipid, inid, hid, rid, ptid, ntid, ut, it, et, rt)


def kernel(user_ids, item_pos_ids, item_neg_ids, h, r, pos_t, neg_t, is_train,
           user_table, item_table, entity_table, relation_table):
    del is_train
    i32 = jnp.int32
    parts = _sc_loss_parts(
        user_ids.astype(i32), item_pos_ids.astype(i32), item_neg_ids.astype(i32),
        h.astype(i32), r.astype(i32), pos_t.astype(i32), neg_t.astype(i32),
        user_table, item_table, entity_table, relation_table)
    s = jnp.sum(parts, axis=(0, 2))
    (a_h, a_r, a_p, a_n, c_hr, c_hp, c_hn, c_rp, c_rn,
     s_log, s_u, s_p, s_n) = [s[k] for k in range(13)]
    bf = float(_B)
    pos2 = a_h + a_r + a_p + 2.0 * (c_hr - c_hp - c_rp)
    neg2 = a_h + a_r + a_n + 2.0 * (c_hr - c_hn - c_rn)
    pos_s = jnp.sqrt(jnp.maximum(pos2, 0.0))
    neg_s = jnp.sqrt(jnp.maximum(neg2, 0.0))
    kg_total = (-jax.nn.log_sigmoid(pos_s - neg_s)
                + 1e-5 * (a_h + a_r + a_p + a_n) / (2.0 * bf))
    cf_total = s_log / bf + 1e-5 * (s_u + s_p + s_n) / (2.0 * bf)
    return kg_total + cf_total

# --- scband reference (transcript-rebuilt; emitter-appended) ---
"""Pipeline reference for scband-embedding-based-55800215109959 (READ-ONLY COPY).

The authoritative reference and input builder live on the scoring server;
editing this copy changes nothing except your own understanding.
"""

import jax, jax.numpy as jnp
import numpy as np

N_USERS = 1000000
N_ITEMS = 1000000
N_ENTITIES = 1000000
N_RELATIONS = 1000
EMBED_DIM = 32
RELATION_DIM = 32
CF_B = 16384
KG_B = 16384
CF_L2_LAMBDA = 1e-05
KG_L2_LAMBDA = 1e-05


def _xavier_uniform(key, shape):
    fan_in, fan_out = shape[0], shape[1]
    limit = float(np.sqrt(6.0 / (fan_in + fan_out)))
    return jax.random.uniform(key, shape, minval=-limit, maxval=limit, dtype=jnp.float32)


def _normalize(x, eps=1e-12):
    n = jnp.linalg.norm(x, axis=1, keepdims=True)
    return x / jnp.maximum(n, eps)


def _l2_loss_mean(x):
    return jnp.mean(jnp.sum(jnp.square(x), axis=1) / 2.0)


def setup_inputs(seed: int = 0):
    key = jax.random.key(seed)
    ks = jax.random.split(key, 11)
    return {
        "user_ids": jax.random.randint(ks[0], (CF_B,), 0, N_USERS),
        "item_pos_ids": jax.random.randint(ks[1], (CF_B,), 0, N_ITEMS),
        "item_neg_ids": jax.random.randint(ks[2], (CF_B,), 0, N_ITEMS),
        "h": jax.random.randint(ks[3], (KG_B,), 0, N_ENTITIES),
        "r": jax.random.randint(ks[4], (KG_B,), 0, N_RELATIONS),
        "pos_t": jax.random.randint(ks[5], (KG_B,), 0, N_ENTITIES),
        "neg_t": jax.random.randint(ks[6], (KG_B,), 0, N_ENTITIES),
        "is_train": 1,
        "user_table": _xavier_uniform(ks[7], (N_USERS, EMBED_DIM)),
        "item_table": _xavier_uniform(ks[8], (N_ITEMS, EMBED_DIM)),
        "entity_table": _xavier_uniform(ks[9], (N_ENTITIES, EMBED_DIM)),
        "relation_table": _xavier_uniform(ks[10], (N_RELATIONS, RELATION_DIM)),
    }


def reference(user_ids, item_pos_ids, item_neg_ids, h, r, pos_t, neg_t, is_train,
              user_table, item_table, entity_table, relation_table):
    # ---- KG loss (TransE) ----
    r_embed = _normalize(jnp.take(relation_table, r, axis=0))
    h_embed = _normalize(jnp.take(entity_table, h, axis=0))
    pos_t_embed = _normalize(jnp.take(entity_table, pos_t, axis=0))
    neg_t_embed = _normalize(jnp.take(entity_table, neg_t, axis=0))
    pos_score = jnp.linalg.norm(h_embed + r_embed - pos_t_embed)
    neg_score = jnp.linalg.norm(h_embed + r_embed - neg_t_embed)
    kg_loss = jnp.mean(-1.0 * jax.nn.log_sigmoid(pos_score - neg_score))
    kg_l2 = (_l2_loss_mean(h_embed) + _l2_loss_mean(r_embed) +
             _l2_loss_mean(pos_t_embed) + _l2_loss_mean(neg_t_embed))
    kg_total = kg_loss + KG_L2_LAMBDA * kg_l2
    # ---- CF loss (method='add') ----
    user_embed = jnp.take(user_table, user_ids, axis=0)
    item_pos_embed = jnp.take(item_table, item_pos_ids, axis=0)
    item_neg_embed = jnp.take(item_table, item_neg_ids, axis=0)
    item_pos_kg_embed = jnp.take(entity_table, item_pos_ids, axis=0)
    item_neg_kg_embed = jnp.take(entity_table, item_neg_ids, axis=0)
    item_pos_cf_embed = item_pos_embed + item_pos_kg_embed
    item_neg_cf_embed = item_neg_embed + item_neg_kg_embed
    pos_score_cf = jnp.sum(user_embed * item_pos_cf_embed, axis=1)
    neg_score_cf = jnp.sum(user_embed * item_neg_cf_embed, axis=1)
    cf_loss = jnp.mean(-1.0 * jnp.log(1e-10 + jax.nn.sigmoid(pos_score_cf - neg_score_cf)))
    cf_l2 = (_l2_loss_mean(user_embed) + _l2_loss_mean(item_pos_cf_embed) +
             _l2_loss_mean(item_neg_cf_embed))
    cf_total = cf_loss + CF_L2_LAMBDA * cf_l2
    return kg_total + cf_total

if __name__ == "__main__":
    import jax
    _d = setup_inputs()
    print(jax.jit(kernel)(*tuple(_d.values())))

</pallas_src>

<mosaic_0001>
#map = affine_map<(d0, d1) -> (0)>
#map1 = affine_map<(d0, d1) -> (0, 0)>
#map2 = affine_map<(d0, d1) -> (0, 0, 0)>
module attributes {stable_mosaic.version = 14 : i64} {
  func.func @body(%arg0: i32, %arg1: i32, %arg2: memref<16384xi32, #tpu.memory_space<hbm>>, %arg3: memref<16384xi32, #tpu.memory_space<hbm>>, %arg4: memref<16384xi32, #tpu.memory_space<hbm>>, %arg5: memref<16384xi32, #tpu.memory_space<hbm>>, %arg6: memref<16384xi32, #tpu.memory_space<hbm>>, %arg7: memref<16384xi32, #tpu.memory_space<hbm>>, %arg8: memref<16384xi32, #tpu.memory_space<hbm>>, %arg9: memref<1000000x32xf32, #tpu.memory_space<hbm>>, %arg10: memref<1000000x32xf32, #tpu.memory_space<hbm>>, %arg11: memref<1000000x32xf32, #tpu.memory_space<hbm>>, %arg12: memref<1000x32xf32, #tpu.memory_space<hbm>>, %arg13: memref<32x16x16xf32, #tpu.memory_space<hbm>>, %arg14: memref<512xi32, #tpu.memory_space<vmem>>, %arg15: memref<512xi32, #tpu.memory_space<vmem>>, %arg16: memref<512xi32, #tpu.memory_space<vmem>>, %arg17: memref<512xi32, #tpu.memory_space<vmem>>, %arg18: memref<512xi32, #tpu.memory_space<vmem>>, %arg19: memref<512xi32, #tpu.memory_space<vmem>>, %arg20: memref<512xi32, #tpu.memory_space<vmem>>, %arg21: memref<512x32xf32, #tpu.memory_space<vmem>>, %arg22: memref<512x32xf32, #tpu.memory_space<vmem>>, %arg23: memref<512x32xf32, #tpu.memory_space<vmem>>, %arg24: memref<512x32xf32, #tpu.memory_space<vmem>>, %arg25: memref<512x32xf32, #tpu.memory_space<vmem>>, %arg26: memref<16x16xf32, #tpu.memory_space<vmem>>, %arg27: memref<!tpu.dma_semaphore, #tpu.memory_space<semaphore_mem>>) attributes {dimension_semantics = [#tpu.dimension_semantics<core_parallel>, #tpu.dimension_semantics<subcore_parallel>], iteration_bounds = array<i64: 2, 16>, scalar_prefetch = 0 : i64, scratch_operands = 14 : i64, tpu.core_type = #tpu.core_type<sc_vector_subcore>, window_params = [{transform_indices = #map}, {transform_indices = #map}, {transform_indices = #map}, {transform_indices = #map}, {transform_indices = #map}, {transform_indices = #map}, {transform_indices = #map}, {transform_indices = #map1}, {transform_indices = #map1}, {transform_indices = #map1}, {transform_indices = #map1}, {transform_indices = #map2}]} {
    %mul3A = arith.constant 2 : i32
    %mul3A_0 = arith.muli %arg1, %mul3A : i32
    %add3A = arith.addi %mul3A_0, %arg0 : i32
    %mul3A_1 = arith.constant 512 : i32
    %mul3A_2 = arith.muli %add3A, %mul3A_1 : i32
    "tpu.region"() ({
      %run_scoped3A = tpu.sem_alloc : memref<!tpu.dma_semaphore, #tpu.memory_space<semaphore_mem>>
      %dma_start3A_130 = tpu.memref_slice %arg5[%mul3A_2] : memref<16384xi32, #tpu.memory_space<hbm>> -> memref<512xi32, #tpu.memory_space<hbm>>
      %dma_start3A_131 = tpu.memref_slice %arg5[%mul3A_2] : memref<16384xi32, #tpu.memory_space<hbm>> -> memref<512xi32, #tpu.memory_space<hbm>>
      tpu.enqueue_dma source(%dma_start3A_131 : memref<512xi32, #tpu.memory_space<hbm>>) target(%arg17 : memref<512xi32, #tpu.memory_space<vmem>>) target_semaphore(%run_scoped3A : memref<!tpu.dma_semaphore, #tpu.memory_space<semaphore_mem>>)
      %dma_wait3A_132 = tpu.memref_slice %arg5[%mul3A_2] : memref<16384xi32, #tpu.memory_space<hbm>> -> memref<512xi32, #tpu.memory_space<hbm>>
      %dma_wait3A_133 = tpu.memref_slice %arg5[%mul3A_2] : memref<16384xi32, #tpu.memory_space<hbm>> -> memref<512xi32, #tpu.memory_space<hbm>>
      tpu.wait_dma2 semaphore(%run_scoped3A : memref<!tpu.dma_semaphore, #tpu.memory_space<semaphore_mem>>) src(%dma_wait3A_133 : memref<512xi32, #tpu.memory_space<hbm>>) dst(%arg17 : memref<512xi32, #tpu.memory_space<vmem>>)
      tpu.yield
    }) : () -> ()
    "tpu.region"() ({
      %run_scoped3A = tpu.sem_alloc : memref<!tpu.dma_semaphore, #tpu.memory_space<semaphore_mem>>
      %dma_start3A_130 = tpu.memref_slice %arg6[%mul3A_2] : memref<16384xi32, #tpu.memory_space<hbm>> -> memref<512xi32, #tpu.memory_space<hbm>>
      %dma_start3A_131 = tpu.memref_slice %arg6[%mul3A_2] : memref<16384xi32, #tpu.memory_space<hbm>> -> memref<512xi32, #tpu.memory_space<hbm>>
      tpu.enqueue_dma source(%dma_start3A_131 : memref<512xi32, #tpu.memory_space<hbm>>) target(%arg18 : memref<512xi32, #tpu.memory_space<vmem>>) target_semaphore(%run_scoped3A : memref<!tpu.dma_semaphore, #tpu.memory_space<semaphore_mem>>)
      %dma_wait3A_132 = tpu.memref_slice %arg6[%mul3A_2] : memref<16384xi32, #tpu.memory_space<hbm>> -> memref<512xi32, #tpu.memory_space<hbm>>
      %dma_wait3A_133 = tpu.memref_slice %arg6[%mul3A_2] : memref<16384xi32, #tpu.memory_space<hbm>> -> memref<512xi32, #tpu.memory_space<hbm>>
      tpu.wait_dma2 semaphore(%run_scoped3A : memref<!tpu.dma_semaphore, #tpu.memory_space<semaphore_mem>>) src(%dma_wait3A_133 : memref<512xi32, #tpu.memory_space<hbm>>) dst(%arg18 : memref<512xi32, #tpu.memory_space<vmem>>)
      tpu.yield
    }) : () -> ()
    "tpu.region"() ({
      %run_scoped3A = tpu.sem_alloc : memref<!tpu.dma_semaphore, #tpu.memory_space<semaphore_mem>>
      %dma_start3A_130 = tpu.memref_slice %arg7[%mul3A_2] : memref<16384xi32, #tpu.memory_space<hbm>> -> memref<512xi32, #tpu.memory_space<hbm>>
      %dma_start3A_131 = tpu.memref_slice %arg7[%mul3A_2] : memref<16384xi32, #tpu.memory_space<hbm>> -> memref<512xi32, #tpu.memory_space<hbm>>
      tpu.enqueue_dma source(%dma_start3A_131 : memref<512xi32, #tpu.memory_space<hbm>>) target(%arg19 : memref<512xi32, #tpu.memory_space<vmem>>) target_semaphore(%run_scoped3A : memref<!tpu.dma_semaphore, #tpu.memory_space<semaphore_mem>>)
      %dma_wait3A_132 = tpu.memref_slice %arg7[%mul3A_2] : memref<16384xi32, #tpu.memory_space<hbm>> -> memref<512xi32, #tpu.memory_space<hbm>>
      %dma_wait3A_133 = tpu.memref_slice %arg7[%mul3A_2] : memref<16384xi32, #tpu.memory_space<hbm>> -> memref<512xi32, #tpu.memory_space<hbm>>
      tpu.wait_dma2 semaphore(%run_scoped3A : memref<!tpu.dma_semaphore, #tpu.memory_space<semaphore_mem>>) src(%dma_wait3A_133 : memref<512xi32, #tpu.memory_space<hbm>>) dst(%arg19 : memref<512xi32, #tpu.memory_space<vmem>>)
      tpu.yield
    }) : () -> ()
    "tpu.region"() ({
      %run_scoped3A = tpu.sem_alloc : memref<!tpu.dma_semaphore, #tpu.memory_space<semaphore_mem>>
      %dma_start3A_130 = tpu.memref_slice %arg8[%mul3A_2] : memref<16384xi32, #tpu.memory_space<hbm>> -> memref<512xi32, #tpu.memory_space<hbm>>
      %dma_start3A_131 = tpu.memref_slice %arg8[%mul3A_2] : memref<16384xi32, #tpu.memory_space<hbm>> -> memref<512xi32, #tpu.memory_space<hbm>>
      tpu.enqueue_dma source(%dma_start3A_131 : memref<512xi32, #tpu.memory_space<hbm>>) target(%arg20 : memref<512xi32, #tpu.memory_space<vmem>>) target_semaphore(%run_scoped3A : memref<!tpu.dma_semaphore, #tpu.memory_space<semaphore_mem>>)
      %dma_wait3A_132 = tpu.memref_slice %arg8[%mul3A_2] : memref<16384xi32, #tpu.memory_space<hbm>> -> memref<512xi32, #tpu.memory_space<hbm>>
      %dma_wait3A_133 = tpu.memref_slice %arg8[%mul3A_2] : memref<16384xi32, #tpu.memory_space<hbm>> -> memref<512xi32, #tpu.memory_space<hbm>>
      tpu.wait_dma2 semaphore(%run_scoped3A : memref<!tpu.dma_semaphore, #tpu.memory_space<semaphore_mem>>) src(%dma_wait3A_133 : memref<512xi32, #tpu.memory_space<hbm>>) dst(%arg20 : memref<512xi32, #tpu.memory_space<vmem>>)
      tpu.yield
    }) : () -> ()
    "tpu.region"() ({
      %run_scoped3A = tpu.sem_alloc : memref<!tpu.dma_semaphore, #tpu.memory_space<semaphore_mem>>
      %dma_start3A_130 = tpu.memref_slice %arg2[%mul3A_2] : memref<16384xi32, #tpu.memory_space<hbm>> -> memref<512xi32, #tpu.memory_space<hbm>>
      %dma_start3A_131 = tpu.memref_slice %arg2[%mul3A_2] : memref<16384xi32, #tpu.memory_space<hbm>> -> memref<512xi32, #tpu.memory_space<hbm>>
      tpu.enqueue_dma source(%dma_start3A_131 : memref<512xi32, #tpu.memory_space<hbm>>) target(%arg14 : memref<512xi32, #tpu.memory_space<vmem>>) target_semaphore(%run_scoped3A : memref<!tpu.dma_semaphore, #tpu.memory_space<semaphore_mem>>)
      %dma_wait3A_132 = tpu.memref_slice %arg2[%mul3A_2] : memref<16384xi32, #tpu.memory_space<hbm>> -> memref<512xi32, #tpu.memory_space<hbm>>
      %dma_wait3A_133 = tpu.memref_slice %arg2[%mul3A_2] : memref<16384xi32, #tpu.memory_space<hbm>> -> memref<512xi32, #tpu.memory_space<hbm>>
      tpu.wait_dma2 semaphore(%run_scoped3A : memref<!tpu.dma_semaphore, #tpu.memory_space<semaphore_mem>>) src(%dma_wait3A_133 : memref<512xi32, #tpu.memory_space<hbm>>) dst(%arg14 : memref<512xi32, #tpu.memory_space<vmem>>)
      tpu.yield
    }) : () -> ()
    "tpu.region"() ({
      %run_scoped3A = tpu.sem_alloc : memref<!tpu.dma_semaphore, #tpu.memory_space<semaphore_mem>>
      %dma_start3A_130 = tpu.memref_slice %arg3[%mul3A_2] : memref<16384xi32, #tpu.memory_space<hbm>> -> memref<512xi32, #tpu.memory_space<hbm>>
      %dma_start3A_131 = tpu.memref_slice %arg3[%mul3A_2] : memref<16384xi32, #tpu.memory_space<hbm>> -> memref<512xi32, #tpu.memory_space<hbm>>
      tpu.enqueue_dma source(%dma_start3A_131 : memref<512xi32, #tpu.memory_space<hbm>>) target(%arg15 : memref<512xi32, #tpu.memory_space<vmem>>) target_semaphore(%run_scoped3A : memref<!tpu.dma_semaphore, #tpu.memory_space<semaphore_mem>>)
      %dma_wait3A_132 = tpu.memref_slice %arg3[%mul3A_2] : memref<16384xi32, #tpu.memory_space<hbm>> -> memref<512xi32, #tpu.memory_space<hbm>>
      %dma_wait3A_133 = tpu.memref_slice %arg3[%mul3A_2] : memref<16384xi32, #tpu.memory_space<hbm>> -> memref<512xi32, #tpu.memory_space<hbm>>
      tpu.wait_dma2 semaphore(%run_scoped3A : memref<!tpu.dma_semaphore, #tpu.memory_space<semaphore_mem>>) src(%dma_wait3A_133 : memref<512xi32, #tpu.memory_space<hbm>>) dst(%arg15 : memref<512xi32, #tpu.memory_space<vmem>>)
      tpu.yield
    }) : () -> ()
    "tpu.region"() ({
      %run_scoped3A = tpu.sem_alloc : memref<!tpu.dma_semaphore, #tpu.memory_space<semaphore_mem>>
      %dma_start3A_130 = tpu.memref_slice %arg4[%mul3A_2] : memref<16384xi32, #tpu.memory_space<hbm>> -> memref<512xi32, #tpu.memory_space<hbm>>
      %dma_start3A_131 = tpu.memref_slice %arg4[%mul3A_2] : memref<16384xi32, #tpu.memory_space<hbm>> -> memref<512xi32, #tpu.memory_space<hbm>>
      tpu.enqueue_dma source(%dma_start3A_131 : memref<512xi32, #tpu.memory_space<hbm>>) target(%arg16 : memref<512xi32, #tpu.memory_space<vmem>>) target_semaphore(%run_scoped3A : memref<!tpu.dma_semaphore, #tpu.memory_space<semaphore_mem>>)
      %dma_wait3A_132 = tpu.memref_slice %arg4[%mul3A_2] : memref<16384xi32, #tpu.memory_space<hbm>> -> memref<512xi32, #tpu.memory_space<hbm>>
      %dma_wait3A_133 = tpu.memref_slice %arg4[%mul3A_2] : memref<16384xi32, #tpu.memory_space<hbm>> -> memref<512xi32, #tpu.memory_space<hbm>>
      tpu.wait_dma2 semaphore(%run_scoped3A : memref<!tpu.dma_semaphore, #tpu.memory_space<semaphore_mem>>) src(%dma_wait3A_133 : memref<512xi32, #tpu.memory_space<hbm>>) dst(%arg16 : memref<512xi32, #tpu.memory_space<vmem>>)
      tpu.yield
    }) : () -> ()
    %dma_start3A = arith.constant 0 : i32
    %dma_start3A_3 = arith.constant 0 : i32
    %dma_start3A_4 = tpu.memref_slice %arg11[%dma_start3A, %dma_start3A_3] : memref<1000000x32xf32, #tpu.memory_space<hbm>> -> memref<1000000x32xf32, #tpu.memory_space<hbm>>
    tpu.enqueue_indirect_dma source(%dma_start3A_4 : memref<1000000x32xf32, #tpu.memory_space<hbm>>) target(%arg21 : memref<512x32xf32, #tpu.memory_space<vmem>>) offsets(%arg17 : memref<512xi32, #tpu.memory_space<vmem>>) semaphore(%arg27 : memref<!tpu.dma_semaphore, #tpu.memory_space<semaphore_mem>>)
    %dma_start3A_5 = arith.constant 0 : i32
    %dma_start3A_6 = arith.constant 0 : i32
    %dma_start3A_7 = tpu.memref_slice %arg12[%dma_start3A_5, %dma_start3A_6] : memref<1000x32xf32, #tpu.memory_space<hbm>> -> memref<1000x32xf32, #tpu.memory_space<hbm>>
    tpu.enqueue_indirect_dma source(%dma_start3A_7 : memref<1000x32xf32, #tpu.memory_space<hbm>>) target(%arg22 : memref<512x32xf32, #tpu.memory_space<vmem>>) offsets(%arg18 : memref<512xi32, #tpu.memory_space<vmem>>) semaphore(%arg27 : memref<!tpu.dma_semaphore, #tpu.memory_space<semaphore_mem>>)
    %dma_start3A_8 = arith.constant 0 : i32
    %dma_start3A_9 = arith.constant 0 : i32
    %dma_start3A_10 = tpu.memref_slice %arg11[%dma_start3A_8, %dma_start3A_9] : memref<1000000x32xf32, #tpu.memory_space<hbm>> -> memref<1000000x32xf32, #tpu.memory_space<hbm>>
    tpu.enqueue_indirect_dma source(%dma_start3A_10 : memref<1000000x32xf32, #tpu.memory_space<hbm>>) target(%arg23 : memref<512x32xf32, #tpu.memory_space<vmem>>) offsets(%arg19 : memref<512xi32, #tpu.memory_space<vmem>>) semaphore(%arg27 : memref<!tpu.dma_semaphore, #tpu.memory_space<semaphore_mem>>)
    %dma_start3A_11 = arith.constant 0 : i32
    %dma_start3A_12 = arith.constant 0 : i32
    %dma_start3A_13 = tpu.memref_slice %arg11[%dma_start3A_11, %dma_start3A_12] : memref<1000000x32xf32, #tpu.memory_space<hbm>> -> memref<1000000x32xf32, #tpu.memory_space<hbm>>
    tpu.enqueue_indirect_dma source(%dma_start3A_13 : memref<1000000x32xf32, #tpu.memory_space<hbm>>) target(%arg24 : memref<512x32xf32, #tpu.memory_space<vmem>>) offsets(%arg20 : memref<512xi32, #tpu.memory_space<vmem>>) semaphore(%arg27 : memref<!tpu.dma_semaphore, #tpu.memory_space<semaphore_mem>>)
    %dma_wait3A = arith.constant 0 : i32
    %dma_wait3A_14 = arith.constant 0 : i32
    %dma_wait3A_15 = tpu.memref_slice %arg11[%dma_wait3A, %dma_wait3A_14] : memref<1000000x32xf32, #tpu.memory_space<hbm>> -> memref<1000000x32xf32, #tpu.memory_space<hbm>>
    tpu.wait_indirect_dma semaphore(%arg27 : memref<!tpu.dma_semaphore, #tpu.memory_space<semaphore_mem>>) src(%dma_wait3A_15 : memref<1000000x32xf32, #tpu.memory_space<hbm>>) dst(%arg21 : memref<512x32xf32, #tpu.memory_space<vmem>>)
    %dma_wait3A_16 = arith.constant 0 : i32
    %dma_wait3A_17 = arith.constant 0 : i32
    %dma_wait3A_18 = tpu.memref_slice %arg12[%dma_wait3A_16, %dma_wait3A_17] : memref<1000x32xf32, #tpu.memory_space<hbm>> -> memref<1000x32xf32, #tpu.memory_space<hbm>>
    tpu.wait_indirect_dma semaphore(%arg27 : memref<!tpu.dma_semaphore, #tpu.memory_space<semaphore_mem>>) src(%dma_wait3A_18 : memref<1000x32xf32, #tpu.memory_space<hbm>>) dst(%arg22 : memref<512x32xf32, #tpu.memory_space<vmem>>)
    %dma_wait3A_19 = arith.constant 0 : i32
    %dma_wait3A_20 = arith.constant 0 : i32
    %dma_wait3A_21 = tpu.memref_slice %arg11[%dma_wait3A_19, %dma_wait3A_20] : memref<1000000x32xf32, #tpu.memory_space<hbm>> -> memref<1000000x32xf32, #tpu.memory_space<hbm>>
    tpu.wait_indirect_dma semaphore(%arg27 : memref<!tpu.dma_semaphore, #tpu.memory_space<semaphore_mem>>) src(%dma_wait3A_21 : memref<1000000x32xf32, #tpu.memory_space<hbm>>) dst(%arg23 : memref<512x32xf32, #tpu.memory_space<vmem>>)
    %dma_wait3A_22 = arith.constant 0 : i32
    %dma_wait3A_23 = arith.constant 0 : i32
    %dma_wait3A_24 = tpu.memref_slice %arg11[%dma_wait3A_22, %dma_wait3A_23] : memref<1000000x32xf32, #tpu.memory_space<hbm>> -> memref<1000000x32xf32, #tpu.memory_space<hbm>>
    tpu.wait_indirect_dma semaphore(%arg27 : memref<!tpu.dma_semaphore, #tpu.memory_space<semaphore_mem>>) src(%dma_wait3A_24 : memref<1000000x32xf32, #tpu.memory_space<hbm>>) dst(%arg24 : memref<512x32xf32, #tpu.memory_space<vmem>>)
    %iota3A = tpu.iota {dimensions = array<i32: 0>} : vector<16xi32>
    %broadcast_in_dim3A = arith.constant 0.000000e+00 : f32
    %broadcast_in_dim3A_25 = vector.broadcast %broadcast_in_dim3A : f32 to vector<16xf32>
    %scan3A = arith.constant 0 : i32
    %scan3A_26 = arith.constant 32 : i32
    %scan3A_27 = arith.addi %scan3A, %scan3A_26 : i32
    %scan3A_28 = arith.constant 1 : i32
    %scan3A_29:9 = scf.for %scan3A_130 = %scan3A to %scan3A_27 step %scan3A_28 iter_args(%scan3A_131 = %broadcast_in_dim3A_25, %scan3A_132 = %broadcast_in_dim3A_25, %scan3A_133 = %broadcast_in_dim3A_25, %scan3A_134 = %broadcast_in_dim3A_25, %scan3A_135 = %broadcast_in_dim3A_25, %scan3A_136 = %broadcast_in_dim3A_25, %scan3A_137 = %broadcast_in_dim3A_25, %scan3A_138 = %broadcast_in_dim3A_25, %scan3A_139 = %broadcast_in_dim3A_25) -> (vector<16xf32>, vector<16xf32>, vector<16xf32>, vector<16xf32>, vector<16xf32>, vector<16xf32>, vector<16xf32>, vector<16xf32>, vector<16xf32>)  : i32 {
      %mul3A_140 = arith.constant 16 : i32
      %mul3A_141 = arith.muli %scan3A_130, %mul3A_140 : i32
      %add3A_142 = vector.broadcast %mul3A_141 : i32 to vector<16xi32>
      %add3A_143 = arith.addi %add3A_142, %iota3A : vector<16xi32>
      %broadcast_in_dim3A_144 = arith.constant 0 : i32
      %broadcast_in_dim3A_145 = vector.broadcast %broadcast_in_dim3A_144 : i32 to vector<16xi32>
      %gather3A = tpu.vector_load_idx %arg21[%add3A_143, %broadcast_in_dim3A_145] : memref<512x32xf32, #tpu.memory_space<vmem>>[vector<16xi32>, vector<16xi32>], vector<16xf32>,
      %gather3A_146 = tpu.vector_load_idx %arg22[%add3A_143, %broadcast_in_dim3A_145] : memref<512x32xf32, #tpu.memory_space<vmem>>[vector<16xi32>, vector<16xi32>], vector<16xf32>,
      %gather3A_147 = tpu.vector_load_idx %arg23[%add3A_143, %broadcast_in_dim3A_145] : memref<512x32xf32, #tpu.memory_space<vmem>>[vector<16xi32>, vector<16xi32>], vector<16xf32>,
      %gather3A_148 = tpu.vector_load_idx %arg24[%add3A_143, %broadcast_in_dim3A_145] : memref<512x32xf32, #tpu.memory_space<vmem>>[vector<16xi32>, vector<16xi32>], vector<16xf32>,
      %mul3A_149 = arith.mulf %gather3A, %gather3A : vector<16xf32>
      %add3A_150 = arith.addf %broadcast_in_dim3A_25, %mul3A_149 : vector<16xf32>
      %mul3A_151 = arith.mulf %gather3A_146, %gather3A_146 : vector<16xf32>
      %add3A_152 = arith.addf %broadcast_in_dim3A_25, %mul3A_151 : vector<16xf32>
      %mul3A_153 = arith.mulf %gather3A_147, %gather3A_147 : vector<16xf32>
      %add3A_154 = arith.addf %broadcast_in_dim3A_25, %mul3A_153 : vector<16xf32>
      %mul3A_155 = arith.mulf %gather3A_148, %gather3A_148 : vector<16xf32>
      %add3A_156 = arith.addf %broadcast_in_dim3A_25, %mul3A_155 : vector<16xf32>
      %mul3A_157 = arith.mulf %gather3A, %gather3A_146 : vector<16xf32>
      %add3A_158 = arith.addf %broadcast_in_dim3A_25, %mul3A_157 : vector<16xf32>
      %mul3A_159 = arith.mulf %gather3A, %gather3A_147 : vector<16xf32>
      %add3A_160 = arith.addf %broadcast_in_dim3A_25, %mul3A_159 : vector<16xf32>
      %mul3A_161 = arith.mulf %gather3A, %gather3A_148 : vector<16xf32>
      %add3A_162 = arith.addf %broadcast_in_dim3A_25, %mul3A_161 : vector<16xf32>
      %mul3A_163 = arith.mulf %gather3A_146, %gather3A_147 : vector<16xf32>
      %add3A_164 = arith.addf %broadcast_in_dim3A_25, %mul3A_163 : vector<16xf32>
      %mul3A_165 = arith.mulf %gather3A_146, %gather3A_148 : vector<16xf32>
      %add3A_166 = arith.addf %broadcast_in_dim3A_25, %mul3A_165 : vector<16xf32>
      %broadcast_in_dim3A_167 = arith.constant 1 : i32
      %broadcast_in_dim3A_168 = vector.broadcast %broadcast_in_dim3A_167 : i32 to vector<16xi32>
      %gather3A_169 = tpu.vector_load_idx %arg21[%add3A_143, %broadcast_in_dim3A_168] : memref<512x32xf32, #tpu.memory_space<vmem>>[vector<16xi32>, vector<16xi32>], vector<16xf32>,
      %gather3A_170 = tpu.vector_load_idx %arg22[%add3A_143, %broadcast_in_dim3A_168] : memref<512x32xf32, #tpu.memory_space<vmem>>[vector<16xi32>, vector<16xi32>], vector<16xf32>,
      %gather3A_171 = tpu.vector_load_idx %arg23[%add3A_143, %broadcast_in_dim3A_168] : memref<512x32xf32, #tpu.memory_space<vmem>>[vector<16xi32>, vector<16xi32>], vector<16xf32>,
      %gather3A_172 = tpu.vector_load_idx %arg24[%add3A_143, %broadcast_in_dim3A_168] : memref<512x32xf32, #tpu.memory_space<vmem>>[vector<16xi32>, vector<16xi32>], vector<16xf32>,
      %mul3A_173 = arith.mulf %gather3A_169, %gather3A_169 : vector<16xf32>
      %add3A_174 = arith.addf %add3A_150, %mul3A_173 : vector<16xf32>
      %mul3A_175 = arith.mulf %gather3A_170, %gather3A_170 : vector<16xf32>
      %add3A_176 = arith.addf %add3A_152, %mul3A_175 : vector<16xf32>
      %mul3A_177 = arith.mulf %gather3A_171, %gather3A_171 : vector<16xf32>
      %add3A_178 = arith.addf %add3A_154, %mul3A_177 : vector<16xf32>
      %mul3A_179 = arith.mulf %gather3A_172, %gather3A_172 : vector<16xf32>
      %add3A_180 = arith.addf %add3A_156, %mul3A_179 : vector<16xf32>
      %mul3A_181 = arith.mulf %gather3A_169, %gather3A_170 : vector<16xf32>
      %add3A_182 = arith.addf %add3A_158, %mul3A_181 : vector<16xf32>
      %mul3A_183 = arith.mulf %gather3A_169, %gather3A_171 : vector<16xf32>
      %add3A_184 = arith.addf %add3A_160, %mul3A_183 : vector<16xf32>
      %mul3A_185 = arith.mulf %gather3A_169, %gather3A_172 : vector<16xf32>
      %add3A_186 = arith.addf %add3A_162, %mul3A_185 : vector<16xf32>
      %mul3A_187 = arith.mulf %gather3A_170, %gather3A_171 : vector<16xf32>
      %add3A_188 = arith.addf %add3A_164, %mul3A_187 : vector<16xf32>
      %mul3A_189 = arith.mulf %gather3A_170, %gather3A_172 : vector<16xf32>
      %add3A_190 = arith.addf %add3A_166, %mul3A_189 : vector<16xf32>
      %broadcast_in_dim3A_191 = arith.constant 2 : i32
      %broadcast_in_dim3A_192 = vector.broadcast %broadcast_in_dim3A_191 : i32 to vector<16xi32>
      %gather3A_193 = tpu.vector_load_idx %arg21[%add3A_143, %broadcast_in_dim3A_192] : memref<512x32xf32, #tpu.memory_space<vmem>>[vector<16xi32>, vector<16xi32>], vector<16xf32>,
      %gather3A_194 = tpu.vector_load_idx %arg22[%add3A_143, %broadcast_in_dim3A_192] : memref<512x32xf32, #tpu.memory_space<vmem>>[vector<16xi32>, vector<16xi32>], vector<16xf32>,
      %gather3A_195 = tpu.vector_load_idx %arg23[%add3A_143, %broadcast_in_dim3A_192] : memref<512x32xf32, #tpu.memory_space<vmem>>[vector<16xi32>, vector<16xi32>], vector<16xf32>,
      %gather3A_196 = tpu.vector_load_idx %arg24[%add3A_143, %broadcast_in_dim3A_192] : memref<512x32xf32, #tpu.memory_space<vmem>>[vector<16xi32>, vector<16xi32>], vector<16xf32>,
      %mul3A_197 = arith.mulf %gather3A_193, %gather3A_193 : vector<16xf32>
      %add3A_198 = arith.addf %add3A_174, %mul3A_197 : vector<16xf32>
      %mul3A_199 = arith.mulf %gather3A_194, %gather3A_194 : vector<16xf32>
      %add3A_200 = arith.addf %add3A_176, %mul3A_199 : vector<16xf32>
      %mul3A_201 = arith.mulf %gather3A_195, %gather3A_195 : vector<16xf32>
      %add3A_202 = arith.addf %add3A_178, %mul3A_201 : vector<16xf32>
      %mul3A_203 = arith.mulf %gather3A_196, %gather3A_196 : vector<16xf32>
      %add3A_204 = arith.addf %add3A_180, %mul3A_203 : vector<16xf32>
      %mul3A_205 = arith.mulf %gather3A_193, %gather3A_194 : vector<16xf32>
      %add3A_206 = arith.addf %add3A_182, %mul3A_205 : vector<16xf32>
      %mul3A_207 = arith.mulf %gather3A_193, %gather3A_195 : vector<16xf32>
      %add3A_208 = arith.addf %add3A_184, %mul3A_207 : vector<16xf32>
      %mul3A_209 = arith.mulf %gather3A_193, %gather3A_196 : vector<16xf32>
      %add3A_210 = arith.addf %add3A_186, %mul3A_209 : vector<16xf32>
      %mul3A_211 = arith.mulf %gather3A_194, %gather3A_195 : vector<16xf32>
      %add3A_212 = arith.addf %add3A_188, %mul3A_211 : vector<16xf32>
      %mul3A_213 = arith.mulf %gather3A_194, %gather3A_196 : vector<16xf32>
      %add3A_214 = arith.addf %add3A_190, %mul3A_213 : vector<16xf32>
      %broadcast_in_dim3A_215 = arith.constant 3 : i32
      %broadcast_in_dim3A_216 = vector.broadcast %broadcast_in_dim3A_215 : i32 to vector<16xi32>
      %gather3A_217 = tpu.vector_load_idx %arg21[%add3A_143, %broadcast_in_dim3A_216] : memref<512x32xf32, #tpu.memory_space<vmem>>[vector<16xi32>, vector<16xi32>], vector<16xf32>,
      %gather3A_218 = tpu.vector_load_idx %arg22[%add3A_143, %broadcast_in_dim3A_216] : memref<512x32xf32, #tpu.memory_space<vmem>>[vector<16xi32>, vector<16xi32>], vector<16xf32>,
      %gather3A_219 = tpu.vector_load_idx %arg23[%add3A_143, %broadcast_in_dim3A_216] : memref<512x32xf32, #tpu.memory_space<vmem>>[vector<16xi32>, vector<16xi32>], vector<16xf32>,
      %gather3A_220 = tpu.vector_load_idx %arg24[%add3A_143, %broadcast_in_dim3A_216] : memref<512x32xf32, #tpu.memory_space<vmem>>[vector<16xi32>, vector<16xi32>], vector<16xf32>,
      %mul3A_221 = arith.mulf %gather3A_217, %gather3A_217 : vector<16xf32>
      %add3A_222 = arith.addf %add3A_198, %mul3A_221 : vector<16xf32>
      %mul3A_223 = arith.mulf %gather3A_218, %gather3A_218 : vector<16xf32>
      %add3A_224 = arith.addf %add3A_200, %mul3A_223 : vector<16xf32>
      %mul3A_225 = arith.mulf %gather3A_219, %gather3A_219 : vector<16xf32>
      %add3A_226 = arith.addf %add3A_202, %mul3A_225 : vector<16xf32>
      %mul3A_227 = arith.mulf %gather3A_220, %gather3A_220 : vector<16xf32>
      %add3A_228 = arith.addf %add3A_204, %mul3A_227 : vector<16xf32>
      %mul3A_229 = arith.mulf %gather3A_217, %gather3A_218 : vector<16xf32>
      %add3A_230 = arith.addf %add3A_206, %mul3A_229 : vector<16xf32>
      %mul3A_231 = arith.mulf %gather3A_217, %gather3A_219 : vector<16xf32>
      %add3A_232 = arith.addf %add3A_208, %mul3A_231 : vector<16xf32>
      %mul3A_233 = arith.mulf %gather3A_217, %gather3A_220 : vector<16xf32>
      %add3A_234 = arith.addf %add3A_210, %mul3A_233 : vector<16xf32>
      %mul3A_235 = arith.mulf %gather3A_218, %gather3A_219 : vector<16xf32>
      %add3A_236 = arith.addf %add3A_212, %mul3A_235 : vector<16xf32>
      %mul3A_237 = arith.mulf %gather3A_218, %gather3A_220 : vector<16xf32>
      %add3A_238 = arith.addf %add3A_214, %mul3A_237 : vector<16xf32>
      %broadcast_in_dim3A_239 = arith.constant 4 : i32
      %broadcast_in_dim3A_240 = vector.broadcast %broadcast_in_dim3A_239 : i32 to vector<16xi32>
      %gather3A_241 = tpu.vector_load_idx %arg21[%add3A_143, %broadcast_in_dim3A_240] : memref<512x32xf32, #tpu.memory_space<vmem>>[vector<16xi32>, vector<16xi32>], vector<16xf32>,
      %gather3A_242 = tpu.vector_load_idx %arg22[%add3A_143, %broadcast_in_dim3A_240] : memref<512x32xf32, #tpu.memory_space<vmem>>[vector<16xi32>, vector<16xi32>], vector<16xf32>,
      %gather3A_243 = tpu.vector_load_idx %arg23[%add3A_143, %broadcast_in_dim3A_240] : memref<512x32xf32, #tpu.memory_space<vmem>>[vector<16xi32>, vector<16xi32>], vector<16xf32>,
      %gather3A_244 = tpu.vector_load_idx %arg24[%add3A_143, %broadcast_in_dim3A_240] : memref<512x32xf32, #tpu.memory_space<vmem>>[vector<16xi32>, vector<16xi32>], vector<16xf32>,
      %mul3A_245 = arith.mulf %gather3A_241, %gather3A_241 : vector<16xf32>
      %add3A_246 = arith.addf %add3A_222, %mul3A_245 : vector<16xf32>
      %mul3A_247 = arith.mulf %gather3A_242, %gather3A_242 : vector<16xf32>
      %add3A_248 = arith.addf %add3A_224, %mul3A_247 : vector<16xf32>
      %mul3A_249 = arith.mulf %gather3A_243, %gather3A_243 : vector<16xf32>
      %add3A_250 = arith.addf %add3A_226, %mul3A_249 : vector<16xf32>
      %mul3A_251 = arith.mulf %gather3A_244, %gather3A_244 : vector<16xf32>
      %add3A_252 = arith.addf %add3A_228, %mul3A_251 : vector<16xf32>
      %mul3A_253 = arith.mulf %gather3A_241, %gather3A_242 : vector<16xf32>
      %add3A_254 = arith.addf %add3A_230, %mul3A_253 : vector<16xf32>
      %mul3A_255 = arith.mulf %gather3A_241, %gather3A_243 : vector<16xf32>
      %add3A_256 = arith.addf %add3A_232, %mul3A_255 : vector<16xf32>
      %mul3A_257 = arith.mulf %gather3A_241, %gather3A_244 : vector<16xf32>
      %add3A_258 = arith.addf %add3A_234, %mul3A_257 : vector<16xf32>
      %mul3A_259 = arith.mulf %gather3A_242, %gather3A_243 : vector<16xf32>
      %add3A_260 = arith.addf %add3A_236, %mul3A_259 : vector<16xf32>
      %mul3A_261 = arith.mulf %gather3A_242, %gather3A_244 : vector<16xf32>
      %add3A_262 = arith.addf %add3A_238, %mul3A_261 : vector<16xf32>
      %broadcast_in_dim3A_263 = arith.constant 5 : i32
      %broadcast_in_dim3A_264 = vector.broadcast %broadcast_in_dim3A_263 : i32 to vector<16xi32>
      %gather3A_265 = tpu.vector_load_idx %arg21[%add3A_143, %broadcast_in_dim3A_264] : memref<512x32xf32, #tpu.memory_space<vmem>>[vector<16xi32>, vector<16xi32>], vector<16xf32>,
      %gather3A_266 = tpu.vector_load_idx %arg22[%add3A_143, %broadcast_in_dim3A_264] : memref<512x32xf32, #tpu.memory_space<vmem>>[vector<16xi32>, vector<16xi32>], vector<16xf32>,
      %gather3A_267 = tpu.vector_load_idx %arg23[%add3A_143, %broadcast_in_dim3A_264] : memref<512x32xf32, #tpu.memory_space<vmem>>[vector<16xi32>, vector<16xi32>], vector<16xf32>,
      %gather3A_268 = tpu.vector_load_idx %arg24[%add3A_143, %broadcast_in_dim3A_264] : memref<512x32xf32, #tpu.memory_space<vmem>>[vector<16xi32>, vector<16xi32>], vector<16xf32>,
      %mul3A_269 = arith.mulf %gather3A_265, %gather3A_265 : vector<16xf32>
      %add3A_270 = arith.addf %add3A_246, %mul3A_269 : vector<16xf32>
      %mul3A_271 = arith.mulf %gather3A_266, %gather3A_266 : vector<16xf32>
      %add3A_272 = arith.addf %add3A_248, %mul3A_271 : vector<16xf32>
      %mul3A_273 = arith.mulf %gather3A_267, %gather3A_267 : vector<16xf32>
      %add3A_274 = arith.addf %add3A_250, %mul3A_273 : vector<16xf32>
      %mul3A_275 = arith.mulf %gather3A_268, %gather3A_268 : vector<16xf32>
      %add3A_276 = arith.addf %add3A_252, %mul3A_275 : vector<16xf32>
      %mul3A_277 = arith.mulf %gather3A_265, %gather3A_266 : vector<16xf32>
      %add3A_278 = arith.addf %add3A_254, %mul3A_277 : vector<16xf32>
      %mul3A_279 = arith.mulf %gather3A_265, %gather3A_267 : vector<16xf32>
      %add3A_280 = arith.addf %add3A_256, %mul3A_279 : vector<16xf32>
      %mul3A_281 = arith.mulf %gather3A_265, %gather3A_268 : vector<16xf32>
      %add3A_282 = arith.addf %add3A_258, %mul3A_281 : vector<16xf32>
      %mul3A_283 = arith.mulf %gather3A_266, %gather3A_267 : vector<16xf32>
      %add3A_284 = arith.addf %add3A_260, %mul3A_283 : vector<16xf32>
      %mul3A_285 = arith.mulf %gather3A_266, %gather3A_268 : vector<16xf32>
      %add3A_286 = arith.addf %add3A_262, %mul3A_285 : vector<16xf32>
      %broadcast_in_dim3A_287 = arith.constant 6 : i32
      %broadcast_in_dim3A_288 = vector.broadcast %broadcast_in_dim3A_287 : i32 to vector<16xi32>
      %gather3A_289 = tpu.vector_load_idx %arg21[%add3A_143, %broadcast_in_dim3A_288] : memref<512x32xf32, #tpu.memory_space<vmem>>[vector<16xi32>, vector<16xi32>], vector<16xf32>,
      %gather3A_290 = tpu.vector_load_idx %arg22[%add3A_143, %broadcast_in_dim3A_288] : memref<512x32xf32, #tpu.memory_space<vmem>>[vector<16xi32>, vector<16xi32>], vector<16xf32>,
      %gather3A_291 = tpu.vector_load_idx %arg23[%add3A_143, %broadcast_in_dim3A_288] : memref<512x32xf32, #tpu.memory_space<vmem>>[vector<16xi32>, vector<16xi32>], vector<16xf32>,
      %gather3A_292 = tpu.vector_load_idx %arg24[%add3A_143, %broadcast_in_dim3A_288] : memref<512x32xf32, #tpu.memory_space<vmem>>[vector<16xi32>, vector<16xi32>], vector<16xf32>,
      %mul3A_293 = arith.mulf %gather3A_289, %gather3A_289 : vector<16xf32>
      %add3A_294 = arith.addf %add3A_270, %mul3A_293 : vector<16xf32>
      %mul3A_295 = arith.mulf %gather3A_290, %gather3A_290 : vector<16xf32>
      %add3A_296 = arith.addf %add3A_272, %mul3A_295 : vector<16xf32>
      %mul3A_297 = arith.mulf %gather3A_291, %gather3A_291 : vector<16xf32>
      %add3A_298 = arith.addf %add3A_274, %mul3A_297 : vector<16xf32>
      %mul3A_299 = arith.mulf %gather3A_292, %gather3A_292 : vector<16xf32>
      %add3A_300 = arith.addf %add3A_276, %mul3A_299 : vector<16xf32>
      %mul3A_301 = arith.mulf %gather3A_289, %gather3A_290 : vector<16xf32>
      %add3A_302 = arith.addf %add3A_278, %mul3A_301 : vector<16xf32>
      %mul3A_303 = arith.mulf %gather3A_289, %gather3A_291 : vector<16xf32>
      %add3A_304 = arith.addf %add3A_280, %mul3A_303 : vector<16xf32>
      %mul3A_305 = arith.mulf %gather3A_289, %gather3A_292 : vector<16xf32>
      %add3A_306 = arith.addf %add3A_282, %mul3A_305 : vector<16xf32>
      %mul3A_307 = arith.mulf %gather3A_290, %gather3A_291 : vector<16xf32>
      %add3A_308 = arith.addf %add3A_284, %mul3A_307 : vector<16xf32>
      %mul3A_309 = arith.mulf %gather3A_290, %gather3A_292 : vector<16xf32>
      %add3A_310 = arith.addf %add3A_286, %mul3A_309 : vector<16xf32>
      %broadcast_in_dim3A_311 = arith.constant 7 : i32
      %broadcast_in_dim3A_312 = vector.broadcast %broadcast_in_dim3A_311 : i32 to vector<16xi32>
      %gather3A_313 = tpu.vector_load_idx %arg21[%add3A_143, %broadcast_in_dim3A_312] : memref<512x32xf32, #tpu.memory_space<vmem>>[vector<16xi32>, vector<16xi32>], vector<16xf32>,
      %gather3A_314 = tpu.vector_load_idx %arg22[%add3A_143, %broadcast_in_dim3A_312] : memref<512x32xf32, #tpu.memory_space<vmem>>[vector<16xi32>, vector<16xi32>], vector<16xf32>,
      %gather3A_315 = tpu.vector_load_idx %arg23[%add3A_143, %broadcast_in_dim3A_312] : memref<512x32xf32, #tpu.memory_space<vmem>>[vector<16xi32>, vector<16xi32>], vector<16xf32>,
      %gather3A_316 = tpu.vector_load_idx %arg24[%add3A_143, %broadcast_in_dim3A_312] : memref<512x32xf32, #tpu.memory_space<vmem>>[vector<16xi32>, vector<16xi32>], vector<16xf32>,
      %mul3A_317 = arith.mulf %gather3A_313, %gather3A_313 : vector<16xf32>
      %add3A_318 = arith.addf %add3A_294, %mul3A_317 : vector<16xf32>
      %mul3A_319 = arith.mulf %gather3A_314, %gather3A_314 : vector<16xf32>
      %add3A_320 = arith.addf %add3A_296, %mul3A_319 : vector<16xf32>
      %mul3A_321 = arith.mulf %gather3A_315, %gather3A_315 : vector<16xf32>
      %add3A_322 = arith.addf %add3A_298, %mul3A_321 : vector<16xf32>
      %mul3A_323 = arith.mulf %gather3A_316, %gather3A_316 : vector<16xf32>
      %add3A_324 = arith.addf %add3A_300, %mul3A_323 : vector<16xf32>
      %mul3A_325 = arith.mulf %gather3A_313, %gather3A_314 : vector<16xf32>
      %add3A_326 = arith.addf %add3A_302, %mul3A_325 : vector<16xf32>
      %mul3A_327 = arith.mulf %gather3A_313, %gather3A_315 : vector<16xf32>
      %add3A_328 = arith.addf %add3A_304, %mul3A_327 : vector<16xf32>
      %mul3A_329 = arith.mulf %gather3A_313, %gather3A_316 : vector<16xf32>
      %add3A_330 = arith.addf %add3A_306, %mul3A_329 : vector<16xf32>
      %mul3A_331 = arith.mulf %gather3A_314, %gather3A_315 : vector<16xf32>
      %add3A_332 = arith.addf %add3A_308, %mul3A_331 : vector<16xf32>
      %mul3A_333 = arith.mulf %gather3A_314, %gather3A_316 : vector<16xf32>
      %add3A_334 = arith.addf %add3A_310, %mul3A_333 : vector<16xf32>
      %broadcast_in_dim3A_335 = arith.constant 8 : i32
      %broadcast_in_dim3A_336 = vector.broadcast %broadcast_in_dim3A_335 : i32 to vector<16xi32>
      %gather3A_337 = tpu.vector_load_idx %arg21[%add3A_143, %broadcast_in_dim3A_336] : memref<512x32xf32, #tpu.memory_space<vmem>>[vector<16xi32>, vector<16xi32>], vector<16xf32>,
      %gather3A_338 = tpu.vector_load_idx %arg22[%add3A_143, %broadcast_in_dim3A_336] : memref<512x32xf32, #tpu.memory_space<vmem>>[vector<16xi32>, vector<16xi32>], vector<16xf32>,
      %gather3A_339 = tpu.vector_load_idx %arg23[%add3A_143, %broadcast_in_dim3A_336] : memref<512x32xf32, #tpu.memory_space<vmem>>[vector<16xi32>, vector<16xi32>], vector<16xf32>,
      %gather3A_340 = tpu.vector_load_idx %arg24[%add3A_143, %broadcast_in_dim3A_336] : memref<512x32xf32, #tpu.memory_space<vmem>>[vector<16xi32>, vector<16xi32>], vector<16xf32>,
      %mul3A_341 = arith.mulf %gather3A_337, %gather3A_337 : vector<16xf32>
      %add3A_342 = arith.addf %add3A_318, %mul3A_341 : vector<16xf32>
      %mul3A_343 = arith.mulf %gather3A_338, %gather3A_338 : vector<16xf32>
      %add3A_344 = arith.addf %add3A_320, %mul3A_343 : vector<16xf32>
      %mul3A_345 = arith.mulf %gather3A_339, %gather3A_339 : vector<16xf32>
      %add3A_346 = arith.addf %add3A_322, %mul3A_345 : vector<16xf32>
      %mul3A_347 = arith.mulf %gather3A_340, %gather3A_340 : vector<16xf32>
      %add3A_348 = arith.addf %add3A_324, %mul3A_347 : vector<16xf32>
      %mul3A_349 = arith.mulf %gather3A_337, %gather3A_338 : vector<16xf32>
      %add3A_350 = arith.addf %add3A_326, %mul3A_349 : vector<16xf32>
      %mul3A_351 = arith.mulf %gather3A_337, %gather3A_339 : vector<16xf32>
      %add3A_352 = arith.addf %add3A_328, %mul3A_351 : vector<16xf32>
      %mul3A_353 = arith.mulf %gather3A_337, %gather3A_340 : vector<16xf32>
      %add3A_354 = arith.addf %add3A_330, %mul3A_353 : vector<16xf32>
      %mul3A_355 = arith.mulf %gather3A_338, %gather3A_339 : vector<16xf32>
      %add3A_356 = arith.addf %add3A_332, %mul3A_355 : vector<16xf32>
      %mul3A_357 = arith.mulf %gather3A_338, %gather3A_340 : vector<16xf32>
      %add3A_358 = arith.addf %add3A_334, %mul3A_357 : vector<16xf32>
      %broadcast_in_dim3A_359 = arith.constant 9 : i32
      %broadcast_in_dim3A_360 = vector.broadcast %broadcast_in_dim3A_359 : i32 to vector<16xi32>
      %gather3A_361 = tpu.vector_load_idx %arg21[%add3A_143, %broadcast_in_dim3A_360] : memref<512x32xf32, #tpu.memory_space<vmem>>[vector<16xi32>, vector<16xi32>], vector<16xf32>,
      %gather3A_362 = tpu.vector_load_idx %arg22[%add3A_143, %broadcast_in_dim3A_360] : memref<512x32xf32, #tpu.memory_space<vmem>>[vector<16xi32>, vector<16xi32>], vector<16xf32>,
      %gather3A_363 = tpu.vector_load_idx %arg23[%add3A_143, %broadcast_in_dim3A_360] : memref<512x32xf32, #tpu.memory_space<vmem>>[vector<16xi32>, vector<16xi32>], vector<16xf32>,
      %gather3A_364 = tpu.vector_load_idx %arg24[%add3A_143, %broadcast_in_dim3A_360] : memref<512x32xf32, #tpu.memory_space<vmem>>[vector<16xi32>, vector<16xi32>], vector<16xf32>,
      %mul3A_365 = arith.mulf %gather3A_361, %gather3A_361 : vector<16xf32>
      %add3A_366 = arith.addf %add3A_342, %mul3A_365 : vector<16xf32>
      %mul3A_367 = arith.mulf %gather3A_362, %gather3A_362 : vector<16xf32>
      %add3A_368 = arith.addf %add3A_344, %mul3A_367 : vector<16xf32>
      %mul3A_369 = arith.mulf %gather3A_363, %gather3A_363 : vector<16xf32>
      %add3A_370 = arith.addf %add3A_346, %mul3A_369 : vector<16xf32>
      %mul3A_371 = arith.mulf %gather3A_364, %gather3A_364 : vector<16xf32>
      %add3A_372 = arith.addf %add3A_348, %mul3A_371 : vector<16xf32>
      %mul3A_373 = arith.mulf %gather3A_361, %gather3A_362 : vector<16xf32>
      %add3A_374 = arith.addf %add3A_350, %mul3A_373 : vector<16xf32>
      %mul3A_375 = arith.mulf %gather3A_361, %gather3A_363 : vector<16xf32>
      %add3A_376 = arith.addf %add3A_352, %mul3A_375 : vector<16xf32>
      %mul3A_377 = arith.mulf %gather3A_361, %gather3A_364 : vector<16xf32>
      %add3A_378 = arith.addf %add3A_354, %mul3A_377 : vector<16xf32>
      %mul3A_379 = arith.mulf %gather3A_362, %gather3A_363 : vector<16xf32>
      %add3A_380 = arith.addf %add3A_356, %mul3A_379 : vector<16xf32>
      %mul3A_381 = arith.mulf %gather3A_362, %gather3A_364 : vector<16xf32>
      %add3A_382 = arith.addf %add3A_358, %mul3A_381 : vector<16xf32>
      %broadcast_in_dim3A_383 = arith.constant 10 : i32
      %broadcast_in_dim3A_384 = vector.broadcast %broadcast_in_dim3A_383 : i32 to vector<16xi32>
      %gather3A_385 = tpu.vector_load_idx %arg21[%add3A_143, %broadcast_in_dim3A_384] : memref<512x32xf32, #tpu.memory_space<vmem>>[vector<16xi32>, vector<16xi32>], vector<16xf32>,
      %gather3A_386 = tpu.vector_load_idx %arg22[%add3A_143, %broadcast_in_dim3A_384] : memref<512x32xf32, #tpu.memory_space<vmem>>[vector<16xi32>, vector<16xi32>], vector<16xf32>,
      %gather3A_387 = tpu.vector_load_idx %arg23[%add3A_143, %broadcast_in_dim3A_384] : memref<512x32xf32, #tpu.memory_space<vmem>>[vector<16xi32>, vector<16xi32>], vector<16xf32>,
      %gather3A_388 = tpu.vector_load_idx %arg24[%add3A_143, %broadcast_in_dim3A_384] : memref<512x32xf32, #tpu.memory_space<vmem>>[vector<16xi32>, vector<16xi32>], vector<16xf32>,
      %mul3A_389 = arith.mulf %gather3A_385, %gather3A_385 : vector<16xf32>
      %add3A_390 = arith.addf %add3A_366, %mul3A_389 : vector<16xf32>
      %mul3A_391 = arith.mulf %gather3A_386, %gather3A_386 : vector<16xf32>
      %add3A_392 = arith.addf %add3A_368, %mul3A_391 : vector<16xf32>
      %mul3A_393 = arith.mulf %gather3A_387, %gather3A_387 : vector<16xf32>
      %add3A_394 = arith.addf %add3A_370, %mul3A_393 : vector<16xf32>
      %mul3A_395 = arith.mulf %gather3A_388, %gather3A_388 : vector<16xf32>
      %add3A_396 = arith.addf %add3A_372, %mul3A_395 : vector<16xf32>
      %mul3A_397 = arith.mulf %gather3A_385, %gather3A_386 : vector<16xf32>
      %add3A_398 = arith.addf %add3A_374, %mul3A_397 : vector<16xf32>
      %mul3A_399 = arith.mulf %gather3A_385, %gather3A_387 : vector<16xf32>
      %add3A_400 = arith.addf %add3A_376, %mul3A_399 : vector<16xf32>
      %mul3A_401 = arith.mulf %gather3A_385, %gather3A_388 : vector<16xf32>
      %add3A_402 = arith.addf %add3A_378, %mul3A_401 : vector<16xf32>
      %mul3A_403 = arith.mulf %gather3A_386, %gather3A_387 : vector<16xf32>
      %add3A_404 = arith.addf %add3A_380, %mul3A_403 : vector<16xf32>
      %mul3A_405 = arith.mulf %gather3A_386, %gather3A_388 : vector<16xf32>
      %add3A_406 = arith.addf %add3A_382, %mul3A_405 : vector<16xf32>
      %broadcast_in_dim3A_407 = arith.constant 11 : i32
      %broadcast_in_dim3A_408 = vector.broadcast %broadcast_in_dim3A_407 : i32 to vector<16xi32>
      %gather3A_409 = tpu.vector_load_idx %arg21[%add3A_143, %broadcast_in_dim3A_408] : memref<512x32xf32, #tpu.memory_space<vmem>>[vector<16xi32>, vector<16xi32>], vector<16xf32>,
      %gather3A_410 = tpu.vector_load_idx %arg22[%add3A_143, %broadcast_in_dim3A_408] : memref<512x32xf32, #tpu.memory_space<vmem>>[vector<16xi32>, vector<16xi32>], vector<16xf32>,
      %gather3A_411 = tpu.vector_load_idx %arg23[%add3A_143, %broadcast_in_dim3A_408] : memref<512x32xf32, #tpu.memory_space<vmem>>[vector<16xi32>, vector<16xi32>], vector<16xf32>,
      %gather3A_412 = tpu.vector_load_idx %arg24[%add3A_143, %broadcast_in_dim3A_408] : memref<512x32xf32, #tpu.memory_space<vmem>>[vector<16xi32>, vector<16xi32>], vector<16xf32>,
      %mul3A_413 = arith.mulf %gather3A_409, %gather3A_409 : vector<16xf32>
      %add3A_414 = arith.addf %add3A_390, %mul3A_413 : vector<16xf32>
      %mul3A_415 = arith.mulf %gather3A_410, %gather3A_410 : vector<16xf32>
      %add3A_416 = arith.addf %add3A_392, %mul3A_415 : vector<16xf32>
      %mul3A_417 = arith.mulf %gather3A_411, %gather3A_411 : vector<16xf32>
      %add3A_418 = arith.addf %add3A_394, %mul3A_417 : vector<16xf32>
      %mul3A_419 = arith.mulf %gather3A_412, %gather3A_412 : vector<16xf32>
      %add3A_420 = arith.addf %add3A_396, %mul3A_419 : vector<16xf32>
      %mul3A_421 = arith.mulf %gather3A_409, %gather3A_410 : vector<16xf32>
      %add3A_422 = arith.addf %add3A_398, %mul3A_421 : vector<16xf32>
      %mul3A_423 = arith.mulf %gather3A_409, %gather3A_411 : vector<16xf32>
      %add3A_424 = arith.addf %add3A_400, %mul3A_423 : vector<16xf32>
      %mul3A_425 = arith.mulf %gather3A_409, %gather3A_412 : vector<16xf32>
      %add3A_426 = arith.addf %add3A_402, %mul3A_425 : vector<16xf32>
      %mul3A_427 = arith.mulf %gather3A_410, %gather3A_411 : vector<16xf32>
      %add3A_428 = arith.addf %add3A_404, %mul3A_427 : vector<16xf32>
      %mul3A_429 = arith.mulf %gather3A_410, %gather3A_412 : vector<16xf32>
      %add3A_430 = arith.addf %add3A_406, %mul3A_429 : vector<16xf32>
      %broadcast_in_dim3A_431 = arith.constant 12 : i32
      %broadcast_in_dim3A_432 = vector.broadcast %broadcast_in_dim3A_431 : i32 to vector<16xi32>
      %gather3A_433 = tpu.vector_load_idx %arg21[%add3A_143, %broadcast_in_dim3A_432] : memref<512x32xf32, #tpu.memory_space<vmem>>[vector<16xi32>, vector<16xi32>], vector<16xf32>,
      %gather3A_434 = tpu.vector_load_idx %arg22[%add3A_143, %broadcast_in_dim3A_432] : memref<512x32xf32, #tpu.memory_space<vmem>>[vector<16xi32>, vector<16xi32>], vector<16xf32>,
      %gather3A_435 = tpu.vector_load_idx %arg23[%add3A_143, %broadcast_in_dim3A_432] : memref<512x32xf32, #tpu.memory_space<vmem>>[vector<16xi32>, vector<16xi32>], vector<16xf32>,
      %gather3A_436 = tpu.vector_load_idx %arg24[%add3A_143, %broadcast_in_dim3A_432] : memref<512x32xf32, #tpu.memory_space<vmem>>[vector<16xi32>, vector<16xi32>], vector<16xf32>,
      %mul3A_437 = arith.mulf %gather3A_433, %gather3A_433 : vector<16xf32>
      %add3A_438 = arith.addf %add3A_414, %mul3A_437 : vector<16xf32>
      %mul3A_439 = arith.mulf %gather3A_434, %gather3A_434 : vector<16xf32>
      %add3A_440 = arith.addf %add3A_416, %mul3A_439 : vector<16xf32>
      %mul3A_441 = arith.mulf %gather3A_435, %gather3A_435 : vector<16xf32>
      %add3A_442 = arith.addf %add3A_418, %mul3A_441 : vector<16xf32>
      %mul3A_443 = arith.mulf %gather3A_436, %gather3A_436 : vector<16xf32>
      %add3A_444 = arith.addf %add3A_420, %mul3A_443 : vector<16xf32>
      %mul3A_445 = arith.mulf %gather3A_433, %gather3A_434 : vector<16xf32>
      %add3A_446 = arith.addf %add3A_422, %mul3A_445 : vector<16xf32>
      %mul3A_447 = arith.mulf %gather3A_433, %gather3A_435 : vector<16xf32>
      %add3A_448 = arith.addf %add3A_424, %mul3A_447 : vector<16xf32>
      %mul3A_449 = arith.mulf %gather3A_433, %gather3A_436 : vector<16xf32>
      %add3A_450 = arith.addf %add3A_426, %mul3A_449 : vector<16xf32>
      %mul3A_451 = arith.mulf %gather3A_434, %gather3A_435 : vector<16xf32>
      %add3A_452 = arith.addf %add3A_428, %mul3A_451 : vector<16xf32>
      %mul3A_453 = arith.mulf %gather3A_434, %gather3A_436 : vector<16xf32>
      %add3A_454 = arith.addf %add3A_430, %mul3A_453 : vector<16xf32>
      %broadcast_in_dim3A_455 = arith.constant 13 : i32
      %broadcast_in_dim3A_456 = vector.broadcast %broadcast_in_dim3A_455 : i32 to vector<16xi32>
      %gather3A_457 = tpu.vector_load_idx %arg21[%add3A_143, %broadcast_in_dim3A_456] : memref<512x32xf32, #tpu.memory_space<vmem>>[vector<16xi32>, vector<16xi32>], vector<16xf32>,
      %gather3A_458 = tpu.vector_load_idx %arg22[%add3A_143, %broadcast_in_dim3A_456] : memref<512x32xf32, #tpu.memory_space<vmem>>[vector<16xi32>, vector<16xi32>], vector<16xf32>,
      %gather3A_459 = tpu.vector_load_idx %arg23[%add3A_143, %broadcast_in_dim3A_456] : memref<512x32xf32, #tpu.memory_space<vmem>>[vector<16xi32>, vector<16xi32>], vector<16xf32>,
      %gather3A_460 = tpu.vector_load_idx %arg24[%add3A_143, %broadcast_in_dim3A_456] : memref<512x32xf32, #tpu.memory_space<vmem>>[vector<16xi32>, vector<16xi32>], vector<16xf32>,
      %mul3A_461 = arith.mulf %gather3A_457, %gather3A_457 : vector<16xf32>
      %add3A_462 = arith.addf %add3A_438, %mul3A_461 : vector<16xf32>
      %mul3A_463 = arith.mulf %gather3A_458, %gather3A_458 : vector<16xf32>
      %add3A_464 = arith.addf %add3A_440, %mul3A_463 : vector<16xf32>
      %mul3A_465 = arith.mulf %gather3A_459, %gather3A_459 : vector<16xf32>
      %add3A_466 = arith.addf %add3A_442, %mul3A_465 : vector<16xf32>
      %mul3A_467 = arith.mulf %gather3A_460, %gather3A_460 : vector<16xf32>
      %add3A_468 = arith.addf %add3A_444, %mul3A_467 : vector<16xf32>
      %mul3A_469 = arith.mulf %gather3A_457, %gather3A_458 : vector<16xf32>
      %add3A_470 = arith.addf %add3A_446, %mul3A_469 : vector<16xf32>
      %mul3A_471 = arith.mulf %gather3A_457, %gather3A_459 : vector<16xf32>
      %add3A_472 = arith.addf %add3A_448, %mul3A_471 : vector<16xf32>
      %mul3A_473 = arith.mulf %gather3A_457, %gather3A_460 : vector<16xf32>
      %add3A_474 = arith.addf %add3A_450, %mul3A_473 : vector<16xf32>
      %mul3A_475 = arith.mulf %gather3A_458, %gather3A_459 : vector<16xf32>
      %add3A_476 = arith.addf %add3A_452, %mul3A_475 : vector<16xf32>
      %mul3A_477 = arith.mulf %gather3A_458, %gather3A_460 : vector<16xf32>
      %add3A_478 = arith.addf %add3A_454, %mul3A_477 : vector<16xf32>
      %broadcast_in_dim3A_479 = arith.constant 14 : i32
      %broadcast_in_dim3A_480 = vector.broadcast %broadcast_in_dim3A_479 : i32 to vector<16xi32>
      %gather3A_481 = tpu.vector_load_idx %arg21[%add3A_143, %broadcast_in_dim3A_480] : memref<512x32xf32, #tpu.memory_space<vmem>>[vector<16xi32>, vector<16xi32>], vector<16xf32>,
      %gather3A_482 = tpu.vector_load_idx %arg22[%add3A_143, %broadcast_in_dim3A_480] : memref<512x32xf32, #tpu.memory_space<vmem>>[vector<16xi32>, vector<16xi32>], vector<16xf32>,
      %gather3A_483 = tpu.vector_load_idx %arg23[%add3A_143, %broadcast_in_dim3A_480] : memref<512x32xf32, #tpu.memory_space<vmem>>[vector<16xi32>, vector<16xi32>], vector<16xf32>,
      %gather3A_484 = tpu.vector_load_idx %arg24[%add3A_143, %broadcast_in_dim3A_480] : memref<512x32xf32, #tpu.memory_space<vmem>>[vector<16xi32>, vector<16xi32>], vector<16xf32>,
      %mul3A_485 = arith.mulf %gather3A_481, %gather3A_481 : vector<16xf32>
      %add3A_486 = arith.addf %add3A_462, %mul3A_485 : vector<16xf32>
      %mul3A_487 = arith.mulf %gather3A_482, %gather3A_482 : vector<16xf32>
      %add3A_488 = arith.addf %add3A_464, %mul3A_487 : vector<16xf32>
      %mul3A_489 = arith.mulf %gather3A_483, %gather3A_483 : vector<16xf32>
      %add3A_490 = arith.addf %add3A_466, %mul3A_489 : vector<16xf32>
      %mul3A_491 = arith.mulf %gather3A_484, %gather3A_484 : vector<16xf32>
      %add3A_492 = arith.addf %add3A_468, %mul3A_491 : vector<16xf32>
      %mul3A_493 = arith.mulf %gather3A_481, %gather3A_482 : vector<16xf32>
      %add3A_494 = arith.addf %add3A_470, %mul3A_493 : vector<16xf32>
      %mul3A_495 = arith.mulf %gather3A_481, %gather3A_483 : vector<16xf32>
      %add3A_496 = arith.addf %add3A_472, %mul3A_495 : vector<16xf32>
      %mul3A_497 = arith.mulf %gather3A_481, %gather3A_484 : vector<16xf32>
      %add3A_498 = arith.addf %add3A_474, %mul3A_497 : vector<16xf32>
      %mul3A_499 = arith.mulf %gather3A_482, %gather3A_483 : vector<16xf32>
      %add3A_500 = arith.addf %add3A_476, %mul3A_499 : vector<16xf32>
      %mul3A_501 = arith.mulf %gather3A_482, %gather3A_484 : vector<16xf32>
      %add3A_502 = arith.addf %add3A_478, %mul3A_501 : vector<16xf32>
      %broadcast_in_dim3A_503 = arith.constant 15 : i32
      %broadcast_in_dim3A_504 = vector.broadcast %broadcast_in_dim3A_503 : i32 to vector<16xi32>
      %gather3A_505 = tpu.vector_load_idx %arg21[%add3A_143, %broadcast_in_dim3A_504] : memref<512x32xf32, #tpu.memory_space<vmem>>[vector<16xi32>, vector<16xi32>], vector<16xf32>,
      %gather3A_506 = tpu.vector_load_idx %arg22[%add3A_143, %broadcast_in_dim3A_504] : memref<512x32xf32, #tpu.memory_space<vmem>>[vector<16xi32>, vector<16xi32>], vector<16xf32>,
      %gather3A_507 = tpu.vector_load_idx %arg23[%add3A_143, %broadcast_in_dim3A_504] : memref<512x32xf32, #tpu.memory_space<vmem>>[vector<16xi32>, vector<16xi32>], vector<16xf32>,
      %gather3A_508 = tpu.vector_load_idx %arg24[%add3A_143, %broadcast_in_dim3A_504] : memref<512x32xf32, #tpu.memory_space<vmem>>[vector<16xi32>, vector<16xi32>], vector<16xf32>,
      %mul3A_509 = arith.mulf %gather3A_505, %gather3A_505 : vector<16xf32>
      %add3A_510 = arith.addf %add3A_486, %mul3A_509 : vector<16xf32>
      %mul3A_511 = arith.mulf %gather3A_506, %gather3A_506 : vector<16xf32>
      %add3A_512 = arith.addf %add3A_488, %mul3A_511 : vector<16xf32>
      %mul3A_513 = arith.mulf %gather3A_507, %gather3A_507 : vector<16xf32>
      %add3A_514 = arith.addf %add3A_490, %mul3A_513 : vector<16xf32>
      %mul3A_515 = arith.mulf %gather3A_508, %gather3A_508 : vector<16xf32>
      %add3A_516 = arith.addf %add3A_492, %mul3A_515 : vector<16xf32>
      %mul3A_517 = arith.mulf %gather3A_505, %gather3A_506 : vector<16xf32>
      %add3A_518 = arith.addf %add3A_494, %mul3A_517 : vector<16xf32>
      %mul3A_519 = arith.mulf %gather3A_505, %gather3A_507 : vector<16xf32>
      %add3A_520 = arith.addf %add3A_496, %mul3A_519 : vector<16xf32>
      %mul3A_521 = arith.mulf %gather3A_505, %gather3A_508 : vector<16xf32>
      %add3A_522 = arith.addf %add3A_498, %mul3A_521 : vector<16xf32>
      %mul3A_523 = arith.mulf %gather3A_506, %gather3A_507 : vector<16xf32>
      %add3A_524 = arith.addf %add3A_500, %mul3A_523 : vector<16xf32>
      %mul3A_525 = arith.mulf %gather3A_506, %gather3A_508 : vector<16xf32>
      %add3A_526 = arith.addf %add3A_502, %mul3A_525 : vector<16xf32>
      %broadcast_in_dim3A_527 = arith.constant 16 : i32
      %broadcast_in_dim3A_528 = vector.broadcast %broadcast_in_dim3A_527 : i32 to vector<16xi32>
      %gather3A_529 = tpu.vector_load_idx %arg21[%add3A_143, %broadcast_in_dim3A_528] : memref<512x32xf32, #tpu.memory_space<vmem>>[vector<16xi32>, vector<16xi32>], vector<16xf32>,
      %gather3A_530 = tpu.vector_load_idx %arg22[%add3A_143, %broadcast_in_dim3A_528] : memref<512x32xf32, #tpu.memory_space<vmem>>[vector<16xi32>, vector<16xi32>], vector<16xf32>,
      %gather3A_531 = tpu.vector_load_idx %arg23[%add3A_143, %broadcast_in_dim3A_528] : memref<512x32xf32, #tpu.memory_space<vmem>>[vector<16xi32>, vector<16xi32>], vector<16xf32>,
      %gather3A_532 = tpu.vector_load_idx %arg24[%add3A_143, %broadcast_in_dim3A_528] : memref<512x32xf32, #tpu.memory_space<vmem>>[vector<16xi32>, vector<16xi32>], vector<16xf32>,
      %mul3A_533 = arith.mulf %gather3A_529, %gather3A_529 : vector<16xf32>
      %add3A_534 = arith.addf %add3A_510, %mul3A_533 : vector<16xf32>
      %mul3A_535 = arith.mulf %gather3A_530, %gather3A_530 : vector<16xf32>
      %add3A_536 = arith.addf %add3A_512, %mul3A_535 : vector<16xf32>
      %mul3A_537 = arith.mulf %gather3A_531, %gather3A_531 : vector<16xf32>
      %add3A_538 = arith.addf %add3A_514, %mul3A_537 : vector<16xf32>
      %mul3A_539 = arith.mulf %gather3A_532, %gather3A_532 : vector<16xf32>
      %add3A_540 = arith.addf %add3A_516, %mul3A_539 : vector<16xf32>
      %mul3A_541 = arith.mulf %gather3A_529, %gather3A_530 : vector<16xf32>
      %add3A_542 = arith.addf %add3A_518, %mul3A_541 : vector<16xf32>
      %mul3A_543 = arith.mulf %gather3A_529, %gather3A_531 : vector<16xf32>
      %add3A_544 = arith.addf %add3A_520, %mul3A_543 : vector<16xf32>
      %mul3A_545 = arith.mulf %gather3A_529, %gather3A_532 : vector<16xf32>
      %add3A_546 = arith.addf %add3A_522, %mul3A_545 : vector<16xf32>
      %mul3A_547 = arith.mulf %gather3A_530, %gather3A_531 : vector<16xf32>
      %add3A_548 = arith.addf %add3A_524, %mul3A_547 : vector<16xf32>
      %mul3A_549 = arith.mulf %gather3A_530, %gather3A_532 : vector<16xf32>
      %add3A_550 = arith.addf %add3A_526, %mul3A_549 : vector<16xf32>
      %broadcast_in_dim3A_551 = arith.constant 17 : i32
      %broadcast_in_dim3A_552 = vector.broadcast %broadcast_in_dim3A_551 : i32 to vector<16xi32>
      %gather3A_553 = tpu.vector_load_idx %arg21[%add3A_143, %broadcast_in_dim3A_552] : memref<512x32xf32, #tpu.memory_space<vmem>>[vector<16xi32>, vector<16xi32>], vector<16xf32>,
      %gather3A_554 = tpu.vector_load_idx %arg22[%add3A_143, %broadcast_in_dim3A_552] : memref<512x32xf32, #tpu.memory_space<vmem>>[vector<16xi32>, vector<16xi32>], vector<16xf32>,
      %gather3A_555 = tpu.vector_load_idx %arg23[%add3A_143, %broadcast_in_dim3A_552] : memref<512x32xf32, #tpu.memory_space<vmem>>[vector<16xi32>, vector<16xi32>], vector<16xf32>,
      %gather3A_556 = tpu.vector_load_idx %arg24[%add3A_143, %broadcast_in_dim3A_552] : memref<512x32xf32, #tpu.memory_space<vmem>>[vector<16xi32>, vector<16xi32>], vector<16xf32>,
      %mul3A_557 = arith.mulf %gather3A_553, %gather3A_553 : vector<16xf32>
      %add3A_558 = arith.addf %add3A_534, %mul3A_557 : vector<16xf32>
      %mul3A_559 = arith.mulf %gather3A_554, %gather3A_554 : vector<16xf32>
      %add3A_560 = arith.addf %add3A_536, %mul3A_559 : vector<16xf32>
      %mul3A_561 = arith.mulf %gather3A_555, %gather3A_555 : vector<16xf32>
      %add3A_562 = arith.addf %add3A_538, %mul3A_561 : vector<16xf32>
      %mul3A_563 = arith.mulf %gather3A_556, %gather3A_556 : vector<16xf32>
      %add3A_564 = arith.addf %add3A_540, %mul3A_563 : vector<16xf32>
      %mul3A_565 = arith.mulf %gather3A_553, %gather3A_554 : vector<16xf32>
      %add3A_566 = arith.addf %add3A_542, %mul3A_565 : vector<16xf32>
      %mul3A_567 = arith.mulf %gather3A_553, %gather3A_555 : vector<16xf32>
      %add3A_568 = arith.addf %add3A_544, %mul3A_567 : vector<16xf32>
      %mul3A_569 = arith.mulf %gather3A_553, %gather3A_556 : vector<16xf32>
      %add3A_570 = arith.addf %add3A_546, %mul3A_569 : vector<16xf32>
      %mul3A_571 = arith.mulf %gather3A_554, %gather3A_555 : vector<16xf32>
      %add3A_572 = arith.addf %add3A_548, %mul3A_571 : vector<16xf32>
      %mul3A_573 = arith.mulf %gather3A_554, %gather3A_556 : vector<16xf32>
      %add3A_574 = arith.addf %add3A_550, %mul3A_573 : vector<16xf32>
      %broadcast_in_dim3A_575 = arith.constant 18 : i32
      %broadcast_in_dim3A_576 = vector.broadcast %broadcast_in_dim3A_575 : i32 to vector<16xi32>
      %gather3A_577 = tpu.vector_load_idx %arg21[%add3A_143, %broadcast_in_dim3A_576] : memref<512x32xf32, #tpu.memory_space<vmem>>[vector<16xi32>, vector<16xi32>], vector<16xf32>,
      %gather3A_578 = tpu.vector_load_idx %arg22[%add3A_143, %broadcast_in_dim3A_576] : memref<512x32xf32, #tpu.memory_space<vmem>>[vector<16xi32>, vector<16xi32>], vector<16xf32>,
      %gather3A_579 = tpu.vector_load_idx %arg23[%add3A_143, %broadcast_in_dim3A_576] : memref<512x32xf32, #tpu.memory_space<vmem>>[vector<16xi32>, vector<16xi32>], vector<16xf32>,
      %gather3A_580 = tpu.vector_load_idx %arg24[%add3A_143, %broadcast_in_dim3A_576] : memref<512x32xf32, #tpu.memory_space<vmem>>[vector<16xi32>, vector<16xi32>], vector<16xf32>,
      %mul3A_581 = arith.mulf %gather3A_577, %gather3A_577 : vector<16xf32>
      %add3A_582 = arith.addf %add3A_558, %mul3A_581 : vector<16xf32>
      %mul3A_583 = arith.mulf %gather3A_578, %gather3A_578 : vector<16xf32>
      %add3A_584 = arith.addf %add3A_560, %mul3A_583 : vector<16xf32>
      %mul3A_585 = arith.mulf %gather3A_579, %gather3A_579 : vector<16xf32>
      %add3A_586 = arith.addf %add3A_562, %mul3A_585 : vector<16xf32>
      %mul3A_587 = arith.mulf %gather3A_580, %gather3A_580 : vector<16xf32>
      %add3A_588 = arith.addf %add3A_564, %mul3A_587 : vector<16xf32>
      %mul3A_589 = arith.mulf %gather3A_577, %gather3A_578 : vector<16xf32>
      %add3A_590 = arith.addf %add3A_566, %mul3A_589 : vector<16xf32>
      %mul3A_591 = arith.mulf %gather3A_577, %gather3A_579 : vector<16xf32>
      %add3A_592 = arith.addf %add3A_568, %mul3A_591 : vector<16xf32>
      %mul3A_593 = arith.mulf %gather3A_577, %gather3A_580 : vector<16xf32>
      %add3A_594 = arith.addf %add3A_570, %mul3A_593 : vector<16xf32>
      %mul3A_595 = arith.mulf %gather3A_578, %gather3A_579 : vector<16xf32>
      %add3A_596 = arith.addf %add3A_572, %mul3A_595 : vector<16xf32>
      %mul3A_597 = arith.mulf %gather3A_578, %gather3A_580 : vector<16xf32>
      %add3A_598 = arith.addf %add3A_574, %mul3A_597 : vector<16xf32>
      %broadcast_in_dim3A_599 = arith.constant 19 : i32
      %broadcast_in_dim3A_600 = vector.broadcast %broadcast_in_dim3A_599 : i32 to vector<16xi32>
      %gather3A_601 = tpu.vector_load_idx %arg21[%add3A_143, %broadcast_in_dim3A_600] : memref<512x32xf32, #tpu.memory_space<vmem>>[vector<16xi32>, vector<16xi32>], vector<16xf32>,
      %gather3A_602 = tpu.vector_load_idx %arg22[%add3A_143, %broadcast_in_dim3A_600] : memref<512x32xf32, #tpu.memory_space<vmem>>[vector<16xi32>, vector<16xi32>], vector<16xf32>,
      %gather3A_603 = tpu.vector_load_idx %arg23[%add3A_143, %broadcast_in_dim3A_600] : memref<512x32xf32, #tpu.memory_space<vmem>>[vector<16xi32>, vector<16xi32>], vector<16xf32>,
      %gather3A_604 = tpu.vector_load_idx %arg24[%add3A_143, %broadcast_in_dim3A_600] : memref<512x32xf32, #tpu.memory_space<vmem>>[vector<16xi32>, vector<16xi32>], vector<16xf32>,
      %mul3A_605 = arith.mulf %gather3A_601, %gather3A_601 : vector<16xf32>
      %add3A_606 = arith.addf %add3A_582, %mul3A_605 : vector<16xf32>
      %mul3A_607 = arith.mulf %gather3A_602, %gather3A_602 : vector<16xf32>
      %add3A_608 = arith.addf %add3A_584, %mul3A_607 : vector<16xf32>
      %mul3A_609 = arith.mulf %gather3A_603, %gather3A_603 : vector<16xf32>
      %add3A_610 = arith.addf %add3A_586, %mul3A_609 : vector<16xf32>
      %mul3A_611 = arith.mulf %gather3A_604, %gather3A_604 : vector<16xf32>
      %add3A_612 = arith.addf %add3A_588, %mul3A_611 : vector<16xf32>
      %mul3A_613 = arith.mulf %gather3A_601, %gather3A_602 : vector<16xf32>
      %add3A_614 = arith.addf %add3A_590, %mul3A_613 : vector<16xf32>
      %mul3A_615 = arith.mulf %gather3A_601, %gather3A_603 : vector<16xf32>
      %add3A_616 = arith.addf %add3A_592, %mul3A_615 : vector<16xf32>
      %mul3A_617 = arith.mulf %gather3A_601, %gather3A_604 : vector<16xf32>
      %add3A_618 = arith.addf %add3A_594, %mul3A_617 : vector<16xf32>
      %mul3A_619 = arith.mulf %gather3A_602, %gather3A_603 : vector<16xf32>
      %add3A_620 = arith.addf %add3A_596, %mul3A_619 : vector<16xf32>
      %mul3A_621 = arith.mulf %gather3A_602, %gather3A_604 : vector<16xf32>
      %add3A_622 = arith.addf %add3A_598, %mul3A_621 : vector<16xf32>
      %broadcast_in_dim3A_623 = arith.constant 20 : i32
      %broadcast_in_dim3A_624 = vector.broadcast %broadcast_in_dim3A_623 : i32 to vector<16xi32>
      %gather3A_625 = tpu.vector_load_idx %arg21[%add3A_143, %broadcast_in_dim3A_624] : memref<512x32xf32, #tpu.memory_space<vmem>>[vector<16xi32>, vector<16xi32>], vector<16xf32>,
      %gather3A_626 = tpu.vector_load_idx %arg22[%add3A_143, %broadcast_in_dim3A_624] : memref<512x32xf32, #tpu.memory_space<vmem>>[vector<16xi32>, vector<16xi32>], vector<16xf32>,
      %gather3A_627 = tpu.vector_load_idx %arg23[%add3A_143, %broadcast_in_dim3A_624] : memref<512x32xf32, #tpu.memory_space<vmem>>[vector<16xi32>, vector<16xi32>], vector<16xf32>,
      %gather3A_628 = tpu.vector_load_idx %arg24[%add3A_143, %broadcast_in_dim3A_624] : memref<512x32xf32, #tpu.memory_space<vmem>>[vector<16xi32>, vector<16xi32>], vector<16xf32>,
      %mul3A_629 = arith.mulf %gather3A_625, %gather3A_625 : vector<16xf32>
      %add3A_630 = arith.addf %add3A_606, %mul3A_629 : vector<16xf32>
      %mul3A_631 = arith.mulf %gather3A_626, %gather3A_626 : vector<16xf32>
      %add3A_632 = arith.addf %add3A_608, %mul3A_631 : vector<16xf32>
      %mul3A_633 = arith.mulf %gather3A_627, %gather3A_627 : vector<16xf32>
      %add3A_634 = arith.addf %add3A_610, %mul3A_633 : vector<16xf32>
      %mul3A_635 = arith.mulf %gather3A_628, %gather3A_628 : vector<16xf32>
      %add3A_636 = arith.addf %add3A_612, %mul3A_635 : vector<16xf32>
      %mul3A_637 = arith.mulf %gather3A_625, %gather3A_626 : vector<16xf32>
      %add3A_638 = arith.addf %add3A_614, %mul3A_637 : vector<16xf32>
      %mul3A_639 = arith.mulf %gather3A_625, %gather3A_627 : vector<16xf32>
      %add3A_640 = arith.addf %add3A_616, %mul3A_639 : vector<16xf32>
      %mul3A_641 = arith.mulf %gather3A_625, %gather3A_628 : vector<16xf32>
      %add3A_642 = arith.addf %add3A_618, %mul3A_641 : vector<16xf32>
      %mul3A_643 = arith.mulf %gather3A_626, %gather3A_627 : vector<16xf32>
      %add3A_644 = arith.addf %add3A_620, %mul3A_643 : vector<16xf32>
      %mul3A_645 = arith.mulf %gather3A_626, %gather3A_628 : vector<16xf32>
      %add3A_646 = arith.addf %add3A_622, %mul3A_645 : vector<16xf32>
      %broadcast_in_dim3A_647 = arith.constant 21 : i32
      %broadcast_in_dim3A_648 = vector.broadcast %broadcast_in_dim3A_647 : i32 to vector<16xi32>
      %gather3A_649 = tpu.vector_load_idx %arg21[%add3A_143, %broadcast_in_dim3A_648] : memref<512x32xf32, #tpu.memory_space<vmem>>[vector<16xi32>, vector<16xi32>], vector<16xf32>,
      %gather3A_650 = tpu.vector_load_idx %arg22[%add3A_143, %broadcast_in_dim3A_648] : memref<512x32xf32, #tpu.memory_space<vmem>>[vector<16xi32>, vector<16xi32>], vector<16xf32>,
      %gather3A_651 = tpu.vector_load_idx %arg23[%add3A_143, %broadcast_in_dim3A_648] : memref<512x32xf32, #tpu.memory_space<vmem>>[vector<16xi32>, vector<16xi32>], vector<16xf32>,
      %gather3A_652 = tpu.vector_load_idx %arg24[%add3A_143, %broadcast_in_dim3A_648] : memref<512x32xf32, #tpu.memory_space<vmem>>[vector<16xi32>, vector<16xi32>], vector<16xf32>,
      %mul3A_653 = arith.mulf %gather3A_649, %gather3A_649 : vector<16xf32>
      %add3A_654 = arith.addf %add3A_630, %mul3A_653 : vector<16xf32>
      %mul3A_655 = arith.mulf %gather3A_650, %gather3A_650 : vector<16xf32>
      %add3A_656 = arith.addf %add3A_632, %mul3A_655 : vector<16xf32>
      %mul3A_657 = arith.mulf %gather3A_651, %gather3A_651 : vector<16xf32>
      %add3A_658 = arith.addf %add3A_634, %mul3A_657 : vector<16xf32>
      %mul3A_659 = arith.mulf %gather3A_652, %gather3A_652 : vector<16xf32>
      %add3A_660 = arith.addf %add3A_636, %mul3A_659 : vector<16xf32>
      %mul3A_661 = arith.mulf %gather3A_649, %gather3A_650 : vector<16xf32>
      %add3A_662 = arith.addf %add3A_638, %mul3A_661 : vector<16xf32>
      %mul3A_663 = arith.mulf %gather3A_649, %gather3A_651 : vector<16xf32>
      %add3A_664 = arith.addf %add3A_640, %mul3A_663 : vector<16xf32>
      %mul3A_665 = arith.mulf %gather3A_649, %gather3A_652 : vector<16xf32>
      %add3A_666 = arith.addf %add3A_642, %mul3A_665 : vector<16xf32>
      %mul3A_667 = arith.mulf %gather3A_650, %gather3A_651 : vector<16xf32>
      %add3A_668 = arith.addf %add3A_644, %mul3A_667 : vector<16xf32>
      %mul3A_669 = arith.mulf %gather3A_650, %gather3A_652 : vector<16xf32>
      %add3A_670 = arith.addf %add3A_646, %mul3A_669 : vector<16xf32>
      %broadcast_in_dim3A_671 = arith.constant 22 : i32
      %broadcast_in_dim3A_672 = vector.broadcast %broadcast_in_dim3A_671 : i32 to vector<16xi32>
      %gather3A_673 = tpu.vector_load_idx %arg21[%add3A_143, %broadcast_in_dim3A_672] : memref<512x32xf32, #tpu.memory_space<vmem>>[vector<16xi32>, vector<16xi32>], vector<16xf32>,
      %gather3A_674 = tpu.vector_load_idx %arg22[%add3A_143, %broadcast_in_dim3A_672] : memref<512x32xf32, #tpu.memory_space<vmem>>[vector<16xi32>, vector<16xi32>], vector<16xf32>,
      %gather3A_675 = tpu.vector_load_idx %arg23[%add3A_143, %broadcast_in_dim3A_672] : memref<512x32xf32, #tpu.memory_space<vmem>>[vector<16xi32>, vector<16xi32>], vector<16xf32>,
      %gather3A_676 = tpu.vector_load_idx %arg24[%add3A_143, %broadcast_in_dim3A_672] : memref<512x32xf32, #tpu.memory_space<vmem>>[vector<16xi32>, vector<16xi32>], vector<16xf32>,
      %mul3A_677 = arith.mulf %gather3A_673, %gather3A_673 : vector<16xf32>
      %add3A_678 = arith.addf %add3A_654, %mul3A_677 : vector<16xf32>
      %mul3A_679 = arith.mulf %gather3A_674, %gather3A_674 : vector<16xf32>
      %add3A_680 = arith.addf %add3A_656, %mul3A_679 : vector<16xf32>
      %mul3A_681 = arith.mulf %gather3A_675, %gather3A_675 : vector<16xf32>
      %add3A_682 = arith.addf %add3A_658, %mul3A_681 : vector<16xf32>
      %mul3A_683 = arith.mulf %gather3A_676, %gather3A_676 : vector<16xf32>
      %add3A_684 = arith.addf %add3A_660, %mul3A_683 : vector<16xf32>
      %mul3A_685 = arith.mulf %gather3A_673, %gather3A_674 : vector<16xf32>
      %add3A_686 = arith.addf %add3A_662, %mul3A_685 : vector<16xf32>
      %mul3A_687 = arith.mulf %gather3A_673, %gather3A_675 : vector<16xf32>
      %add3A_688 = arith.addf %add3A_664, %mul3A_687 : vector<16xf32>
      %mul3A_689 = arith.mulf %gather3A_673, %gather3A_676 : vector<16xf32>
      %add3A_690 = arith.addf %add3A_666, %mul3A_689 : vector<16xf32>
      %mul3A_691 = arith.mulf %gather3A_674, %gather3A_675 : vector<16xf32>
      %add3A_692 = arith.addf %add3A_668, %mul3A_691 : vector<16xf32>
      %mul3A_693 = arith.mulf %gather3A_674, %gather3A_676 : vector<16xf32>
      %add3A_694 = arith.addf %add3A_670, %mul3A_693 : vector<16xf32>
      %broadcast_in_dim3A_695 = arith.constant 23 : i32
      %broadcast_in_dim3A_696 = vector.broadcast %broadcast_in_dim3A_695 : i32 to vector<16xi32>
      %gather3A_697 = tpu.vector_load_idx %arg21[%add3A_143, %broadcast_in_dim3A_696] : memref<512x32xf32, #tpu.memory_space<vmem>>[vector<16xi32>, vector<16xi32>], vector<16xf32>,
      %gather3A_698 = tpu.vector_load_idx %arg22[%add3A_143, %broadcast_in_dim3A_696] : memref<512x32xf32, #tpu.memory_space<vmem>>[vector<16xi32>, vector<16xi32>], vector<16xf32>,
      %gather3A_699 = tpu.vector_load_idx %arg23[%add3A_143, %broadcast_in_dim3A_696] : memref<512x32xf32, #tpu.memory_space<vmem>>[vector<16xi32>, vector<16xi32>], vector<16xf32>,
      %gather3A_700 = tpu.vector_load_idx %arg24[%add3A_143, %broadcast_in_dim3A_696] : memref<512x32xf32, #tpu.memory_space<vmem>>[vector<16xi32>, vector<16xi32>], vector<16xf32>,
      %mul3A_701 = arith.mulf %gather3A_697, %gather3A_697 : vector<16xf32>
      %add3A_702 = arith.addf %add3A_678, %mul3A_701 : vector<16xf32>
      %mul3A_703 = arith.mulf %gather3A_698, %gather3A_698 : vector<16xf32>
      %add3A_704 = arith.addf %add3A_680, %mul3A_703 : vector<16xf32>
      %mul3A_705 = arith.mulf %gather3A_699, %gather3A_699 : vector<16xf32>
      %add3A_706 = arith.addf %add3A_682, %mul3A_705 : vector<16xf32>
      %mul3A_707 = arith.mulf %gather3A_700, %gather3A_700 : vector<16xf32>
      %add3A_708 = arith.addf %add3A_684, %mul3A_707 : vector<16xf32>
      %mul3A_709 = arith.mulf %gather3A_697, %gather3A_698 : vector<16xf32>
      %add3A_710 = arith.addf %add3A_686, %mul3A_709 : vector<16xf32>
      %mul3A_711 = arith.mulf %gather3A_697, %gather3A_699 : vector<16xf32>
      %add3A_712 = arith.addf %add3A_688, %mul3A_711 : vector<16xf32>
      %mul3A_713 = arith.mulf %gather3A_697, %gather3A_700 : vector<16xf32>
      %add3A_714 = arith.addf %add3A_690, %mul3A_713 : vector<16xf32>
      %mul3A_715 = arith.mulf %gather3A_698, %gather3A_699 : vector<16xf32>
      %add3A_716 = arith.addf %add3A_692, %mul3A_715 : vector<16xf32>
      %mul3A_717 = arith.mulf %gather3A_698, %gather3A_700 : vector<16xf32>
      %add3A_718 = arith.addf %add3A_694, %mul3A_717 : vector<16xf32>
      %broadcast_in_dim3A_719 = arith.constant 24 : i32
      %broadcast_in_dim3A_720 = vector.broadcast %broadcast_in_dim3A_719 : i32 to vector<16xi32>
      %gather3A_721 = tpu.vector_load_idx %arg21[%add3A_143, %broadcast_in_dim3A_720] : memref<512x32xf32, #tpu.memory_space<vmem>>[vector<16xi32>, vector<16xi32>], vector<16xf32>,
      %gather3A_722 = tpu.vector_load_idx %arg22[%add3A_143, %broadcast_in_dim3A_720] : memref<512x32xf32, #tpu.memory_space<vmem>>[vector<16xi32>, vector<16xi32>], vector<16xf32>,
      %gather3A_723 = tpu.vector_load_idx %arg23[%add3A_143, %broadcast_in_dim3A_720] : memref<512x32xf32, #tpu.memory_space<vmem>>[vector<16xi32>, vector<16xi32>], vector<16xf32>,
      %gather3A_724 = tpu.vector_load_idx %arg24[%add3A_143, %broadcast_in_dim3A_720] : memref<512x32xf32, #tpu.memory_space<vmem>>[vector<16xi32>, vector<16xi32>], vector<16xf32>,
      %mul3A_725 = arith.mulf %gather3A_721, %gather3A_721 : vector<16xf32>
      %add3A_726 = arith.addf %add3A_702, %mul3A_725 : vector<16xf32>
      %mul3A_727 = arith.mulf %gather3A_722, %gather3A_722 : vector<16xf32>
      %add3A_728 = arith.addf %add3A_704, %mul3A_727 : vector<16xf32>
      %mul3A_729 = arith.mulf %gather3A_723, %gather3A_723 : vector<16xf32>
      %add3A_730 = arith.addf %add3A_706, %mul3A_729 : vector<16xf32>
      %mul3A_731 = arith.mulf %gather3A_724, %gather3A_724 : vector<16xf32>
      %add3A_732 = arith.addf %add3A_708, %mul3A_731 : vector<16xf32>
      %mul3A_733 = arith.mulf %gather3A_721, %gather3A_722 : vector<16xf32>
      %add3A_734 = arith.addf %add3A_710, %mul3A_733 : vector<16xf32>
      %mul3A_735 = arith.mulf %gather3A_721, %gather3A_723 : vector<16xf32>
      %add3A_736 = arith.addf %add3A_712, %mul3A_735 : vector<16xf32>
      %mul3A_737 = arith.mulf %gather3A_721, %gather3A_724 : vector<16xf32>
      %add3A_738 = arith.addf %add3A_714, %mul3A_737 : vector<16xf32>
      %mul3A_739 = arith.mulf %gather3A_722, %gather3A_723 : vector<16xf32>
      %add3A_740 = arith.addf %add3A_716, %mul3A_739 : vector<16xf32>
      %mul3A_741 = arith.mulf %gather3A_722, %gather3A_724 : vector<16xf32>
      %add3A_742 = arith.addf %add3A_718, %mul3A_741 : vector<16xf32>
      %broadcast_in_dim3A_743 = arith.constant 25 : i32
      %broadcast_in_dim3A_744 = vector.broadcast %broadcast_in_dim3A_743 : i32 to vector<16xi32>
      %gather3A_745 = tpu.vector_load_idx %arg21[%add3A_143, %broadcast_in_dim3A_744] : memref<512x32xf32, #tpu.memory_space<vmem>>[vector<16xi32>, vector<16xi32>], vector<16xf32>,
      %gather3A_746 = tpu.vector_load_idx %arg22[%add3A_143, %broadcast_in_dim3A_744] : memref<512x32xf32, #tpu.memory_space<vmem>>[vector<16xi32>, vector<16xi32>], vector<16xf32>,
      %gather3A_747 = tpu.vector_load_idx %arg23[%add3A_143, %broadcast_in_dim3A_744] : memref<512x32xf32, #tpu.memory_space<vmem>>[vector<16xi32>, vector<16xi32>], vector<16xf32>,
      %gather3A_748 = tpu.vector_load_idx %arg24[%add3A_143, %broadcast_in_dim3A_744] : memref<512x32xf32, #tpu.memory_space<vmem>>[vector<16xi32>, vector<16xi32>], vector<16xf32>,
      %mul3A_749 = arith.mulf %gather3A_745, %gather3A_745 : vector<16xf32>
      %add3A_750 = arith.addf %add3A_726, %mul3A_749 : vector<16xf32>
      %mul3A_751 = arith.mulf %gather3A_746, %gather3A_746 : vector<16xf32>
      %add3A_752 = arith.addf %add3A_728, %mul3A_751 : vector<16xf32>
      %mul3A_753 = arith.mulf %gather3A_747, %gather3A_747 : vector<16xf32>
      %add3A_754 = arith.addf %add3A_730, %mul3A_753 : vector<16xf32>
      %mul3A_755 = arith.mulf %gather3A_748, %gather3A_748 : vector<16xf32>
      %add3A_756 = arith.addf %add3A_732, %mul3A_755 : vector<16xf32>
      %mul3A_757 = arith.mulf %gather3A_745, %gather3A_746 : vector<16xf32>
      %add3A_758 = arith.addf %add3A_734, %mul3A_757 : vector<16xf32>
      %mul3A_759 = arith.mulf %gather3A_745, %gather3A_747 : vector<16xf32>
      %add3A_760 = arith.addf %add3A_736, %mul3A_759 : vector<16xf32>
      %mul3A_761 = arith.mulf %gather3A_745, %gather3A_748 : vector<16xf32>
      %add3A_762 = arith.addf %add3A_738, %mul3A_761 : vector<16xf32>
      %mul3A_763 = arith.mulf %gather3A_746, %gather3A_747 : vector<16xf32>
      %add3A_764 = arith.addf %add3A_740, %mul3A_763 : vector<16xf32>
      %mul3A_765 = arith.mulf %gather3A_746, %gather3A_748 : vector<16xf32>
      %add3A_766 = arith.addf %add3A_742, %mul3A_765 : vector<16xf32>
      %broadcast_in_dim3A_767 = arith.constant 26 : i32
      %broadcast_in_dim3A_768 = vector.broadcast %broadcast_in_dim3A_767 : i32 to vector<16xi32>
      %gather3A_769 = tpu.vector_load_idx %arg21[%add3A_143, %broadcast_in_dim3A_768] : memref<512x32xf32, #tpu.memory_space<vmem>>[vector<16xi32>, vector<16xi32>], vector<16xf32>,
      %gather3A_770 = tpu.vector_load_idx %arg22[%add3A_143, %broadcast_in_dim3A_768] : memref<512x32xf32, #tpu.memory_space<vmem>>[vector<16xi32>, vector<16xi32>], vector<16xf32>,
      %gather3A_771 = tpu.vector_load_idx %arg23[%add3A_143, %broadcast_in_dim3A_768] : memref<512x32xf32, #tpu.memory_space<vmem>>[vector<16xi32>, vector<16xi32>], vector<16xf32>,
      %gather3A_772 = tpu.vector_load_idx %arg24[%add3A_143, %broadcast_in_dim3A_768] : memref<512x32xf32, #tpu.memory_space<vmem>>[vector<16xi32>, vector<16xi32>], vector<16xf32>,
      %mul3A_773 = arith.mulf %gather3A_769, %gather3A_769 : vector<16xf32>
      %add3A_774 = arith.addf %add3A_750, %mul3A_773 : vector<16xf32>
      %mul3A_775 = arith.mulf %gather3A_770, %gather3A_770 : vector<16xf32>
      %add3A_776 = arith.addf %add3A_752, %mul3A_775 : vector<16xf32>
      %mul3A_777 = arith.mulf %gather3A_771, %gather3A_771 : vector<16xf32>
      %add3A_778 = arith.addf %add3A_754, %mul3A_777 : vector<16xf32>
      %mul3A_779 = arith.mulf %gather3A_772, %gather3A_772 : vector<16xf32>
      %add3A_780 = arith.addf %add3A_756, %mul3A_779 : vector<16xf32>
      %mul3A_781 = arith.mulf %gather3A_769, %gather3A_770 : vector<16xf32>
      %add3A_782 = arith.addf %add3A_758, %mul3A_781 : vector<16xf32>
      %mul3A_783 = arith.mulf %gather3A_769, %gather3A_771 : vector<16xf32>
      %add3A_784 = arith.addf %add3A_760, %mul3A_783 : vector<16xf32>
      %mul3A_785 = arith.mulf %gather3A_769, %gather3A_772 : vector<16xf32>
      %add3A_786 = arith.addf %add3A_762, %mul3A_785 : vector<16xf32>
      %mul3A_787 = arith.mulf %gather3A_770, %gather3A_771 : vector<16xf32>
      %add3A_788 = arith.addf %add3A_764, %mul3A_787 : vector<16xf32>
      %mul3A_789 = arith.mulf %gather3A_770, %gather3A_772 : vector<16xf32>
      %add3A_790 = arith.addf %add3A_766, %mul3A_789 : vector<16xf32>
      %broadcast_in_dim3A_791 = arith.constant 27 : i32
      %broadcast_in_dim3A_792 = vector.broadcast %broadcast_in_dim3A_791 : i32 to vector<16xi32>
      %gather3A_793 = tpu.vector_load_idx %arg21[%add3A_143, %broadcast_in_dim3A_792] : memref<512x32xf32, #tpu.memory_space<vmem>>[vector<16xi32>, vector<16xi32>], vector<16xf32>,
      %gather3A_794 = tpu.vector_load_idx %arg22[%add3A_143, %broadcast_in_dim3A_792] : memref<512x32xf32, #tpu.memory_space<vmem>>[vector<16xi32>, vector<16xi32>], vector<16xf32>,
      %gather3A_795 = tpu.vector_load_idx %arg23[%add3A_143, %broadcast_in_dim3A_792] : memref<512x32xf32, #tpu.memory_space<vmem>>[vector<16xi32>, vector<16xi32>], vector<16xf32>,
      %gather3A_796 = tpu.vector_load_idx %arg24[%add3A_143, %broadcast_in_dim3A_792] : memref<512x32xf32, #tpu.memory_space<vmem>>[vector<16xi32>, vector<16xi32>], vector<16xf32>,
      %mul3A_797 = arith.mulf %gather3A_793, %gather3A_793 : vector<16xf32>
      %add3A_798 = arith.addf %add3A_774, %mul3A_797 : vector<16xf32>
      %mul3A_799 = arith.mulf %gather3A_794, %gather3A_794 : vector<16xf32>
      %add3A_800 = arith.addf %add3A_776, %mul3A_799 : vector<16xf32>
      %mul3A_801 = arith.mulf %gather3A_795, %gather3A_795 : vector<16xf32>
      %add3A_802 = arith.addf %add3A_778, %mul3A_801 : vector<16xf32>
      %mul3A_803 = arith.mulf %gather3A_796, %gather3A_796 : vector<16xf32>
      %add3A_804 = arith.addf %add3A_780, %mul3A_803 : vector<16xf32>
      %mul3A_805 = arith.mulf %gather3A_793, %gather3A_794 : vector<16xf32>
      %add3A_806 = arith.addf %add3A_782, %mul3A_805 : vector<16xf32>
      %mul3A_807 = arith.mulf %gather3A_793, %gather3A_795 : vector<16xf32>
      %add3A_808 = arith.addf %add3A_784, %mul3A_807 : vector<16xf32>
      %mul3A_809 = arith.mulf %gather3A_793, %gather3A_796 : vector<16xf32>
      %add3A_810 = arith.addf %add3A_786, %mul3A_809 : vector<16xf32>
      %mul3A_811 = arith.mulf %gather3A_794, %gather3A_795 : vector<16xf32>
      %add3A_812 = arith.addf %add3A_788, %mul3A_811 : vector<16xf32>
      %mul3A_813 = arith.mulf %gather3A_794, %gather3A_796 : vector<16xf32>
      %add3A_814 = arith.addf %add3A_790, %mul3A_813 : vector<16xf32>
      %broadcast_in_dim3A_815 = arith.constant 28 : i32
      %broadcast_in_dim3A_816 = vector.broadcast %broadcast_in_dim3A_815 : i32 to vector<16xi32>
      %gather3A_817 = tpu.vector_load_idx %arg21[%add3A_143, %broadcast_in_dim3A_816] : memref<512x32xf32, #tpu.memory_space<vmem>>[vector<16xi32>, vector<16xi32>], vector<16xf32>,
      %gather3A_818 = tpu.vector_load_idx %arg22[%add3A_143, %broadcast_in_dim3A_816] : memref<512x32xf32, #tpu.memory_space<vmem>>[vector<16xi32>, vector<16xi32>], vector<16xf32>,
      %gather3A_819 = tpu.vector_load_idx %arg23[%add3A_143, %broadcast_in_dim3A_816] : memref<512x32xf32, #tpu.memory_space<vmem>>[vector<16xi32>, vector<16xi32>], vector<16xf32>,
      %gather3A_820 = tpu.vector_load_idx %arg24[%add3A_143, %broadcast_in_dim3A_816] : memref<512x32xf32, #tpu.memory_space<vmem>>[vector<16xi32>, vector<16xi32>], vector<16xf32>,
      %mul3A_821 = arith.mulf %gather3A_817, %gather3A_817 : vector<16xf32>
      %add3A_822 = arith.addf %add3A_798, %mul3A_821 : vector<16xf32>
      %mul3A_823 = arith.mulf %gather3A_818, %gather3A_818 : vector<16xf32>
      %add3A_824 = arith.addf %add3A_800, %mul3A_823 : vector<16xf32>
      %mul3A_825 = arith.mulf %gather3A_819, %gather3A_819 : vector<16xf32>
      %add3A_826 = arith.addf %add3A_802, %mul3A_825 : vector<16xf32>
      %mul3A_827 = arith.mulf %gather3A_820, %gather3A_820 : vector<16xf32>
      %add3A_828 = arith.addf %add3A_804, %mul3A_827 : vector<16xf32>
      %mul3A_829 = arith.mulf %gather3A_817, %gather3A_818 : vector<16xf32>
      %add3A_830 = arith.addf %add3A_806, %mul3A_829 : vector<16xf32>
      %mul3A_831 = arith.mulf %gather3A_817, %gather3A_819 : vector<16xf32>
      %add3A_832 = arith.addf %add3A_808, %mul3A_831 : vector<16xf32>
      %mul3A_833 = arith.mulf %gather3A_817, %gather3A_820 : vector<16xf32>
      %add3A_834 = arith.addf %add3A_810, %mul3A_833 : vector<16xf32>
      %mul3A_835 = arith.mulf %gather3A_818, %gather3A_819 : vector<16xf32>
      %add3A_836 = arith.addf %add3A_812, %mul3A_835 : vector<16xf32>
      %mul3A_837 = arith.mulf %gather3A_818, %gather3A_820 : vector<16xf32>
      %add3A_838 = arith.addf %add3A_814, %mul3A_837 : vector<16xf32>
      %broadcast_in_dim3A_839 = arith.constant 29 : i32
      %broadcast_in_dim3A_840 = vector.broadcast %broadcast_in_dim3A_839 : i32 to vector<16xi32>
      %gather3A_841 = tpu.vector_load_idx %arg21[%add3A_143, %broadcast_in_dim3A_840] : memref<512x32xf32, #tpu.memory_space<vmem>>[vector<16xi32>, vector<16xi32>], vector<16xf32>,
      %gather3A_842 = tpu.vector_load_idx %arg22[%add3A_143, %broadcast_in_dim3A_840] : memref<512x32xf32, #tpu.memory_space<vmem>>[vector<16xi32>, vector<16xi32>], vector<16xf32>,
      %gather3A_843 = tpu.vector_load_idx %arg23[%add3A_143, %broadcast_in_dim3A_840] : memref<512x32xf32, #tpu.memory_space<vmem>>[vector<16xi32>, vector<16xi32>], vector<16xf32>,
      %gather3A_844 = tpu.vector_load_idx %arg24[%add3A_143, %broadcast_in_dim3A_840] : memref<512x32xf32, #tpu.memory_space<vmem>>[vector<16xi32>, vector<16xi32>], vector<16xf32>,
      %mul3A_845 = arith.mulf %gather3A_841, %gather3A_841 : vector<16xf32>
      %add3A_846 = arith.addf %add3A_822, %mul3A_845 : vector<16xf32>
      %mul3A_847 = arith.mulf %gather3A_842, %gather3A_842 : vector<16xf32>
      %add3A_848 = arith.addf %add3A_824, %mul3A_847 : vector<16xf32>
      %mul3A_849 = arith.mulf %gather3A_843, %gather3A_843 : vector<16xf32>
      %add3A_850 = arith.addf %add3A_826, %mul3A_849 : vector<16xf32>
      %mul3A_851 = arith.mulf %gather3A_844, %gather3A_844 : vector<16xf32>
      %add3A_852 = arith.addf %add3A_828, %mul3A_851 : vector<16xf32>
      %mul3A_853 = arith.mulf %gather3A_841, %gather3A_842 : vector<16xf32>
      %add3A_854 = arith.addf %add3A_830, %mul3A_853 : vector<16xf32>
      %mul3A_855 = arith.mulf %gather3A_841, %gather3A_843 : vector<16xf32>
      %add3A_856 = arith.addf %add3A_832, %mul3A_855 : vector<16xf32>
      %mul3A_857 = arith.mulf %gather3A_841, %gather3A_844 : vector<16xf32>
      %add3A_858 = arith.addf %add3A_834, %mul3A_857 : vector<16xf32>
      %mul3A_859 = arith.mulf %gather3A_842, %gather3A_843 : vector<16xf32>
      %add3A_860 = arith.addf %add3A_836, %mul3A_859 : vector<16xf32>
      %mul3A_861 = arith.mulf %gather3A_842, %gather3A_844 : vector<16xf32>
      %add3A_862 = arith.addf %add3A_838, %mul3A_861 : vector<16xf32>
      %broadcast_in_dim3A_863 = arith.constant 30 : i32
      %broadcast_in_dim3A_864 = vector.broadcast %broadcast_in_dim3A_863 : i32 to vector<16xi32>
      %gather3A_865 = tpu.vector_load_idx %arg21[%add3A_143, %broadcast_in_dim3A_864] : memref<512x32xf32, #tpu.memory_space<vmem>>[vector<16xi32>, vector<16xi32>], vector<16xf32>,
      %gather3A_866 = tpu.vector_load_idx %arg22[%add3A_143, %broadcast_in_dim3A_864] : memref<512x32xf32, #tpu.memory_space<vmem>>[vector<16xi32>, vector<16xi32>], vector<16xf32>,
      %gather3A_867 = tpu.vector_load_idx %arg23[%add3A_143, %broadcast_in_dim3A_864] : memref<512x32xf32, #tpu.memory_space<vmem>>[vector<16xi32>, vector<16xi32>], vector<16xf32>,
      %gather3A_868 = tpu.vector_load_idx %arg24[%add3A_143, %broadcast_in_dim3A_864] : memref<512x32xf32, #tpu.memory_space<vmem>>[vector<16xi32>, vector<16xi32>], vector<16xf32>,
      %mul3A_869 = arith.mulf %gather3A_865, %gather3A_865 : vector<16xf32>
      %add3A_870 = arith.addf %add3A_846, %mul3A_869 : vector<16xf32>
      %mul3A_871 = arith.mulf %gather3A_866, %gather3A_866 : vector<16xf32>
      %add3A_872 = arith.addf %add3A_848, %mul3A_871 : vector<16xf32>
      %mul3A_873 = arith.mulf %gather3A_867, %gather3A_867 : vector<16xf32>
      %add3A_874 = arith.addf %add3A_850, %mul3A_873 : vector<16xf32>
      %mul3A_875 = arith.mulf %gather3A_868, %gather3A_868 : vector<16xf32>
      %add3A_876 = arith.addf %add3A_852, %mul3A_875 : vector<16xf32>
      %mul3A_877 = arith.mulf %gather3A_865, %gather3A_866 : vector<16xf32>
      %add3A_878 = arith.addf %add3A_854, %mul3A_877 : vector<16xf32>
      %mul3A_879 = arith.mulf %gather3A_865, %gather3A_867 : vector<16xf32>
      %add3A_880 = arith.addf %add3A_856, %mul3A_879 : vector<16xf32>
      %mul3A_881 = arith.mulf %gather3A_865, %gather3A_868 : vector<16xf32>
      %add3A_882 = arith.addf %add3A_858, %mul3A_881 : vector<16xf32>
      %mul3A_883 = arith.mulf %gather3A_866, %gather3A_867 : vector<16xf32>
      %add3A_884 = arith.addf %add3A_860, %mul3A_883 : vector<16xf32>
      %mul3A_885 = arith.mulf %gather3A_866, %gather3A_868 : vector<16xf32>
      %add3A_886 = arith.addf %add3A_862, %mul3A_885 : vector<16xf32>
      %broadcast_in_dim3A_887 = arith.constant 31 : i32
      %broadcast_in_dim3A_888 = vector.broadcast %broadcast_in_dim3A_887 : i32 to vector<16xi32>
      %gather3A_889 = tpu.vector_load_idx %arg21[%add3A_143, %broadcast_in_dim3A_888] : memref<512x32xf32, #tpu.memory_space<vmem>>[vector<16xi32>, vector<16xi32>], vector<16xf32>,
      %gather3A_890 = tpu.vector_load_idx %arg22[%add3A_143, %broadcast_in_dim3A_888] : memref<512x32xf32, #tpu.memory_space<vmem>>[vector<16xi32>, vector<16xi32>], vector<16xf32>,
      %gather3A_891 = tpu.vector_load_idx %arg23[%add3A_143, %broadcast_in_dim3A_888] : memref<512x32xf32, #tpu.memory_space<vmem>>[vector<16xi32>, vector<16xi32>], vector<16xf32>,
      %gather3A_892 = tpu.vector_load_idx %arg24[%add3A_143, %broadcast_in_dim3A_888] : memref<512x32xf32, #tpu.memory_space<vmem>>[vector<16xi32>, vector<16xi32>], vector<16xf32>,
      %mul3A_893 = arith.mulf %gather3A_889, %gather3A_889 : vector<16xf32>
      %add3A_894 = arith.addf %add3A_870, %mul3A_893 : vector<16xf32>
      %mul3A_895 = arith.mulf %gather3A_890, %gather3A_890 : vector<16xf32>
      %add3A_896 = arith.addf %add3A_872, %mul3A_895 : vector<16xf32>
      %mul3A_897 = arith.mulf %gather3A_891, %gather3A_891 : vector<16xf32>
      %add3A_898 = arith.addf %add3A_874, %mul3A_897 : vector<16xf32>
      %mul3A_899 = arith.mulf %gather3A_892, %gather3A_892 : vector<16xf32>
      %add3A_900 = arith.addf %add3A_876, %mul3A_899 : vector<16xf32>
      %mul3A_901 = arith.mulf %gather3A_889, %gather3A_890 : vector<16xf32>
      %add3A_902 = arith.addf %add3A_878, %mul3A_901 : vector<16xf32>
      %mul3A_903 = arith.mulf %gather3A_889, %gather3A_891 : vector<16xf32>
      %add3A_904 = arith.addf %add3A_880, %mul3A_903 : vector<16xf32>
      %mul3A_905 = arith.mulf %gather3A_889, %gather3A_892 : vector<16xf32>
      %add3A_906 = arith.addf %add3A_882, %mul3A_905 : vector<16xf32>
      %mul3A_907 = arith.mulf %gather3A_890, %gather3A_891 : vector<16xf32>
      %add3A_908 = arith.addf %add3A_884, %mul3A_907 : vector<16xf32>
      %mul3A_909 = arith.mulf %gather3A_890, %gather3A_892 : vector<16xf32>
      %add3A_910 = arith.addf %add3A_886, %mul3A_909 : vector<16xf32>
      %max3A = arith.constant 1.000000e-24 : f32
      %max3A_911 = vector.broadcast %max3A : f32 to vector<16xf32>
      %max3A_912 = arith.maximumf %add3A_894, %max3A_911 : vector<16xf32>
      %bitcast_convert_type3A = tpu.bitcast %max3A_912 : vector<16xf32> -> vector<16xi32>
      %broadcast_in_dim3A_913 = arith.constant 1 : i32
      %broadcast_in_dim3A_914 = vector.broadcast %broadcast_in_dim3A_913 : i32 to vector<16xi32>
      %broadcast_in_dim3A_915 = arith.constant 1597463007 : i32
      %broadcast_in_dim3A_916 = vector.broadcast %broadcast_in_dim3A_915 : i32 to vector<16xi32>
      %shift_right_logical3A = arith.shrui %bitcast_convert_type3A, %broadcast_in_dim3A_914 : vector<16xi32>
      %sub3A = arith.subi %broadcast_in_dim3A_916, %shift_right_logical3A : vector<16xi32>
      %bitcast_convert_type3A_917 = tpu.bitcast %sub3A : vector<16xi32> -> vector<16xf32>
      %mul3A_918 = arith.constant 5.000000e-01 : f32
      %mul3A_919 = vector.broadcast %mul3A_918 : f32 to vector<16xf32>
      %mul3A_920 = arith.mulf %mul3A_919, %max3A_912 : vector<16xf32>
      %mul3A_921 = arith.mulf %mul3A_920, %bitcast_convert_type3A_917 : vector<16xf32>
      %mul3A_922 = arith.mulf %mul3A_921, %bitcast_convert_type3A_917 : vector<16xf32>
      %sub3A_923 = arith.constant 1.500000e+00 : f32
      %sub3A_924 = vector.broadcast %sub3A_923 : f32 to vector<16xf32>
      %sub3A_925 = arith.subf %sub3A_924, %mul3A_922 : vector<16xf32>
      %mul3A_926 = arith.mulf %bitcast_convert_type3A_917, %sub3A_925 : vector<16xf32>
      %mul3A_927 = arith.constant 5.000000e-01 : f32
      %mul3A_928 = vector.broadcast %mul3A_927 : f32 to vector<16xf32>
      %mul3A_929 = arith.mulf %mul3A_928, %max3A_912 : vector<16xf32>
      %mul3A_930 = arith.mulf %mul3A_929, %mul3A_926 : vector<16xf32>
      %mul3A_931 = arith.mulf %mul3A_930, %mul3A_926 : vector<16xf32>
      %sub3A_932 = arith.constant 1.500000e+00 : f32
      %sub3A_933 = vector.broadcast %sub3A_932 : f32 to vector<16xf32>
      %sub3A_934 = arith.subf %sub3A_933, %mul3A_931 : vector<16xf32>
      %mul3A_935 = arith.mulf %mul3A_926, %sub3A_934 : vector<16xf32>
      %mul3A_936 = arith.constant 5.000000e-01 : f32
      %mul3A_937 = vector.broadcast %mul3A_936 : f32 to vector<16xf32>
      %mul3A_938 = arith.mulf %mul3A_937, %max3A_912 : vector<16xf32>
      %mul3A_939 = arith.mulf %mul3A_938, %mul3A_935 : vector<16xf32>
      %mul3A_940 = arith.mulf %mul3A_939, %mul3A_935 : vector<16xf32>
      %sub3A_941 = arith.constant 1.500000e+00 : f32
      %sub3A_942 = vector.broadcast %sub3A_941 : f32 to vector<16xf32>
      %sub3A_943 = arith.subf %sub3A_942, %mul3A_940 : vector<16xf32>
      %mul3A_944 = arith.mulf %mul3A_935, %sub3A_943 : vector<16xf32>
      %max3A_945 = arith.constant 1.000000e-24 : f32
      %max3A_946 = vector.broadcast %max3A_945 : f32 to vector<16xf32>
      %max3A_947 = arith.maximumf %add3A_896, %max3A_946 : vector<16xf32>
      %bitcast_convert_type3A_948 = tpu.bitcast %max3A_947 : vector<16xf32> -> vector<16xi32>
      %broadcast_in_dim3A_949 = arith.constant 1 : i32
      %broadcast_in_dim3A_950 = vector.broadcast %broadcast_in_dim3A_949 : i32 to vector<16xi32>
      %broadcast_in_dim3A_951 = arith.constant 1597463007 : i32
      %broadcast_in_dim3A_952 = vector.broadcast %broadcast_in_dim3A_951 : i32 to vector<16xi32>
      %shift_right_logical3A_953 = arith.shrui %bitcast_convert_type3A_948, %broadcast_in_dim3A_950 : vector<16xi32>
      %sub3A_954 = arith.subi %broadcast_in_dim3A_952, %shift_right_logical3A_953 : vector<16xi32>
      %bitcast_convert_type3A_955 = tpu.bitcast %sub3A_954 : vector<16xi32> -> vector<16xf32>
      %mul3A_956 = arith.constant 5.000000e-01 : f32
      %mul3A_957 = vector.broadcast %mul3A_956 : f32 to vector<16xf32>
      %mul3A_958 = arith.mulf %mul3A_957, %max3A_947 : vector<16xf32>
      %mul3A_959 = arith.mulf %mul3A_958, %bitcast_convert_type3A_955 : vector<16xf32>
      %mul3A_960 = arith.mulf %mul3A_959, %bitcast_convert_type3A_955 : vector<16xf32>
      %sub3A_961 = arith.constant 1.500000e+00 : f32
      %sub3A_962 = vector.broadcast %sub3A_961 : f32 to vector<16xf32>
      %sub3A_963 = arith.subf %sub3A_962, %mul3A_960 : vector<16xf32>
      %mul3A_964 = arith.mulf %bitcast_convert_type3A_955, %sub3A_963 : vector<16xf32>
      %mul3A_965 = arith.constant 5.000000e-01 : f32
      %mul3A_966 = vector.broadcast %mul3A_965 : f32 to vector<16xf32>
      %mul3A_967 = arith.mulf %mul3A_966, %max3A_947 : vector<16xf32>
      %mul3A_968 = arith.mulf %mul3A_967, %mul3A_964 : vector<16xf32>
      %mul3A_969 = arith.mulf %mul3A_968, %mul3A_964 : vector<16xf32>
      %sub3A_970 = arith.constant 1.500000e+00 : f32
      %sub3A_971 = vector.broadcast %sub3A_970 : f32 to vector<16xf32>
      %sub3A_972 = arith.subf %sub3A_971, %mul3A_969 : vector<16xf32>
      %mul3A_973 = arith.mulf %mul3A_964, %sub3A_972 : vector<16xf32>
      %mul3A_974 = arith.constant 5.000000e-01 : f32
      %mul3A_975 = vector.broadcast %mul3A_974 : f32 to vector<16xf32>
      %mul3A_976 = arith.mulf %mul3A_975, %max3A_947 : vector<16xf32>
      %mul3A_977 = arith.mulf %mul3A_976, %mul3A_973 : vector<16xf32>
      %mul3A_978 = arith.mulf %mul3A_977, %mul3A_973 : vector<16xf32>
      %sub3A_979 = arith.constant 1.500000e+00 : f32
      %sub3A_980 = vector.broadcast %sub3A_979 : f32 to vector<16xf32>
      %sub3A_981 = arith.subf %sub3A_980, %mul3A_978 : vector<16xf32>
      %mul3A_982 = arith.mulf %mul3A_973, %sub3A_981 : vector<16xf32>
      %max3A_983 = arith.constant 1.000000e-24 : f32
      %max3A_984 = vector.broadcast %max3A_983 : f32 to vector<16xf32>
      %max3A_985 = arith.maximumf %add3A_898, %max3A_984 : vector<16xf32>
      %bitcast_convert_type3A_986 = tpu.bitcast %max3A_985 : vector<16xf32> -> vector<16xi32>
      %broadcast_in_dim3A_987 = arith.constant 1 : i32
      %broadcast_in_dim3A_988 = vector.broadcast %broadcast_in_dim3A_987 : i32 to vector<16xi32>
      %broadcast_in_dim3A_989 = arith.constant 1597463007 : i32
      %broadcast_in_dim3A_990 = vector.broadcast %broadcast_in_dim3A_989 : i32 to vector<16xi32>
      %shift_right_logical3A_991 = arith.shrui %bitcast_convert_type3A_986, %broadcast_in_dim3A_988 : vector<16xi32>
      %sub3A_992 = arith.subi %broadcast_in_dim3A_990, %shift_right_logical3A_991 : vector<16xi32>
      %bitcast_convert_type3A_993 = tpu.bitcast %sub3A_992 : vector<16xi32> -> vector<16xf32>
      %mul3A_994 = arith.constant 5.000000e-01 : f32
      %mul3A_995 = vector.broadcast %mul3A_994 : f32 to vector<16xf32>
      %mul3A_996 = arith.mulf %mul3A_995, %max3A_985 : vector<16xf32>
      %mul3A_997 = arith.mulf %mul3A_996, %bitcast_convert_type3A_993 : vector<16xf32>
      %mul3A_998 = arith.mulf %mul3A_997, %bitcast_convert_type3A_993 : vector<16xf32>
      %sub3A_999 = arith.constant 1.500000e+00 : f32
      %sub3A_1000 = vector.broadcast %sub3A_999 : f32 to vector<16xf32>
      %sub3A_1001 = arith.subf %sub3A_1000, %mul3A_998 : vector<16xf32>
      %mul3A_1002 = arith.mulf %bitcast_convert_type3A_993, %sub3A_1001 : vector<16xf32>
      %mul3A_1003 = arith.constant 5.000000e-01 : f32
      %mul3A_1004 = vector.broadcast %mul3A_1003 : f32 to vector<16xf32>
      %mul3A_1005 = arith.mulf %mul3A_1004, %max3A_985 : vector<16xf32>
      %mul3A_1006 = arith.mulf %mul3A_1005, %mul3A_1002 : vector<16xf32>
      %mul3A_1007 = arith.mulf %mul3A_1006, %mul3A_1002 : vector<16xf32>
      %sub3A_1008 = arith.constant 1.500000e+00 : f32
      %sub3A_1009 = vector.broadcast %sub3A_1008 : f32 to vector<16xf32>
      %sub3A_1010 = arith.subf %sub3A_1009, %mul3A_1007 : vector<16xf32>
      %mul3A_1011 = arith.mulf %mul3A_1002, %sub3A_1010 : vector<16xf32>
      %mul3A_1012 = arith.constant 5.000000e-01 : f32
      %mul3A_1013 = vector.broadcast %mul3A_1012 : f32 to vector<16xf32>
      %mul3A_1014 = arith.mulf %mul3A_1013, %max3A_985 : vector<16xf32>
      %mul3A_1015 = arith.mulf %mul3A_1014, %mul3A_1011 : vector<16xf32>
      %mul3A_1016 = arith.mulf %mul3A_1015, %mul3A_1011 : vector<16xf32>
      %sub3A_1017 = arith.constant 1.500000e+00 : f32
      %sub3A_1018 = vector.broadcast %sub3A_1017 : f32 to vector<16xf32>
      %sub3A_1019 = arith.subf %sub3A_1018, %mul3A_1016 : vector<16xf32>
      %mul3A_1020 = arith.mulf %mul3A_1011, %sub3A_1019 : vector<16xf32>
      %max3A_1021 = arith.constant 1.000000e-24 : f32
      %max3A_1022 = vector.broadcast %max3A_1021 : f32 to vector<16xf32>
      %max3A_1023 = arith.maximumf %add3A_900, %max3A_1022 : vector<16xf32>
      %bitcast_convert_type3A_1024 = tpu.bitcast %max3A_1023 : vector<16xf32> -> vector<16xi32>
      %broadcast_in_dim3A_1025 = arith.constant 1 : i32
      %broadcast_in_dim3A_1026 = vector.broadcast %broadcast_in_dim3A_1025 : i32 to vector<16xi32>
      %broadcast_in_dim3A_1027 = arith.constant 1597463007 : i32
      %broadcast_in_dim3A_1028 = vector.broadcast %broadcast_in_dim3A_1027 : i32 to vector<16xi32>
      %shift_right_logical3A_1029 = arith.shrui %bitcast_convert_type3A_1024, %broadcast_in_dim3A_1026 : vector<16xi32>
      %sub3A_1030 = arith.subi %broadcast_in_dim3A_1028, %shift_right_logical3A_1029 : vector<16xi32>
      %bitcast_convert_type3A_1031 = tpu.bitcast %sub3A_1030 : vector<16xi32> -> vector<16xf32>
      %mul3A_1032 = arith.constant 5.000000e-01 : f32
      %mul3A_1033 = vector.broadcast %mul3A_1032 : f32 to vector<16xf32>
      %mul3A_1034 = arith.mulf %mul3A_1033, %max3A_1023 : vector<16xf32>
      %mul3A_1035 = arith.mulf %mul3A_1034, %bitcast_convert_type3A_1031 : vector<16xf32>
      %mul3A_1036 = arith.mulf %mul3A_1035, %bitcast_convert_type3A_1031 : vector<16xf32>
      %sub3A_1037 = arith.constant 1.500000e+00 : f32
      %sub3A_1038 = vector.broadcast %sub3A_1037 : f32 to vector<16xf32>
      %sub3A_1039 = arith.subf %sub3A_1038, %mul3A_1036 : vector<16xf32>
      %mul3A_1040 = arith.mulf %bitcast_convert_type3A_1031, %sub3A_1039 : vector<16xf32>
      %mul3A_1041 = arith.constant 5.000000e-01 : f32
      %mul3A_1042 = vector.broadcast %mul3A_1041 : f32 to vector<16xf32>
      %mul3A_1043 = arith.mulf %mul3A_1042, %max3A_1023 : vector<16xf32>
      %mul3A_1044 = arith.mulf %mul3A_1043, %mul3A_1040 : vector<16xf32>
      %mul3A_1045 = arith.mulf %mul3A_1044, %mul3A_1040 : vector<16xf32>
      %sub3A_1046 = arith.constant 1.500000e+00 : f32
      %sub3A_1047 = vector.broadcast %sub3A_1046 : f32 to vector<16xf32>
      %sub3A_1048 = arith.subf %sub3A_1047, %mul3A_1045 : vector<16xf32>
      %mul3A_1049 = arith.mulf %mul3A_1040, %sub3A_1048 : vector<16xf32>
      %mul3A_1050 = arith.constant 5.000000e-01 : f32
      %mul3A_1051 = vector.broadcast %mul3A_1050 : f32 to vector<16xf32>
      %mul3A_1052 = arith.mulf %mul3A_1051, %max3A_1023 : vector<16xf32>
      %mul3A_1053 = arith.mulf %mul3A_1052, %mul3A_1049 : vector<16xf32>
      %mul3A_1054 = arith.mulf %mul3A_1053, %mul3A_1049 : vector<16xf32>
      %sub3A_1055 = arith.constant 1.500000e+00 : f32
      %sub3A_1056 = vector.broadcast %sub3A_1055 : f32 to vector<16xf32>
      %sub3A_1057 = arith.subf %sub3A_1056, %mul3A_1054 : vector<16xf32>
      %mul3A_1058 = arith.mulf %mul3A_1049, %sub3A_1057 : vector<16xf32>
      %mul3A_1059 = arith.mulf %add3A_894, %mul3A_944 : vector<16xf32>
      %mul3A_1060 = arith.mulf %mul3A_1059, %mul3A_944 : vector<16xf32>
      %add3A_1061 = arith.addf %scan3A_131, %mul3A_1060 : vector<16xf32>
      %mul3A_1062 = arith.mulf %add3A_896, %mul3A_982 : vector<16xf32>
      %mul3A_1063 = arith.mulf %mul3A_1062, %mul3A_982 : vector<16xf32>
      %add3A_1064 = arith.addf %scan3A_132, %mul3A_1063 : vector<16xf32>
      %mul3A_1065 = arith.mulf %add3A_898, %mul3A_1020 : vector<16xf32>
      %mul3A_1066 = arith.mulf %mul3A_1065, %mul3A_1020 : vector<16xf32>
      %add3A_1067 = arith.addf %scan3A_133, %mul3A_1066 : vector<16xf32>
      %mul3A_1068 = arith.mulf %add3A_900, %mul3A_1058 : vector<16xf32>
      %mul3A_1069 = arith.mulf %mul3A_1068, %mul3A_1058 : vector<16xf32>
      %add3A_1070 = arith.addf %scan3A_134, %mul3A_1069 : vector<16xf32>
      %mul3A_1071 = arith.mulf %add3A_902, %mul3A_944 : vector<16xf32>
      %mul3A_1072 = arith.mulf %mul3A_1071, %mul3A_982 : vector<16xf32>
      %add3A_1073 = arith.addf %scan3A_135, %mul3A_1072 : vector<16xf32>
      %mul3A_1074 = arith.mulf %add3A_904, %mul3A_944 : vector<16xf32>
      %mul3A_1075 = arith.mulf %mul3A_1074, %mul3A_1020 : vector<16xf32>
      %add3A_1076 = arith.addf %scan3A_136, %mul3A_1075 : vector<16xf32>
      %mul3A_1077 = arith.mulf %add3A_906, %mul3A_944 : vector<16xf32>
      %mul3A_1078 = arith.mulf %mul3A_1077, %mul3A_1058 : vector<16xf32>
      %add3A_1079 = arith.addf %scan3A_137, %mul3A_1078 : vector<16xf32>
      %mul3A_1080 = arith.mulf %add3A_908, %mul3A_982 : vector<16xf32>
      %mul3A_1081 = arith.mulf %mul3A_1080, %mul3A_1020 : vector<16xf32>
      %add3A_1082 = arith.addf %scan3A_138, %mul3A_1081 : vector<16xf32>
      %mul3A_1083 = arith.mulf %add3A_910, %mul3A_982 : vector<16xf32>
      %mul3A_1084 = arith.mulf %mul3A_1083, %mul3A_1058 : vector<16xf32>
      %add3A_1085 = arith.addf %scan3A_139, %mul3A_1084 : vector<16xf32>
      scf.yield %add3A_1061, %add3A_1064, %add3A_1067, %add3A_1070, %add3A_1073, %add3A_1076, %add3A_1079, %add3A_1082, %add3A_1085 : vector<16xf32>, vector<16xf32>, vector<16xf32>, vector<16xf32>, vector<16xf32>, vector<16xf32>, vector<16xf32>, vector<16xf32>, vector<16xf32>
    }
    %scan3A_30 = arith.constant 32 : i32
    %dma_start3A_31 = arith.constant 0 : i32
    %dma_start3A_32 = arith.constant 0 : i32
    %dma_start3A_33 = tpu.memref_slice %arg9[%dma_start3A_31, %dma_start3A_32] : memref<1000000x32xf32, #tpu.memory_space<hbm>> -> memref<1000000x32xf32, #tpu.memory_space<hbm>>
    tpu.enqueue_indirect_dma source(%dma_start3A_33 : memref<1000000x32xf32, #tpu.memory_space<hbm>>) target(%arg21 : memref<512x32xf32, #tpu.memory_space<vmem>>) offsets(%arg14 : memref<512xi32, #tpu.memory_space<vmem>>) semaphore(%arg27 : memref<!tpu.dma_semaphore, #tpu.memory_space<semaphore_mem>>)
    %dma_start3A_34 = arith.constant 0 : i32
    %dma_start3A_35 = arith.constant 0 : i32
    %dma_start3A_36 = tpu.memref_slice %arg10[%dma_start3A_34, %dma_start3A_35] : memref<1000000x32xf32, #tpu.memory_space<hbm>> -> memref<1000000x32xf32, #tpu.memory_space<hbm>>
    tpu.enqueue_indirect_dma source(%dma_start3A_36 : memref<1000000x32xf32, #tpu.memory_space<hbm>>) target(%arg22 : memref<512x32xf32, #tpu.memory_space<vmem>>) offsets(%arg15 : memref<512xi32, #tpu.memory_space<vmem>>) semaphore(%arg27 : memref<!tpu.dma_semaphore, #tpu.memory_space<semaphore_mem>>)
    %dma_start3A_37 = arith.constant 0 : i32
    %dma_start3A_38 = arith.constant 0 : i32
    %dma_start3A_39 = tpu.memref_slice %arg11[%dma_start3A_37, %dma_start3A_38] : memref<1000000x32xf32, #tpu.memory_space<hbm>> -> memref<1000000x32xf32, #tpu.memory_space<hbm>>
    tpu.enqueue_indirect_dma source(%dma_start3A_39 : memref<1000000x32xf32, #tpu.memory_space<hbm>>) target(%arg23 : memref<512x32xf32, #tpu.memory_space<vmem>>) offsets(%arg15 : memref<512xi32, #tpu.memory_space<vmem>>) semaphore(%arg27 : memref<!tpu.dma_semaphore, #tpu.memory_space<semaphore_mem>>)
    %dma_start3A_40 = arith.constant 0 : i32
    %dma_start3A_41 = arith.constant 0 : i32
    %dma_start3A_42 = tpu.memref_slice %arg10[%dma_start3A_40, %dma_start3A_41] : memref<1000000x32xf32, #tpu.memory_space<hbm>> -> memref<1000000x32xf32, #tpu.memory_space<hbm>>
    tpu.enqueue_indirect_dma source(%dma_start3A_42 : memref<1000000x32xf32, #tpu.memory_space<hbm>>) target(%arg24 : memref<512x32xf32, #tpu.memory_space<vmem>>) offsets(%arg16 : memref<512xi32, #tpu.memory_space<vmem>>) semaphore(%arg27 : memref<!tpu.dma_semaphore, #tpu.memory_space<semaphore_mem>>)
    %dma_start3A_43 = arith.constant 0 : i32
    %dma_start3A_44 = arith.constant 0 : i32
    %dma_start3A_45 = tpu.memref_slice %arg11[%dma_start3A_43, %dma_start3A_44] : memref<1000000x32xf32, #tpu.memory_space<hbm>> -> memref<1000000x32xf32, #tpu.memory_space<hbm>>
    tpu.enqueue_indirect_dma source(%dma_start3A_45 : memref<1000000x32xf32, #tpu.memory_space<hbm>>) target(%arg25 : memref<512x32xf32, #tpu.memory_space<vmem>>) offsets(%arg16 : memref<512xi32, #tpu.memory_space<vmem>>) semaphore(%arg27 : memref<!tpu.dma_semaphore, #tpu.memory_space<semaphore_mem>>)
    %dma_wait3A_46 = arith.constant 0 : i32
    %dma_wait3A_47 = arith.constant 0 : i32
    %dma_wait3A_48 = tpu.memref_slice %arg9[%dma_wait3A_46, %dma_wait3A_47] : memref<1000000x32xf32, #tpu.memory_space<hbm>> -> memref<1000000x32xf32, #tpu.memory_space<hbm>>
    tpu.wait_indirect_dma semaphore(%arg27 : memref<!tpu.dma_semaphore, #tpu.memory_space<semaphore_mem>>) src(%dma_wait3A_48 : memref<1000000x32xf32, #tpu.memory_space<hbm>>) dst(%arg21 : memref<512x32xf32, #tpu.memory_space<vmem>>)
    %dma_wait3A_49 = arith.constant 0 : i32
    %dma_wait3A_50 = arith.constant 0 : i32
    %dma_wait3A_51 = tpu.memref_slice %arg10[%dma_wait3A_49, %dma_wait3A_50] : memref<1000000x32xf32, #tpu.memory_space<hbm>> -> memref<1000000x32xf32, #tpu.memory_space<hbm>>
    tpu.wait_indirect_dma semaphore(%arg27 : memref<!tpu.dma_semaphore, #tpu.memory_space<semaphore_mem>>) src(%dma_wait3A_51 : memref<1000000x32xf32, #tpu.memory_space<hbm>>) dst(%arg22 : memref<512x32xf32, #tpu.memory_space<vmem>>)
    %dma_wait3A_52 = arith.constant 0 : i32
    %dma_wait3A_53 = arith.constant 0 : i32
    %dma_wait3A_54 = tpu.memref_slice %arg11[%dma_wait3A_52, %dma_wait3A_53] : memref<1000000x32xf32, #tpu.memory_space<hbm>> -> memref<1000000x32xf32, #tpu.memory_space<hbm>>
    tpu.wait_indirect_dma semaphore(%arg27 : memref<!tpu.dma_semaphore, #tpu.memory_space<semaphore_mem>>) src(%dma_wait3A_54 : memref<1000000x32xf32, #tpu.memory_space<hbm>>) dst(%arg23 : memref<512x32xf32, #tpu.memory_space<vmem>>)
    %dma_wait3A_55 = arith.constant 0 : i32
    %dma_wait3A_56 = arith.constant 0 : i32
    %dma_wait3A_57 = tpu.memref_slice %arg10[%dma_wait3A_55, %dma_wait3A_56] : memref<1000000x32xf32, #tpu.memory_space<hbm>> -> memref<1000000x32xf32, #tpu.memory_space<hbm>>
    tpu.wait_indirect_dma semaphore(%arg27 : memref<!tpu.dma_semaphore, #tpu.memory_space<semaphore_mem>>) src(%dma_wait3A_57 : memref<1000000x32xf32, #tpu.memory_space<hbm>>) dst(%arg24 : memref<512x32xf32, #tpu.memory_space<vmem>>)
    %dma_wait3A_58 = arith.constant 0 : i32
    %dma_wait3A_59 = arith.constant 0 : i32
    %dma_wait3A_60 = tpu.memref_slice %arg11[%dma_wait3A_58, %dma_wait3A_59] : memref<1000000x32xf32, #tpu.memory_space<hbm>> -> memref<1000000x32xf32, #tpu.memory_space<hbm>>
    tpu.wait_indirect_dma semaphore(%arg27 : memref<!tpu.dma_semaphore, #tpu.memory_space<semaphore_mem>>) src(%dma_wait3A_60 : memref<1000000x32xf32, #tpu.memory_space<hbm>>) dst(%arg25 : memref<512x32xf32, #tpu.memory_space<vmem>>)
    %scan3A_61 = arith.constant 0 : i32
    %scan3A_62 = arith.constant 32 : i32
    %scan3A_63 = arith.addi %scan3A_61, %scan3A_62 : i32
    %scan3A_64 = arith.constant 1 : i32
    %scan3A_65:4 = scf.for %scan3A_130 = %scan3A_61 to %scan3A_63 step %scan3A_64 iter_args(%scan3A_131 = %broadcast_in_dim3A_25, %scan3A_132 = %broadcast_in_dim3A_25, %scan3A_133 = %broadcast_in_dim3A_25, %scan3A_134 = %broadcast_in_dim3A_25) -> (vector<16xf32>, vector<16xf32>, vector<16xf32>, vector<16xf32>)  : i32 {
      %mul3A_135 = arith.constant 16 : i32
      %mul3A_136 = arith.muli %scan3A_130, %mul3A_135 : i32
      %add3A_137 = vector.broadcast %mul3A_136 : i32 to vector<16xi32>
      %add3A_138 = arith.addi %add3A_137, %iota3A : vector<16xi32>
      %broadcast_in_dim3A_139 = arith.constant 0 : i32
      %broadcast_in_dim3A_140 = vector.broadcast %broadcast_in_dim3A_139 : i32 to vector<16xi32>
      %gather3A = tpu.vector_load_idx %arg21[%add3A_138, %broadcast_in_dim3A_140] : memref<512x32xf32, #tpu.memory_space<vmem>>[vector<16xi32>, vector<16xi32>], vector<16xf32>,
      %gather3A_141 = tpu.vector_load_idx %arg22[%add3A_138, %broadcast_in_dim3A_140] : memref<512x32xf32, #tpu.memory_space<vmem>>[vector<16xi32>, vector<16xi32>], vector<16xf32>,
      %gather3A_142 = tpu.vector_load_idx %arg23[%add3A_138, %broadcast_in_dim3A_140] : memref<512x32xf32, #tpu.memory_space<vmem>>[vector<16xi32>, vector<16xi32>], vector<16xf32>,
      %gather3A_143 = tpu.vector_load_idx %arg24[%add3A_138, %broadcast_in_dim3A_140] : memref<512x32xf32, #tpu.memory_space<vmem>>[vector<16xi32>, vector<16xi32>], vector<16xf32>,
      %gather3A_144 = tpu.vector_load_idx %arg25[%add3A_138, %broadcast_in_dim3A_140] : memref<512x32xf32, #tpu.memory_space<vmem>>[vector<16xi32>, vector<16xi32>], vector<16xf32>,
      %add3A_145 = arith.addf %gather3A_141, %gather3A_142 : vector<16xf32>
      %add3A_146 = arith.addf %gather3A_143, %gather3A_144 : vector<16xf32>
      %mul3A_147 = arith.mulf %gather3A, %add3A_145 : vector<16xf32>
      %add3A_148 = arith.addf %broadcast_in_dim3A_25, %mul3A_147 : vector<16xf32>
      %mul3A_149 = arith.mulf %gather3A, %add3A_146 : vector<16xf32>
      %add3A_150 = arith.addf %broadcast_in_dim3A_25, %mul3A_149 : vector<16xf32>
      %mul3A_151 = arith.mulf %gather3A, %gather3A : vector<16xf32>
      %add3A_152 = arith.addf %broadcast_in_dim3A_25, %mul3A_151 : vector<16xf32>
      %mul3A_153 = arith.mulf %add3A_145, %add3A_145 : vector<16xf32>
      %add3A_154 = arith.addf %broadcast_in_dim3A_25, %mul3A_153 : vector<16xf32>
      %mul3A_155 = arith.mulf %add3A_146, %add3A_146 : vector<16xf32>
      %add3A_156 = arith.addf %broadcast_in_dim3A_25, %mul3A_155 : vector<16xf32>
      %broadcast_in_dim3A_157 = arith.constant 1 : i32
      %broadcast_in_dim3A_158 = vector.broadcast %broadcast_in_dim3A_157 : i32 to vector<16xi32>
      %gather3A_159 = tpu.vector_load_idx %arg21[%add3A_138, %broadcast_in_dim3A_158] : memref<512x32xf32, #tpu.memory_space<vmem>>[vector<16xi32>, vector<16xi32>], vector<16xf32>,
      %gather3A_160 = tpu.vector_load_idx %arg22[%add3A_138, %broadcast_in_dim3A_158] : memref<512x32xf32, #tpu.memory_space<vmem>>[vector<16xi32>, vector<16xi32>], vector<16xf32>,
      %gather3A_161 = tpu.vector_load_idx %arg23[%add3A_138, %broadcast_in_dim3A_158] : memref<512x32xf32, #tpu.memory_space<vmem>>[vector<16xi32>, vector<16xi32>], vector<16xf32>,
      %gather3A_162 = tpu.vector_load_idx %arg24[%add3A_138, %broadcast_in_dim3A_158] : memref<512x32xf32, #tpu.memory_space<vmem>>[vector<16xi32>, vector<16xi32>], vector<16xf32>,
      %gather3A_163 = tpu.vector_load_idx %arg25[%add3A_138, %broadcast_in_dim3A_158] : memref<512x32xf32, #tpu.memory_space<vmem>>[vector<16xi32>, vector<16xi32>], vector<16xf32>,
      %add3A_164 = arith.addf %gather3A_160, %gather3A_161 : vector<16xf32>
      %add3A_165 = arith.addf %gather3A_162, %gather3A_163 : vector<16xf32>
      %mul3A_166 = arith.mulf %gather3A_159, %add3A_164 : vector<16xf32>
      %add3A_167 = arith.addf %add3A_148, %mul3A_166 : vector<16xf32>
      %mul3A_168 = arith.mulf %gather3A_159, %add3A_165 : vector<16xf32>
      %add3A_169 = arith.addf %add3A_150, %mul3A_168 : vector<16xf32>
      %mul3A_170 = arith.mulf %gather3A_159, %gather3A_159 : vector<16xf32>
      %add3A_171 = arith.addf %add3A_152, %mul3A_170 : vector<16xf32>
      %mul3A_172 = arith.mulf %add3A_164, %add3A_164 : vector<16xf32>
      %add3A_173 = arith.addf %add3A_154, %mul3A_172 : vector<16xf32>
      %mul3A_174 = arith.mulf %add3A_165, %add3A_165 : vector<16xf32>
      %add3A_175 = arith.addf %add3A_156, %mul3A_174 : vector<16xf32>
      %broadcast_in_dim3A_176 = arith.constant 2 : i32
      %broadcast_in_dim3A_177 = vector.broadcast %broadcast_in_dim3A_176 : i32 to vector<16xi32>
      %gather3A_178 = tpu.vector_load_idx %arg21[%add3A_138, %broadcast_in_dim3A_177] : memref<512x32xf32, #tpu.memory_space<vmem>>[vector<16xi32>, vector<16xi32>], vector<16xf32>,
      %gather3A_179 = tpu.vector_load_idx %arg22[%add3A_138, %broadcast_in_dim3A_177] : memref<512x32xf32, #tpu.memory_space<vmem>>[vector<16xi32>, vector<16xi32>], vector<16xf32>,
      %gather3A_180 = tpu.vector_load_idx %arg23[%add3A_138, %broadcast_in_dim3A_177] : memref<512x32xf32, #tpu.memory_space<vmem>>[vector<16xi32>, vector<16xi32>], vector<16xf32>,
      %gather3A_181 = tpu.vector_load_idx %arg24[%add3A_138, %broadcast_in_dim3A_177] : memref<512x32xf32, #tpu.memory_space<vmem>>[vector<16xi32>, vector<16xi32>], vector<16xf32>,
      %gather3A_182 = tpu.vector_load_idx %arg25[%add3A_138, %broadcast_in_dim3A_177] : memref<512x32xf32, #tpu.memory_space<vmem>>[vector<16xi32>, vector<16xi32>], vector<16xf32>,
      %add3A_183 = arith.addf %gather3A_179, %gather3A_180 : vector<16xf32>
      %add3A_184 = arith.addf %gather3A_181, %gather3A_182 : vector<16xf32>
      %mul3A_185 = arith.mulf %gather3A_178, %add3A_183 : vector<16xf32>
      %add3A_186 = arith.addf %add3A_167, %mul3A_185 : vector<16xf32>
      %mul3A_187 = arith.mulf %gather3A_178, %add3A_184 : vector<16xf32>
      %add3A_188 = arith.addf %add3A_169, %mul3A_187 : vector<16xf32>
      %mul3A_189 = arith.mulf %gather3A_178, %gather3A_178 : vector<16xf32>
      %add3A_190 = arith.addf %add3A_171, %mul3A_189 : vector<16xf32>
      %mul3A_191 = arith.mulf %add3A_183, %add3A_183 : vector<16xf32>
      %add3A_192 = arith.addf %add3A_173, %mul3A_191 : vector<16xf32>
      %mul3A_193 = arith.mulf %add3A_184, %add3A_184 : vector<16xf32>
      %add3A_194 = arith.addf %add3A_175, %mul3A_193 : vector<16xf32>
      %broadcast_in_dim3A_195 = arith.constant 3 : i32
      %broadcast_in_dim3A_196 = vector.broadcast %broadcast_in_dim3A_195 : i32 to vector<16xi32>
      %gather3A_197 = tpu.vector_load_idx %arg21[%add3A_138, %broadcast_in_dim3A_196] : memref<512x32xf32, #tpu.memory_space<vmem>>[vector<16xi32>, vector<16xi32>], vector<16xf32>,
      %gather3A_198 = tpu.vector_load_idx %arg22[%add3A_138, %broadcast_in_dim3A_196] : memref<512x32xf32, #tpu.memory_space<vmem>>[vector<16xi32>, vector<16xi32>], vector<16xf32>,
      %gather3A_199 = tpu.vector_load_idx %arg23[%add3A_138, %broadcast_in_dim3A_196] : memref<512x32xf32, #tpu.memory_space<vmem>>[vector<16xi32>, vector<16xi32>], vector<16xf32>,
      %gather3A_200 = tpu.vector_load_idx %arg24[%add3A_138, %broadcast_in_dim3A_196] : memref<512x32xf32, #tpu.memory_space<vmem>>[vector<16xi32>, vector<16xi32>], vector<16xf32>,
      %gather3A_201 = tpu.vector_load_idx %arg25[%add3A_138, %broadcast_in_dim3A_196] : memref<512x32xf32, #tpu.memory_space<vmem>>[vector<16xi32>, vector<16xi32>], vector<16xf32>,
      %add3A_202 = arith.addf %gather3A_198, %gather3A_199 : vector<16xf32>
      %add3A_203 = arith.addf %gather3A_200, %gather3A_201 : vector<16xf32>
      %mul3A_204 = arith.mulf %gather3A_197, %add3A_202 : vector<16xf32>
      %add3A_205 = arith.addf %add3A_186, %mul3A_204 : vector<16xf32>
      %mul3A_206 = arith.mulf %gather3A_197, %add3A_203 : vector<16xf32>
      %add3A_207 = arith.addf %add3A_188, %mul3A_206 : vector<16xf32>
      %mul3A_208 = arith.mulf %gather3A_197, %gather3A_197 : vector<16xf32>
      %add3A_209 = arith.addf %add3A_190, %mul3A_208 : vector<16xf32>
      %mul3A_210 = arith.mulf %add3A_202, %add3A_202 : vector<16xf32>
      %add3A_211 = arith.addf %add3A_192, %mul3A_210 : vector<16xf32>
      %mul3A_212 = arith.mulf %add3A_203, %add3A_203 : vector<16xf32>
      %add3A_213 = arith.addf %add3A_194, %mul3A_212 : vector<16xf32>
      %broadcast_in_dim3A_214 = arith.constant 4 : i32
      %broadcast_in_dim3A_215 = vector.broadcast %broadcast_in_dim3A_214 : i32 to vector<16xi32>
      %gather3A_216 = tpu.vector_load_idx %arg21[%add3A_138, %broadcast_in_dim3A_215] : memref<512x32xf32, #tpu.memory_space<vmem>>[vector<16xi32>, vector<16xi32>], vector<16xf32>,
      %gather3A_217 = tpu.vector_load_idx %arg22[%add3A_138, %broadcast_in_dim3A_215] : memref<512x32xf32, #tpu.memory_space<vmem>>[vector<16xi32>, vector<16xi32>], vector<16xf32>,
      %gather3A_218 = tpu.vector_load_idx %arg23[%add3A_138, %broadcast_in_dim3A_215] : memref<512x32xf32, #tpu.memory_space<vmem>>[vector<16xi32>, vector<16xi32>], vector<16xf32>,
      %gather3A_219 = tpu.vector_load_idx %arg24[%add3A_138, %broadcast_in_dim3A_215] : memref<512x32xf32, #tpu.memory_space<vmem>>[vector<16xi32>, vector<16xi32>], vector<16xf32>,
      %gather3A_220 = tpu.vector_load_idx %arg25[%add3A_138, %broadcast_in_dim3A_215] : memref<512x32xf32, #tpu.memory_space<vmem>>[vector<16xi32>, vector<16xi32>], vector<16xf32>,
      %add3A_221 = arith.addf %gather3A_217, %gather3A_218 : vector<16xf32>
      %add3A_222 = arith.addf %gather3A_219, %gather3A_220 : vector<16xf32>
      %mul3A_223 = arith.mulf %gather3A_216, %add3A_221 : vector<16xf32>
      %add3A_224 = arith.addf %add3A_205, %mul3A_223 : vector<16xf32>
      %mul3A_225 = arith.mulf %gather3A_216, %add3A_222 : vector<16xf32>
      %add3A_226 = arith.addf %add3A_207, %mul3A_225 : vector<16xf32>
      %mul3A_227 = arith.mulf %gather3A_216, %gather3A_216 : vector<16xf32>
      %add3A_228 = arith.addf %add3A_209, %mul3A_227 : vector<16xf32>
      %mul3A_229 = arith.mulf %add3A_221, %add3A_221 : vector<16xf32>
      %add3A_230 = arith.addf %add3A_211, %mul3A_229 : vector<16xf32>
      %mul3A_231 = arith.mulf %add3A_222, %add3A_222 : vector<16xf32>
      %add3A_232 = arith.addf %add3A_213, %mul3A_231 : vector<16xf32>
      %broadcast_in_dim3A_233 = arith.constant 5 : i32
      %broadcast_in_dim3A_234 = vector.broadcast %broadcast_in_dim3A_233 : i32 to vector<16xi32>
      %gather3A_235 = tpu.vector_load_idx %arg21[%add3A_138, %broadcast_in_dim3A_234] : memref<512x32xf32, #tpu.memory_space<vmem>>[vector<16xi32>, vector<16xi32>], vector<16xf32>,
      %gather3A_236 = tpu.vector_load_idx %arg22[%add3A_138, %broadcast_in_dim3A_234] : memref<512x32xf32, #tpu.memory_space<vmem>>[vector<16xi32>, vector<16xi32>], vector<16xf32>,
      %gather3A_237 = tpu.vector_load_idx %arg23[%add3A_138, %broadcast_in_dim3A_234] : memref<512x32xf32, #tpu.memory_space<vmem>>[vector<16xi32>, vector<16xi32>], vector<16xf32>,
      %gather3A_238 = tpu.vector_load_idx %arg24[%add3A_138, %broadcast_in_dim3A_234] : memref<512x32xf32, #tpu.memory_space<vmem>>[vector<16xi32>, vector<16xi32>], vector<16xf32>,
      %gather3A_239 = tpu.vector_load_idx %arg25[%add3A_138, %broadcast_in_dim3A_234] : memref<512x32xf32, #tpu.memory_space<vmem>>[vector<16xi32>, vector<16xi32>], vector<16xf32>,
      %add3A_240 = arith.addf %gather3A_236, %gather3A_237 : vector<16xf32>
      %add3A_241 = arith.addf %gather3A_238, %gather3A_239 : vector<16xf32>
      %mul3A_242 = arith.mulf %gather3A_235, %add3A_240 : vector<16xf32>
      %add3A_243 = arith.addf %add3A_224, %mul3A_242 : vector<16xf32>
      %mul3A_244 = arith.mulf %gather3A_235, %add3A_241 : vector<16xf32>
      %add3A_245 = arith.addf %add3A_226, %mul3A_244 : vector<16xf32>
      %mul3A_246 = arith.mulf %gather3A_235, %gather3A_235 : vector<16xf32>
      %add3A_247 = arith.addf %add3A_228, %mul3A_246 : vector<16xf32>
      %mul3A_248 = arith.mulf %add3A_240, %add3A_240 : vector<16xf32>
      %add3A_249 = arith.addf %add3A_230, %mul3A_248 : vector<16xf32>
      %mul3A_250 = arith.mulf %add3A_241, %add3A_241 : vector<16xf32>
      %add3A_251 = arith.addf %add3A_232, %mul3A_250 : vector<16xf32>
      %broadcast_in_dim3A_252 = arith.constant 6 : i32
      %broadcast_in_dim3A_253 = vector.broadcast %broadcast_in_dim3A_252 : i32 to vector<16xi32>
      %gather3A_254 = tpu.vector_load_idx %arg21[%add3A_138, %broadcast_in_dim3A_253] : memref<512x32xf32, #tpu.memory_space<vmem>>[vector<16xi32>, vector<16xi32>], vector<16xf32>,
      %gather3A_255 = tpu.vector_load_idx %arg22[%add3A_138, %broadcast_in_dim3A_253] : memref<512x32xf32, #tpu.memory_space<vmem>>[vector<16xi32>, vector<16xi32>], vector<16xf32>,
      %gather3A_256 = tpu.vector_load_idx %arg23[%add3A_138, %broadcast_in_dim3A_253] : memref<512x32xf32, #tpu.memory_space<vmem>>[vector<16xi32>, vector<16xi32>], vector<16xf32>,
      %gather3A_257 = tpu.vector_load_idx %arg24[%add3A_138, %broadcast_in_dim3A_253] : memref<512x32xf32, #tpu.memory_space<vmem>>[vector<16xi32>, vector<16xi32>], vector<16xf32>,
      %gather3A_258 = tpu.vector_load_idx %arg25[%add3A_138, %broadcast_in_dim3A_253] : memref<512x32xf32, #tpu.memory_space<vmem>>[vector<16xi32>, vector<16xi32>], vector<16xf32>,
      %add3A_259 = arith.addf %gather3A_255, %gather3A_256 : vector<16xf32>
      %add3A_260 = arith.addf %gather3A_257, %gather3A_258 : vector<16xf32>
      %mul3A_261 = arith.mulf %gather3A_254, %add3A_259 : vector<16xf32>
      %add3A_262 = arith.addf %add3A_243, %mul3A_261 : vector<16xf32>
      %mul3A_263 = arith.mulf %gather3A_254, %add3A_260 : vector<16xf32>
      %add3A_264 = arith.addf %add3A_245, %mul3A_263 : vector<16xf32>
      %mul3A_265 = arith.mulf %gather3A_254, %gather3A_254 : vector<16xf32>
      %add3A_266 = arith.addf %add3A_247, %mul3A_265 : vector<16xf32>
      %mul3A_267 = arith.mulf %add3A_259, %add3A_259 : vector<16xf32>
      %add3A_268 = arith.addf %add3A_249, %mul3A_267 : vector<16xf32>
      %mul3A_269 = arith.mulf %add3A_260, %add3A_260 : vector<16xf32>
      %add3A_270 = arith.addf %add3A_251, %mul3A_269 : vector<16xf32>
      %broadcast_in_dim3A_271 = arith.constant 7 : i32
      %broadcast_in_dim3A_272 = vector.broadcast %broadcast_in_dim3A_271 : i32 to vector<16xi32>
      %gather3A_273 = tpu.vector_load_idx %arg21[%add3A_138, %broadcast_in_dim3A_272] : memref<512x32xf32, #tpu.memory_space<vmem>>[vector<16xi32>, vector<16xi32>], vector<16xf32>,
      %gather3A_274 = tpu.vector_load_idx %arg22[%add3A_138, %broadcast_in_dim3A_272] : memref<512x32xf32, #tpu.memory_space<vmem>>[vector<16xi32>, vector<16xi32>], vector<16xf32>,
      %gather3A_275 = tpu.vector_load_idx %arg23[%add3A_138, %broadcast_in_dim3A_272] : memref<512x32xf32, #tpu.memory_space<vmem>>[vector<16xi32>, vector<16xi32>], vector<16xf32>,
      %gather3A_276 = tpu.vector_load_idx %arg24[%add3A_138, %broadcast_in_dim3A_272] : memref<512x32xf32, #tpu.memory_space<vmem>>[vector<16xi32>, vector<16xi32>], vector<16xf32>,
      %gather3A_277 = tpu.vector_load_idx %arg25[%add3A_138, %broadcast_in_dim3A_272] : memref<512x32xf32, #tpu.memory_space<vmem>>[vector<16xi32>, vector<16xi32>], vector<16xf32>,
      %add3A_278 = arith.addf %gather3A_274, %gather3A_275 : vector<16xf32>
      %add3A_279 = arith.addf %gather3A_276, %gather3A_277 : vector<16xf32>
      %mul3A_280 = arith.mulf %gather3A_273, %add3A_278 : vector<16xf32>
      %add3A_281 = arith.addf %add3A_262, %mul3A_280 : vector<16xf32>
      %mul3A_282 = arith.mulf %gather3A_273, %add3A_279 : vector<16xf32>
      %add3A_283 = arith.addf %add3A_264, %mul3A_282 : vector<16xf32>
      %mul3A_284 = arith.mulf %gather3A_273, %gather3A_273 : vector<16xf32>
      %add3A_285 = arith.addf %add3A_266, %mul3A_284 : vector<16xf32>
      %mul3A_286 = arith.mulf %add3A_278, %add3A_278 : vector<16xf32>
      %add3A_287 = arith.addf %add3A_268, %mul3A_286 : vector<16xf32>
      %mul3A_288 = arith.mulf %add3A_279, %add3A_279 : vector<16xf32>
      %add3A_289 = arith.addf %add3A_270, %mul3A_288 : vector<16xf32>
      %broadcast_in_dim3A_290 = arith.constant 8 : i32
      %broadcast_in_dim3A_291 = vector.broadcast %broadcast_in_dim3A_290 : i32 to vector<16xi32>
      %gather3A_292 = tpu.vector_load_idx %arg21[%add3A_138, %broadcast_in_dim3A_291] : memref<512x32xf32, #tpu.memory_space<vmem>>[vector<16xi32>, vector<16xi32>], vector<16xf32>,
      %gather3A_293 = tpu.vector_load_idx %arg22[%add3A_138, %broadcast_in_dim3A_291] : memref<512x32xf32, #tpu.memory_space<vmem>>[vector<16xi32>, vector<16xi32>], vector<16xf32>,
      %gather3A_294 = tpu.vector_load_idx %arg23[%add3A_138, %broadcast_in_dim3A_291] : memref<512x32xf32, #tpu.memory_space<vmem>>[vector<16xi32>, vector<16xi32>], vector<16xf32>,
      %gather3A_295 = tpu.vector_load_idx %arg24[%add3A_138, %broadcast_in_dim3A_291] : memref<512x32xf32, #tpu.memory_space<vmem>>[vector<16xi32>, vector<16xi32>], vector<16xf32>,
      %gather3A_296 = tpu.vector_load_idx %arg25[%add3A_138, %broadcast_in_dim3A_291] : memref<512x32xf32, #tpu.memory_space<vmem>>[vector<16xi32>, vector<16xi32>], vector<16xf32>,
      %add3A_297 = arith.addf %gather3A_293, %gather3A_294 : vector<16xf32>
      %add3A_298 = arith.addf %gather3A_295, %gather3A_296 : vector<16xf32>
      %mul3A_299 = arith.mulf %gather3A_292, %add3A_297 : vector<16xf32>
      %add3A_300 = arith.addf %add3A_281, %mul3A_299 : vector<16xf32>
      %mul3A_301 = arith.mulf %gather3A_292, %add3A_298 : vector<16xf32>
      %add3A_302 = arith.addf %add3A_283, %mul3A_301 : vector<16xf32>
      %mul3A_303 = arith.mulf %gather3A_292, %gather3A_292 : vector<16xf32>
      %add3A_304 = arith.addf %add3A_285, %mul3A_303 : vector<16xf32>
      %mul3A_305 = arith.mulf %add3A_297, %add3A_297 : vector<16xf32>
      %add3A_306 = arith.addf %add3A_287, %mul3A_305 : vector<16xf32>
      %mul3A_307 = arith.mulf %add3A_298, %add3A_298 : vector<16xf32>
      %add3A_308 = arith.addf %add3A_289, %mul3A_307 : vector<16xf32>
      %broadcast_in_dim3A_309 = arith.constant 9 : i32
      %broadcast_in_dim3A_310 = vector.broadcast %broadcast_in_dim3A_309 : i32 to vector<16xi32>
      %gather3A_311 = tpu.vector_load_idx %arg21[%add3A_138, %broadcast_in_dim3A_310] : memref<512x32xf32, #tpu.memory_space<vmem>>[vector<16xi32>, vector<16xi32>], vector<16xf32>,
      %gather3A_312 = tpu.vector_load_idx %arg22[%add3A_138, %broadcast_in_dim3A_310] : memref<512x32xf32, #tpu.memory_space<vmem>>[vector<16xi32>, vector<16xi32>], vector<16xf32>,
      %gather3A_313 = tpu.vector_load_idx %arg23[%add3A_138, %broadcast_in_dim3A_310] : memref<512x32xf32, #tpu.memory_space<vmem>>[vector<16xi32>, vector<16xi32>], vector<16xf32>,
      %gather3A_314 = tpu.vector_load_idx %arg24[%add3A_138, %broadcast_in_dim3A_310] : memref<512x32xf32, #tpu.memory_space<vmem>>[vector<16xi32>, vector<16xi32>], vector<16xf32>,
      %gather3A_315 = tpu.vector_load_idx %arg25[%add3A_138, %broadcast_in_dim3A_310] : memref<512x32xf32, #tpu.memory_space<vmem>>[vector<16xi32>, vector<16xi32>], vector<16xf32>,
      %add3A_316 = arith.addf %gather3A_312, %gather3A_313 : vector<16xf32>
      %add3A_317 = arith.addf %gather3A_314, %gather3A_315 : vector<16xf32>
      %mul3A_318 = arith.mulf %gather3A_311, %add3A_316 : vector<16xf32>
      %add3A_319 = arith.addf %add3A_300, %mul3A_318 : vector<16xf32>
      %mul3A_320 = arith.mulf %gather3A_311, %add3A_317 : vector<16xf32>
      %add3A_321 = arith.addf %add3A_302, %mul3A_320 : vector<16xf32>
      %mul3A_322 = arith.mulf %gather3A_311, %gather3A_311 : vector<16xf32>
      %add3A_323 = arith.addf %add3A_304, %mul3A_322 : vector<16xf32>
      %mul3A_324 = arith.mulf %add3A_316, %add3A_316 : vector<16xf32>
      %add3A_325 = arith.addf %add3A_306, %mul3A_324 : vector<16xf32>
      %mul3A_326 = arith.mulf %add3A_317, %add3A_317 : vector<16xf32>
      %add3A_327 = arith.addf %add3A_308, %mul3A_326 : vector<16xf32>
      %broadcast_in_dim3A_328 = arith.constant 10 : i32
      %broadcast_in_dim3A_329 = vector.broadcast %broadcast_in_dim3A_328 : i32 to vector<16xi32>
      %gather3A_330 = tpu.vector_load_idx %arg21[%add3A_138, %broadcast_in_dim3A_329] : memref<512x32xf32, #tpu.memory_space<vmem>>[vector<16xi32>, vector<16xi32>], vector<16xf32>,
      %gather3A_331 = tpu.vector_load_idx %arg22[%add3A_138, %broadcast_in_dim3A_329] : memref<512x32xf32, #tpu.memory_space<vmem>>[vector<16xi32>, vector<16xi32>], vector<16xf32>,
      %gather3A_332 = tpu.vector_load_idx %arg23[%add3A_138, %broadcast_in_dim3A_329] : memref<512x32xf32, #tpu.memory_space<vmem>>[vector<16xi32>, vector<16xi32>], vector<16xf32>,
      %gather3A_333 = tpu.vector_load_idx %arg24[%add3A_138, %broadcast_in_dim3A_329] : memref<512x32xf32, #tpu.memory_space<vmem>>[vector<16xi32>, vector<16xi32>], vector<16xf32>,
      %gather3A_334 = tpu.vector_load_idx %arg25[%add3A_138, %broadcast_in_dim3A_329] : memref<512x32xf32, #tpu.memory_space<vmem>>[vector<16xi32>, vector<16xi32>], vector<16xf32>,
      %add3A_335 = arith.addf %gather3A_331, %gather3A_332 : vector<16xf32>
      %add3A_336 = arith.addf %gather3A_333, %gather3A_334 : vector<16xf32>
      %mul3A_337 = arith.mulf %gather3A_330, %add3A_335 : vector<16xf32>
      %add3A_338 = arith.addf %add3A_319, %mul3A_337 : vector<16xf32>
      %mul3A_339 = arith.mulf %gather3A_330, %add3A_336 : vector<16xf32>
      %add3A_340 = arith.addf %add3A_321, %mul3A_339 : vector<16xf32>
      %mul3A_341 = arith.mulf %gather3A_330, %gather3A_330 : vector<16xf32>
      %add3A_342 = arith.addf %add3A_323, %mul3A_341 : vector<16xf32>
      %mul3A_343 = arith.mulf %add3A_335, %add3A_335 : vector<16xf32>
      %add3A_344 = arith.addf %add3A_325, %mul3A_343 : vector<16xf32>
      %mul3A_345 = arith.mulf %add3A_336, %add3A_336 : vector<16xf32>
      %add3A_346 = arith.addf %add3A_327, %mul3A_345 : vector<16xf32>
      %broadcast_in_dim3A_347 = arith.constant 11 : i32
      %broadcast_in_dim3A_348 = vector.broadcast %broadcast_in_dim3A_347 : i32 to vector<16xi32>
      %gather3A_349 = tpu.vector_load_idx %arg21[%add3A_138, %broadcast_in_dim3A_348] : memref<512x32xf32, #tpu.memory_space<vmem>>[vector<16xi32>, vector<16xi32>], vector<16xf32>,
      %gather3A_350 = tpu.vector_load_idx %arg22[%add3A_138, %broadcast_in_dim3A_348] : memref<512x32xf32, #tpu.memory_space<vmem>>[vector<16xi32>, vector<16xi32>], vector<16xf32>,
      %gather3A_351 = tpu.vector_load_idx %arg23[%add3A_138, %broadcast_in_dim3A_348] : memref<512x32xf32, #tpu.memory_space<vmem>>[vector<16xi32>, vector<16xi32>], vector<16xf32>,
      %gather3A_352 = tpu.vector_load_idx %arg24[%add3A_138, %broadcast_in_dim3A_348] : memref<512x32xf32, #tpu.memory_space<vmem>>[vector<16xi32>, vector<16xi32>], vector<16xf32>,
      %gather3A_353 = tpu.vector_load_idx %arg25[%add3A_138, %broadcast_in_dim3A_348] : memref<512x32xf32, #tpu.memory_space<vmem>>[vector<16xi32>, vector<16xi32>], vector<16xf32>,
      %add3A_354 = arith.addf %gather3A_350, %gather3A_351 : vector<16xf32>
      %add3A_355 = arith.addf %gather3A_352, %gather3A_353 : vector<16xf32>
      %mul3A_356 = arith.mulf %gather3A_349, %add3A_354 : vector<16xf32>
      %add3A_357 = arith.addf %add3A_338, %mul3A_356 : vector<16xf32>
      %mul3A_358 = arith.mulf %gather3A_349, %add3A_355 : vector<16xf32>
      %add3A_359 = arith.addf %add3A_340, %mul3A_358 : vector<16xf32>
      %mul3A_360 = arith.mulf %gather3A_349, %gather3A_349 : vector<16xf32>
      %add3A_361 = arith.addf %add3A_342, %mul3A_360 : vector<16xf32>
      %mul3A_362 = arith.mulf %add3A_354, %add3A_354 : vector<16xf32>
      %add3A_363 = arith.addf %add3A_344, %mul3A_362 : vector<16xf32>
      %mul3A_364 = arith.mulf %add3A_355, %add3A_355 : vector<16xf32>
      %add3A_365 = arith.addf %add3A_346, %mul3A_364 : vector<16xf32>
      %broadcast_in_dim3A_366 = arith.constant 12 : i32
      %broadcast_in_dim3A_367 = vector.broadcast %broadcast_in_dim3A_366 : i32 to vector<16xi32>
      %gather3A_368 = tpu.vector_load_idx %arg21[%add3A_138, %broadcast_in_dim3A_367] : memref<512x32xf32, #tpu.memory_space<vmem>>[vector<16xi32>, vector<16xi32>], vector<16xf32>,
      %gather3A_369 = tpu.vector_load_idx %arg22[%add3A_138, %broadcast_in_dim3A_367] : memref<512x32xf32, #tpu.memory_space<vmem>>[vector<16xi32>, vector<16xi32>], vector<16xf32>,
      %gather3A_370 = tpu.vector_load_idx %arg23[%add3A_138, %broadcast_in_dim3A_367] : memref<512x32xf32, #tpu.memory_space<vmem>>[vector<16xi32>, vector<16xi32>], vector<16xf32>,
      %gather3A_371 = tpu.vector_load_idx %arg24[%add3A_138, %broadcast_in_dim3A_367] : memref<512x32xf32, #tpu.memory_space<vmem>>[vector<16xi32>, vector<16xi32>], vector<16xf32>,
      %gather3A_372 = tpu.vector_load_idx %arg25[%add3A_138, %broadcast_in_dim3A_367] : memref<512x32xf32, #tpu.memory_space<vmem>>[vector<16xi32>, vector<16xi32>], vector<16xf32>,
      %add3A_373 = arith.addf %gather3A_369, %gather3A_370 : vector<16xf32>
      %add3A_374 = arith.addf %gather3A_371, %gather3A_372 : vector<16xf32>
      %mul3A_375 = arith.mulf %gather3A_368, %add3A_373 : vector<16xf32>
      %add3A_376 = arith.addf %add3A_357, %mul3A_375 : vector<16xf32>
      %mul3A_377 = arith.mulf %gather3A_368, %add3A_374 : vector<16xf32>
      %add3A_378 = arith.addf %add3A_359, %mul3A_377 : vector<16xf32>
      %mul3A_379 = arith.mulf %gather3A_368, %gather3A_368 : vector<16xf32>
      %add3A_380 = arith.addf %add3A_361, %mul3A_379 : vector<16xf32>
      %mul3A_381 = arith.mulf %add3A_373, %add3A_373 : vector<16xf32>
      %add3A_382 = arith.addf %add3A_363, %mul3A_381 : vector<16xf32>
      %mul3A_383 = arith.mulf %add3A_374, %add3A_374 : vector<16xf32>
      %add3A_384 = arith.addf %add3A_365, %mul3A_383 : vector<16xf32>
      %broadcast_in_dim3A_385 = arith.constant 13 : i32
      %broadcast_in_dim3A_386 = vector.broadcast %broadcast_in_dim3A_385 : i32 to vector<16xi32>
      %gather3A_387 = tpu.vector_load_idx %arg21[%add3A_138, %broadcast_in_dim3A_386] : memref<512x32xf32, #tpu.memory_space<vmem>>[vector<16xi32>, vector<16xi32>], vector<16xf32>,
      %gather3A_388 = tpu.vector_load_idx %arg22[%add3A_138, %broadcast_in_dim3A_386] : memref<512x32xf32, #tpu.memory_space<vmem>>[vector<16xi32>, vector<16xi32>], vector<16xf32>,
      %gather3A_389 = tpu.vector_load_idx %arg23[%add3A_138, %broadcast_in_dim3A_386] : memref<512x32xf32, #tpu.memory_space<vmem>>[vector<16xi32>, vector<16xi32>], vector<16xf32>,
      %gather3A_390 = tpu.vector_load_idx %arg24[%add3A_138, %broadcast_in_dim3A_386] : memref<512x32xf32, #tpu.memory_space<vmem>>[vector<16xi32>, vector<16xi32>], vector<16xf32>,
      %gather3A_391 = tpu.vector_load_idx %arg25[%add3A_138, %broadcast_in_dim3A_386] : memref<512x32xf32, #tpu.memory_space<vmem>>[vector<16xi32>, vector<16xi32>], vector<16xf32>,
      %add3A_392 = arith.addf %gather3A_388, %gather3A_389 : vector<16xf32>
      %add3A_393 = arith.addf %gather3A_390, %gather3A_391 : vector<16xf32>
      %mul3A_394 = arith.mulf %gather3A_387, %add3A_392 : vector<16xf32>
      %add3A_395 = arith.addf %add3A_376, %mul3A_394 : vector<16xf32>
      %mul3A_396 = arith.mulf %gather3A_387, %add3A_393 : vector<16xf32>
      %add3A_397 = arith.addf %add3A_378, %mul3A_396 : vector<16xf32>
      %mul3A_398 = arith.mulf %gather3A_387, %gather3A_387 : vector<16xf32>
      %add3A_399 = arith.addf %add3A_380, %mul3A_398 : vector<16xf32>
      %mul3A_400 = arith.mulf %add3A_392, %add3A_392 : vector<16xf32>
      %add3A_401 = arith.addf %add3A_382, %mul3A_400 : vector<16xf32>
      %mul3A_402 = arith.mulf %add3A_393, %add3A_393 : vector<16xf32>
      %add3A_403 = arith.addf %add3A_384, %mul3A_402 : vector<16xf32>
      %broadcast_in_dim3A_404 = arith.constant 14 : i32
      %broadcast_in_dim3A_405 = vector.broadcast %broadcast_in_dim3A_404 : i32 to vector<16xi32>
      %gather3A_406 = tpu.vector_load_idx %arg21[%add3A_138, %broadcast_in_dim3A_405] : memref<512x32xf32, #tpu.memory_space<vmem>>[vector<16xi32>, vector<16xi32>], vector<16xf32>,
      %gather3A_407 = tpu.vector_load_idx %arg22[%add3A_138, %broadcast_in_dim3A_405] : memref<512x32xf32, #tpu.memory_space<vmem>>[vector<16xi32>, vector<16xi32>], vector<16xf32>,
      %gather3A_408 = tpu.vector_load_idx %arg23[%add3A_138, %broadcast_in_dim3A_405] : memref<512x32xf32, #tpu.memory_space<vmem>>[vector<16xi32>, vector<16xi32>], vector<16xf32>,
      %gather3A_409 = tpu.vector_load_idx %arg24[%add3A_138, %broadcast_in_dim3A_405] : memref<512x32xf32, #tpu.memory_space<vmem>>[vector<16xi32>, vector<16xi32>], vector<16xf32>,
      %gather3A_410 = tpu.vector_load_idx %arg25[%add3A_138, %broadcast_in_dim3A_405] : memref<512x32xf32, #tpu.memory_space<vmem>>[vector<16xi32>, vector<16xi32>], vector<16xf32>,
      %add3A_411 = arith.addf %gather3A_407, %gather3A_408 : vector<16xf32>
      %add3A_412 = arith.addf %gather3A_409, %gather3A_410 : vector<16xf32>
      %mul3A_413 = arith.mulf %gather3A_406, %add3A_411 : vector<16xf32>
      %add3A_414 = arith.addf %add3A_395, %mul3A_413 : vector<16xf32>
      %mul3A_415 = arith.mulf %gather3A_406, %add3A_412 : vector<16xf32>
      %add3A_416 = arith.addf %add3A_397, %mul3A_415 : vector<16xf32>
      %mul3A_417 = arith.mulf %gather3A_406, %gather3A_406 : vector<16xf32>
      %add3A_418 = arith.addf %add3A_399, %mul3A_417 : vector<16xf32>
      %mul3A_419 = arith.mulf %add3A_411, %add3A_411 : vector<16xf32>
      %add3A_420 = arith.addf %add3A_401, %mul3A_419 : vector<16xf32>
      %mul3A_421 = arith.mulf %add3A_412, %add3A_412 : vector<16xf32>
      %add3A_422 = arith.addf %add3A_403, %mul3A_421 : vector<16xf32>
      %broadcast_in_dim3A_423 = arith.constant 15 : i32
      %broadcast_in_dim3A_424 = vector.broadcast %broadcast_in_dim3A_423 : i32 to vector<16xi32>
      %gather3A_425 = tpu.vector_load_idx %arg21[%add3A_138, %broadcast_in_dim3A_424] : memref<512x32xf32, #tpu.memory_space<vmem>>[vector<16xi32>, vector<16xi32>], vector<16xf32>,
      %gather3A_426 = tpu.vector_load_idx %arg22[%add3A_138, %broadcast_in_dim3A_424] : memref<512x32xf32, #tpu.memory_space<vmem>>[vector<16xi32>, vector<16xi32>], vector<16xf32>,
      %gather3A_427 = tpu.vector_load_idx %arg23[%add3A_138, %broadcast_in_dim3A_424] : memref<512x32xf32, #tpu.memory_space<vmem>>[vector<16xi32>, vector<16xi32>], vector<16xf32>,
      %gather3A_428 = tpu.vector_load_idx %arg24[%add3A_138, %broadcast_in_dim3A_424] : memref<512x32xf32, #tpu.memory_space<vmem>>[vector<16xi32>, vector<16xi32>], vector<16xf32>,
      %gather3A_429 = tpu.vector_load_idx %arg25[%add3A_138, %broadcast_in_dim3A_424] : memref<512x32xf32, #tpu.memory_space<vmem>>[vector<16xi32>, vector<16xi32>], vector<16xf32>,
      %add3A_430 = arith.addf %gather3A_426, %gather3A_427 : vector<16xf32>
      %add3A_431 = arith.addf %gather3A_428, %gather3A_429 : vector<16xf32>
      %mul3A_432 = arith.mulf %gather3A_425, %add3A_430 : vector<16xf32>
      %add3A_433 = arith.addf %add3A_414, %mul3A_432 : vector<16xf32>
      %mul3A_434 = arith.mulf %gather3A_425, %add3A_431 : vector<16xf32>
      %add3A_435 = arith.addf %add3A_416, %mul3A_434 : vector<16xf32>
      %mul3A_436 = arith.mulf %gather3A_425, %gather3A_425 : vector<16xf32>
      %add3A_437 = arith.addf %add3A_418, %mul3A_436 : vector<16xf32>
      %mul3A_438 = arith.mulf %add3A_430, %add3A_430 : vector<16xf32>
      %add3A_439 = arith.addf %add3A_420, %mul3A_438 : vector<16xf32>
      %mul3A_440 = arith.mulf %add3A_431, %add3A_431 : vector<16xf32>
      %add3A_441 = arith.addf %add3A_422, %mul3A_440 : vector<16xf32>
      %broadcast_in_dim3A_442 = arith.constant 16 : i32
      %broadcast_in_dim3A_443 = vector.broadcast %broadcast_in_dim3A_442 : i32 to vector<16xi32>
      %gather3A_444 = tpu.vector_load_idx %arg21[%add3A_138, %broadcast_in_dim3A_443] : memref<512x32xf32, #tpu.memory_space<vmem>>[vector<16xi32>, vector<16xi32>], vector<16xf32>,
      %gather3A_445 = tpu.vector_load_idx %arg22[%add3A_138, %broadcast_in_dim3A_443] : memref<512x32xf32, #tpu.memory_space<vmem>>[vector<16xi32>, vector<16xi32>], vector<16xf32>,
      %gather3A_446 = tpu.vector_load_idx %arg23[%add3A_138, %broadcast_in_dim3A_443] : memref<512x32xf32, #tpu.memory_space<vmem>>[vector<16xi32>, vector<16xi32>], vector<16xf32>,
      %gather3A_447 = tpu.vector_load_idx %arg24[%add3A_138, %broadcast_in_dim3A_443] : memref<512x32xf32, #tpu.memory_space<vmem>>[vector<16xi32>, vector<16xi32>], vector<16xf32>,
      %gather3A_448 = tpu.vector_load_idx %arg25[%add3A_138, %broadcast_in_dim3A_443] : memref<512x32xf32, #tpu.memory_space<vmem>>[vector<16xi32>, vector<16xi32>], vector<16xf32>,
      %add3A_449 = arith.addf %gather3A_445, %gather3A_446 : vector<16xf32>
      %add3A_450 = arith.addf %gather3A_447, %gather3A_448 : vector<16xf32>
      %mul3A_451 = arith.mulf %gather3A_444, %add3A_449 : vector<16xf32>
      %add3A_452 = arith.addf %add3A_433, %mul3A_451 : vector<16xf32>
      %mul3A_453 = arith.mulf %gather3A_444, %add3A_450 : vector<16xf32>
      %add3A_454 = arith.addf %add3A_435, %mul3A_453 : vector<16xf32>
      %mul3A_455 = arith.mulf %gather3A_444, %gather3A_444 : vector<16xf32>
      %add3A_456 = arith.addf %add3A_437, %mul3A_455 : vector<16xf32>
      %mul3A_457 = arith.mulf %add3A_449, %add3A_449 : vector<16xf32>
      %add3A_458 = arith.addf %add3A_439, %mul3A_457 : vector<16xf32>
      %mul3A_459 = arith.mulf %add3A_450, %add3A_450 : vector<16xf32>
      %add3A_460 = arith.addf %add3A_441, %mul3A_459 : vector<16xf32>
      %broadcast_in_dim3A_461 = arith.constant 17 : i32
      %broadcast_in_dim3A_462 = vector.broadcast %broadcast_in_dim3A_461 : i32 to vector<16xi32>
      %gather3A_463 = tpu.vector_load_idx %arg21[%add3A_138, %broadcast_in_dim3A_462] : memref<512x32xf32, #tpu.memory_space<vmem>>[vector<16xi32>, vector<16xi32>], vector<16xf32>,
      %gather3A_464 = tpu.vector_load_idx %arg22[%add3A_138, %broadcast_in_dim3A_462] : memref<512x32xf32, #tpu.memory_space<vmem>>[vector<16xi32>, vector<16xi32>], vector<16xf32>,
      %gather3A_465 = tpu.vector_load_idx %arg23[%add3A_138, %broadcast_in_dim3A_462] : memref<512x32xf32, #tpu.memory_space<vmem>>[vector<16xi32>, vector<16xi32>], vector<16xf32>,
      %gather3A_466 = tpu.vector_load_idx %arg24[%add3A_138, %broadcast_in_dim3A_462] : memref<512x32xf32, #tpu.memory_space<vmem>>[vector<16xi32>, vector<16xi32>], vector<16xf32>,
      %gather3A_467 = tpu.vector_load_idx %arg25[%add3A_138, %broadcast_in_dim3A_462] : memref<512x32xf32, #tpu.memory_space<vmem>>[vector<16xi32>, vector<16xi32>], vector<16xf32>,
      %add3A_468 = arith.addf %gather3A_464, %gather3A_465 : vector<16xf32>
      %add3A_469 = arith.addf %gather3A_466, %gather3A_467 : vector<16xf32>
      %mul3A_470 = arith.mulf %gather3A_463, %add3A_468 : vector<16xf32>
      %add3A_471 = arith.addf %add3A_452, %mul3A_470 : vector<16xf32>
      %mul3A_472 = arith.mulf %gather3A_463, %add3A_469 : vector<16xf32>
      %add3A_473 = arith.addf %add3A_454, %mul3A_472 : vector<16xf32>
      %mul3A_474 = arith.mulf %gather3A_463, %gather3A_463 : vector<16xf32>
      %add3A_475 = arith.addf %add3A_456, %mul3A_474 : vector<16xf32>
      %mul3A_476 = arith.mulf %add3A_468, %add3A_468 : vector<16xf32>
      %add3A_477 = arith.addf %add3A_458, %mul3A_476 : vector<16xf32>
      %mul3A_478 = arith.mulf %add3A_469, %add3A_469 : vector<16xf32>
      %add3A_479 = arith.addf %add3A_460, %mul3A_478 : vector<16xf32>
      %broadcast_in_dim3A_480 = arith.constant 18 : i32
      %broadcast_in_dim3A_481 = vector.broadcast %broadcast_in_dim3A_480 : i32 to vector<16xi32>
      %gather3A_482 = tpu.vector_load_idx %arg21[%add3A_138, %broadcast_in_dim3A_481] : memref<512x32xf32, #tpu.memory_space<vmem>>[vector<16xi32>, vector<16xi32>], vector<16xf32>,
      %gather3A_483 = tpu.vector_load_idx %arg22[%add3A_138, %broadcast_in_dim3A_481] : memref<512x32xf32, #tpu.memory_space<vmem>>[vector<16xi32>, vector<16xi32>], vector<16xf32>,
      %gather3A_484 = tpu.vector_load_idx %arg23[%add3A_138, %broadcast_in_dim3A_481] : memref<512x32xf32, #tpu.memory_space<vmem>>[vector<16xi32>, vector<16xi32>], vector<16xf32>,
      %gather3A_485 = tpu.vector_load_idx %arg24[%add3A_138, %broadcast_in_dim3A_481] : memref<512x32xf32, #tpu.memory_space<vmem>>[vector<16xi32>, vector<16xi32>], vector<16xf32>,
      %gather3A_486 = tpu.vector_load_idx %arg25[%add3A_138, %broadcast_in_dim3A_481] : memref<512x32xf32, #tpu.memory_space<vmem>>[vector<16xi32>, vector<16xi32>], vector<16xf32>,
      %add3A_487 = arith.addf %gather3A_483, %gather3A_484 : vector<16xf32>
      %add3A_488 = arith.addf %gather3A_485, %gather3A_486 : vector<16xf32>
      %mul3A_489 = arith.mulf %gather3A_482, %add3A_487 : vector<16xf32>
      %add3A_490 = arith.addf %add3A_471, %mul3A_489 : vector<16xf32>
      %mul3A_491 = arith.mulf %gather3A_482, %add3A_488 : vector<16xf32>
      %add3A_492 = arith.addf %add3A_473, %mul3A_491 : vector<16xf32>
      %mul3A_493 = arith.mulf %gather3A_482, %gather3A_482 : vector<16xf32>
      %add3A_494 = arith.addf %add3A_475, %mul3A_493 : vector<16xf32>
      %mul3A_495 = arith.mulf %add3A_487, %add3A_487 : vector<16xf32>
      %add3A_496 = arith.addf %add3A_477, %mul3A_495 : vector<16xf32>
      %mul3A_497 = arith.mulf %add3A_488, %add3A_488 : vector<16xf32>
      %add3A_498 = arith.addf %add3A_479, %mul3A_497 : vector<16xf32>
      %broadcast_in_dim3A_499 = arith.constant 19 : i32
      %broadcast_in_dim3A_500 = vector.broadcast %broadcast_in_dim3A_499 : i32 to vector<16xi32>
      %gather3A_501 = tpu.vector_load_idx %arg21[%add3A_138, %broadcast_in_dim3A_500] : memref<512x32xf32, #tpu.memory_space<vmem>>[vector<16xi32>, vector<16xi32>], vector<16xf32>,
      %gather3A_502 = tpu.vector_load_idx %arg22[%add3A_138, %broadcast_in_dim3A_500] : memref<512x32xf32, #tpu.memory_space<vmem>>[vector<16xi32>, vector<16xi32>], vector<16xf32>,
      %gather3A_503 = tpu.vector_load_idx %arg23[%add3A_138, %broadcast_in_dim3A_500] : memref<512x32xf32, #tpu.memory_space<vmem>>[vector<16xi32>, vector<16xi32>], vector<16xf32>,
      %gather3A_504 = tpu.vector_load_idx %arg24[%add3A_138, %broadcast_in_dim3A_500] : memref<512x32xf32, #tpu.memory_space<vmem>>[vector<16xi32>, vector<16xi32>], vector<16xf32>,
      %gather3A_505 = tpu.vector_load_idx %arg25[%add3A_138, %broadcast_in_dim3A_500] : memref<512x32xf32, #tpu.memory_space<vmem>>[vector<16xi32>, vector<16xi32>], vector<16xf32>,
      %add3A_506 = arith.addf %gather3A_502, %gather3A_503 : vector<16xf32>
      %add3A_507 = arith.addf %gather3A_504, %gather3A_505 : vector<16xf32>
      %mul3A_508 = arith.mulf %gather3A_501, %add3A_506 : vector<16xf32>
      %add3A_509 = arith.addf %add3A_490, %mul3A_508 : vector<16xf32>
      %mul3A_510 = arith.mulf %gather3A_501, %add3A_507 : vector<16xf32>
      %add3A_511 = arith.addf %add3A_492, %mul3A_510 : vector<16xf32>
      %mul3A_512 = arith.mulf %gather3A_501, %gather3A_501 : vector<16xf32>
      %add3A_513 = arith.addf %add3A_494, %mul3A_512 : vector<16xf32>
      %mul3A_514 = arith.mulf %add3A_506, %add3A_506 : vector<16xf32>
      %add3A_515 = arith.addf %add3A_496, %mul3A_514 : vector<16xf32>
      %mul3A_516 = arith.mulf %add3A_507, %add3A_507 : vector<16xf32>
      %add3A_517 = arith.addf %add3A_498, %mul3A_516 : vector<16xf32>
      %broadcast_in_dim3A_518 = arith.constant 20 : i32
      %broadcast_in_dim3A_519 = vector.broadcast %broadcast_in_dim3A_518 : i32 to vector<16xi32>
      %gather3A_520 = tpu.vector_load_idx %arg21[%add3A_138, %broadcast_in_dim3A_519] : memref<512x32xf32, #tpu.memory_space<vmem>>[vector<16xi32>, vector<16xi32>], vector<16xf32>,
      %gather3A_521 = tpu.vector_load_idx %arg22[%add3A_138, %broadcast_in_dim3A_519] : memref<512x32xf32, #tpu.memory_space<vmem>>[vector<16xi32>, vector<16xi32>], vector<16xf32>,
      %gather3A_522 = tpu.vector_load_idx %arg23[%add3A_138, %broadcast_in_dim3A_519] : memref<512x32xf32, #tpu.memory_space<vmem>>[vector<16xi32>, vector<16xi32>], vector<16xf32>,
      %gather3A_523 = tpu.vector_load_idx %arg24[%add3A_138, %broadcast_in_dim3A_519] : memref<512x32xf32, #tpu.memory_space<vmem>>[vector<16xi32>, vector<16xi32>], vector<16xf32>,
      %gather3A_524 = tpu.vector_load_idx %arg25[%add3A_138, %broadcast_in_dim3A_519] : memref<512x32xf32, #tpu.memory_space<vmem>>[vector<16xi32>, vector<16xi32>], vector<16xf32>,
      %add3A_525 = arith.addf %gather3A_521, %gather3A_522 : vector<16xf32>
      %add3A_526 = arith.addf %gather3A_523, %gather3A_524 : vector<16xf32>
      %mul3A_527 = arith.mulf %gather3A_520, %add3A_525 : vector<16xf32>
      %add3A_528 = arith.addf %add3A_509, %mul3A_527 : vector<16xf32>
      %mul3A_529 = arith.mulf %gather3A_520, %add3A_526 : vector<16xf32>
      %add3A_530 = arith.addf %add3A_511, %mul3A_529 : vector<16xf32>
      %mul3A_531 = arith.mulf %gather3A_520, %gather3A_520 : vector<16xf32>
      %add3A_532 = arith.addf %add3A_513, %mul3A_531 : vector<16xf32>
      %mul3A_533 = arith.mulf %add3A_525, %add3A_525 : vector<16xf32>
      %add3A_534 = arith.addf %add3A_515, %mul3A_533 : vector<16xf32>
      %mul3A_535 = arith.mulf %add3A_526, %add3A_526 : vector<16xf32>
      %add3A_536 = arith.addf %add3A_517, %mul3A_535 : vector<16xf32>
      %broadcast_in_dim3A_537 = arith.constant 21 : i32
      %broadcast_in_dim3A_538 = vector.broadcast %broadcast_in_dim3A_537 : i32 to vector<16xi32>
      %gather3A_539 = tpu.vector_load_idx %arg21[%add3A_138, %broadcast_in_dim3A_538] : memref<512x32xf32, #tpu.memory_space<vmem>>[vector<16xi32>, vector<16xi32>], vector<16xf32>,
      %gather3A_540 = tpu.vector_load_idx %arg22[%add3A_138, %broadcast_in_dim3A_538] : memref<512x32xf32, #tpu.memory_space<vmem>>[vector<16xi32>, vector<16xi32>], vector<16xf32>,
      %gather3A_541 = tpu.vector_load_idx %arg23[%add3A_138, %broadcast_in_dim3A_538] : memref<512x32xf32, #tpu.memory_space<vmem>>[vector<16xi32>, vector<16xi32>], vector<16xf32>,
      %gather3A_542 = tpu.vector_load_idx %arg24[%add3A_138, %broadcast_in_dim3A_538] : memref<512x32xf32, #tpu.memory_space<vmem>>[vector<16xi32>, vector<16xi32>], vector<16xf32>,
      %gather3A_543 = tpu.vector_load_idx %arg25[%add3A_138, %broadcast_in_dim3A_538] : memref<512x32xf32, #tpu.memory_space<vmem>>[vector<16xi32>, vector<16xi32>], vector<16xf32>,
      %add3A_544 = arith.addf %gather3A_540, %gather3A_541 : vector<16xf32>
      %add3A_545 = arith.addf %gather3A_542, %gather3A_543 : vector<16xf32>
      %mul3A_546 = arith.mulf %gather3A_539, %add3A_544 : vector<16xf32>
      %add3A_547 = arith.addf %add3A_528, %mul3A_546 : vector<16xf32>
      %mul3A_548 = arith.mulf %gather3A_539, %add3A_545 : vector<16xf32>
      %add3A_549 = arith.addf %add3A_530, %mul3A_548 : vector<16xf32>
      %mul3A_550 = arith.mulf %gather3A_539, %gather3A_539 : vector<16xf32>
      %add3A_551 = arith.addf %add3A_532, %mul3A_550 : vector<16xf32>
      %mul3A_552 = arith.mulf %add3A_544, %add3A_544 : vector<16xf32>
      %add3A_553 = arith.addf %add3A_534, %mul3A_552 : vector<16xf32>
      %mul3A_554 = arith.mulf %add3A_545, %add3A_545 : vector<16xf32>
      %add3A_555 = arith.addf %add3A_536, %mul3A_554 : vector<16xf32>
      %broadcast_in_dim3A_556 = arith.constant 22 : i32
      %broadcast_in_dim3A_557 = vector.broadcast %broadcast_in_dim3A_556 : i32 to vector<16xi32>
      %gather3A_558 = tpu.vector_load_idx %arg21[%add3A_138, %broadcast_in_dim3A_557] : memref<512x32xf32, #tpu.memory_space<vmem>>[vector<16xi32>, vector<16xi32>], vector<16xf32>,
      %gather3A_559 = tpu.vector_load_idx %arg22[%add3A_138, %broadcast_in_dim3A_557] : memref<512x32xf32, #tpu.memory_space<vmem>>[vector<16xi32>, vector<16xi32>], vector<16xf32>,
      %gather3A_560 = tpu.vector_load_idx %arg23[%add3A_138, %broadcast_in_dim3A_557] : memref<512x32xf32, #tpu.memory_space<vmem>>[vector<16xi32>, vector<16xi32>], vector<16xf32>,
      %gather3A_561 = tpu.vector_load_idx %arg24[%add3A_138, %broadcast_in_dim3A_557] : memref<512x32xf32, #tpu.memory_space<vmem>>[vector<16xi32>, vector<16xi32>], vector<16xf32>,
      %gather3A_562 = tpu.vector_load_idx %arg25[%add3A_138, %broadcast_in_dim3A_557] : memref<512x32xf32, #tpu.memory_space<vmem>>[vector<16xi32>, vector<16xi32>], vector<16xf32>,
      %add3A_563 = arith.addf %gather3A_559, %gather3A_560 : vector<16xf32>
      %add3A_564 = arith.addf %gather3A_561, %gather3A_562 : vector<16xf32>
      %mul3A_565 = arith.mulf %gather3A_558, %add3A_563 : vector<16xf32>
      %add3A_566 = arith.addf %add3A_547, %mul3A_565 : vector<16xf32>
      %mul3A_567 = arith.mulf %gather3A_558, %add3A_564 : vector<16xf32>
      %add3A_568 = arith.addf %add3A_549, %mul3A_567 : vector<16xf32>
      %mul3A_569 = arith.mulf %gather3A_558, %gather3A_558 : vector<16xf32>
      %add3A_570 = arith.addf %add3A_551, %mul3A_569 : vector<16xf32>
      %mul3A_571 = arith.mulf %add3A_563, %add3A_563 : vector<16xf32>
      %add3A_572 = arith.addf %add3A_553, %mul3A_571 : vector<16xf32>
      %mul3A_573 = arith.mulf %add3A_564, %add3A_564 : vector<16xf32>
      %add3A_574 = arith.addf %add3A_555, %mul3A_573 : vector<16xf32>
      %broadcast_in_dim3A_575 = arith.constant 23 : i32
      %broadcast_in_dim3A_576 = vector.broadcast %broadcast_in_dim3A_575 : i32 to vector<16xi32>
      %gather3A_577 = tpu.vector_load_idx %arg21[%add3A_138, %broadcast_in_dim3A_576] : memref<512x32xf32, #tpu.memory_space<vmem>>[vector<16xi32>, vector<16xi32>], vector<16xf32>,
      %gather3A_578 = tpu.vector_load_idx %arg22[%add3A_138, %broadcast_in_dim3A_576] : memref<512x32xf32, #tpu.memory_space<vmem>>[vector<16xi32>, vector<16xi32>], vector<16xf32>,
      %gather3A_579 = tpu.vector_load_idx %arg23[%add3A_138, %broadcast_in_dim3A_576] : memref<512x32xf32, #tpu.memory_space<vmem>>[vector<16xi32>, vector<16xi32>], vector<16xf32>,
      %gather3A_580 = tpu.vector_load_idx %arg24[%add3A_138, %broadcast_in_dim3A_576] : memref<512x32xf32, #tpu.memory_space<vmem>>[vector<16xi32>, vector<16xi32>], vector<16xf32>,
      %gather3A_581 = tpu.vector_load_idx %arg25[%add3A_138, %broadcast_in_dim3A_576] : memref<512x32xf32, #tpu.memory_space<vmem>>[vector<16xi32>, vector<16xi32>], vector<16xf32>,
      %add3A_582 = arith.addf %gather3A_578, %gather3A_579 : vector<16xf32>
      %add3A_583 = arith.addf %gather3A_580, %gather3A_581 : vector<16xf32>
      %mul3A_584 = arith.mulf %gather3A_577, %add3A_582 : vector<16xf32>
      %add3A_585 = arith.addf %add3A_566, %mul3A_584 : vector<16xf32>
      %mul3A_586 = arith.mulf %gather3A_577, %add3A_583 : vector<16xf32>
      %add3A_587 = arith.addf %add3A_568, %mul3A_586 : vector<16xf32>
      %mul3A_588 = arith.mulf %gather3A_577, %gather3A_577 : vector<16xf32>
      %add3A_589 = arith.addf %add3A_570, %mul3A_588 : vector<16xf32>
      %mul3A_590 = arith.mulf %add3A_582, %add3A_582 : vector<16xf32>
      %add3A_591 = arith.addf %add3A_572, %mul3A_590 : vector<16xf32>
      %mul3A_592 = arith.mulf %add3A_583, %add3A_583 : vector<16xf32>
      %add3A_593 = arith.addf %add3A_574, %mul3A_592 : vector<16xf32>
      %broadcast_in_dim3A_594 = arith.constant 24 : i32
      %broadcast_in_dim3A_595 = vector.broadcast %broadcast_in_dim3A_594 : i32 to vector<16xi32>
      %gather3A_596 = tpu.vector_load_idx %arg21[%add3A_138, %broadcast_in_dim3A_595] : memref<512x32xf32, #tpu.memory_space<vmem>>[vector<16xi32>, vector<16xi32>], vector<16xf32>,
      %gather3A_597 = tpu.vector_load_idx %arg22[%add3A_138, %broadcast_in_dim3A_595] : memref<512x32xf32, #tpu.memory_space<vmem>>[vector<16xi32>, vector<16xi32>], vector<16xf32>,
      %gather3A_598 = tpu.vector_load_idx %arg23[%add3A_138, %broadcast_in_dim3A_595] : memref<512x32xf32, #tpu.memory_space<vmem>>[vector<16xi32>, vector<16xi32>], vector<16xf32>,
      %gather3A_599 = tpu.vector_load_idx %arg24[%add3A_138, %broadcast_in_dim3A_595] : memref<512x32xf32, #tpu.memory_space<vmem>>[vector<16xi32>, vector<16xi32>], vector<16xf32>,
      %gather3A_600 = tpu.vector_load_idx %arg25[%add3A_138, %broadcast_in_dim3A_595] : memref<512x32xf32, #tpu.memory_space<vmem>>[vector<16xi32>, vector<16xi32>], vector<16xf32>,
      %add3A_601 = arith.addf %gather3A_597, %gather3A_598 : vector<16xf32>
      %add3A_602 = arith.addf %gather3A_599, %gather3A_600 : vector<16xf32>
      %mul3A_603 = arith.mulf %gather3A_596, %add3A_601 : vector<16xf32>
      %add3A_604 = arith.addf %add3A_585, %mul3A_603 : vector<16xf32>
      %mul3A_605 = arith.mulf %gather3A_596, %add3A_602 : vector<16xf32>
      %add3A_606 = arith.addf %add3A_587, %mul3A_605 : vector<16xf32>
      %mul3A_607 = arith.mulf %gather3A_596, %gather3A_596 : vector<16xf32>
      %add3A_608 = arith.addf %add3A_589, %mul3A_607 : vector<16xf32>
      %mul3A_609 = arith.mulf %add3A_601, %add3A_601 : vector<16xf32>
      %add3A_610 = arith.addf %add3A_591, %mul3A_609 : vector<16xf32>
      %mul3A_611 = arith.mulf %add3A_602, %add3A_602 : vector<16xf32>
      %add3A_612 = arith.addf %add3A_593, %mul3A_611 : vector<16xf32>
      %broadcast_in_dim3A_613 = arith.constant 25 : i32
      %broadcast_in_dim3A_614 = vector.broadcast %broadcast_in_dim3A_613 : i32 to vector<16xi32>
      %gather3A_615 = tpu.vector_load_idx %arg21[%add3A_138, %broadcast_in_dim3A_614] : memref<512x32xf32, #tpu.memory_space<vmem>>[vector<16xi32>, vector<16xi32>], vector<16xf32>,
      %gather3A_616 = tpu.vector_load_idx %arg22[%add3A_138, %broadcast_in_dim3A_614] : memref<512x32xf32, #tpu.memory_space<vmem>>[vector<16xi32>, vector<16xi32>], vector<16xf32>,
      %gather3A_617 = tpu.vector_load_idx %arg23[%add3A_138, %broadcast_in_dim3A_614] : memref<512x32xf32, #tpu.memory_space<vmem>>[vector<16xi32>, vector<16xi32>], vector<16xf32>,
      %gather3A_618 = tpu.vector_load_idx %arg24[%add3A_138, %broadcast_in_dim3A_614] : memref<512x32xf32, #tpu.memory_space<vmem>>[vector<16xi32>, vector<16xi32>], vector<16xf32>,
      %gather3A_619 = tpu.vector_load_idx %arg25[%add3A_138, %broadcast_in_dim3A_614] : memref<512x32xf32, #tpu.memory_space<vmem>>[vector<16xi32>, vector<16xi32>], vector<16xf32>,
      %add3A_620 = arith.addf %gather3A_616, %gather3A_617 : vector<16xf32>
      %add3A_621 = arith.addf %gather3A_618, %gather3A_619 : vector<16xf32>
      %mul3A_622 = arith.mulf %gather3A_615, %add3A_620 : vector<16xf32>
      %add3A_623 = arith.addf %add3A_604, %mul3A_622 : vector<16xf32>
      %mul3A_624 = arith.mulf %gather3A_615, %add3A_621 : vector<16xf32>
      %add3A_625 = arith.addf %add3A_606, %mul3A_624 : vector<16xf32>
      %mul3A_626 = arith.mulf %gather3A_615, %gather3A_615 : vector<16xf32>
      %add3A_627 = arith.addf %add3A_608, %mul3A_626 : vector<16xf32>
      %mul3A_628 = arith.mulf %add3A_620, %add3A_620 : vector<16xf32>
      %add3A_629 = arith.addf %add3A_610, %mul3A_628 : vector<16xf32>
      %mul3A_630 = arith.mulf %add3A_621, %add3A_621 : vector<16xf32>
      %add3A_631 = arith.addf %add3A_612, %mul3A_630 : vector<16xf32>
      %broadcast_in_dim3A_632 = arith.constant 26 : i32
      %broadcast_in_dim3A_633 = vector.broadcast %broadcast_in_dim3A_632 : i32 to vector<16xi32>
      %gather3A_634 = tpu.vector_load_idx %arg21[%add3A_138, %broadcast_in_dim3A_633] : memref<512x32xf32, #tpu.memory_space<vmem>>[vector<16xi32>, vector<16xi32>], vector<16xf32>,
      %gather3A_635 = tpu.vector_load_idx %arg22[%add3A_138, %broadcast_in_dim3A_633] : memref<512x32xf32, #tpu.memory_space<vmem>>[vector<16xi32>, vector<16xi32>], vector<16xf32>,
      %gather3A_636 = tpu.vector_load_idx %arg23[%add3A_138, %broadcast_in_dim3A_633] : memref<512x32xf32, #tpu.memory_space<vmem>>[vector<16xi32>, vector<16xi32>], vector<16xf32>,
      %gather3A_637 = tpu.vector_load_idx %arg24[%add3A_138, %broadcast_in_dim3A_633] : memref<512x32xf32, #tpu.memory_space<vmem>>[vector<16xi32>, vector<16xi32>], vector<16xf32>,
      %gather3A_638 = tpu.vector_load_idx %arg25[%add3A_138, %broadcast_in_dim3A_633] : memref<512x32xf32, #tpu.memory_space<vmem>>[vector<16xi32>, vector<16xi32>], vector<16xf32>,
      %add3A_639 = arith.addf %gather3A_635, %gather3A_636 : vector<16xf32>
      %add3A_640 = arith.addf %gather3A_637, %gather3A_638 : vector<16xf32>
      %mul3A_641 = arith.mulf %gather3A_634, %add3A_639 : vector<16xf32>
      %add3A_642 = arith.addf %add3A_623, %mul3A_641 : vector<16xf32>
      %mul3A_643 = arith.mulf %gather3A_634, %add3A_640 : vector<16xf32>
      %add3A_644 = arith.addf %add3A_625, %mul3A_643 : vector<16xf32>
      %mul3A_645 = arith.mulf %gather3A_634, %gather3A_634 : vector<16xf32>
      %add3A_646 = arith.addf %add3A_627, %mul3A_645 : vector<16xf32>
      %mul3A_647 = arith.mulf %add3A_639, %add3A_639 : vector<16xf32>
      %add3A_648 = arith.addf %add3A_629, %mul3A_647 : vector<16xf32>
      %mul3A_649 = arith.mulf %add3A_640, %add3A_640 : vector<16xf32>
      %add3A_650 = arith.addf %add3A_631, %mul3A_649 : vector<16xf32>
      %broadcast_in_dim3A_651 = arith.constant 27 : i32
      %broadcast_in_dim3A_652 = vector.broadcast %broadcast_in_dim3A_651 : i32 to vector<16xi32>
      %gather3A_653 = tpu.vector_load_idx %arg21[%add3A_138, %broadcast_in_dim3A_652] : memref<512x32xf32, #tpu.memory_space<vmem>>[vector<16xi32>, vector<16xi32>], vector<16xf32>,
      %gather3A_654 = tpu.vector_load_idx %arg22[%add3A_138, %broadcast_in_dim3A_652] : memref<512x32xf32, #tpu.memory_space<vmem>>[vector<16xi32>, vector<16xi32>], vector<16xf32>,
      %gather3A_655 = tpu.vector_load_idx %arg23[%add3A_138, %broadcast_in_dim3A_652] : memref<512x32xf32, #tpu.memory_space<vmem>>[vector<16xi32>, vector<16xi32>], vector<16xf32>,
      %gather3A_656 = tpu.vector_load_idx %arg24[%add3A_138, %broadcast_in_dim3A_652] : memref<512x32xf32, #tpu.memory_space<vmem>>[vector<16xi32>, vector<16xi32>], vector<16xf32>,
      %gather3A_657 = tpu.vector_load_idx %arg25[%add3A_138, %broadcast_in_dim3A_652] : memref<512x32xf32, #tpu.memory_space<vmem>>[vector<16xi32>, vector<16xi32>], vector<16xf32>,
      %add3A_658 = arith.addf %gather3A_654, %gather3A_655 : vector<16xf32>
      %add3A_659 = arith.addf %gather3A_656, %gather3A_657 : vector<16xf32>
      %mul3A_660 = arith.mulf %gather3A_653, %add3A_658 : vector<16xf32>
      %add3A_661 = arith.addf %add3A_642, %mul3A_660 : vector<16xf32>
      %mul3A_662 = arith.mulf %gather3A_653, %add3A_659 : vector<16xf32>
      %add3A_663 = arith.addf %add3A_644, %mul3A_662 : vector<16xf32>
      %mul3A_664 = arith.mulf %gather3A_653, %gather3A_653 : vector<16xf32>
      %add3A_665 = arith.addf %add3A_646, %mul3A_664 : vector<16xf32>
      %mul3A_666 = arith.mulf %add3A_658, %add3A_658 : vector<16xf32>
      %add3A_667 = arith.addf %add3A_648, %mul3A_666 : vector<16xf32>
      %mul3A_668 = arith.mulf %add3A_659, %add3A_659 : vector<16xf32>
      %add3A_669 = arith.addf %add3A_650, %mul3A_668 : vector<16xf32>
      %broadcast_in_dim3A_670 = arith.constant 28 : i32
      %broadcast_in_dim3A_671 = vector.broadcast %broadcast_in_dim3A_670 : i32 to vector<16xi32>
      %gather3A_672 = tpu.vector_load_idx %arg21[%add3A_138, %broadcast_in_dim3A_671] : memref<512x32xf32, #tpu.memory_space<vmem>>[vector<16xi32>, vector<16xi32>], vector<16xf32>,
      %gather3A_673 = tpu.vector_load_idx %arg22[%add3A_138, %broadcast_in_dim3A_671] : memref<512x32xf32, #tpu.memory_space<vmem>>[vector<16xi32>, vector<16xi32>], vector<16xf32>,
      %gather3A_674 = tpu.vector_load_idx %arg23[%add3A_138, %broadcast_in_dim3A_671] : memref<512x32xf32, #tpu.memory_space<vmem>>[vector<16xi32>, vector<16xi32>], vector<16xf32>,
      %gather3A_675 = tpu.vector_load_idx %arg24[%add3A_138, %broadcast_in_dim3A_671] : memref<512x32xf32, #tpu.memory_space<vmem>>[vector<16xi32>, vector<16xi32>], vector<16xf32>,
      %gather3A_676 = tpu.vector_load_idx %arg25[%add3A_138, %broadcast_in_dim3A_671] : memref<512x32xf32, #tpu.memory_space<vmem>>[vector<16xi32>, vector<16xi32>], vector<16xf32>,
      %add3A_677 = arith.addf %gather3A_673, %gather3A_674 : vector<16xf32>
      %add3A_678 = arith.addf %gather3A_675, %gather3A_676 : vector<16xf32>
      %mul3A_679 = arith.mulf %gather3A_672, %add3A_677 : vector<16xf32>
      %add3A_680 = arith.addf %add3A_661, %mul3A_679 : vector<16xf32>
      %mul3A_681 = arith.mulf %gather3A_672, %add3A_678 : vector<16xf32>
      %add3A_682 = arith.addf %add3A_663, %mul3A_681 : vector<16xf32>
      %mul3A_683 = arith.mulf %gather3A_672, %gather3A_672 : vector<16xf32>
      %add3A_684 = arith.addf %add3A_665, %mul3A_683 : vector<16xf32>
      %mul3A_685 = arith.mulf %add3A_677, %add3A_677 : vector<16xf32>
      %add3A_686 = arith.addf %add3A_667, %mul3A_685 : vector<16xf32>
      %mul3A_687 = arith.mulf %add3A_678, %add3A_678 : vector<16xf32>
      %add3A_688 = arith.addf %add3A_669, %mul3A_687 : vector<16xf32>
      %broadcast_in_dim3A_689 = arith.constant 29 : i32
      %broadcast_in_dim3A_690 = vector.broadcast %broadcast_in_dim3A_689 : i32 to vector<16xi32>
      %gather3A_691 = tpu.vector_load_idx %arg21[%add3A_138, %broadcast_in_dim3A_690] : memref<512x32xf32, #tpu.memory_space<vmem>>[vector<16xi32>, vector<16xi32>], vector<16xf32>,
      %gather3A_692 = tpu.vector_load_idx %arg22[%add3A_138, %broadcast_in_dim3A_690] : memref<512x32xf32, #tpu.memory_space<vmem>>[vector<16xi32>, vector<16xi32>], vector<16xf32>,
      %gather3A_693 = tpu.vector_load_idx %arg23[%add3A_138, %broadcast_in_dim3A_690] : memref<512x32xf32, #tpu.memory_space<vmem>>[vector<16xi32>, vector<16xi32>], vector<16xf32>,
      %gather3A_694 = tpu.vector_load_idx %arg24[%add3A_138, %broadcast_in_dim3A_690] : memref<512x32xf32, #tpu.memory_space<vmem>>[vector<16xi32>, vector<16xi32>], vector<16xf32>,
      %gather3A_695 = tpu.vector_load_idx %arg25[%add3A_138, %broadcast_in_dim3A_690] : memref<512x32xf32, #tpu.memory_space<vmem>>[vector<16xi32>, vector<16xi32>], vector<16xf32>,
      %add3A_696 = arith.addf %gather3A_692, %gather3A_693 : vector<16xf32>
      %add3A_697 = arith.addf %gather3A_694, %gather3A_695 : vector<16xf32>
      %mul3A_698 = arith.mulf %gather3A_691, %add3A_696 : vector<16xf32>
      %add3A_699 = arith.addf %add3A_680, %mul3A_698 : vector<16xf32>
      %mul3A_700 = arith.mulf %gather3A_691, %add3A_697 : vector<16xf32>
      %add3A_701 = arith.addf %add3A_682, %mul3A_700 : vector<16xf32>
      %mul3A_702 = arith.mulf %gather3A_691, %gather3A_691 : vector<16xf32>
      %add3A_703 = arith.addf %add3A_684, %mul3A_702 : vector<16xf32>
      %mul3A_704 = arith.mulf %add3A_696, %add3A_696 : vector<16xf32>
      %add3A_705 = arith.addf %add3A_686, %mul3A_704 : vector<16xf32>
      %mul3A_706 = arith.mulf %add3A_697, %add3A_697 : vector<16xf32>
      %add3A_707 = arith.addf %add3A_688, %mul3A_706 : vector<16xf32>
      %broadcast_in_dim3A_708 = arith.constant 30 : i32
      %broadcast_in_dim3A_709 = vector.broadcast %broadcast_in_dim3A_708 : i32 to vector<16xi32>
      %gather3A_710 = tpu.vector_load_idx %arg21[%add3A_138, %broadcast_in_dim3A_709] : memref<512x32xf32, #tpu.memory_space<vmem>>[vector<16xi32>, vector<16xi32>], vector<16xf32>,
      %gather3A_711 = tpu.vector_load_idx %arg22[%add3A_138, %broadcast_in_dim3A_709] : memref<512x32xf32, #tpu.memory_space<vmem>>[vector<16xi32>, vector<16xi32>], vector<16xf32>,
      %gather3A_712 = tpu.vector_load_idx %arg23[%add3A_138, %broadcast_in_dim3A_709] : memref<512x32xf32, #tpu.memory_space<vmem>>[vector<16xi32>, vector<16xi32>], vector<16xf32>,
      %gather3A_713 = tpu.vector_load_idx %arg24[%add3A_138, %broadcast_in_dim3A_709] : memref<512x32xf32, #tpu.memory_space<vmem>>[vector<16xi32>, vector<16xi32>], vector<16xf32>,
      %gather3A_714 = tpu.vector_load_idx %arg25[%add3A_138, %broadcast_in_dim3A_709] : memref<512x32xf32, #tpu.memory_space<vmem>>[vector<16xi32>, vector<16xi32>], vector<16xf32>,
      %add3A_715 = arith.addf %gather3A_711, %gather3A_712 : vector<16xf32>
      %add3A_716 = arith.addf %gather3A_713, %gather3A_714 : vector<16xf32>
      %mul3A_717 = arith.mulf %gather3A_710, %add3A_715 : vector<16xf32>
      %add3A_718 = arith.addf %add3A_699, %mul3A_717 : vector<16xf32>
      %mul3A_719 = arith.mulf %gather3A_710, %add3A_716 : vector<16xf32>
      %add3A_720 = arith.addf %add3A_701, %mul3A_719 : vector<16xf32>
      %mul3A_721 = arith.mulf %gather3A_710, %gather3A_710 : vector<16xf32>
      %add3A_722 = arith.addf %add3A_703, %mul3A_721 : vector<16xf32>
      %mul3A_723 = arith.mulf %add3A_715, %add3A_715 : vector<16xf32>
      %add3A_724 = arith.addf %add3A_705, %mul3A_723 : vector<16xf32>
      %mul3A_725 = arith.mulf %add3A_716, %add3A_716 : vector<16xf32>
      %add3A_726 = arith.addf %add3A_707, %mul3A_725 : vector<16xf32>
      %broadcast_in_dim3A_727 = arith.constant 31 : i32
      %broadcast_in_dim3A_728 = vector.broadcast %broadcast_in_dim3A_727 : i32 to vector<16xi32>
      %gather3A_729 = tpu.vector_load_idx %arg21[%add3A_138, %broadcast_in_dim3A_728] : memref<512x32xf32, #tpu.memory_space<vmem>>[vector<16xi32>, vector<16xi32>], vector<16xf32>,
      %gather3A_730 = tpu.vector_load_idx %arg22[%add3A_138, %broadcast_in_dim3A_728] : memref<512x32xf32, #tpu.memory_space<vmem>>[vector<16xi32>, vector<16xi32>], vector<16xf32>,
      %gather3A_731 = tpu.vector_load_idx %arg23[%add3A_138, %broadcast_in_dim3A_728] : memref<512x32xf32, #tpu.memory_space<vmem>>[vector<16xi32>, vector<16xi32>], vector<16xf32>,
      %gather3A_732 = tpu.vector_load_idx %arg24[%add3A_138, %broadcast_in_dim3A_728] : memref<512x32xf32, #tpu.memory_space<vmem>>[vector<16xi32>, vector<16xi32>], vector<16xf32>,
      %gather3A_733 = tpu.vector_load_idx %arg25[%add3A_138, %broadcast_in_dim3A_728] : memref<512x32xf32, #tpu.memory_space<vmem>>[vector<16xi32>, vector<16xi32>], vector<16xf32>,
      %add3A_734 = arith.addf %gather3A_730, %gather3A_731 : vector<16xf32>
      %add3A_735 = arith.addf %gather3A_732, %gather3A_733 : vector<16xf32>
      %mul3A_736 = arith.mulf %gather3A_729, %add3A_734 : vector<16xf32>
      %add3A_737 = arith.addf %add3A_718, %mul3A_736 : vector<16xf32>
      %mul3A_738 = arith.mulf %gather3A_729, %add3A_735 : vector<16xf32>
      %add3A_739 = arith.addf %add3A_720, %mul3A_738 : vector<16xf32>
      %mul3A_740 = arith.mulf %gather3A_729, %gather3A_729 : vector<16xf32>
      %add3A_741 = arith.addf %add3A_722, %mul3A_740 : vector<16xf32>
      %mul3A_742 = arith.mulf %add3A_734, %add3A_734 : vector<16xf32>
      %add3A_743 = arith.addf %add3A_724, %mul3A_742 : vector<16xf32>
      %mul3A_744 = arith.mulf %add3A_735, %add3A_735 : vector<16xf32>
      %add3A_745 = arith.addf %add3A_726, %mul3A_744 : vector<16xf32>
      %sub3A = arith.subf %add3A_737, %add3A_739 : vector<16xf32>
      %neg3A = arith.constant 0.000000e+00 : f32
      %neg3A_746 = vector.broadcast %neg3A : f32 to vector<16xf32>
      %neg3A_747 = arith.subf %neg3A_746, %sub3A : vector<16xf32>
      %exp3A = math.exp %neg3A_747 : vector<16xf32>
      %add3A_748 = arith.constant 1.000000e+00 : f32
      %add3A_749 = vector.broadcast %add3A_748 : f32 to vector<16xf32>
      %add3A_750 = arith.addf %add3A_749, %exp3A : vector<16xf32>
      %div3A = arith.constant 1.000000e+00 : f32
      %div3A_751 = vector.broadcast %div3A : f32 to vector<16xf32>
      %div3A_752 = arith.divf %div3A_751, %add3A_750 : vector<16xf32>
      %add3A_753 = arith.constant 1.000000e-10 : f32
      %add3A_754 = vector.broadcast %add3A_753 : f32 to vector<16xf32>
      %add3A_755 = arith.addf %div3A_752, %add3A_754 : vector<16xf32>
      %bitcast_convert_type3A = tpu.bitcast %add3A_755 : vector<16xf32> -> vector<16xi32>
      %convert_element_type3A = arith.sitofp %bitcast_convert_type3A : vector<16xi32> to vector<16xf32>
      %mul3A_756 = arith.constant 8.26295832E-8 : f32
      %mul3A_757 = vector.broadcast %mul3A_756 : f32 to vector<16xf32>
      %mul3A_758 = arith.mulf %convert_element_type3A, %mul3A_757 : vector<16xf32>
      %sub3A_759 = arith.constant 88.059494 : f32
      %sub3A_760 = vector.broadcast %sub3A_759 : f32 to vector<16xf32>
      %sub3A_761 = arith.subf %mul3A_758, %sub3A_760 : vector<16xf32>
      %neg3A_762 = arith.constant 0.000000e+00 : f32
      %neg3A_763 = vector.broadcast %neg3A_762 : f32 to vector<16xf32>
      %neg3A_764 = arith.subf %neg3A_763, %sub3A_761 : vector<16xf32>
      %exp3A_765 = math.exp %neg3A_764 : vector<16xf32>
      %mul3A_766 = arith.mulf %add3A_755, %exp3A_765 : vector<16xf32>
      %add3A_767 = arith.addf %sub3A_761, %mul3A_766 : vector<16xf32>
      %sub3A_768 = arith.constant 1.000000e+00 : f32
      %sub3A_769 = vector.broadcast %sub3A_768 : f32 to vector<16xf32>
      %sub3A_770 = arith.subf %add3A_767, %sub3A_769 : vector<16xf32>
      %neg3A_771 = arith.constant 0.000000e+00 : f32
      %neg3A_772 = vector.broadcast %neg3A_771 : f32 to vector<16xf32>
      %neg3A_773 = arith.subf %neg3A_772, %sub3A_770 : vector<16xf32>
      %exp3A_774 = math.exp %neg3A_773 : vector<16xf32>
      %mul3A_775 = arith.mulf %add3A_755, %exp3A_774 : vector<16xf32>
      %add3A_776 = arith.addf %sub3A_770, %mul3A_775 : vector<16xf32>
      %sub3A_777 = arith.constant 1.000000e+00 : f32
      %sub3A_778 = vector.broadcast %sub3A_777 : f32 to vector<16xf32>
      %sub3A_779 = arith.subf %add3A_776, %sub3A_778 : vector<16xf32>
      %neg3A_780 = arith.constant 0.000000e+00 : f32
      %neg3A_781 = vector.broadcast %neg3A_780 : f32 to vector<16xf32>
      %neg3A_782 = arith.subf %neg3A_781, %sub3A_779 : vector<16xf32>
      %exp3A_783 = math.exp %neg3A_782 : vector<16xf32>
      %mul3A_784 = arith.mulf %add3A_755, %exp3A_783 : vector<16xf32>
      %add3A_785 = arith.addf %sub3A_779, %mul3A_784 : vector<16xf32>
      %sub3A_786 = arith.constant 1.000000e+00 : f32
      %sub3A_787 = vector.broadcast %sub3A_786 : f32 to vector<16xf32>
      %sub3A_788 = arith.subf %add3A_785, %sub3A_787 : vector<16xf32>
      %sub3A_789 = arith.subf %scan3A_131, %sub3A_788 : vector<16xf32>
      %add3A_790 = arith.addf %scan3A_132, %add3A_741 : vector<16xf32>
      %add3A_791 = arith.addf %scan3A_133, %add3A_743 : vector<16xf32>
      %add3A_792 = arith.addf %scan3A_134, %add3A_745 : vector<16xf32>
      scf.yield %sub3A_789, %add3A_790, %add3A_791, %add3A_792 : vector<16xf32>, vector<16xf32>, vector<16xf32>, vector<16xf32>
    }
    %scan3A_66 = arith.constant 32 : i32
    %swap3A = arith.constant 0 : i32
    %swap3A_67 = arith.index_cast %swap3A : i32 to index
    %swap3A_68 = arith.constant 0 : index
    %swap3A_69 = tpu.vector_load %arg26[%swap3A_67, %swap3A_68] {strides = array<i32>} : memref<16x16xf32, #tpu.memory_space<vmem>>, vector<16xf32>,
    tpu.vector_store %arg26[%swap3A_67, %swap3A_68], %scan3A_29#0 {strides = array<i32>} : memref<16x16xf32, #tpu.memory_space<vmem>>, vector<16xf32>,
    %swap3A_70 = arith.constant 1 : i32
    %swap3A_71 = arith.index_cast %swap3A_70 : i32 to index
    %swap3A_72 = arith.constant 0 : index
    %swap3A_73 = tpu.vector_load %arg26[%swap3A_71, %swap3A_72] {strides = array<i32>} : memref<16x16xf32, #tpu.memory_space<vmem>>, vector<16xf32>,
    tpu.vector_store %arg26[%swap3A_71, %swap3A_72], %scan3A_29#1 {strides = array<i32>} : memref<16x16xf32, #tpu.memory_space<vmem>>, vector<16xf32>,
    %swap3A_74 = arith.constant 2 : i32
    %swap3A_75 = arith.index_cast %swap3A_74 : i32 to index
    %swap3A_76 = arith.constant 0 : index
    %swap3A_77 = tpu.vector_load %arg26[%swap3A_75, %swap3A_76] {strides = array<i32>} : memref<16x16xf32, #tpu.memory_space<vmem>>, vector<16xf32>,
    tpu.vector_store %arg26[%swap3A_75, %swap3A_76], %scan3A_29#2 {strides = array<i32>} : memref<16x16xf32, #tpu.memory_space<vmem>>, vector<16xf32>,
    %swap3A_78 = arith.constant 3 : i32
    %swap3A_79 = arith.index_cast %swap3A_78 : i32 to index
    %swap3A_80 = arith.constant 0 : index
    %swap3A_81 = tpu.vector_load %arg26[%swap3A_79, %swap3A_80] {strides = array<i32>} : memref<16x16xf32, #tpu.memory_space<vmem>>, vector<16xf32>,
    tpu.vector_store %arg26[%swap3A_79, %swap3A_80], %scan3A_29#3 {strides = array<i32>} : memref<16x16xf32, #tpu.memory_space<vmem>>, vector<16xf32>,
    %swap3A_82 = arith.constant 4 : i32
    %swap3A_83 = arith.index_cast %swap3A_82 : i32 to index
    %swap3A_84 = arith.constant 0 : index
    %swap3A_85 = tpu.vector_load %arg26[%swap3A_83, %swap3A_84] {strides = array<i32>} : memref<16x16xf32, #tpu.memory_space<vmem>>, vector<16xf32>,
    tpu.vector_store %arg26[%swap3A_83, %swap3A_84], %scan3A_29#4 {strides = array<i32>} : memref<16x16xf32, #tpu.memory_space<vmem>>, vector<16xf32>,
    %swap3A_86 = arith.constant 5 : i32
    %swap3A_87 = arith.index_cast %swap3A_86 : i32 to index
    %swap3A_88 = arith.constant 0 : index
    %swap3A_89 = tpu.vector_load %arg26[%swap3A_87, %swap3A_88] {strides = array<i32>} : memref<16x16xf32, #tpu.memory_space<vmem>>, vector<16xf32>,
    tpu.vector_store %arg26[%swap3A_87, %swap3A_88], %scan3A_29#5 {strides = array<i32>} : memref<16x16xf32, #tpu.memory_space<vmem>>, vector<16xf32>,
    %swap3A_90 = arith.constant 6 : i32
    %swap3A_91 = arith.index_cast %swap3A_90 : i32 to index
    %swap3A_92 = arith.constant 0 : index
    %swap3A_93 = tpu.vector_load %arg26[%swap3A_91, %swap3A_92] {strides = array<i32>} : memref<16x16xf32, #tpu.memory_space<vmem>>, vector<16xf32>,
    tpu.vector_store %arg26[%swap3A_91, %swap3A_92], %scan3A_29#6 {strides = array<i32>} : memref<16x16xf32, #tpu.memory_space<vmem>>, vector<16xf32>,
    %swap3A_94 = arith.constant 7 : i32
    %swap3A_95 = arith.index_cast %swap3A_94 : i32 to index
    %swap3A_96 = arith.constant 0 : index
    %swap3A_97 = tpu.vector_load %arg26[%swap3A_95, %swap3A_96] {strides = array<i32>} : memref<16x16xf32, #tpu.memory_space<vmem>>, vector<16xf32>,
    tpu.vector_store %arg26[%swap3A_95, %swap3A_96], %scan3A_29#7 {strides = array<i32>} : memref<16x16xf32, #tpu.memory_space<vmem>>, vector<16xf32>,
    %swap3A_98 = arith.constant 8 : i32
    %swap3A_99 = arith.index_cast %swap3A_98 : i32 to index
    %swap3A_100 = arith.constant 0 : index
    %swap3A_101 = tpu.vector_load %arg26[%swap3A_99, %swap3A_100] {strides = array<i32>} : memref<16x16xf32, #tpu.memory_space<vmem>>, vector<16xf32>,
    tpu.vector_store %arg26[%swap3A_99, %swap3A_100], %scan3A_29#8 {strides = array<i32>} : memref<16x16xf32, #tpu.memory_space<vmem>>, vector<16xf32>,
    %swap3A_102 = arith.constant 9 : i32
    %swap3A_103 = arith.index_cast %swap3A_102 : i32 to index
    %swap3A_104 = arith.constant 0 : index
    %swap3A_105 = tpu.vector_load %arg26[%swap3A_103, %swap3A_104] {strides = array<i32>} : memref<16x16xf32, #tpu.memory_space<vmem>>, vector<16xf32>,
    tpu.vector_store %arg26[%swap3A_103, %swap3A_104], %scan3A_65#0 {strides = array<i32>} : memref<16x16xf32, #tpu.memory_space<vmem>>, vector<16xf32>,
    %swap3A_106 = arith.constant 10 : i32
    %swap3A_107 = arith.index_cast %swap3A_106 : i32 to index
    %swap3A_108 = arith.constant 0 : index
    %swap3A_109 = tpu.vector_load %arg26[%swap3A_107, %swap3A_108] {strides = array<i32>} : memref<16x16xf32, #tpu.memory_space<vmem>>, vector<16xf32>,
    tpu.vector_store %arg26[%swap3A_107, %swap3A_108], %scan3A_65#1 {strides = array<i32>} : memref<16x16xf32, #tpu.memory_space<vmem>>, vector<16xf32>,
    %swap3A_110 = arith.constant 11 : i32
    %swap3A_111 = arith.index_cast %swap3A_110 : i32 to index
    %swap3A_112 = arith.constant 0 : index
    %swap3A_113 = tpu.vector_load %arg26[%swap3A_111, %swap3A_112] {strides = array<i32>} : memref<16x16xf32, #tpu.memory_space<vmem>>, vector<16xf32>,
    tpu.vector_store %arg26[%swap3A_111, %swap3A_112], %scan3A_65#2 {strides = array<i32>} : memref<16x16xf32, #tpu.memory_space<vmem>>, vector<16xf32>,
    %swap3A_114 = arith.constant 12 : i32
    %swap3A_115 = arith.index_cast %swap3A_114 : i32 to index
    %swap3A_116 = arith.constant 0 : index
    %swap3A_117 = tpu.vector_load %arg26[%swap3A_115, %swap3A_116] {strides = array<i32>} : memref<16x16xf32, #tpu.memory_space<vmem>>, vector<16xf32>,
    tpu.vector_store %arg26[%swap3A_115, %swap3A_116], %scan3A_65#3 {strides = array<i32>} : memref<16x16xf32, #tpu.memory_space<vmem>>, vector<16xf32>,
    %swap3A_118 = arith.constant 13 : i32
    %swap3A_119 = arith.index_cast %swap3A_118 : i32 to index
    %swap3A_120 = arith.constant 0 : index
    %swap3A_121 = tpu.vector_load %arg26[%swap3A_119, %swap3A_120] {strides = array<i32>} : memref<16x16xf32, #tpu.memory_space<vmem>>, vector<16xf32>,
    tpu.vector_store %arg26[%swap3A_119, %swap3A_120], %broadcast_in_dim3A_25 {strides = array<i32>} : memref<16x16xf32, #tpu.memory_space<vmem>>, vector<16xf32>,
    %swap3A_122 = arith.constant 14 : i32
    %swap3A_123 = arith.index_cast %swap3A_122 : i32 to index
    %swap3A_124 = arith.constant 0 : index
    %swap3A_125 = tpu.vector_load %arg26[%swap3A_123, %swap3A_124] {strides = array<i32>} : memref<16x16xf32, #tpu.memory_space<vmem>>, vector<16xf32>,
    tpu.vector_store %arg26[%swap3A_123, %swap3A_124], %broadcast_in_dim3A_25 {strides = array<i32>} : memref<16x16xf32, #tpu.memory_space<vmem>>, vector<16xf32>,
    %swap3A_126 = arith.constant 15 : i32
    %swap3A_127 = arith.index_cast %swap3A_126 : i32 to index
    %swap3A_128 = arith.constant 0 : index
    %swap3A_129 = tpu.vector_load %arg26[%swap3A_127, %swap3A_128] {strides = array<i32>} : memref<16x16xf32, #tpu.memory_space<vmem>>, vector<16xf32>,
    tpu.vector_store %arg26[%swap3A_127, %swap3A_128], %broadcast_in_dim3A_25 {strides = array<i32>} : memref<16x16xf32, #tpu.memory_space<vmem>>, vector<16xf32>,
    "tpu.region"() ({
      %run_scoped3A = tpu.sem_alloc : memref<!tpu.dma_semaphore, #tpu.memory_space<semaphore_mem>>
      %dma_start3A_130 = arith.constant 0 : i32
      %dma_start3A_131 = arith.constant 0 : i32
      %dma_start3A_132 = tpu.memref_slice %arg13[%add3A, %dma_start3A_130, %dma_start3A_131] : memref<32x16x16xf32, #tpu.memory_space<hbm>> -> memref<1x16x16xf32, #tpu.memory_space<hbm>>
      %dma_start3A_133 = tpu.memref_squeeze %dma_start3A_132 : memref<1x16x16xf32, #tpu.memory_space<hbm>> -> memref<16x16xf32, #tpu.memory_space<hbm>>
      %dma_start3A_134 = arith.constant 0 : i32
      %dma_start3A_135 = arith.constant 0 : i32
      %dma_start3A_136 = tpu.memref_slice %arg13[%add3A, %dma_start3A_134, %dma_start3A_135] : memref<32x16x16xf32, #tpu.memory_space<hbm>> -> memref<1x16x16xf32, #tpu.memory_space<hbm>>
      %dma_start3A_137 = tpu.memref_squeeze %dma_start3A_136 : memref<1x16x16xf32, #tpu.memory_space<hbm>> -> memref<16x16xf32, #tpu.memory_space<hbm>>
      tpu.enqueue_dma source(%arg26 : memref<16x16xf32, #tpu.memory_space<vmem>>) target(%dma_start3A_137 : memref<16x16xf32, #tpu.memory_space<hbm>>) target_semaphore(%run_scoped3A : memref<!tpu.dma_semaphore, #tpu.memory_space<semaphore_mem>>)
      %dma_wait3A_138 = arith.constant 0 : i32
      %dma_wait3A_139 = arith.constant 0 : i32
      %dma_wait3A_140 = tpu.memref_slice %arg13[%add3A, %dma_wait3A_138, %dma_wait3A_139] : memref<32x16x16xf32, #tpu.memory_space<hbm>> -> memref<1x16x16xf32, #tpu.memory_space<hbm>>
      %dma_wait3A_141 = tpu.memref_squeeze %dma_wait3A_140 : memref<1x16x16xf32, #tpu.memory_space<hbm>> -> memref<16x16xf32, #tpu.memory_space<hbm>>
      %dma_wait3A_142 = arith.constant 0 : i32
      %dma_wait3A_143 = arith.constant 0 : i32
      %dma_wait3A_144 = tpu.memref_slice %arg13[%add3A, %dma_wait3A_142, %dma_wait3A_143] : memref<32x16x16xf32, #tpu.memory_space<hbm>> -> memref<1x16x16xf32, #tpu.memory_space<hbm>>
      %dma_wait3A_145 = tpu.memref_squeeze %dma_wait3A_144 : memref<1x16x16xf32, #tpu.memory_space<hbm>> -> memref<16x16xf32, #tpu.memory_space<hbm>>
      tpu.wait_dma2 semaphore(%run_scoped3A : memref<!tpu.dma_semaphore, #tpu.memory_space<semaphore_mem>>) src(%arg26 : memref<16x16xf32, #tpu.memory_space<vmem>>) dst(%dma_wait3A_145 : memref<16x16xf32, #tpu.memory_space<hbm>>)
      tpu.yield
    }) : () -> ()
    return
  }
}

</mosaic_0001>

<sc_bundles>
// kernel: kernel.3.cloned.1.call-start
scs
__scs_entry_jumppad:
0x0: {  	(pc) =	sbr.rel $0x88, $3  }
0x1: {  	(tag) =	ssettag $0x0;
	lr =	simm.s32 $0x1  }
0x2: {  	[smem:$0x3F96] =	sst lr;
	_ =	strace $0xD0000000  }
0x3: {  	_ = 	snop  }
0x4: {  	_ = 	snop  }
0x5: {  	_ = 	snop  }
0x6: {  	_ = 	snop  }
0x7: {  	_ = 	snop  }
__scs_overlays_trampoline_lowered:
0x8: {  	[smem:$0x3FA5] =	sst s0  }
0x9: {  	[smem:$0x3FA6] =	sst s1  }
0xa: {  	[smem:$0x3FA7] =	sst s2  }
0xb: {  	[smem:$0x3FA8] =	sst s3  }
0xc: {  	[smem:$0x3FA9] =	sst s4  }
0xd: {  	[smem:$0x3FAA] =	sst s5  }
0xe: {  	[smem:$0x3FAB] =	sst s6  }
0xf: {  	[smem:$0x3FAC] =	sst s7  }
0x10: {  	[smem:$0x3FAD] =	sst s8  }
0x11: {  	[smem:$0x3FAE] =	sst s9;
	s0 =	simm.s32 @!p0 $0x0  }
0x12: {  	s1 =	sld [smem:$0x3F94];
	s0 =	simm.s32 @p0 $0x1  }
0x13: {  	[smem:$0x3FAF] =	sst s0;
	s0 =	simm.s32 @!p1 $0x0  }
0x14: {  	s2 =	sld [smem:$0x3F93];
	s0 =	simm.s32 @p1 $0x1  }
0x15: {  	[smem:$0x3FB0] =	sst s0;
	s0 =	simm.s32 @!p2 $0x0  }
0x16: {  	s3 =	sld [smem:$0x3FDB];
	s0 =	simm.s32 @p2 $0x1  }
0x17: {  	s4 =	simm.s32 $0x1BF5;
	[smem:$0x3FB2] =	sst s0  }
0x18: {  	s0 =	sld [smem:$0x3F95];
	_ =	swait.ge [sflag:s4], $0x0  }
0x19: {  	s7 =	sld [smem:$0x3F96]  }
0x1a: {  	s8 =	sadd.s32 $0xFFFFE003, lr  }
0x1b: {  	s9 =	sadd.s32 $0xFFFFFEF7, lr;
	s5 =	simm.s32 $0xFFFFFFFF;
	p2 =	slt.u32 s8, $0xFFFFF086  }
0x1c: {  	p1 =	slt.u32 s9, $0xF7A;
	s5 =	simm.s32 @!p2 $0x0  }
0x1d: {  	s5 =	simm.s32 @p1 $0x1;
	p0 =	seq.s32 s7, s2  }
0x1e: {  	s7 =	smul.u32 @!p0 $0xF7A, s2;
	p2 =	seq.s32 @!p0 s5, $0x0  }
0x1f: {  	s9 =	smul.u32 $0xF7A, s1;
	s8 =	simm.s32 @!p0 $0x1BF5;
	p2 =	por !p2, p0  }
0x20: {  	[sflag:s8] =	ssyncset.s32 @!p0 $0xFFFFF086;
	s6 =	sadd.s32 @!p0 s3, s7;
	s7 =	simm.s32 @!p0 $0x108  }
0x21: {  	s3 =	sadd.s32 s3, s9;
	s6 =	sadd.s32 @!p0 $0x88, s6;
	s7 =	simm.s32 @p2 $0x1082  }
0x22: {  	[simem:s7], [sflag:s8] =	dma.local @!p0 [hbm:s6], $0xF7A  }
0x23: {  	s9 =	sor.u32 $0xD0000000, s2;
	s6 =	simm.s32 $0x108;
	_ =	swait.ge @!p0 [sflag:s8], $0x0  }
0x24: {  	s3 =	sadd.s32 $0x88, s3;
	s6 =	simm.s32 @!p1 $0x1082;
	[sflag:s4] =	ssyncset.s32 $0xFFFFF086  }
0x25: {  	[simem:s6], [sflag:s4] =	dma.local [hbm:s3], $0xF7A  }
0x26: {  	[smem:$0x3F96] =	sst s1;
	(tag) =	ssettag s2;
	_ =	strace s9  }
0x27: {  	s1 =	sld [smem:$0x3FA6]  }
0x28: {  	s2 =	sld [smem:$0x3FA7]  }
0x29: {  	s4 =	sld [smem:$0x3FA9]  }
0x2a: {  	p0 =	seq.s32 s5, $0x0;
	s5 =	sld [smem:$0x3FAA]  }
0x2b: {  	s6 =	sld [smem:$0x3FAB]  }
0x2c: {  	s7 =	sld [smem:$0x3FAC]  }
0x2d: {  	s3 =	simm.s32 $0x108;
	s8 =	sld [smem:$0x3FAD]  }
0x2e: {  	s3 =	simm.s32 @!p0 $0x1082;
	s9 =	sld [smem:$0x3FAE]  }
0x2f: {  	lr =	sadd.s32 s0, s3;
	s0 =	sld [smem:$0x3FA5]  }
0x30: {  	s3 =	sld [smem:$0x3FA8]  }
0x31: {  	[smem:$0x3FB1] =	sst s10  }
0x32: {  	s10 =	sld [smem:$0x3FAF];
	_ =	sdelay $0x3  }
0x33: {  	p0 =	seq.s32 s10, $0x1;
	s10 =	sld [smem:$0x3FB1];
	_ =	sdelay $0x3  }
0x34: {  	[smem:$0x3FB1] =	sst s10  }
0x35: {  	s10 =	sld [smem:$0x3FB0];
	_ =	sdelay $0x3  }
0x36: {  	p1 =	seq.s32 s10, $0x1;
	s10 =	sld [smem:$0x3FB1];
	_ =	sdelay $0x3  }
0x37: {  	[smem:$0x3FB1] =	sst s10  }
0x38: {  	s10 =	sld [smem:$0x3FB2]  }
0x39: {  	_ = 	snop;
	(pc) =	sbr.ind lr, $3  }
0x3a: {  	_ = 	snop  }
0x3b: {  	_ = 	snop  }
0x3c: {  	p2 =	seq.s32 s10, $0x1;
	s10 =	sld [smem:$0x3FB1]  }
0x3d: {  	_ =	shalt  }
0x3e: {  	_ =	shalt  }
0x3f: {  	_ =	shalt  }
0x40: {  	_ =	shalt  }
0x41: {  	_ =	shalt  }
0x42: {  	_ =	shalt  }
0x43: {  	_ =	shalt  }
0x44: {  	_ =	shalt  }
0x45: {  	_ =	shalt  }
0x46: {  	_ =	shalt  }
0x47: {  	_ =	shalt  }
0x48: {  	_ =	shalt  }
0x49: {  	_ =	shalt  }
0x4a: {  	_ =	shalt  }
0x4b: {  	_ =	shalt  }
0x4c: {  	_ =	shalt  }
0x4d: {  	_ =	shalt  }
0x4e: {  	_ =	shalt  }
0x4f: {  	_ =	shalt  }
0x50: {  	_ =	shalt  }
0x51: {  	_ =	shalt  }
0x52: {  	_ =	shalt  }
0x53: {  	_ =	shalt  }
0x54: {  	_ =	shalt  }
0x55: {  	_ =	shalt  }
0x56: {  	_ =	shalt  }
0x57: {  	_ =	shalt  }
0x58: {  	_ =	shalt  }
0x59: {  	_ =	shalt  }
0x5a: {  	_ =	shalt  }
0x5b: {  	_ =	shalt  }
0x5c: {  	_ =	shalt  }
0x5d: {  	_ =	shalt  }
0x5e: {  	_ =	shalt  }
0x5f: {  	_ =	shalt  }
0x60: {  	_ =	shalt  }
0x61: {  	_ =	shalt  }
0x62: {  	_ =	shalt  }
0x63: {  	_ =	shalt  }
0x64: {  	_ =	shalt  }
0x65: {  	_ =	shalt  }
0x66: {  	_ =	shalt  }
0x67: {  	_ =	shalt  }
0x68: {  	_ =	shalt  }
0x69: {  	_ =	shalt  }
0x6a: {  	_ =	shalt  }
0x6b: {  	_ =	shalt  }
0x6c: {  	_ =	shalt  }
0x6d: {  	_ =	shalt  }
0x6e: {  	_ =	shalt  }
0x6f: {  	_ =	shalt  }
0x70: {  	_ =	shalt  }
0x71: {  	_ =	shalt  }
0x72: {  	_ =	shalt  }
0x73: {  	_ =	shalt  }
0x74: {  	_ =	shalt  }
0x75: {  	_ =	shalt  }
0x76: {  	_ =	shalt  }
0x77: {  	_ =	shalt  }
0x78: {  	_ =	shalt  }
0x79: {  	_ =	shalt  }
0x7a: {  	_ =	shalt  }
0x7b: {  	_ =	shalt  }
0x7c: {  	_ =	shalt  }
0x7d: {  	_ =	shalt  }
0x7e: {  	_ =	shalt  }
0x7f: {  	_ =	shalt  }
0x80: {  	_ =	shalt  }
0x81: {  	_ =	shalt  }
0x82: {  	_ =	shalt  }
0x83: {  	_ =	shalt  }
0x84: {  	_ =	shalt  }
0x85: {  	_ =	shalt  }
0x86: {  	_ =	shalt  }
0x87: {  	_ =	shalt  }
.Lfunc_end0:
.L_simem_size_0:
called_computation_lowered:
.L_overlay_start_0:
0x88: {  	s2 =	sld [smem:$0x3FD9]  }
0x89: {  	s3 =	sld [smem:$0x3FFE];
	_ =	sdelay $0x1  }
0x8a: {  	s1 =	srdreg.scid  }
0x8b: {  	s0 =	sand.u32 $0x1, s1  }
0x8c: {  	s17 =	sshll.u32 s0, $0xA;
	s2 =	sadd.s32 s3, s2  }
0x8d: {  	s2 =	sadd.s32 s2, s17  }
0x8e: {  	[smem:$0x3FBD] =	sst s2  }
0x8f: {  	_ = 	snop  }
0x90: {  	s2 =	sld [smem:$0x3FC9]  }
0x91: {  	s18 =	sld [smem:$0x3FC8]  }
0x92: {  	s4 =	sld [smem:$0x3FC7]  }
0x93: {  	s5 =	sld [smem:$0x3FC6]  }
0x94: {  	s6 =	sld [smem:$0x3FC5]  }
0x95: {  	s7 =	sld [smem:$0x3FC4]  }
0x96: {  	s8 =	sld [smem:$0x3FC3];
	(tm) =	ssettm $0x1  }
0x97: {  	s9 =	sld [smem:$0x3FFB];
	_ =	sdelay $0x3  }
0x98: {  	_ =	strace s9  }
0x99: {  	s9 =	sld [smem:$0x3FFC];
	_ =	sdelay $0x3  }
0x9a: {  	_ =	strace s9  }
0x9b: {  	s9 =	sld [smem:$0x3FFD];
	_ =	sdelay $0x3  }
0x9c: {  	_ =	strace s9  }
0x9d: {  	_ =	strace $0x8FFFFFFF  }
0x9e: {  	s19 =	sld [smem:$0x3FDB];
	_ =	sdelay $0x1  }
0x9f: {  	s10 =	simm.s32 $_scs_section_size  }
0xa0: {  	s11 =	simm.s32 $_size__tile_overlayer_lowered;
	s12 =	simm.s32 $_tile_overlayer_lowered  }
0xa1: {  	s22 =	simm.s32 $0x1BFF;
	s21 =	sshll.u32 s12, $0x1;
	s9 =	sadd.s32 s10, s19  }
0xa2: {  	s13 =	simm.s32 $0x0;
	s20 =	sshll.u32 s11, $0x1;
	s11 =	sadd.s32 s21, s9  }
0xa3: {  	[timem:s13], [sflag:s22] =	dma.local [hbm:s11], s20  }
0xa4: {  	_ =	swait.ge [sflag:s22], s20  }
0xa5: {  	s10 =	ssub.s32 $0x0, s20;
	[sflag:s22] =	ssyncset.done $0x0  }
0xa6: {  	[sflag:s22] =	ssyncadd.s32 s10;
	_ =	sdelay $0x1  }
0xa7: {  	s23 =	simm.s32 $0x1B8B  }
0xa8: {  	_ =	swait.ge [sflag:s23], $0x1  }
0xa9: {  	[sflag:s23] =	ssyncset.done $0x0  }
0xaa: {  	s25 =	simm.s32 $0x1B8E;
	s24 =	sld [smem:$0x3FFE];
	[sflag:s23] =	ssyncadd.s32 $0xFFFFFFFF  }
0xab: {  	s26 =	simm.s32 $execute0_lowered;
	[smem:$0x3FD2] =	sst s25  }
0xac: {  	s11 =	sshll.u32 s26, $0x1;
	_ =	strace $0x80000046;
	[dreg:$0x1] =	wrdreg $0xFFFFFFFF  }
0xad: {  	s28 =	simm.s32 $_size_execute0_lowered;
	s9 =	sadd.s32 s9, s11;
	[dreg:$0x0] =	wrdreg $0x0  }
0xae: {  	s11 =	sshll.u32 s28, $0x1;
	[dreg:$0x2] =	wrdreg s9  }
0xaf: {  	[dreg:$0x3] =	wrdreg s11  }
0xb0: {  	[dreg:$0x4] =	wrdreg $0xC0  }
0xb1: {  	_ =	task [dreg:s13], $0x5FFFF  }
0xb2: {  	[dreg:$0x1] =	wrdreg $0xFFFFFFFF  }
0xb3: {  	[dreg:$0x0] =	wrdreg $0x60  }
0xb4: {  	[dreg:$0x2] =	wrdreg s2  }
0xb5: {  	[dreg:$0x3] =	wrdreg s18  }
0xb6: {  	[dreg:$0x4] =	wrdreg s4  }
0xb7: {  	[dreg:$0x5] =	wrdreg s5  }
0xb8: {  	[dreg:$0x6] =	wrdreg s6  }
0xb9: {  	[dreg:$0x7] =	wrdreg s7  }
0xba: {  	[dreg:$0x8] =	wrdreg s8  }
0xbb: {  	[dreg:$0x9] =	wrdreg s24  }
0xbc: {  	[dreg:$0xa] =	wrdreg $0x9  }
0xbd: {  	_ =	task.clear_ibuf [dreg:s13], $0xBFFFF;
	_ =	strace $0x90000046  }
0xbe: {  	s29 =	simm.s32 $0x9;
	_ =	strace $0x80000048  }
0xbf: {  	_ =	swait.ge [sflag:s29], $0x1  }
0xc0: {  	[sflag:s29] =	ssyncadd.s32 $0xFFFFFFFF  }
0xc1: {  	_ =	strace $0x90000048  }
0xc2: {  	_ =	sfence  }
0xc3: {  	s30 =	sld [smem:$0x0];
	_ =	sdelay $0x2  }
0xc4: {  	s31 =	sshll.u32 s1, $0xD;
	s1 =	sshrl.u32 s1, $0x2  }
0xc5: {  	s3 =	sand.u32 $0x4000, s31;
	s1 =	sadd.s32 s1, s30  }
0xc6: {  	s0 =	sor.u32 s3, s0;
	s1 =	sshll.u32 s1, $0x11  }
0xc7: {  	s0 =	sor.u32 s1, s0  }
0xc8: {  	s0 =	sadd.s32 $0x8F2B, s0  }
0xc9: {  	[sflag:s0] =	ssyncadd.remote.s32 $0x1  }
0xca: {  	_ =	sfence.sel $0xFFFF  }
0xcb: {  	[dreg:$0x0] =	wrdreg $0xFFFFFFFF;
	(pc) =	sbr.abs _section_cstart, $3  }
0xcc: {  	[dreg:$0x1] =	wrdreg $0xFFFFFFFF  }
0xcd: {  	_ =	task.clear_ibuf [dreg:s13], $0x2FFFF;
	_ =	strace $0x9FFFFFFF  }
0xce: {  	(tm) =	ssettm $0x7FFFFFFF  }
0xcf: {  	_ =	shalt  }
tec
execute0_lowered:
.L_overlay_start_1:
0x0: {  	(tag) =	ssettag $0x1  }
0x1: {  	s0 =	rddreg [dreg:$0x0]  }
0x2: {  	s12 =	rddreg [dreg:$0x1]  }
0x3: {  	s13 =	rddreg [dreg:$0x2]  }
0x4: {  	s7 =	rddreg [dreg:$0x3]  }
0x5: {  	s8 =	rddreg [dreg:$0x4]  }
0x6: {  	s9 =	rddreg [dreg:$0x5]  }
0x7: {  	s10 =	rddreg [dreg:$0x6]  }
0x8: {  	s11 =	rddreg [dreg:$0x7]  }
0x9: {  	s1 =	simm.s32 $0x0;
	s5 =	srdreg.scid;
	s2 =	stileid.u32  }
0xa: {  	s18 =	simm.s32 $0x800;
	s19 =	simm.s32 $0xA00;
	s20 =	simm.s32 $0xC00  }
0xb: {  	s21 =	simm.s32 $0x200;
	s22 =	simm.s32 $0x400;
	s23 =	simm.s32 $0xE00  }
0xc: {  	s24 =	simm.s32 $0x4E00;
	s25 =	simm.s32 $0x8E00;
	s26 =	simm.s32 $0xCE00  }
0xd: {  	s28 =	simm.s32 $0x1;
	s29 =	simm.s32 $0x10E00;
	s30 =	simm.s32 $0x14E00  }
0xe: {  	s31 =	simm.s32 $0x0;
	[smem:$0x7FF] =	sst s1;
	s3 =	sadd.s32 $0x16E3C00, s11  }
0xf: {  	s4 =	sadd.s32 $0x1313200, s11;
	s6 =	sand.u32 $0x1, s5;
	s14 =	sshll.u32 s2, $0x1  }
0x10: {  	s5 =	sadd.s32 $0xF42800, s11;
	_ =	strace $0x80000047;
	s14 =	sor.u32 s6, s14  }
0x11: {  	s15 =	ssub.s32 $0x2, s6;
	s6 =	sadd.s32 $0x400, s11;
	s16 =	sshll.u32 s14, $0x5  }
0x12: {  	s17 =	sshrl.u32 s15, $0x1;
	s14 =	sshll.u32 s14, $0x6;
	s16 =	sadd.s32 s16, s11  }
0x13: {  	v0 =	vlaneseq.u32;
	s15 =	ssub.s32 s15, s17;
	s7 =	sadd.s32 s7, s14;
	s8 =	sadd.s32 s8, s14  }
0x14: {  	v1 =	vmul.u32 $0x20, v0;
	s9 =	sadd.s32 s9, s14;
	s10 =	sadd.s32 s10, s14;
	s11 =	sadd.s32 s0, s14  }
0x15: {  	s12 =	sadd.s32 s12, s14;
	s13 =	sadd.s32 s13, s14;
	s17 =	simm.s32 $0x2  }
0x16: {  	[tilespmem:$0x1FFF0] =	vst v1;
	s14 =	sadd.s32 $0x1400, s16;
	s15 =	smax.u32 s15, $0x1;
	s16 =	simm.s32 $0x600  }
.LBB2_1:
0x17: {  	[tilespmem:s16], [sflag:$0x2] =	stream.linear.gather [hbm4b:s7+s1], $0x200, $0x38;
	[tilespmem:$0x14F00] =	vst v63  }
0x18: {  	_ =	swait.ge [sflag:s17], $0x200  }
0x19: {  	[sflag:s17] =	ssyncset.done $0x0  }
0x1a: {  	[sflag:s17] =	ssyncadd.s32 $0xFFFFFE00  }
0x1b: {  	[tilespmem:s18], [sflag:$0x2] =	stream.linear.gather [hbm4b:s8+s1], $0x200, $0x38;
	[tilespmem:$0x14F00] =	vst v63  }
0x1c: {  	_ =	swait.ge [sflag:s17], $0x200  }
0x1d: {  	[sflag:s17] =	ssyncset.done $0x0  }
0x1e: {  	[sflag:s17] =	ssyncadd.s32 $0xFFFFFE00  }
0x1f: {  	[tilespmem:s19], [sflag:$0x2] =	stream.linear.gather [hbm4b:s9+s1], $0x200, $0x38;
	[tilespmem:$0x14F00] =	vst v63  }
0x20: {  	_ =	swait.ge [sflag:s17], $0x200  }
0x21: {  	[sflag:s17] =	ssyncset.done $0x0  }
0x22: {  	[sflag:s17] =	ssyncadd.s32 $0xFFFFFE00  }
0x23: {  	[tilespmem:s20], [sflag:$0x2] =	stream.linear.gather [hbm4b:s10+s1], $0x200, $0x38;
	[tilespmem:$0x14F00] =	vst v63  }
0x24: {  	_ =	swait.ge [sflag:s17], $0x200  }
0x25: {  	[sflag:s17] =	ssyncset.done $0x0  }
0x26: {  	[sflag:s17] =	ssyncadd.s32 $0xFFFFFE00  }
0x27: {  	[tilespmem:s1], [sflag:$0x2] =	stream.linear.gather [hbm4b:s11+s1], $0x200, $0x38;
	[tilespmem:$0x14F00] =	vst v63  }
0x28: {  	_ =	swait.ge [sflag:s17], $0x200  }
0x29: {  	[sflag:s17] =	ssyncset.done $0x0  }
0x2a: {  	[sflag:s17] =	ssyncadd.s32 $0xFFFFFE00  }
0x2b: {  	[tilespmem:s21], [sflag:$0x2] =	stream.linear.gather [hbm4b:s12+s1], $0x200, $0x38;
	[tilespmem:$0x14F00] =	vst v63  }
0x2c: {  	_ =	swait.ge [sflag:s17], $0x200  }
0x2d: {  	[sflag:s17] =	ssyncset.done $0x0  }
0x2e: {  	[sflag:s17] =	ssyncadd.s32 $0xFFFFFE00  }
0x2f: {  	[tilespmem:s22], [sflag:$0x2] =	stream.linear.gather [hbm4b:s13+s1], $0x200, $0x38;
	[tilespmem:$0x14F00] =	vst v63  }
0x30: {  	_ =	swait.ge [sflag:s17], $0x200  }
0x31: {  	[sflag:s17] =	ssyncset.done $0x0  }
0x32: {  	[sflag:s17] =	ssyncadd.s32 $0xFFFFFE00  }
0x33: {  	[tilespmem:s23], [sflag:$0x1] =	stream.indirect.gather [hbm4b:s5+s21], $0x20, s16, s21, $0xb8;
	[tilespmem:$0x14F00] =	vst v63  }
0x34: {  	_ = 	snop  }
0x35: {  	[tilespmem:s24], [sflag:$0x1] =	stream.indirect.gather [hbm4b:s6+s21], $0x20, s18, s21, $0xb8;
	[tilespmem:$0x14F00] =	vst v63  }
0x36: {  	_ = 	snop  }
0x37: {  	[tilespmem:s25], [sflag:$0x1] =	stream.indirect.gather [hbm4b:s5+s21], $0x20, s19, s21, $0xb8;
	[tilespmem:$0x14F00] =	vst v63  }
0x38: {  	_ = 	snop  }
0x39: {  	[tilespmem:s26], [sflag:$0x1] =	stream.indirect.gather [hbm4b:s5+s21], $0x20, s20, s21, $0xb8;
	[tilespmem:$0x14F00] =	vst v63  }
0x3a: {  	_ =	swait.ge [sflag:s28], $0x4000  }
0x3b: {  	[sflag:s28] =	ssyncset.done $0x0  }
0x3c: {  	[sflag:s28] =	ssyncadd.s32 $0xFFFFC000  }
0x3d: {  	_ =	swait.ge [sflag:s28], $0x4000  }
0x3e: {  	[sflag:s28] =	ssyncset.done $0x0  }
0x3f: {  	v0 =	vmov s1;
	[sflag:s28] =	ssyncadd.s32 $0xFFFFC000  }
0x40: {  	v0 =	vshll.u32 v0, $0x5;
	_ =	swait.ge [sflag:s28], $0x4000  }
0x41: {  	v0 =	vor.u32 v1, v0;
	[sflag:s28] =	ssyncset.done $0x0  }
0x42: {  	[sflag:s28] =	ssyncadd.s32 $0xFFFFC000  }
0x43: {  	v41 =	vor.u32 $0x1, v0;
	_ =	swait.ge [sflag:s28], $0x4000  }
0x44: {  	v42 =	vor.u32 $0x2, v0;
	[sflag:s28] =	ssyncset.done $0x0  }
0x45: {  	[sflag:s28] =	ssyncadd.s32 $0xFFFFC000  }
0x46: {  	v43 =	vor.u32 $0x3, v0;
	v60 =	vld.idx.msk [tilespmem:v0+s24+$0x0], $0xffff  }
0x47: {  	v62 =	vld.idx.msk [tilespmem:v0+s26+$0x0], $0xffff  }
0x48: {  	v44 =	vor.u32 $0x4, v0;
	v14 =	vld.idx.msk [tilespmem:v41+s24+$0x0], $0xffff  }
0x49: {  	v33 =	vld.idx.msk [tilespmem:v42+s24+$0x0], $0xffff  }
0x4a: {  	v47 =	vor.u32 $0x5, v0;
	v46 =	vor.u32 $0x12, v0;
	v36 =	vld.idx.msk [tilespmem:v41+s26+$0x0], $0xffff  }
0x4b: {  	v7 =	vor.u32 $0x14, v0;
	[tilespmem:$0x1FB60] =	vst v46;
	v16 =	vld.idx.msk [tilespmem:v43+s24+$0x0], $0xffff  }
0x4c: {  	v48 =	vor.u32 $0x6, v0;
	v22 =	vor.u32 $0x15, v0;
	[tilespmem:$0x1FBB0] =	vst v7;
	v34 =	vld.idx.msk [tilespmem:v42+s26+$0x0], $0xffff  }
0x4d: {  	v2 =	vor.u32 $0x17, v0;
	[tilespmem:$0x1FBE0] =	vst v22;
	v15 =	vld.idx.msk [tilespmem:v44+s24+$0x0], $0xffff  }
0x4e: {  	v50 =	vor.u32 $0x7, v0;
	[tilespmem:$0x1FC40] =	vst v2;
	v21 =	vld.idx.msk [tilespmem:v43+s26+$0x0], $0xffff  }
0x4f: {  	v38 =	vld.idx.msk [tilespmem:v47+s24+$0x0], $0xffff;
	[tilespmem:$0x1FB00] =	vst v14  }
0x50: {  	v51 =	vor.u32 $0x8, v0;
	v24 =	vld.idx.msk [tilespmem:v44+s26+$0x0], $0xffff;
	[tilespmem:$0x1FB10] =	vst v36  }
0x51: {  	v17 =	vld.idx.msk [tilespmem:v48+s24+$0x0], $0xffff;
	[tilespmem:$0x1FB20] =	vst v33  }
0x52: {  	v52 =	vor.u32 $0x9, v0;
	v39 =	vld.idx.msk [tilespmem:v47+s26+$0x0], $0xffff;
	v1 =	vmul.f32 v60, v60;
	v3 =	vmul.f32 v14, v14;
	[tilespmem:$0x1FB30] =	vst v34  }
0x53: {  	v28 =	vld.idx.msk [tilespmem:v50+s24+$0x0], $0xffff;
	v6 =	vmul.f32 v62, v62;
	v10 =	vmul.f32 v36, v36;
	[tilespmem:$0x1FB40] =	vst v16  }
0x54: {  	v57 =	vor.u32 $0xA, v0;
	v31 =	vld.idx.msk [tilespmem:v48+s26+$0x0], $0xffff;
	[tilespmem:$0x1FB50] =	vst v21;
	v1 =	vadd.f32 v3, v1;
	v3 =	vmul.f32 v33, v33  }
0x55: {  	v32 =	vld.idx.msk [tilespmem:v51+s24+$0x0], $0xffff;
	[tilespmem:$0x1FB70] =	vst v15;
	v6 =	vadd.f32 v10, v6;
	v10 =	vmul.f32 v34, v34  }
0x56: {  	v53 =	vor.u32 $0xB, v0;
	v29 =	vld.idx.msk [tilespmem:v50+s26+$0x0], $0xffff;
	v11 =	vmul.f32 v16, v16;
	[tilespmem:$0x1FB80] =	vst v24;
	v1 =	vadd.f32 v3, v1  }
0x57: {  	v19 =	vld.idx.msk [tilespmem:v52+s24+$0x0], $0xffff;
	[tilespmem:$0x1FB90] =	vst v38;
	v3 =	vadd.f32 v10, v6;
	v6 =	vmul.f32 v21, v21  }
0x58: {  	v54 =	vor.u32 $0xC, v0;
	v18 =	vld.idx.msk [tilespmem:v51+s26+$0x0], $0xffff;
	[tilespmem:$0x1FBA0] =	vst v39;
	v10 =	vmul.f32 v15, v15;
	v1 =	vadd.f32 v11, v1  }
0x59: {  	v27 =	vld.idx.msk [tilespmem:v57+s24+$0x0], $0xffff;
	[tilespmem:$0x1FBC0] =	vst v17;
	v3 =	vadd.f32 v6, v3;
	v6 =	vmul.f32 v24, v24  }
0x5a: {  	v55 =	vor.u32 $0xD, v0;
	v25 =	vld.idx.msk [tilespmem:v52+s26+$0x0], $0xffff;
	[tilespmem:$0x1FBD0] =	vst v31;
	v11 =	vmul.f32 v38, v38;
	v1 =	vadd.f32 v10, v1  }
0x5b: {  	v23 =	vld.idx.msk [tilespmem:v53+s24+$0x0], $0xffff;
	[tilespmem:$0x1FBF0] =	vst v28;
	v3 =	vadd.f32 v6, v3;
	v6 =	vmul.f32 v39, v39  }
0x5c: {  	v56 =	vor.u32 $0xE, v0;
	v20 =	vld.idx.msk [tilespmem:v57+s26+$0x0], $0xffff;
	[tilespmem:$0x1FC00] =	vst v29;
	v10 =	vmul.f32 v17, v17;
	v1 =	vadd.f32 v11, v1  }
0x5d: {  	v35 =	vld.idx.msk [tilespmem:v54+s24+$0x0], $0xffff;
	[tilespmem:$0x1FC20] =	vst v32;
	v3 =	vadd.f32 v6, v3;
	v6 =	vmul.f32 v31, v31  }
0x5e: {  	v30 =	vld.idx.msk [tilespmem:v53+s26+$0x0], $0xffff;
	[tilespmem:$0x1FC30] =	vst v18;
	v11 =	vmul.f32 v28, v28;
	v1 =	vadd.f32 v10, v1  }
0x5f: {  	v58 =	vor.u32 $0xF, v0;
	v26 =	vld.idx.msk [tilespmem:v55+s24+$0x0], $0xffff;
	[tilespmem:$0x1FC50] =	vst v19;
	v3 =	vadd.f32 v6, v3;
	v6 =	vmul.f32 v29, v29  }
0x60: {  	v40 =	vld.idx.msk [tilespmem:v54+s26+$0x0], $0xffff;
	[tilespmem:$0x1FC60] =	vst v25;
	v10 =	vmul.f32 v32, v32;
	v1 =	vadd.f32 v11, v1  }
0x61: {  	v59 =	vor.u32 $0x10, v0;
	v37 =	vld.idx.msk [tilespmem:v56+s24+$0x0], $0xffff;
	[tilespmem:$0x1FC80] =	vst v27;
	v3 =	vadd.f32 v6, v3;
	v6 =	vmul.f32 v18, v18  }
0x62: {  	v49 =	vld.idx.msk [tilespmem:v55+s26+$0x0], $0xffff;
	[tilespmem:$0x1FCB0] =	vst v23;
	v11 =	vmul.f32 v19, v19;
	v1 =	vadd.f32 v10, v1  }
0x63: {  	v45 =	vld.idx.msk [tilespmem:v56+s26+$0x0], $0xffff;
	[tilespmem:$0x1FC90] =	vst v20;
	v3 =	vadd.f32 v6, v3;
	v6 =	vmul.f32 v25, v25  }
0x64: {  	v9 =	vld.idx.msk [tilespmem:v58+s24+$0x0], $0xffff;
	[tilespmem:$0x1FCE0] =	vst v35;
	v10 =	vmul.f32 v27, v27;
	v1 =	vadd.f32 v11, v1  }
0x65: {  	v4 =	vld.idx.msk [tilespmem:v58+s26+$0x0], $0xffff;
	[tilespmem:$0x1FCC0] =	vst v30;
	v3 =	vadd.f32 v6, v3;
	v6 =	vmul.f32 v20, v20  }
0x66: {  	v61 =	vor.u32 $0x11, v0;
	v8 =	vld.idx.msk [tilespmem:v59+s24+$0x0], $0xffff;
	[tilespmem:$0x1FD10] =	vst v26;
	v11 =	vmul.f32 v23, v23;
	v1 =	vadd.f32 v10, v1  }
0x67: {  	v63 =	vor.u32 $0x13, v0;
	v12 =	vld.idx.msk [tilespmem:v59+s26+$0x0], $0xffff;
	[tilespmem:$0x1FCF0] =	vst v40;
	v3 =	vadd.f32 v6, v3;
	v6 =	vmul.f32 v30, v30  }
0x68: {  	[tilespmem:$0x1FD40] =	vst v37;
	v10 =	vmul.f32 v35, v35;
	v1 =	vadd.f32 v11, v1;
	v11 =	vmul.f32 v62, v60  }
0x69: {  	v13 =	vmul.f32 v26, v26;
	[tilespmem:$0x1FD20] =	vst v49;
	v3 =	vadd.f32 v6, v3;
	v6 =	vmul.f32 v40, v40  }
0x6a: {  	v5 =	vld.idx.msk [tilespmem:v7+s24+$0x0], $0xffff;
	[tilespmem:$0x1FD70] =	vst v9;
	v1 =	vadd.f32 v10, v1;
	v10 =	vadd.f32 $0.0e+00, v11;
	v11 =	vmul.f32 v36, v14  }
0x6b: {  	[tilespmem:$0x1FD80] =	vst v4;
	v14 =	vmul.f32 v37, v37;
	v3 =	vadd.f32 v6, v3;
	v6 =	vmul.f32 v49, v49  }
0x6c: {  	v36 =	vld.idx.msk [tilespmem:v61+s24+$0x0], $0xffff;
	v1 =	vadd.f32 v13, v1;
	v10 =	vadd.f32 v11, v10;
	v11 =	vmul.f32 v34, v33  }
0x6d: {  	[tilespmem:$0x1FDA0] =	vst v8;
	v3 =	vadd.f32 v6, v3;
	v13 =	vmul.f32 v9, v9;
	v34 =	vmov v9;
	v9 =	vld.idx.msk [tilespmem:v63+s24+$0x0], $0xffff  }
0x6e: {  	v6 =	vmul.f32 v45, v45;
	v10 =	vadd.f32 v11, v10;
	v11 =	vmul.f32 v21, v16;
	v16 =	vld.idx.msk [tilespmem:v61+s26+$0x0], $0xffff  }
0x6f: {  	[tilespmem:$0x1FDB0] =	vst v12;
	v1 =	vadd.f32 v14, v1;
	v14 =	vld.idx.msk [tilespmem:v63+s26+$0x0], $0xffff  }
0x70: {  	[tilespmem:$0x1FE30] =	vst v5;
	v33 =	vmov v8;
	v3 =	vadd.f32 v6, v3;
	v6 =	vmul.f32 v4, v4  }
0x71: {  	v1 =	vadd.f32 v13, v1;
	v13 =	vmul.f32 v8, v8;
	v10 =	vadd.f32 v11, v10;
	v8 =	vld.idx.msk [tilespmem:v46+s24+$0x0], $0xffff  }
0x72: {  	v3 =	vadd.f32 v6, v3;
	v6 =	vmul.f32 v24, v15;
	v15 =	vld.idx.msk [tilespmem:v46+s26+$0x0], $0xffff;
	[tilespmem:$0x1FE10] =	vst v9  }
0x73: {  	v11 =	vmul.f32 v36, v36;
	v1 =	vadd.f32 v13, v1;
	v13 =	vmul.f32 v12, v12;
	[tilespmem:$0x1FDE0] =	vst v16  }
0x74: {  	v24 =	vmovc v12;
	v6 =	vadd.f32 v6, v10;
	v10 =	vmul.f32 v39, v38;
	v12 =	vor.u32 $0x16, v0;
	[tilespmem:$0x1FE20] =	vst v14  }
0x75: {  	v21 =	vmovc v4;
	v4 =	vmov v2;
	[tilespmem:$0x1FC10] =	vst v12;
	v3 =	vadd.f32 v13, v3;
	v1 =	vadd.f32 v11, v1  }
0x76: {  	v6 =	vadd.f32 v10, v6;
	v10 =	vmul.f32 v16, v16;
	v13 =	vmul.f32 v31, v17;
	v17 =	vld.idx.msk [tilespmem:v7+s26+$0x0], $0xffff  }
0x77: {  	v39 =	vmovc v9;
	v7 =	vor.u32 $0x18, v0;
	v11 =	vmul.f32 v8, v8;
	v46 =	vmov v8;
	[tilespmem:$0x1FDF0] =	vst v8;
	v8 =	vld.idx.msk [tilespmem:v22+s24+$0x0], $0xffff  }
0x78: {  	v31 =	vmov v15;
	[tilespmem:$0x1FE00] =	vst v15;
	v3 =	vadd.f32 v10, v3;
	v10 =	vmul.f32 v15, v15;
	v15 =	vld.idx.msk [tilespmem:v22+s26+$0x0], $0xffff  }
0x79: {  	[tilespmem:$0x1FC70] =	vst v7;
	v22 =	vor.u32 $0x1D, v0;
	v1 =	vadd.f32 v11, v1;
	v11 =	vmul.f32 v9, v9;
	v9 =	vld.idx.msk [tilespmem:v12+s24+$0x0], $0xffff  }
0x7a: {  	v38 =	vmov v16;
	v16 =	vld.idx.msk [tilespmem:v12+s26+$0x0], $0xffff;
	v12 =	vor.u32 $0x19, v0;
	[tilespmem:$0x1FD60] =	vst v22  }
0x7b: {  	v6 =	vadd.f32 v13, v6;
	v13 =	vmul.f32 v14, v14;
	v3 =	vadd.f32 v10, v3;
	[tilespmem:$0x1FCA0] =	vst v12  }
0x7c: {  	v10 =	vmul.f32 v29, v28;
	v28 =	vmov v14;
	v14 =	vld.idx.msk [tilespmem:v4+s26+$0x0], $0xffff;
	v4 =	vor.u32 $0x1B, v0;
	[tilespmem:$0x1FE40] =	vst v17  }
0x7d: {  	v1 =	vadd.f32 v11, v1;
	v11 =	vmul.f32 v5, v5;
	[tilespmem:$0x1FD00] =	vst v4  }
0x7e: {  	v29 =	vmov v5;
	v5 =	vld.idx.msk [tilespmem:v2+s24+$0x0], $0xffff;
	v6 =	vadd.f32 v10, v6;
	v3 =	vadd.f32 v13, v3;
	[tilespmem:$0x1FE50] =	vst v8  }
0x7f: {  	v2 =	vmovc v17;
	v10 =	vmul.f32 v18, v32;
	v13 =	vmul.f32 v17, v17;
	v17 =	vor.u32 $0x1A, v0;
	[tilespmem:$0x1FE60] =	vst v15  }
0x80: {  	v18 =	vor.u32 $0x1F, v0;
	v1 =	vadd.f32 v11, v1;
	v11 =	vmul.f32 v8, v8;
	[tilespmem:$0x1FCD0] =	vst v17  }
0x81: {  	v32 =	vmov v8;
	v8 =	vld.idx.msk [tilespmem:v7+s24+$0x0], $0xffff;
	[tilespmem:$0x1FDC0] =	vst v18;
	v6 =	vadd.f32 v10, v6;
	v10 =	vmul.f32 v25, v19  }
0x82: {  	v3 =	vadd.f32 v13, v3;
	v19 =	vmovc v15;
	v1 =	vadd.f32 v11, v1;
	v11 =	vmul.f32 v15, v15  }
0x83: {  	[tilespmem:$0x1FE70] =	vst v9;
	v13 =	vmul.f32 v16, v16;
	v6 =	vadd.f32 v10, v6;
	v10 =	vmul.f32 v9, v9  }
0x84: {  	v25 =	vmov v9;
	[tilespmem:$0x1FE80] =	vst v16;
	v15 =	vld.idx.msk [tilespmem:v7+s26+$0x0], $0xffff;
	v3 =	vadd.f32 v11, v3;
	v11 =	vmul.f32 v20, v27  }
0x85: {  	v7 =	vmov v16;
	v16 =	vld.idx.msk [tilespmem:v12+s26+$0x0], $0xffff;
	[tilespmem:$0x1FEA0] =	vst v14;
	v1 =	vadd.f32 v10, v1;
	v10 =	vmul.f32 v5, v5  }
0x86: {  	[tilespmem:$0x1FE90] =	vst v5;
	v9 =	vld.idx.msk [tilespmem:v12+s24+$0x0], $0xffff;
	v27 =	vmov v5;
	v6 =	vadd.f32 v11, v6;
	v11 =	vmul.f32 v30, v23  }
0x87: {  	v5 =	vld.idx.msk [tilespmem:v4+s24+$0x0], $0xffff;
	v3 =	vadd.f32 v13, v3;
	v1 =	vadd.f32 v10, v1;
	v10 =	vmul.f32 v14, v14  }
0x88: {  	v12 =	vor.u32 $0x1C, v0;
	[tilespmem:$0x1FEB0] =	vst v8;
	v30 =	vmov v14;
	v14 =	vld.idx.msk [tilespmem:v17+s24+$0x0], $0xffff;
	v6 =	vadd.f32 v11, v6  }
0x89: {  	[tilespmem:$0x1FEC0] =	vst v15;
	v11 =	vmul.f32 v8, v8;
	v3 =	vadd.f32 v10, v3;
	v10 =	vmul.f32 v40, v35  }
0x8a: {  	v20 =	vor.u32 $0x1E, v0;
	v23 =	vmovc v8;
	v13 =	vmul.f32 v15, v15;
	v17 =	vld.idx.msk [tilespmem:v17+s26+$0x0], $0xffff;
	[tilespmem:$0x1FEE0] =	vst v16;
	v35 =	vmov v15  }
0x8b: {  	v15 =	vld.idx.msk [tilespmem:v4+s26+$0x0], $0xffff;
	v1 =	vadd.f32 v11, v1;
	v6 =	vadd.f32 v10, v6;
	v10 =	vmul.f32 v9, v9  }
0x8c: {  	[tilespmem:$0x1FED0] =	vst v9;
	v8 =	vld.idx.msk [tilespmem:v22+s24+$0x0], $0xffff;
	v40 =	vmov v9;
	v11 =	vmul.f32 v49, v26;
	v3 =	vadd.f32 v13, v3  }
0x8d: {  	v13 =	vmul.f32 v16, v16;
	v9 =	vld.idx.msk [tilespmem:v12+s24+$0x0], $0xffff;
	v1 =	vadd.f32 v10, v1;
	v10 =	vmul.f32 v14, v14  }
0x8e: {  	v4 =	vmovc v16;
	v16 =	vld.idx.msk [tilespmem:v12+s26+$0x0], $0xffff;
	v26 =	vmov v14;
	v6 =	vadd.f32 v11, v6;
	v11 =	vmul.f32 v45, v37  }
0x8f: {  	[tilespmem:$0x1FEF0] =	vst v14;
	v3 =	vadd.f32 v13, v3;
	v1 =	vadd.f32 v10, v1;
	v10 =	vmul.f32 v5, v5  }
0x90: {  	v13 =	vmul.f32 v17, v17;
	v14 =	vld.idx.msk [tilespmem:v22+s26+$0x0], $0xffff;
	v49 =	vmov v15;
	[tilespmem:$0x1FF20] =	vst v15;
	v6 =	vadd.f32 v11, v6  }
0x91: {  	v11 =	vmul.f32 v21, v34;
	v1 =	vadd.f32 v10, v1;
	v10 =	vmul.f32 v15, v15;
	v15 =	vmovc v18  }
0x92: {  	[tilespmem:$0x1FF10] =	vst v5;
	v37 =	vmov v5;
	v3 =	vadd.f32 v13, v3;
	v5 =	vld.idx.msk [tilespmem:v20+s24+$0x0], $0xffff  }
0x93: {  	v13 =	vmul.f32 v24, v33;
	v6 =	vadd.f32 v11, v6;
	v11 =	vmul.f32 v9, v9;
	v18 =	vld.idx.msk [tilespmem:v18+s24+$0x0], $0xffff  }
0x94: {  	v22 =	vmov v9;
	[tilespmem:$0x1FF30] =	vst v9;
	v9 =	vld.idx.msk [tilespmem:v20+s26+$0x0], $0xffff;
	v3 =	vadd.f32 v10, v3;
	v10 =	vmul.f32 v16, v16  }
0x95: {  	v1 =	vadd.f32 v11, v1;
	v6 =	vadd.f32 v13, v6;
	v11 =	vmul.f32 v8, v8  }
0x96: {  	v13 =	vmul.f32 v14, v14;
	v3 =	vadd.f32 v10, v3;
	v10 =	vmul.f32 v38, v36;
	v15 =	vld.idx.msk [tilespmem:v15+s26+$0x0], $0xffff  }
0x97: {  	v1 =	vadd.f32 v11, v1;
	v11 =	vmul.f32 v5, v5  }
0x98: {  	v6 =	vadd.f32 v10, v6;
	v3 =	vadd.f32 v13, v3;
	v10 =	vmul.f32 v31, v46  }
0x99: {  	[tilespmem:$0x1FD30] =	vst v12;
	v1 =	vadd.f32 v11, v1;
	v11 =	vmul.f32 v18, v18;
	v13 =	vmul.f32 v9, v9  }
0x9a: {  	[tilespmem:$0x1FF50] =	vst v8;
	v6 =	vadd.f32 v10, v6;
	v10 =	vmul.f32 v28, v39  }
0x9b: {  	v24 =	vmovc v8;
	v3 =	vadd.f32 v13, v3;
	v8 =	vadd.f32 v11, v1;
	v1 =	vmul.f32 v15, v15  }
0x9c: {  	[tilespmem:$0x1FD90] =	vst v20;
	v6 =	vadd.f32 v10, v6;
	v10 =	vmul.f32 v2, v29  }
0x9d: {  	v33 =	vmov v5;
	[tilespmem:$0x1FF80] =	vst v5;
	v5 =	vadd.f32 v1, v3;
	v1 =	vmax.f32 v8, $1.000000020e-24  }
0x9e: {  	v21 =	vmovc v14;
	[tilespmem:$0x1FF70] =	vst v14;
	v3 =	vadd.f32 v10, v6;
	v6 =	vshrl.u32 v1, $0x1;
	v14 =	vmul.f32 $5.000000000e-01, v1  }
0x9f: {  	v12 =	vmovc v17;
	[tilespmem:$0x1FF00] =	vst v17;
	v11 =	vmul.f32 v19, v32;
	v10 =	vsub.s32 $0x5F3759DF, v6;
	v1 =	vmax.f32 v5, $1.000000020e-24  }
0xa0: {  	v17 =	vld.idx.msk [tilespmem:v41+s23+$0x0], $0xffff;
	[tilespmem:$0x1FF40] =	vst v16;
	v20 =	vmovc v16;
	v13 =	vshrl.u32 v1, $0x1;
	v39 =	vmul.f32 $5.000000000e-01, v1;
	v16 =	vmul.f32 v10, v14  }
0xa1: {  	[tilespmem:$0x1FAD0] =	vst v5;
	v5 =	vld.idx.msk [tilespmem:v0+s23+$0x0], $0xffff;
	v11 =	vadd.f32 v11, v3;
	v2 =	vsub.s32 $0x5F3759DF, v13;
	v13 =	vmul.f32 v7, v25  }
0xa2: {  	[tilespmem:$0x1FAC0] =	vst v8;
	v25 =	vld.idx.msk [tilespmem:v0+s25+$0x0], $0xffff;
	v0 =	vmul.f32 v10, v16;
	v8 =	vmul.f32 v2, v39  }
0xa3: {  	[tilespmem:$0x1FD50] =	vst v45;
	v45 =	vld.idx.msk [tilespmem:v41+s25+$0x0], $0xffff;
	v11 =	vadd.f32 v13, v11;
	v13 =	vmul.f32 v30, v27  }
0xa4: {  	v6 =	vld.idx.msk [tilespmem:v42+s23+$0x0], $0xffff;
	v16 =	vsub.f32 $1.500000000e+00, v0;
	v8 =	vmul.f32 v2, v8  }
0xa5: {  	v7 =	vmul.f32 v17, v17;
	v30 =	vld.idx.msk [tilespmem:v42+s25+$0x0], $0xffff;
	v11 =	vadd.f32 v13, v11  }
0xa6: {  	v13 =	vmul.f32 v5, v5;
	v19 =	vmul.f32 v10, v16;
	v8 =	vsub.f32 $1.500000000e+00, v8  }
0xa7: {  	[tilespmem:$0x1FDD0] =	vst v36;
	v10 =	vld.idx.msk [tilespmem:v43+s23+$0x0], $0xffff;
	v16 =	vmul.f32 v35, v23;
	v31 =	vmul.f32 v25, v25  }
0xa8: {  	v46 =	vmovc v9;
	v7 =	vadd.f32 v7, v13;
	v13 =	vmul.f32 v45, v45;
	v9 =	vmul.f32 v2, v8  }
0xa9: {  	v35 =	vld.idx.msk [tilespmem:v43+s25+$0x0], $0xffff;
	v11 =	vadd.f32 v16, v11;
	v2 =	vmul.f32 v4, v40;
	v38 =	vmul.f32 v19, v14  }
0xaa: {  	v36 =	vmul.f32 v6, v6;
	v8 =	vld.idx.msk [tilespmem:v44+s23+$0x0], $0xffff;
	v4 =	vmul.f32 v30, v30;
	v16 =	vadd.f32 v13, v31  }
0xab: {  	v40 =	vld.idx.msk [tilespmem:v44+s25+$0x0], $0xffff;
	v2 =	vadd.f32 v2, v11;
	v11 =	vmul.f32 v12, v26;
	v44 =	vmul.f32 v38, v19  }
0xac: {  	v7 =	vadd.f32 v36, v7;
	v34 =	vmul.f32 v9, v39;
	v0 =	vmul.f32 v10, v10  }
0xad: {  	v29 =	vld.idx.msk [tilespmem:v47+s23+$0x0], $0xffff;
	v4 =	vadd.f32 v4, v16;
	v2 =	vadd.f32 v11, v2;
	v11 =	vmul.f32 v49, v37  }
0xae: {  	v12 =	vmul.f32 v35, v35;
	v37 =	vld.idx.msk [tilespmem:v47+s25+$0x0], $0xffff;
	v1 =	vadd.f32 v0, v7;
	v7 =	vsub.f32 $1.500000000e+00, v44  }
0xaf: {  	v13 =	vld.idx.msk [tilespmem:v48+s23+$0x0], $0xffff;
	v49 =	vmul.f32 v8, v8;
	v0 =	vmul.f32 v20, v22;
	v11 =	vadd.f32 v11, v2  }
0xb0: {  	v4 =	vadd.f32 v12, v4;
	v26 =	vmul.f32 v40, v40;
	v7 =	vmul.f32 v7, v19;
	v19 =	vld.idx.msk [tilespmem:v48+s25+$0x0], $0xffff  }
0xb1: {  	v12 =	vld.idx.msk [tilespmem:v50+s23+$0x0], $0xffff;
	v3 =	vadd.f32 v49, v1;
	v1 =	vadd.f32 v0, v11;
	v11 =	vmul.f32 v21, v24  }
0xb2: {  	v28 =	vld.idx.msk [tilespmem:v50+s25+$0x0], $0xffff;
	v32 =	vadd.f32 v26, v4;
	v0 =	vmul.f32 v29, v29  }
0xb3: {  	v4 =	vld.idx.msk [tilespmem:v51+s23+$0x0], $0xffff;
	v21 =	vmul.f32 v34, v9;
	v2 =	vadd.f32 v11, v1;
	v1 =	vmul.f32 v37, v37  }
0xb4: {  	v38 =	vld.idx.msk [tilespmem:v51+s25+$0x0], $0xffff;
	v11 =	vmul.f32 v46, v33;
	v3 =	vadd.f32 v0, v3;
	v0 =	vmul.f32 v13, v13  }
0xb5: {  	v31 =	vld.idx.msk [tilespmem:v54+s25+$0x0], $0xffff;
	v21 =	vsub.f32 $1.500000000e+00, v21;
	v1 =	vadd.f32 v1, v32;
	v41 =	vmul.f32 v19, v19  }
0xb6: {  	v49 =	vld.idx.msk [tilespmem:v52+s25+$0x0], $0xffff;
	v42 =	vmul.f32 v12, v12;
	v11 =	vadd.f32 v11, v2;
	v3 =	vadd.f32 v0, v3  }
0xb7: {  	v16 =	vld.idx.msk [tilespmem:v52+s23+$0x0], $0xffff;
	v0 =	vmul.f32 v15, v18;
	v23 =	vadd.f32 v41, v1;
	v1 =	vmul.f32 v28, v28  }
0xb8: {  	v21 =	vmul.f32 v21, v9;
	v43 =	vmul.f32 v4, v4;
	v26 =	vadd.f32 v42, v3;
	v3 =	vld.idx.msk [tilespmem:v57+s25+$0x0], $0xffff  }
0xb9: {  	v24 =	vld.idx.msk [tilespmem:v57+s23+$0x0], $0xffff;
	v50 =	vadd.f32 v0, v11;
	v0 =	vadd.f32 v1, v23;
	v1 =	vmul.f32 v38, v38  }
0xba: {  	v44 =	vadd.f32 v43, v26;
	v26 =	vld.idx.msk [tilespmem:v53+s25+$0x0], $0xffff  }
0xbb: {  	v9 =	vld.idx.msk [tilespmem:v53+s23+$0x0], $0xffff;
	v48 =	vmul.f32 v49, v49;
	v0 =	vadd.f32 v1, v0;
	v1 =	vmul.f32 v21, v39  }
0xbc: {  	v47 =	vmov v46;
	v14 =	vmul.f32 v7, v14;
	v46 =	vmul.f32 v16, v16;
	v33 =	vld.idx.msk [tilespmem:v55+s25+$0x0], $0xffff  }
0xbd: {  	v11 =	vld.idx.msk [tilespmem:v54+s23+$0x0], $0xffff;
	v53 =	vmul.f32 v3, v3;
	v0 =	vadd.f32 v48, v0;
	v1 =	vmul.f32 v1, v21  }
0xbe: {  	v51 =	vmul.f32 v14, v7;
	v14 =	vld.idx.msk [tilespmem:v55+s23+$0x0], $0xffff;
	v52 =	vmul.f32 v24, v24;
	v23 =	vadd.f32 v46, v44  }
0xbf: {  	[tilespmem:$0x1FAF0] =	vst v15;
	v15 =	vld [tilespmem:$0x1FB10];
	v2 =	vadd.f32 v53, v0;
	v1 =	vsub.f32 $1.500000000e+00, v1;
	v0 =	vmul.f32 v26, v26  }
0xc0: {  	v54 =	vsub.f32 $1.500000000e+00, v51;
	v55 =	vmul.f32 v9, v9;
	v39 =	vld.idx.msk [tilespmem:v56+s25+$0x0], $0xffff;
	v23 =	vadd.f32 v52, v23  }
0xc1: {  	v43 =	vld [tilespmem:$0x1FB00];
	v52 =	vmul.f32 v1, v21;
	v0 =	vadd.f32 v0, v2;
	v1 =	vmul.f32 v31, v31  }
0xc2: {  	v46 =	vmul.f32 v54, v7;
	v57 =	vmul.f32 v11, v11;
	v7 =	vadd.f32 v55, v23  }
0xc3: {  	v27 =	vmul.f32 v60, v5;
	v32 =	vld.idx.msk [tilespmem:v56+s23+$0x0], $0xffff;
	v0 =	vadd.f32 v1, v0;
	v1 =	vmul.f32 v33, v33  }
0xc4: {  	v15 =	vmul.f32 v15, v17;
	v2 =	vadd.f32 v57, v7;
	v7 =	vmul.f32 v62, v5  }
0xc5: {  	v34 =	vld.idx.msk [tilespmem:v58+s23+$0x0], $0xffff;
	v5 =	vmul.f32 v25, v5;
	v0 =	vadd.f32 v1, v0;
	v1 =	vmul.f32 v39, v39  }
0xc6: {  	v44 =	vmul.f32 v43, v17;
	v62 =	vmul.f32 v14, v14  }
0xc7: {  	v0 =	vadd.f32 v1, v0;
	v1 =	vadd.f32 $0.0e+00, v5;
	v5 =	vmul.f32 v45, v17;
	v17 =	vld [tilespmem:$0x1FB20]  }
0xc8: {  	v36 =	vmul.f32 v32, v32;
	v2 =	vadd.f32 v62, v2;
	v7 =	vadd.f32 $0.0e+00, v7;
	_ =	sdelay $0x1  }
0xc9: {  	v41 =	vld.idx.msk [tilespmem:v58+s25+$0x0], $0xffff;
	v2 =	vadd.f32 v36, v2;
	v7 =	vadd.f32 v15, v7;
	v15 =	vmul.f32 v34, v34  }
0xca: {  	[tilespmem:$0x1FAE0] =	vst v18;
	v18 =	vmul.f32 v25, v60;
	v42 =	vadd.f32 $0.0e+00, v27;
	v51 =	vld [tilespmem:$0x1FB30];
	v20 =	vmul.f32 v45, v43  }
0xcb: {  	v2 =	vadd.f32 v15, v2;
	v45 =	vmul.f32 v17, v6;
	v15 =	vmul.f32 v30, v17;
	v17 =	vld [tilespmem:$0x1FB40]  }
0xcc: {  	v27 =	vld [tilespmem:$0x1FB70];
	v1 =	vadd.f32 v5, v1;
	v5 =	vadd.f32 $0.0e+00, v18  }
0xcd: {  	v57 =	vld.idx.msk [tilespmem:v61+s25+$0x0], $0xffff  }
0xce: {  	v62 =	vld.idx.msk [tilespmem:v59+s23+$0x0], $0xffff;
	v5 =	vadd.f32 v20, v5  }
0xcf: {  	v48 =	vmul.f32 v30, v6;
	v53 =	vmul.f32 v51, v6;
	v6 =	vld.idx.msk [tilespmem:v61+s23+$0x0], $0xffff  }
0xd0: {  	v5 =	vadd.f32 v15, v5;
	v15 =	vmul.f32 v17, v10;
	v61 =	vmul.f32 v35, v17;
	v17 =	vld [tilespmem:$0x1FB80];
	_ =	sdelay $0x1  }
0xd1: {  	v21 =	vadd.f32 v44, v42;
	v18 =	vmul.f32 v41, v41  }
0xd2: {  	v56 =	vmul.f32 v35, v10;
	v54 =	vmul.f32 v62, v62  }
0xd3: {  	v60 =	vld.idx.msk [tilespmem:v59+s25+$0x0], $0xffff;
	v0 =	vadd.f32 v18, v0;
	v30 =	vmul.f32 v27, v8;
	v18 =	vadd.f32 v45, v21  }
0xd4: {  	v35 =	vmul.f32 v40, v8;
	v17 =	vmul.f32 v17, v8;
	v8 =	vld [tilespmem:$0x1FB90]  }
0xd5: {  	v59 =	vld [tilespmem:$0x1FB60];
	v2 =	vadd.f32 v54, v2;
	v15 =	vadd.f32 v15, v18;
	v18 =	vmul.f32 v6, v6;
	_ =	sdelay $0x1  }
0xd6: {  	v58 =	vld [tilespmem:$0x1FB50];
	v5 =	vadd.f32 v61, v5;
	v2 =	vadd.f32 v18, v2;
	v18 =	vmul.f32 v40, v27  }
0xd7: {  	v1 =	vadd.f32 v48, v1;
	v48 =	vld [tilespmem:$0x1FBC0]  }
0xd8: {  	v5 =	vadd.f32 v18, v5;
	v18 =	vmul.f32 v8, v29;
	v44 =	vmul.f32 v37, v8;
	v8 =	vld [tilespmem:$0x1FBD0];
	_ =	sdelay $0x2  }
0xd9: {  	v43 =	vld [tilespmem:$0x1FBB0];
	v55 =	vmul.f32 v60, v60  }
0xda: {  	v23 =	vmul.f32 v58, v10;
	v7 =	vadd.f32 v53, v7;
	v53 =	vmul.f32 v19, v13;
	v10 =	vld.idx.msk [tilespmem:v59+s23+$0x0], $0xffff  }
0xdb: {  	v51 =	vmul.f32 v48, v13;
	v8 =	vmul.f32 v8, v13;
	v13 =	vld [tilespmem:$0x1FBE0]  }
0xdc: {  	v0 =	vadd.f32 v55, v0;
	v55 =	vld.idx.msk [tilespmem:v63+s23+$0x0], $0xffff  }
0xdd: {  	v7 =	vadd.f32 v23, v7  }
0xde: {  	v42 =	vld [tilespmem:$0x1FBA0];
	v1 =	vadd.f32 v56, v1  }
0xdf: {  	v54 =	vld.idx.msk [tilespmem:v59+s25+$0x0], $0xffff;
	v15 =	vadd.f32 v30, v15;
	v7 =	vadd.f32 v17, v7;
	v17 =	vmul.f32 v10, v10  }
0xe0: {  	v1 =	vadd.f32 v35, v1;
	v35 =	vld.idx.msk [tilespmem:v63+s25+$0x0], $0xffff  }
0xe1: {  	v61 =	vld [tilespmem:$0x1FC10];
	v2 =	vadd.f32 v17, v2;
	v15 =	vadd.f32 v18, v15;
	v18 =	vmul.f32 v55, v55  }
0xe2: {  	v17 =	vld.idx.msk [tilespmem:v43+s23+$0x0], $0xffff  }
0xe3: {  	v2 =	vadd.f32 v18, v2;
	v18 =	vld.idx.msk [tilespmem:v13+s23+$0x0], $0xffff  }
0xe4: {  	v22 =	vmul.f32 v42, v29;
	v5 =	vadd.f32 v44, v5;
	v44 =	vld.idx.msk [tilespmem:v13+s25+$0x0], $0xffff  }
0xe5: {  	v25 =	vmul.f32 v57, v57;
	v13 =	vld [tilespmem:$0x1FBF0]  }
0xe6: {  	v19 =	vmul.f32 v19, v48;
	v7 =	vadd.f32 v22, v7  }
0xe7: {  	v0 =	vadd.f32 v25, v0;
	v36 =	vmul.f32 v54, v54;
	v40 =	vmul.f32 v37, v29;
	v29 =	vld.idx.msk [tilespmem:v43+s25+$0x0], $0xffff  }
0xe8: {  	v5 =	vadd.f32 v19, v5;
	v19 =	vld [tilespmem:$0x1FC00];
	v7 =	vadd.f32 v8, v7;
	v8 =	vmul.f32 v17, v17  }
0xe9: {  	v59 =	vmul.f32 v28, v12;
	v0 =	vadd.f32 v36, v0  }
0xea: {  	v45 =	vmul.f32 v35, v35;
	v2 =	vadd.f32 v8, v2;
	v8 =	vmul.f32 v28, v13;
	v28 =	vld [tilespmem:$0x1FC40]  }
0xeb: {  	v58 =	vmul.f32 v13, v12;
	v13 =	vld [tilespmem:$0x1FC20]  }
0xec: {  	v27 =	vld [tilespmem:$0x1FC30];
	v0 =	vadd.f32 v45, v0;
	v56 =	vmul.f32 v29, v29  }
0xed: {  	v43 =	vld.idx.msk [tilespmem:v61+s25+$0x0], $0xffff;
	v12 =	vmul.f32 v19, v12  }
0xee: {  	v25 =	vmul.f32 v38, v4;
	v15 =	vadd.f32 v51, v15;
	v0 =	vadd.f32 v56, v0  }
0xef: {  	v30 =	vld [tilespmem:$0x1FC50];
	v63 =	vmul.f32 v44, v44;
	v7 =	vadd.f32 v12, v7;
	v12 =	vmul.f32 v18, v18  }
0xf0: {  	v19 =	vld.idx.msk [tilespmem:v61+s23+$0x0], $0xffff;
	v15 =	vadd.f32 v58, v15;
	v5 =	vadd.f32 v8, v5;
	v8 =	vmul.f32 v13, v4  }
0xf1: {  	v0 =	vadd.f32 v63, v0;
	v2 =	vadd.f32 v12, v2;
	v12 =	vmul.f32 v38, v13;
	v13 =	vld [tilespmem:$0x1FC60]  }
0xf2: {  	v4 =	vmul.f32 v27, v4;
	v8 =	vadd.f32 v8, v15;
	v15 =	vmul.f32 v43, v43;
	v20 =	vld.idx.msk [tilespmem:v28+s23+$0x0], $0xffff  }
0xf3: {  	v21 =	vld.idx.msk [tilespmem:v28+s25+$0x0], $0xffff  }
0xf4: {  	v4 =	vadd.f32 v4, v7;
	v0 =	vadd.f32 v15, v0;
	v15 =	vld [tilespmem:$0x1FC70]  }
0xf5: {  	v7 =	vmul.f32 v19, v19;
	v5 =	vadd.f32 v12, v5;
	v12 =	vmul.f32 v30, v16  }
0xf6: {  	v1 =	vadd.f32 v40, v1;
	v13 =	vmul.f32 v13, v16  }
0xf7: {  	v2 =	vadd.f32 v7, v2;
	v8 =	vadd.f32 v12, v8  }
0xf8: {  	v4 =	vadd.f32 v13, v4;
	v12 =	vmul.f32 v20, v20;
	v13 =	vmul.f32 v21, v21  }
0xf9: {  	v42 =	vld [tilespmem:$0x1FC80];
	v1 =	vadd.f32 v53, v1  }
0xfa: {  	v2 =	vadd.f32 v12, v2;
	v12 =	vadd.f32 v13, v0;
	v13 =	vld [tilespmem:$0x1FCA0]  }
0xfb: {  	v45 =	vld [tilespmem:$0x1FCB0];
	v1 =	vadd.f32 v59, v1  }
0xfc: {  	v7 =	vmul.f32 v49, v30;
	v23 =	vld.idx.msk [tilespmem:v15+s25+$0x0], $0xffff  }
0xfd: {  	v40 =	vmul.f32 v49, v16;
	v1 =	vadd.f32 v25, v1;
	v16 =	vld [tilespmem:$0x1FC90]  }
0xfe: {  	v49 =	vld [tilespmem:$0x1FCD0];
	v5 =	vadd.f32 v7, v5;
	v7 =	vmul.f32 v42, v24  }
0xff: {  	v1 =	vadd.f32 v40, v1;
	v38 =	vld.idx.msk [tilespmem:v15+s23+$0x0], $0xffff;
	v15 =	vmul.f32 v3, v24  }
0x100: {  	v51 =	vld [tilespmem:$0x1FCE0];
	v7 =	vadd.f32 v7, v8  }
0x101: {  	v58 =	vld [tilespmem:$0x1FD00];
	v3 =	vmul.f32 v3, v42;
	v8 =	vadd.f32 v15, v1;
	v15 =	vmul.f32 v23, v23  }
0x102: {  	v16 =	vmul.f32 v16, v24;
	v1 =	vld.idx.msk [tilespmem:v13+s25+$0x0], $0xffff  }
0x103: {  	v48 =	vld [tilespmem:$0x1FCC0];
	v3 =	vadd.f32 v3, v5;
	v12 =	vadd.f32 v15, v12;
	v15 =	vmul.f32 v26, v45  }
0x104: {  	v5 =	vmul.f32 v45, v9;
	v0 =	vld.idx.msk [tilespmem:v13+s23+$0x0], $0xffff  }
0x105: {  	v13 =	vadd.f32 v16, v4;
	v16 =	vmul.f32 v26, v9;
	v15 =	vadd.f32 v15, v3;
	v3 =	vld [tilespmem:$0x1FCF0]  }
0x106: {  	v53 =	vmul.f32 v51, v11  }
0x107: {  	v7 =	vadd.f32 v5, v7;
	v5 =	vld.idx.msk [tilespmem:v49+s25+$0x0], $0xffff;
	v8 =	vadd.f32 v16, v8;
	v16 =	vmul.f32 v1, v1  }
0x108: {  	v37 =	vld [tilespmem:$0x1FD50];
	v9 =	vmul.f32 v48, v9  }
0x109: {  	v12 =	vadd.f32 v16, v12;
	v16 =	vadd.f32 v53, v7;
	v7 =	vld.idx.msk [tilespmem:v58+s25+$0x0], $0xffff  }
0x10a: {  	v56 =	vmul.f32 v31, v11;
	v61 =	vld [tilespmem:$0x1FD10];
	v9 =	vadd.f32 v9, v13;
	v11 =	vmul.f32 v3, v11  }
0x10b: {  	v28 =	vld [tilespmem:$0x1FD20];
	v4 =	vmul.f32 v38, v38  }
0x10c: {  	v48 =	vld [tilespmem:$0x1FD70];
	v11 =	vadd.f32 v11, v9;
	v9 =	vmul.f32 v5, v5  }
0x10d: {  	v2 =	vadd.f32 v4, v2;
	v4 =	vld.idx.msk [tilespmem:v49+s23+$0x0], $0xffff  }
0x10e: {  	v12 =	vadd.f32 v9, v12;
	v9 =	vld [tilespmem:$0x1FD30];
	v30 =	vmul.f32 v7, v7  }
0x10f: {  	v26 =	vmul.f32 v37, v32;
	v37 =	vld [tilespmem:$0x1FDC0]  }
0x110: {  	v13 =	vmul.f32 v0, v0;
	v22 =	vadd.f32 v30, v12;
	v12 =	vld [tilespmem:$0x1FD60]  }
0x111: {  	v3 =	vld.idx.msk [tilespmem:v58+s23+$0x0], $0xffff  }
0x112: {  	v2 =	vadd.f32 v13, v2;
	v13 =	vmul.f32 v31, v51;
	v31 =	vld [tilespmem:$0x1FD40]  }
0x113: {  	v63 =	vmul.f32 v33, v14;
	v59 =	vadd.f32 v56, v8;
	v8 =	vmul.f32 v4, v4;
	v51 =	vld [tilespmem:$0x1FD80]  }
0x114: {  	v53 =	vld [tilespmem:$0x1FD90];
	v13 =	vadd.f32 v13, v15;
	v15 =	vmul.f32 v61, v14;
	v14 =	vmul.f32 v28, v14  }
0x115: {  	v25 =	vmul.f32 v33, v61;
	v61 =	vld [tilespmem:$0x1FDA0]  }
0x116: {  	v2 =	vadd.f32 v8, v2;
	v14 =	vadd.f32 v14, v11;
	v11 =	vmul.f32 v3, v3;
	v8 =	vld.idx.msk [tilespmem:v9+s23+$0x0], $0xffff  }
0x117: {  	v36 =	vmul.f32 v39, v32;
	v49 =	vmul.f32 v41, v34;
	v9 =	vld.idx.msk [tilespmem:v9+s25+$0x0], $0xffff  }
0x118: {  	v56 =	vmul.f32 v41, v48;
	v15 =	vadd.f32 v15, v16;
	v2 =	vadd.f32 v11, v2;
	v11 =	vld.idx.msk [tilespmem:v12+s23+$0x0], $0xffff  }
0x119: {  	v16 =	vadd.f32 v63, v59;
	v13 =	vadd.f32 v25, v13;
	v27 =	vmul.f32 v39, v31;
	v12 =	vld.idx.msk [tilespmem:v12+s25+$0x0], $0xffff  }
0x11a: {  	v33 =	vmul.f32 v31, v32;
	v28 =	vmul.f32 v51, v34  }
0x11b: {  	v16 =	vadd.f32 v36, v16;
	v45 =	vadd.f32 v27, v13;
	v13 =	vmul.f32 v48, v34;
	v34 =	vld [tilespmem:$0x1FDB0]  }
0x11c: {  	v41 =	vld [tilespmem:$0x1FDD0];
	v40 =	vmul.f32 v8, v8;
	v42 =	vmul.f32 v9, v9  }
0x11d: {  	v14 =	vadd.f32 v26, v14;
	v63 =	vmul.f32 v61, v62;
	v16 =	vadd.f32 v49, v16;
	v49 =	vld [tilespmem:$0x1FDE0]  }
0x11e: {  	v24 =	vadd.f32 v40, v2;
	v22 =	vadd.f32 v42, v22;
	v2 =	vld.idx.msk [tilespmem:v53+s23+$0x0], $0xffff;
	v59 =	vmul.f32 v12, v12  }
0x11f: {  	v15 =	vadd.f32 v33, v15;
	v33 =	vmul.f32 v60, v62;
	v36 =	vmul.f32 v60, v61  }
0x120: {  	v14 =	vadd.f32 v28, v14;
	v31 =	vmul.f32 v34, v62;
	v22 =	vadd.f32 v59, v22;
	v59 =	vld.idx.msk [tilespmem:v37+s23+$0x0], $0xffff  }
0x121: {  	v15 =	vadd.f32 v13, v15;
	v25 =	vadd.f32 v56, v45;
	v58 =	vmul.f32 v11, v11  }
0x122: {  	v45 =	vmul.f32 v57, v6;
	v14 =	vadd.f32 v31, v14;
	v42 =	vmul.f32 v41, v6  }
0x123: {  	v60 =	vld [tilespmem:$0x1FE00];
	v6 =	vmul.f32 v49, v6;
	v24 =	vadd.f32 v58, v24;
	v39 =	vmul.f32 v2, v2  }
0x124: {  	v13 =	vld.idx.msk [tilespmem:v53+s25+$0x0], $0xffff;
	v15 =	vadd.f32 v63, v15  }
0x125: {  	v53 =	vld [tilespmem:$0x1FDF0];
	v14 =	vadd.f32 v6, v14;
	v24 =	vadd.f32 v39, v24;
	v6 =	vmul.f32 v59, v59;
	_ =	sdelay $0x1  }
0x126: {  	v15 =	vadd.f32 v42, v15;
	v42 =	vadd.f32 v6, v24;
	v6 =	vld [tilespmem:$0x1FE10];
	_ =	sdelay $0x1  }
0x127: {  	v58 =	vmul.f32 v54, v10  }
0x128: {  	v56 =	vmul.f32 v53, v10;
	v10 =	vmul.f32 v60, v10;
	_ =	sdelay $0x1  }
0x129: {  	v10 =	vadd.f32 v10, v14;
	v14 =	vmul.f32 v6, v55;
	v30 =	vmul.f32 v35, v6;
	v6 =	vld [tilespmem:$0x1FE30];
	_ =	sdelay $0x3  }
0x12a: {  	v63 =	vmul.f32 v35, v55  }
0x12b: {  	v31 =	vmul.f32 v6, v17;
	v35 =	vmul.f32 v29, v6;
	v6 =	vld [tilespmem:$0x1FE50]  }
0x12c: {  	v51 =	vmul.f32 v57, v41;
	v48 =	vld.idx.msk [tilespmem:v37+s25+$0x0], $0xffff;
	v25 =	vadd.f32 v36, v25  }
0x12d: {  	v28 =	vld [tilespmem:$0x1FE20];
	v16 =	vadd.f32 v33, v16  }
0x12e: {  	v25 =	vadd.f32 v51, v25;
	v51 =	vld [tilespmem:$0x1FE80]  }
0x12f: {  	v16 =	vadd.f32 v45, v16;
	v34 =	vld [tilespmem:$0x1FE40];
	v40 =	vmul.f32 v13, v13  }
0x130: {  	v39 =	vmul.f32 v6, v18;
	v41 =	vmul.f32 v44, v6;
	v6 =	vld [tilespmem:$0x1FE70]  }
0x131: {  	v33 =	vmul.f32 v29, v17;
	v22 =	vadd.f32 v40, v22;
	v16 =	vadd.f32 v58, v16;
	v40 =	vld [tilespmem:$0x1FE60]  }
0x132: {  	v57 =	vmul.f32 v48, v48;
	v26 =	vmul.f32 v28, v55  }
0x133: {  	v28 =	vmul.f32 v51, v19;
	v62 =	vmul.f32 v54, v53;
	v16 =	vadd.f32 v63, v16  }
0x134: {  	v61 =	vadd.f32 v56, v15;
	v15 =	vadd.f32 v57, v22;
	v55 =	vld [tilespmem:$0x1FEA0];
	v17 =	vmul.f32 v34, v17  }
0x135: {  	v10 =	vadd.f32 v26, v10;
	v49 =	vmul.f32 v6, v19;
	v53 =	vmul.f32 v43, v6;
	v6 =	vld [tilespmem:$0x1FE90]  }
0x136: {  	v27 =	vmul.f32 v40, v18;
	v36 =	vmax.f32 v42, $1.000000020e-24;
	v14 =	vadd.f32 v14, v61  }
0x137: {  	v22 =	vmul.f32 $5.000000000e-01, v36;
	v10 =	vadd.f32 v17, v10;
	v17 =	vshrl.u32 v36, $0x1  }
0x138: {  	v25 =	vadd.f32 v62, v25;
	v14 =	vadd.f32 v31, v14;
	v17 =	vsub.s32 $0x5F3759DF, v17  }
0x139: {  	v45 =	vmul.f32 v17, v22;
	v10 =	vadd.f32 v27, v10;
	v27 =	vmul.f32 v55, v20  }
0x13a: {  	v16 =	vadd.f32 v33, v16;
	v18 =	vmul.f32 v44, v18;
	v54 =	vmul.f32 v6, v20  }
0x13b: {  	v14 =	vadd.f32 v39, v14;
	v20 =	vmul.f32 v21, v20;
	v21 =	vmul.f32 v21, v6;
	v6 =	vld [tilespmem:$0x1FEB0]  }
0x13c: {  	v26 =	vmul.f32 v17, v45;
	v16 =	vadd.f32 v18, v16;
	v19 =	vmul.f32 v43, v19  }
0x13d: {  	v32 =	vadd.f32 v30, v25;
	v14 =	vadd.f32 v49, v14  }
0x13e: {  	v16 =	vadd.f32 v19, v16;
	v19 =	vsub.f32 $1.500000000e+00, v26  }
0x13f: {  	v24 =	vadd.f32 v35, v32  }
0x140: {  	v60 =	vld [tilespmem:$0x1FEE0];
	v17 =	vmul.f32 v17, v19;
	v14 =	vadd.f32 v54, v14;
	v19 =	vmul.f32 v6, v38  }
0x141: {  	v56 =	vld [tilespmem:$0x1FEC0];
	v24 =	vadd.f32 v41, v24  }
0x142: {  	v14 =	vadd.f32 v19, v14;
	v19 =	vmul.f32 v23, v6;
	v6 =	vld [tilespmem:$0x1FED0]  }
0x143: {  	v24 =	vadd.f32 v53, v24  }
0x144: {  	v37 =	vmax.f32 v15, $1.000000020e-24  }
0x145: {  	v25 =	vmul.f32 $5.000000000e-01, v37;
	v44 =	vshrl.u32 v37, $0x1;
	v21 =	vadd.f32 v21, v24  }
0x146: {  	v10 =	vadd.f32 v28, v10;
	v16 =	vadd.f32 v20, v16;
	v20 =	vmul.f32 v56, v38  }
0x147: {  	v63 =	vld [tilespmem:$0x1FF00];
	v19 =	vadd.f32 v19, v21;
	v21 =	vmul.f32 v60, v0;
	v58 =	vmul.f32 v6, v0  }
0x148: {  	v10 =	vadd.f32 v27, v10;
	v0 =	vmul.f32 v1, v0;
	v1 =	vmul.f32 v1, v6;
	v6 =	vld [tilespmem:$0x1FEF0]  }
0x149: {  	v57 =	vmul.f32 v23, v38;
	v29 =	vsub.s32 $0x5F3759DF, v44  }
0x14a: {  	v18 =	vmul.f32 v29, v25;
	v10 =	vadd.f32 v20, v10  }
0x14b: {  	v16 =	vadd.f32 v57, v16  }
0x14c: {  	v18 =	vmul.f32 v29, v18;
	v10 =	vadd.f32 v21, v10  }
0x14d: {  	v21 =	vmul.f32 v63, v4;
	v0 =	vadd.f32 v0, v16;
	v16 =	vmul.f32 v6, v4  }
0x14e: {  	v4 =	vmul.f32 v5, v4;
	v5 =	vmul.f32 v5, v6;
	v6 =	vld [tilespmem:$0x1FF10]  }
0x14f: {  	v61 =	vmul.f32 v17, v22  }
0x150: {  	v18 =	vsub.f32 $1.500000000e+00, v18  }
0x151: {  	v14 =	vadd.f32 v58, v14;
	v1 =	vadd.f32 v1, v19;
	v19 =	vmul.f32 v61, v17  }
0x152: {  	v18 =	vmul.f32 v29, v18  }
0x153: {  	v14 =	vadd.f32 v16, v14;
	v16 =	vsub.f32 $1.500000000e+00, v19;
	v19 =	vmul.f32 v6, v3  }
0x154: {  	v5 =	vadd.f32 v5, v1;
	v1 =	vmul.f32 v7, v3;
	v7 =	vmul.f32 v7, v6  }
0x155: {  	v62 =	vmul.f32 v18, v25;
	v14 =	vadd.f32 v19, v14;
	v19 =	vld [tilespmem:$0x1FF20]  }
0x156: {  	v5 =	vadd.f32 v7, v5;
	v7 =	vld [tilespmem:$0x1FF40]  }
0x157: {  	v0 =	vadd.f32 v4, v0;
	v4 =	vmul.f32 v62, v18;
	v6 =	vld [tilespmem:$0x1FF30];
	_ =	sdelay $0x1  }
0x158: {  	v4 =	vsub.f32 $1.500000000e+00, v4;
	v0 =	vadd.f32 v1, v0;
	v1 =	vmul.f32 v16, v17  }
0x159: {  	v10 =	vadd.f32 v21, v10;
	v16 =	vmul.f32 v9, v8;
	v19 =	vmul.f32 v19, v3  }
0x15a: {  	v34 =	vmul.f32 v4, v18;
	v7 =	vmul.f32 v7, v8  }
0x15b: {  	v4 =	vadd.f32 v19, v10;
	v10 =	vmul.f32 v6, v8;
	v8 =	vmul.f32 v46, v50;
	_ =	sdelay $0x1  }
0x15c: {  	v4 =	vadd.f32 v7, v4;
	v7 =	vmul.f32 v52, v8  }
0x15d: {  	v9 =	vmul.f32 v9, v6;
	v6 =	vimm.f32 $0.0e+00  }
0x15e: {  	v6 =	vadd.f32 v7, v6;
	_ =	sdelay $0x1  }
0x15f: {  	[tilespmem:$0x1FF60] =	vst v6;
	v6 =	vld [tilespmem:$0x1FF70];
	_ =	sdelay $0x1  }
0x160: {  	v0 =	vadd.f32 v16, v0;
	v16 =	vld [tilespmem:$0x1FF50];
	_ =	sdelay $0x2  }
0x161: {  	v7 =	vmul.f32 v6, v11;
	v6 =	vld [tilespmem:$0x1FF80];
	_ =	sdelay $0x1  }
0x162: {  	v5 =	vadd.f32 v9, v5;
	v9 =	vmul.f32 v16, v11;
	v11 =	vmul.f32 v12, v11;
	_ =	sdelay $0x1  }
0x163: {  	v10 =	vadd.f32 v10, v14;
	v0 =	vadd.f32 v11, v0;
	v11 =	vmul.f32 v13, v2  }
0x164: {  	v4 =	vadd.f32 v7, v4;
	v7 =	vmul.f32 v6, v2;
	v2 =	vmul.f32 v47, v2  }
0x165: {  	v51 =	vimm.f32 $0.0e+00;
	v8 =	vmul.f32 v1, v22;
	v14 =	vmul.f32 v34, v25  }
0x166: {  	v10 =	vadd.f32 v9, v10;
	v2 =	vadd.f32 v2, v4;
	v4 =	vimm.f32 $0.0e+00  }
0x167: {  	v8 =	vmul.f32 v8, v1;
	v9 =	vmul.f32 v14, v34;
	[tilespmem:$0x1FF90] =	vst v4;
	v4 =	vimm.f32 $0.0e+00  }
0x168: {  	v45 =	vimm.f32 $0.0e+00;
	v12 =	vmul.f32 v12, v16;
	[tilespmem:$0x1FFA0] =	vst v4;
	v4 =	vimm.f32 $0.0e+00  }
0x169: {  	v9 =	vsub.f32 $1.500000000e+00, v9;
	v16 =	vsub.f32 $1.500000000e+00, v8;
	[tilespmem:$0x1FFB0] =	vst v4;
	v4 =	vimm.f32 $0.0e+00  }
0x16a: {  	s0 =	simm.s32 $0x10;
	v5 =	vadd.f32 v12, v5;
	v12 =	vmul.f32 v13, v6;
	[tilespmem:$0x1FFC0] =	vst v4;
	v4 =	vimm.f32 $0.0e+00  }
0x16b: {  	v8 =	vmov s0;
	v17 =	vadd.f32 v7, v10;
	[tilespmem:$0x1FFD0] =	vst v4;
	v4 =	vimm.f32 $0.0e+00  }
0x16c: {  	s0 =	simm.s32 $0x20;
	v10 =	vadd.f32 v11, v0;
	v0 =	vshll.u32 v8, $0x5;
	v5 =	vadd.f32 v12, v5;
	[tilespmem:$0x1FFE0] =	vst v4  }
.LBB2_2:
0x16d: {  	v4 =	vld [tilespmem:$0x1FFF0]  }
0x16e: {  	v6 =	vld [tilespmem:$0x1FAE0];
	_ =	sdelay $0x2  }
0x16f: {  	v8 =	vld [tilespmem:$0x1FAF0];
	_ =	sdelay $0x1  }
0x170: {  	v7 =	vmul.f32 v48, v59;
	v3 =	vor.u32 v4, v0;
	v12 =	vmul.f32 v48, v6  }
0x171: {  	v13 =	vmul.f32 v9, v34;
	v1 =	vmul.f32 v16, v1  }
0x172: {  	v7 =	vadd.f32 v7, v10;
	v4 =	vmul.f32 v6, v59;
	v10 =	vadd.f32 v12, v5;
	v5 =	vld [tilespmem:$0x1FAC0]  }
0x173: {  	v11 =	vmul.f32 v8, v59;
	v6 =	vmul.f32 v1, v42;
	v8 =	vor.u32 $0x1, v3  }
0x174: {  	v9 =	vor.u32 $0x2, v3;
	v39 =	vor.u32 $0x3, v3;
	v4 =	vadd.f32 v4, v17  }
0x175: {  	v41 =	vor.u32 $0x4, v3;
	v2 =	vadd.f32 v11, v2;
	v12 =	vmul.f32 v13, v15;
	v37 =	vld.idx.msk [tilespmem:v3+s24+$0x0], $0xffff  }
0x176: {  	v63 =	vor.u32 $0x12, v3;
	v15 =	vmul.f32 v1, v7;
	v4 =	vmul.f32 v1, v4;
	v21 =	vld.idx.msk [tilespmem:v3+s26+$0x0], $0xffff  }
0x177: {  	v61 =	vor.u32 $0x16, v3;
	[tilespmem:$0x1F520] =	vst v63;
	v2 =	vmul.f32 v1, v2;
	v11 =	vmul.f32 v46, v5;
	v5 =	vld [tilespmem:$0x1FAD0]  }
0x178: {  	v57 =	vor.u32 $0x18, v3;
	[tilespmem:$0x1F580] =	vst v61;
	v1 =	vmul.f32 v6, v1;
	v0 =	vmul.f32 v12, v13;
	v18 =	vld.idx.msk [tilespmem:v8+s24+$0x0], $0xffff  }
0x179: {  	[tilespmem:$0x1F5D0] =	vst v57;
	v32 =	vld.idx.msk [tilespmem:v9+s24+$0x0], $0xffff  }
0x17a: {  	v43 =	vor.u32 $0x5, v3;
	v38 =	vld.idx.msk [tilespmem:v8+s26+$0x0], $0xffff;
	[tilespmem:$0x1F500] =	vst v0;
	v45 =	vadd.f32 v1, v45;
	v0 =	vor.u32 $0x1F, v3  }
0x17b: {  	v31 =	vld.idx.msk [tilespmem:v39+s24+$0x0], $0xffff;
	[tilespmem:$0x1F6B0] =	vst v0  }
0x17c: {  	v33 =	vor.u32 $0x7, v3;
	v34 =	vld.idx.msk [tilespmem:v9+s26+$0x0], $0xffff;
	v0 =	vor.u32 $0x1E, v3;
	[tilespmem:$0x1F8A0] =	vst v45;
	v14 =	vmul.f32 v52, v5  }
0x17d: {  	v54 =	vor.u32 $0x8, v3;
	v44 =	vld.idx.msk [tilespmem:v41+s24+$0x0], $0xffff;
	[tilespmem:$0x1F690] =	vst v0;
	v0 =	vor.u32 $0x1D, v3  }
0x17e: {  	v36 =	vld.idx.msk [tilespmem:v39+s26+$0x0], $0xffff;
	[tilespmem:$0x1F670] =	vst v0;
	v1 =	vmul.f32 v14, v52  }
0x17f: {  	v47 =	vor.u32 $0x9, v3;
	v42 =	vld.idx.msk [tilespmem:v43+s24+$0x0], $0xffff;
	[tilespmem:$0x1F590] =	vst v37  }
0x180: {  	v59 =	vld.idx.msk [tilespmem:v43+s26+$0x0], $0xffff;
	[tilespmem:$0x1F510] =	vst v1;
	v1 =	vmul.f32 v46, v4  }
0x181: {  	v53 =	vor.u32 $0xC, v3;
	v25 =	vld.idx.msk [tilespmem:v33+s24+$0x0], $0xffff;
	[tilespmem:$0x1F5B0] =	vst v21  }
0x182: {  	v56 =	vor.u32 $0xE, v3;
	v24 =	vld.idx.msk [tilespmem:v54+s24+$0x0], $0xffff;
	v0 =	vor.u32 $0x1C, v3;
	[tilespmem:$0x1F530] =	vst v1;
	v1 =	vmul.f32 v13, v15  }
0x183: {  	v55 =	vor.u32 $0xD, v3;
	v50 =	vld.idx.msk [tilespmem:v33+s26+$0x0], $0xffff;
	[tilespmem:$0x1F650] =	vst v0  }
0x184: {  	v7 =	vor.u32 $0x6, v3;
	v10 =	vmul.f32 v46, v10;
	v26 =	vld.idx.msk [tilespmem:v47+s24+$0x0], $0xffff;
	[tilespmem:$0x1F550] =	vst v1;
	v1 =	vmul.f32 v52, v2  }
0x185: {  	v40 =	vld.idx.msk [tilespmem:v54+s26+$0x0], $0xffff;
	[tilespmem:$0x1F5E0] =	vst v18  }
0x186: {  	v17 =	vld.idx.msk [tilespmem:v53+s26+$0x0], $0xffff;
	[tilespmem:$0x1F570] =	vst v1;
	v1 =	vmul.f32 v13, v10  }
0x187: {  	v16 =	vld.idx.msk [tilespmem:v56+s24+$0x0], $0xffff;
	v11 =	vmul.f32 v11, v46;
	[tilespmem:$0x1F600] =	vst v38  }
0x188: {  	v19 =	vld.idx.msk [tilespmem:v55+s26+$0x0], $0xffff;
	v2 =	vmul.f32 v18, v18;
	[tilespmem:$0x1F5A0] =	vst v1;
	v1 =	vmul.f32 v37, v37  }
0x189: {  	v45 =	vld.idx.msk [tilespmem:v7+s24+$0x0], $0xffff;
	v51 =	vadd.f32 v11, v51;
	v11 =	vmul.f32 v32, v32;
	[tilespmem:$0x1F620] =	vst v32  }
0x18a: {  	[tilespmem:$0x1F660] =	vst v31;
	v4 =	vmul.f32 v21, v21;
	v1 =	vadd.f32 v2, v1;
	v2 =	vmul.f32 v38, v38  }
0x18b: {  	v49 =	vor.u32 $0xA, v3;
	v12 =	vmul.f32 v31, v31;
	[tilespmem:$0x1F640] =	vst v34;
	v46 =	vld.idx.msk [tilespmem:v41+s26+$0x0], $0xffff  }
0x18c: {  	[tilespmem:$0x1F6A0] =	vst v44;
	v2 =	vadd.f32 v2, v4;
	v1 =	vadd.f32 v11, v1;
	v4 =	vmul.f32 v34, v34  }
0x18d: {  	v20 =	vld.idx.msk [tilespmem:v56+s26+$0x0], $0xffff;
	v0 =	vor.u32 $0x1B, v3;
	[tilespmem:$0x1F680] =	vst v36;
	v11 =	vmul.f32 v44, v44  }
0x18e: {  	[tilespmem:$0x1F630] =	vst v0;
	v2 =	vadd.f32 v4, v2;
	v1 =	vadd.f32 v12, v1;
	v4 =	vmul.f32 v36, v36  }
0x18f: {  	v48 =	vld.idx.msk [tilespmem:v7+s26+$0x0], $0xffff;
	[tilespmem:$0x1F6E0] =	vst v59;
	v12 =	vmul.f32 v42, v42  }
0x190: {  	[tilespmem:$0x1F750] =	vst v24;
	v2 =	vadd.f32 v4, v2;
	v1 =	vadd.f32 v11, v1;
	v4 =	vmul.f32 v46, v46  }
0x191: {  	v27 =	vld.idx.msk [tilespmem:v49+s24+$0x0], $0xffff;
	[tilespmem:$0x1F950] =	vst v51;
	v51 =	vor.u32 $0xB, v3;
	v11 =	vmul.f32 v45, v45  }
0x192: {  	[tilespmem:$0x1F830] =	vst v17;
	v2 =	vadd.f32 v4, v2;
	v1 =	vadd.f32 v12, v1;
	v4 =	vmul.f32 v59, v59  }
0x193: {  	v35 =	vld.idx.msk [tilespmem:v47+s26+$0x0], $0xffff;
	[tilespmem:$0x1F860] =	vst v16;
	v12 =	vmul.f32 v25, v25  }
0x194: {  	[tilespmem:$0x1F850] =	vst v19;
	v2 =	vadd.f32 v4, v2;
	v1 =	vadd.f32 v11, v1;
	v4 =	vmul.f32 v48, v48  }
0x195: {  	v58 =	vor.u32 $0xF, v3;
	v29 =	vld.idx.msk [tilespmem:v49+s26+$0x0], $0xffff;
	v0 =	vor.u32 $0x1A, v3;
	[tilespmem:$0x1F870] =	vst v20;
	v11 =	vmul.f32 v24, v24  }
0x196: {  	v28 =	vld.idx.msk [tilespmem:v51+s24+$0x0], $0xffff;
	v2 =	vadd.f32 v4, v2;
	v1 =	vadd.f32 v12, v1;
	v4 =	vmul.f32 v50, v50  }
0x197: {  	v60 =	vor.u32 $0x11, v3;
	v23 =	vld.idx.msk [tilespmem:v53+s24+$0x0], $0xffff;
	[tilespmem:$0x1F610] =	vst v0;
	v12 =	vmul.f32 v26, v26  }
0x198: {  	v14 =	vld.idx.msk [tilespmem:v55+s24+$0x0], $0xffff;
	v2 =	vadd.f32 v4, v2;
	v1 =	vadd.f32 v11, v1;
	v4 =	vmul.f32 v40, v40  }
0x199: {  	v22 =	vmovc v18;
	v0 =	vor.u32 $0x19, v3;
	[tilespmem:$0x1F710] =	vst v48;
	v30 =	vld.idx.msk [tilespmem:v51+s26+$0x0], $0xffff;
	v52 =	vor.u32 $0x10, v3;
	v11 =	vmul.f32 v27, v27  }
0x19a: {  	v18 =	vld.idx.msk [tilespmem:v58+s26+$0x0], $0xffff;
	v2 =	vadd.f32 v4, v2;
	v1 =	vadd.f32 v12, v1;
	v4 =	vmul.f32 v35, v35  }
0x19b: {  	v62 =	vor.u32 $0x13, v3;
	[tilespmem:$0x1F5F0] =	vst v0;
	v0 =	vor.u32 $0x14, v3;
	v10 =	vld.idx.msk [tilespmem:v58+s24+$0x0], $0xffff;
	v12 =	vmul.f32 v28, v28  }
0x19c: {  	[tilespmem:$0x1F540] =	vst v0;
	v2 =	vadd.f32 v4, v2;
	v1 =	vadd.f32 v11, v1;
	v4 =	vmul.f32 v29, v29  }
0x19d: {  	v5 =	vor.u32 $0x15, v3;
	[tilespmem:$0x1F840] =	vst v14;
	v13 =	vmul.f32 v14, v14;
	v11 =	vmul.f32 v23, v23  }
0x19e: {  	[tilespmem:$0x1F6C0] =	vst v46;
	v2 =	vadd.f32 v4, v2;
	v1 =	vadd.f32 v12, v1;
	v4 =	vmul.f32 v30, v30  }
0x19f: {  	v15 =	vld.idx.msk [tilespmem:v52+s24+$0x0], $0xffff;
	[tilespmem:$0x1F890] =	vst v18;
	v12 =	vmul.f32 v21, v37;
	v21 =	vmov v14;
	v14 =	vmul.f32 v16, v16  }
0x1a0: {  	[tilespmem:$0x1F880] =	vst v10;
	v2 =	vadd.f32 v4, v2;
	v1 =	vadd.f32 v11, v1;
	v4 =	vmul.f32 v17, v17  }
0x1a1: {  	v37 =	vmovc v17;
	v11 =	vadd.f32 $0.0e+00, v12;
	v12 =	vmul.f32 v38, v22;
	v22 =	vmovc v16;
	v17 =	vld.idx.msk [tilespmem:v60+s24+$0x0], $0xffff;
	v38 =	vmov v19  }
0x1a2: {  	v16 =	vld.idx.msk [tilespmem:v63+s24+$0x0], $0xffff;
	v2 =	vadd.f32 v4, v2;
	v1 =	vadd.f32 v13, v1;
	v4 =	vmul.f32 v19, v19  }
0x1a3: {  	v19 =	vld.idx.msk [tilespmem:v52+s26+$0x0], $0xffff;
	v11 =	vadd.f32 v12, v11;
	v12 =	vmul.f32 v34, v32;
	v13 =	vmul.f32 v10, v10  }
0x1a4: {  	v32 =	vmovc v10;
	v2 =	vadd.f32 v4, v2;
	v1 =	vadd.f32 v14, v1;
	v4 =	vmul.f32 v20, v20  }
0x1a5: {  	v10 =	vld.idx.msk [tilespmem:v60+s26+$0x0], $0xffff;
	v11 =	vadd.f32 v12, v11;
	v12 =	vmul.f32 v36, v31;
	v14 =	vmul.f32 v15, v15  }
0x1a6: {  	v34 =	vmovc v20;
	v36 =	vmov v18;
	v20 =	vld.idx.msk [tilespmem:v62+s26+$0x0], $0xffff;
	v2 =	vadd.f32 v4, v2;
	v4 =	vmul.f32 v18, v18  }
0x1a7: {  	v1 =	vadd.f32 v13, v1;
	v18 =	vld.idx.msk [tilespmem:v63+s26+$0x0], $0xffff;
	v11 =	vadd.f32 v12, v11;
	v13 =	vmul.f32 v17, v17  }
0x1a8: {  	[tilespmem:$0x1F8D0] =	vst v17;
	v63 =	vmov v17;
	v17 =	vld.idx.msk [tilespmem:v0+s24+$0x0], $0xffff;
	v2 =	vadd.f32 v4, v2;
	v4 =	vmul.f32 v19, v19  }
0x1a9: {  	v12 =	vmul.f32 v46, v44;
	v46 =	vmov v19;
	[tilespmem:$0x1F8C0] =	vst v19;
	v19 =	vld.idx.msk [tilespmem:v0+s26+$0x0], $0xffff;
	v0 =	vmov v61  }
0x1aa: {  	[tilespmem:$0x1F8B0] =	vst v15;
	v31 =	vmov v15;
	v15 =	vld.idx.msk [tilespmem:v62+s24+$0x0], $0xffff;
	v2 =	vadd.f32 v4, v2;
	v4 =	vmul.f32 v10, v10  }
0x1ab: {  	[tilespmem:$0x1F8F0] =	vst v16  }
0x1ac: {  	v44 =	vmovc v16;
	v1 =	vadd.f32 v14, v1;
	v2 =	vadd.f32 v4, v2;
	v4 =	vmul.f32 v18, v18  }
0x1ad: {  	v11 =	vadd.f32 v12, v11;
	v12 =	vmul.f32 v59, v42;
	v14 =	vmul.f32 v16, v16;
	v16 =	vld.idx.msk [tilespmem:v5+s24+$0x0], $0xffff  }
0x1ae: {  	v59 =	vmov v20;
	[tilespmem:$0x1F920] =	vst v20;
	v2 =	vadd.f32 v4, v2;
	v4 =	vmul.f32 v20, v20;
	v20 =	vld.idx.msk [tilespmem:v0+s26+$0x0], $0xffff  }
0x1af: {  	[tilespmem:$0x1F910] =	vst v15;
	v1 =	vadd.f32 v13, v1;
	v11 =	vadd.f32 v12, v11;
	v12 =	vmul.f32 v48, v45;
	v0 =	vld [tilespmem:$0x1F5F0]  }
0x1b0: {  	v13 =	vmul.f32 v15, v15;
	v48 =	vmov v15;
	v15 =	vld.idx.msk [tilespmem:v61+s24+$0x0], $0xffff;
	v61 =	vmov v18;
	[tilespmem:$0x1F900] =	vst v18  }
0x1b1: {  	v1 =	vadd.f32 v14, v1;
	v18 =	vld.idx.msk [tilespmem:v5+s26+$0x0], $0xffff;
	v11 =	vadd.f32 v12, v11;
	v12 =	vmul.f32 v50, v25  }
0x1b2: {  	v6 =	vor.u32 $0x17, v3;
	[tilespmem:$0x1F780] =	vst v26;
	v14 =	vmul.f32 v17, v17  }
0x1b3: {  	[tilespmem:$0x1F770] =	vst v40;
	v1 =	vadd.f32 v13, v1;
	v11 =	vadd.f32 v12, v11;
	v12 =	vmul.f32 v40, v24  }
0x1b4: {  	[tilespmem:$0x1F560] =	vst v5;
	v5 =	vld [tilespmem:$0x1F610];
	v13 =	vmul.f32 v16, v16;
	v2 =	vadd.f32 v4, v2;
	v4 =	vmul.f32 v19, v19  }
0x1b5: {  	[tilespmem:$0x1F960] =	vst v16;
	v24 =	vmov v16;
	v16 =	vld.idx.msk [tilespmem:v57+s24+$0x0], $0xffff;
	v1 =	vadd.f32 v14, v1;
	v11 =	vadd.f32 v12, v11  }
0x1b6: {  	v40 =	vmov v18;
	[tilespmem:$0x1F970] =	vst v18;
	v2 =	vadd.f32 v4, v2;
	v4 =	vmul.f32 v18, v18;
	v18 =	vld.idx.msk [tilespmem:v57+s26+$0x0], $0xffff  }
0x1b7: {  	[tilespmem:$0x1F990] =	vst v15;
	v12 =	vmul.f32 v35, v26;
	v14 =	vmul.f32 v15, v15;
	v26 =	vmov v15;
	v15 =	vld.idx.msk [tilespmem:v0+s24+$0x0], $0xffff  }
0x1b8: {  	[tilespmem:$0x1F6D0] =	vst v42;
	v57 =	vld.idx.msk [tilespmem:v0+s26+$0x0], $0xffff  }
0x1b9: {  	[tilespmem:$0x1F720] =	vst v25;
	v0 =	vld [tilespmem:$0x1F630]  }
0x1ba: {  	[tilespmem:$0x1F790] =	vst v35  }
0x1bb: {  	[tilespmem:$0x1F8E0] =	vst v10;
	v42 =	vmov v10;
	v10 =	vld.idx.msk [tilespmem:v6+s26+$0x0], $0xffff  }
0x1bc: {  	[tilespmem:$0x1F6F0] =	vst v45;
	v11 =	vadd.f32 v12, v11;
	v12 =	vmul.f32 v29, v27  }
0x1bd: {  	[tilespmem:$0x1F800] =	vst v30;
	v45 =	vld.idx.msk [tilespmem:v5+s24+$0x0], $0xffff;
	v2 =	vadd.f32 v4, v2  }
0x1be: {  	v4 =	vmul.f32 v20, v20;
	v11 =	vadd.f32 v12, v11;
	v12 =	vmul.f32 v30, v28;
	v30 =	vld.idx.msk [tilespmem:v5+s26+$0x0], $0xffff  }
0x1bf: {  	[tilespmem:$0x1F7E0] =	vst v28;
	v1 =	vadd.f32 v13, v1;
	v5 =	vld [tilespmem:$0x1F650]  }
0x1c0: {  	[tilespmem:$0x1F930] =	vst v17;
	v25 =	vmov v17;
	v17 =	vld.idx.msk [tilespmem:v6+s24+$0x0], $0xffff;
	v2 =	vadd.f32 v4, v2;
	v4 =	vmul.f32 v10, v10  }
0x1c1: {  	v35 =	vmov v16;
	[tilespmem:$0x1F9D0] =	vst v16;
	v1 =	vadd.f32 v14, v1;
	v14 =	vmul.f32 v16, v16;
	v16 =	vld.idx.msk [tilespmem:v0+s24+$0x0], $0xffff  }
0x1c2: {  	v28 =	vmov v18;
	[tilespmem:$0x1F9E0] =	vst v18;
	v2 =	vadd.f32 v4, v2;
	v4 =	vmul.f32 v18, v18;
	v18 =	vld.idx.msk [tilespmem:v0+s26+$0x0], $0xffff  }
0x1c3: {  	v0 =	vld [tilespmem:$0x1F670];
	_ =	sdelay $0x1  }
0x1c4: {  	v13 =	vmul.f32 v17, v17  }
0x1c5: {  	v11 =	vadd.f32 v12, v11;
	v12 =	vmul.f32 v37, v23  }
0x1c6: {  	v1 =	vadd.f32 v13, v1;
	v13 =	vmul.f32 v15, v15;
	v37 =	vmov v15;
	[tilespmem:$0x1F9F0] =	vst v15;
	v15 =	vld.idx.msk [tilespmem:v5+s24+$0x0], $0xffff  }
0x1c7: {  	v11 =	vadd.f32 v12, v11;
	v12 =	vmul.f32 v38, v21;
	v21 =	vld.idx.msk [tilespmem:v5+s26+$0x0], $0xffff  }
0x1c8: {  	[tilespmem:$0x1F7C0] =	vst v29;
	v5 =	vld [tilespmem:$0x1F690]  }
0x1c9: {  	[tilespmem:$0x1F9B0] =	vst v17;
	v29 =	vmov v17;
	v1 =	vadd.f32 v14, v1;
	v2 =	vadd.f32 v4, v2  }
0x1ca: {  	v11 =	vadd.f32 v12, v11;
	v12 =	vmul.f32 v34, v22;
	v4 =	vmul.f32 v57, v57;
	v17 =	vld.idx.msk [tilespmem:v0+s24+$0x0], $0xffff  }
0x1cb: {  	v1 =	vadd.f32 v13, v1;
	v13 =	vmul.f32 v16, v16;
	v34 =	vmov v16;
	[tilespmem:$0x1FA40] =	vst v16;
	v16 =	vld.idx.msk [tilespmem:v0+s26+$0x0], $0xffff  }
0x1cc: {  	v11 =	vadd.f32 v12, v11;
	v12 =	vmul.f32 v36, v32;
	v0 =	vld [tilespmem:$0x1F6B0]  }
0x1cd: {  	[tilespmem:$0x1F7A0] =	vst v27;
	v38 =	vld.idx.msk [tilespmem:v8+s23+$0x0], $0xffff;
	v14 =	vmul.f32 v45, v45;
	v2 =	vadd.f32 v4, v2  }
0x1ce: {  	v4 =	vmul.f32 v30, v30;
	v11 =	vadd.f32 v12, v11;
	v12 =	vmul.f32 v46, v31;
	v46 =	vld.idx.msk [tilespmem:v8+s25+$0x0], $0xffff  }
0x1cf: {  	[tilespmem:$0x1F810] =	vst v23;
	v31 =	vld.idx.msk [tilespmem:v3+s23+$0x0], $0xffff;
	v1 =	vadd.f32 v14, v1  }
0x1d0: {  	v23 =	vmov v57;
	[tilespmem:$0x1FA00] =	vst v57;
	v4 =	vadd.f32 v4, v2;
	v8 =	vadd.f32 v12, v11;
	v57 =	vld.idx.msk [tilespmem:v5+s24+$0x0], $0xffff  }
0x1d1: {  	v11 =	vmul.f32 v42, v63;
	v42 =	vld.idx.msk [tilespmem:v3+s25+$0x0], $0xffff;
	v1 =	vadd.f32 v13, v1;
	v13 =	vmul.f32 v18, v18  }
0x1d2: {  	[tilespmem:$0x1F9A0] =	vst v20;
	v3 =	vld [tilespmem:$0x1F500];
	v14 =	vmul.f32 v15, v15  }
0x1d3: {  	v27 =	vmov v20;
	v36 =	vmov v15;
	[tilespmem:$0x1FA60] =	vst v15;
	v20 =	vld.idx.msk [tilespmem:v5+s26+$0x0], $0xffff;
	v4 =	vadd.f32 v13, v4  }
0x1d4: {  	v13 =	vadd.f32 v14, v1;
	v14 =	vmul.f32 v21, v21;
	v15 =	vmul.f32 v17, v17;
	v22 =	vld.idx.msk [tilespmem:v0+s24+$0x0], $0xffff  }
0x1d5: {  	v12 =	vmul.f32 v57, v57;
	v2 =	vld.idx.msk [tilespmem:v0+s26+$0x0], $0xffff  }
0x1d6: {  	v14 =	vadd.f32 v14, v4;
	v13 =	vadd.f32 v15, v13;
	v15 =	vmul.f32 v16, v16;
	v0 =	vld [tilespmem:$0x1FF90]  }
0x1d7: {  	v8 =	vadd.f32 v11, v8;
	v32 =	vmov v17;
	[tilespmem:$0x1FA80] =	vst v17;
	v17 =	vmul.f32 v61, v44  }
0x1d8: {  	[tilespmem:$0x1F740] =	vst v50;
	v14 =	vadd.f32 v15, v14;
	v12 =	vadd.f32 v12, v13;
	v13 =	vmul.f32 v20, v20  }
0x1d9: {  	v50 =	vmov v19;
	[tilespmem:$0x1F940] =	vst v19;
	v11 =	vld.idx.msk [tilespmem:v9+s23+$0x0], $0xffff;
	v19 =	vmul.f32 v22, v22  }
0x1da: {  	v44 =	vld.idx.msk [tilespmem:v9+s25+$0x0], $0xffff;
	v9 =	vmul.f32 v59, v48;
	v8 =	vadd.f32 v17, v8;
	v13 =	vadd.f32 v13, v14  }
0x1db: {  	v63 =	vld.idx.msk [tilespmem:v41+s23+$0x0], $0xffff;
	v0 =	vadd.f32 v3, v0;
	v1 =	vadd.f32 v19, v12;
	v12 =	vmul.f32 v2, v2  }
0x1dc: {  	v61 =	vld.idx.msk [tilespmem:v41+s25+$0x0], $0xffff;
	v41 =	vmul.f32 v31, v31;
	v17 =	vmul.f32 v46, v46;
	v8 =	vadd.f32 v9, v8  }
0x1dd: {  	v19 =	vmul.f32 v50, v25;
	[tilespmem:$0x1FF90] =	vst v0;
	v0 =	vadd.f32 v12, v13;
	v3 =	vmax.f32 v1, $1.000000020e-24  }
0x1de: {  	[tilespmem:$0x1FAB0] =	vst v20;
	v4 =	vmovc v20;
	v9 =	vmul.f32 v40, v24;
	v5 =	vshrl.u32 v3, $0x1;
	v20 =	vmul.f32 $5.000000000e-01, v3  }
0x1df: {  	v8 =	vadd.f32 v19, v8;
	v12 =	vsub.s32 $0x5F3759DF, v5;
	v5 =	vmax.f32 v0, $1.000000020e-24  }
0x1e0: {  	[tilespmem:$0x1F5C0] =	vst v6;
	v14 =	vld.idx.msk [tilespmem:v43+s23+$0x0], $0xffff;
	v6 =	vmul.f32 v12, v20;
	v13 =	vshrl.u32 v5, $0x1;
	v40 =	vmul.f32 $5.000000000e-01, v5  }
0x1e1: {  	v15 =	vmul.f32 v38, v38;
	v25 =	vmul.f32 v27, v26;
	v19 =	vld.idx.msk [tilespmem:v7+s23+$0x0], $0xffff;
	v13 =	vsub.s32 $0x5F3759DF, v13  }
0x1e2: {  	v3 =	vld.idx.msk [tilespmem:v7+s25+$0x0], $0xffff;
	v7 =	vadd.f32 v9, v8;
	v8 =	vmul.f32 v12, v6;
	v9 =	vmul.f32 v13, v40  }
0x1e3: {  	v15 =	vadd.f32 v15, v41;
	v50 =	vld.idx.msk [tilespmem:v43+s25+$0x0], $0xffff;
	v43 =	vmul.f32 v42, v42;
	v27 =	vmul.f32 v10, v29  }
0x1e4: {  	[tilespmem:$0x1F9C0] =	vst v10;
	v10 =	vadd.f32 v25, v7;
	v8 =	vsub.f32 $1.500000000e+00, v8;
	v9 =	vmul.f32 v13, v9  }
0x1e5: {  	v59 =	vld.idx.msk [tilespmem:v39+s23+$0x0], $0xffff;
	v41 =	vmul.f32 v11, v11;
	v17 =	vadd.f32 v17, v43;
	v43 =	vmul.f32 v28, v35  }
0x1e6: {  	v25 =	vld.idx.msk [tilespmem:v54+s23+$0x0], $0xffff;
	v10 =	vadd.f32 v27, v10;
	v35 =	vmul.f32 v12, v8;
	v9 =	vsub.f32 $1.500000000e+00, v9  }
0x1e7: {  	v6 =	vld.idx.msk [tilespmem:v54+s25+$0x0], $0xffff;
	v54 =	vmul.f32 v23, v37;
	v12 =	vadd.f32 v41, v15;
	v15 =	vmul.f32 v44, v44  }
0x1e8: {  	v48 =	vld.idx.msk [tilespmem:v39+s25+$0x0], $0xffff;
	v10 =	vadd.f32 v43, v10;
	v23 =	vmul.f32 v35, v20;
	v41 =	vmul.f32 v13, v9  }
0x1e9: {  	v39 =	vld.idx.msk [tilespmem:v33+s25+$0x0], $0xffff;
	v13 =	vadd.f32 v15, v17;
	v17 =	vmul.f32 v30, v45  }
0x1ea: {  	v24 =	vld.idx.msk [tilespmem:v33+s23+$0x0], $0xffff;
	v33 =	vadd.f32 v54, v10;
	v43 =	vmul.f32 v23, v35;
	v54 =	vmul.f32 v41, v40  }
0x1eb: {  	v26 =	vld.idx.msk [tilespmem:v47+s25+$0x0], $0xffff;
	v23 =	vmul.f32 v18, v34  }
0x1ec: {  	[tilespmem:$0x1FA10] =	vst v45;
	v8 =	vld.idx.msk [tilespmem:v47+s23+$0x0], $0xffff;
	v17 =	vadd.f32 v17, v33;
	v45 =	vsub.f32 $1.500000000e+00, v43;
	v47 =	vmul.f32 v54, v41  }
0x1ed: {  	[tilespmem:$0x1FAD0] =	vst v0;
	v0 =	vmul.f32 v21, v36;
	v5 =	vld.idx.msk [tilespmem:v49+s25+$0x0], $0xffff  }
0x1ee: {  	v9 =	vld.idx.msk [tilespmem:v49+s23+$0x0], $0xffff;
	v17 =	vadd.f32 v23, v17;
	v49 =	vmul.f32 v45, v35;
	v28 =	vsub.f32 $1.500000000e+00, v47  }
0x1ef: {  	[tilespmem:$0x1FA20] =	vst v30;
	v30 =	vmul.f32 v16, v32  }
0x1f0: {  	v0 =	vadd.f32 v0, v17;
	v17 =	vmul.f32 v49, v20;
	v20 =	vmul.f32 v28, v41;
	_ =	sdelay $0x1  }
0x1f1: {  	[tilespmem:$0x1FAA0] =	vst v57;
	v57 =	vmul.f32 v4, v57;
	v0 =	vadd.f32 v30, v0;
	v40 =	vmul.f32 v20, v40  }
0x1f2: {  	v17 =	vmul.f32 v17, v49  }
0x1f3: {  	[tilespmem:$0x1FAC0] =	vst v1;
	v1 =	vmul.f32 v2, v22;
	v0 =	vadd.f32 v57, v0;
	v40 =	vmul.f32 v40, v20  }
0x1f4: {  	v23 =	vsub.f32 $1.500000000e+00, v17  }
0x1f5: {  	v0 =	vadd.f32 v1, v0;
	v1 =	vsub.f32 $1.500000000e+00, v40  }
0x1f6: {  	[tilespmem:$0x1F700] =	vst v3;
	v33 =	vmul.f32 v3, v3;
	v3 =	vmul.f32 v23, v49  }
0x1f7: {  	[tilespmem:$0x1FAF0] =	vst v2;
	v2 =	vmul.f32 v1, v20;
	v1 =	vld [tilespmem:$0x1FFA0]  }
0x1f8: {  	v15 =	vmul.f32 v59, v59;
	[tilespmem:$0x1F980] =	vst v3;
	v0 =	vmul.f32 v3, v0;
	v3 =	vld [tilespmem:$0x1F510];
	_ =	sdelay $0x1  }
0x1f9: {  	v15 =	vadd.f32 v15, v12;
	v12 =	vmul.f32 v48, v48;
	_ =	sdelay $0x1  }
0x1fa: {  	v27 =	vadd.f32 v12, v13;
	v13 =	vmul.f32 v63, v63  }
0x1fb: {  	v1 =	vadd.f32 v3, v1;
	v3 =	vld [tilespmem:$0x1F520]  }
0x1fc: {  	v29 =	vadd.f32 v13, v15;
	v15 =	vmul.f32 v61, v61  }
0x1fd: {  	v7 =	vld.idx.msk [tilespmem:v51+s25+$0x0], $0xffff  }
0x1fe: {  	[tilespmem:$0x1FA70] =	vst v21;
	v21 =	vmul.f32 v50, v50;
	v10 =	vld.idx.msk [tilespmem:v51+s23+$0x0], $0xffff;
	v51 =	vadd.f32 v15, v27  }
0x1ff: {  	v57 =	vld.idx.msk [tilespmem:v52+s25+$0x0], $0xffff  }
0x200: {  	[tilespmem:$0x1F760] =	vst v6;
	v51 =	vadd.f32 v21, v51;
	v21 =	vmul.f32 v6, v6;
	v6 =	vld [tilespmem:$0x1F540]  }
0x201: {  	v17 =	vld.idx.msk [tilespmem:v52+s23+$0x0], $0xffff  }
0x202: {  	[tilespmem:$0x1FA30] =	vst v2;
	v0 =	vmul.f32 v2, v0;
	v2 =	vld [tilespmem:$0x1FFB0]  }
0x203: {  	v20 =	vld.idx.msk [tilespmem:v3+s23+$0x0], $0xffff  }
0x204: {  	v52 =	vld.idx.msk [tilespmem:v3+s25+$0x0], $0xffff  }
0x205: {  	v34 =	vmul.f32 v14, v14;
	v3 =	vld [tilespmem:$0x1F530]  }
0x206: {  	v4 =	vld [tilespmem:$0x1FF60]  }
0x207: {  	v32 =	vmul.f32 v19, v19;
	v45 =	vld.idx.msk [tilespmem:v58+s25+$0x0], $0xffff;
	v47 =	vadd.f32 v34, v29  }
0x208: {  	v29 =	vld.idx.msk [tilespmem:v58+s23+$0x0], $0xffff;
	v58 =	vmul.f32 v39, v39;
	v36 =	vadd.f32 v33, v51  }
0x209: {  	v34 =	vadd.f32 v32, v47  }
0x20a: {  	[tilespmem:$0x1F7B0] =	vst v5;
	v47 =	vadd.f32 v58, v36;
	v2 =	vadd.f32 v3, v2  }
0x20b: {  	[tilespmem:$0x1F7F0] =	vst v7;
	v23 =	vmul.f32 v5, v5;
	v5 =	vmul.f32 v7, v7  }
0x20c: {  	v7 =	vld [tilespmem:$0x1F550];
	v4 =	vadd.f32 v0, v4;
	v0 =	vadd.f32 v21, v47;
	[tilespmem:$0x1FFB0] =	vst v2;
	v2 =	vmul.f32 v26, v26  }
0x20d: {  	v51 =	vld.idx.msk [tilespmem:v6+s23+$0x0], $0xffff  }
0x20e: {  	v0 =	vadd.f32 v2, v0;
	v2 =	vld [tilespmem:$0x1F560]  }
0x20f: {  	v32 =	vld.idx.msk [tilespmem:v6+s25+$0x0], $0xffff  }
0x210: {  	v6 =	vld [tilespmem:$0x1FFC0];
	_ =	sdelay $0x4  }
0x211: {  	v6 =	vadd.f32 v7, v6;
	v7 =	vld [tilespmem:$0x1F570]  }
0x212: {  	v47 =	vld.idx.msk [tilespmem:v2+s23+$0x0], $0xffff  }
0x213: {  	v36 =	vld.idx.msk [tilespmem:v2+s25+$0x0], $0xffff  }
0x214: {  	v2 =	vld [tilespmem:$0x1FFD0];
	_ =	sdelay $0x3  }
0x215: {  	v37 =	vld.idx.msk [tilespmem:v56+s25+$0x0], $0xffff  }
0x216: {  	v2 =	vadd.f32 v7, v2;
	v7 =	vld [tilespmem:$0x1F580]  }
0x217: {  	[tilespmem:$0x1FA90] =	vst v16;
	v16 =	vld [tilespmem:$0x1F5A0]  }
0x218: {  	[tilespmem:$0x1FA50] =	vst v18;
	v18 =	vld.idx.msk [tilespmem:v53+s25+$0x0], $0xffff  }
0x219: {  	v12 =	vld.idx.msk [tilespmem:v53+s23+$0x0], $0xffff  }
0x21a: {  	v15 =	vld.idx.msk [tilespmem:v56+s23+$0x0], $0xffff;
	v56 =	vmul.f32 v24, v24  }
0x21b: {  	v53 =	vld.idx.msk [tilespmem:v60+s25+$0x0], $0xffff  }
0x21c: {  	v28 =	vld.idx.msk [tilespmem:v60+s23+$0x0], $0xffff;
	v60 =	vmul.f32 v25, v25;
	[tilespmem:$0x1FFA0] =	vst v1;
	v1 =	vadd.f32 v56, v34  }
0x21d: {  	v35 =	vld.idx.msk [tilespmem:v55+s25+$0x0], $0xffff  }
0x21e: {  	[tilespmem:$0x1FAE0] =	vst v22;
	v22 =	vmul.f32 v8, v8;
	v1 =	vadd.f32 v60, v1;
	v43 =	vld.idx.msk [tilespmem:v7+s23+$0x0], $0xffff  }
0x21f: {  	v40 =	vld.idx.msk [tilespmem:v7+s25+$0x0], $0xffff  }
0x220: {  	[tilespmem:$0x1F820] =	vst v18;
	v1 =	vadd.f32 v22, v1;
	v3 =	vmul.f32 v9, v9;
	v7 =	vld [tilespmem:$0x1FFE0]  }
0x221: {  	[tilespmem:$0x1FFC0] =	vst v6;
	v6 =	vmul.f32 v18, v18;
	v18 =	vld [tilespmem:$0x1F590];
	v49 =	vadd.f32 v23, v0  }
0x222: {  	[tilespmem:$0x1FF60] =	vst v4;
	v4 =	vmul.f32 v10, v10;
	v1 =	vadd.f32 v3, v1  }
0x223: {  	v5 =	vadd.f32 v5, v49  }
0x224: {  	v54 =	vld [tilespmem:$0x1F5C0];
	v1 =	vadd.f32 v4, v1  }
0x225: {  	v30 =	vld [tilespmem:$0x1F5D0];
	v4 =	vmul.f32 v35, v35;
	v5 =	vadd.f32 v6, v5;
	v7 =	vadd.f32 v16, v7  }
0x226: {  	v56 =	vmul.f32 v42, v18;
	v0 =	vmul.f32 v18, v31;
	v18 =	vld [tilespmem:$0x1F5E0]  }
0x227: {  	v58 =	vmul.f32 v37, v37;
	v4 =	vadd.f32 v4, v5;
	[tilespmem:$0x1FFE0] =	vst v7;
	v7 =	vld [tilespmem:$0x1F5B0]  }
0x228: {  	v5 =	vld [tilespmem:$0x1F600]  }
0x229: {  	v4 =	vadd.f32 v58, v4;
	v58 =	vld [tilespmem:$0x1F620]  }
0x22a: {  	v13 =	vld.idx.msk [tilespmem:v55+s23+$0x0], $0xffff  }
0x22b: {  	v55 =	vld.idx.msk [tilespmem:v62+s23+$0x0], $0xffff  }
0x22c: {  	v27 =	vld.idx.msk [tilespmem:v62+s25+$0x0], $0xffff;
	v16 =	vmul.f32 v7, v31;
	v7 =	vadd.f32 $0.0e+00, v0;
	v0 =	vmul.f32 v18, v38  }
0x22d: {  	v22 =	vld.idx.msk [tilespmem:v30+s25+$0x0], $0xffff;
	v21 =	vadd.f32 $0.0e+00, v56;
	v5 =	vmul.f32 v5, v38  }
0x22e: {  	v6 =	vld.idx.msk [tilespmem:v30+s23+$0x0], $0xffff;
	v62 =	vmul.f32 v58, v11;
	v18 =	vmul.f32 v46, v18;
	v0 =	vadd.f32 v0, v7  }
0x22f: {  	[tilespmem:$0x1FFD0] =	vst v2;
	v2 =	vmul.f32 v42, v31;
	v31 =	vmul.f32 v46, v38;
	v38 =	vld [tilespmem:$0x1F640];
	v16 =	vadd.f32 $0.0e+00, v16  }
0x230: {  	v46 =	vmul.f32 v44, v58;
	v21 =	vadd.f32 v18, v21;
	v58 =	vadd.f32 v62, v0;
	v0 =	vld [tilespmem:$0x1F660]  }
0x231: {  	v3 =	vmul.f32 v12, v12;
	v16 =	vadd.f32 v5, v16;
	v5 =	vmul.f32 v44, v11;
	v44 =	vld [tilespmem:$0x1F670]  }
0x232: {  	v30 =	vadd.f32 v46, v21;
	v46 =	vld [tilespmem:$0x1F680]  }
0x233: {  	v41 =	vld.idx.msk [tilespmem:v54+s23+$0x0], $0xffff;
	v34 =	vmul.f32 v13, v13;
	v1 =	vadd.f32 v3, v1  }
0x234: {  	v56 =	vld [tilespmem:$0x1F610];
	v11 =	vmul.f32 v38, v11  }
0x235: {  	v1 =	vadd.f32 v34, v1;
	v34 =	vld [tilespmem:$0x1F630]  }
0x236: {  	v49 =	vld.idx.msk [tilespmem:v54+s25+$0x0], $0xffff;
	v16 =	vadd.f32 v11, v16;
	v11 =	vmul.f32 v48, v59;
	v48 =	vmul.f32 v48, v0  }
0x237: {  	v62 =	vmul.f32 v0, v59;
	v59 =	vmul.f32 v46, v59;
	v46 =	vld [tilespmem:$0x1F6B0]  }
0x238: {  	v30 =	vadd.f32 v48, v30;
	v48 =	vld [tilespmem:$0x1F6C0]  }
0x239: {  	v21 =	vld.idx.msk [tilespmem:v44+s23+$0x0], $0xffff  }
0x23a: {  	v0 =	vld.idx.msk [tilespmem:v44+s25+$0x0], $0xffff  }
0x23b: {  	v44 =	vld [tilespmem:$0x1F6A0]  }
0x23c: {  	v54 =	vld [tilespmem:$0x1F5F0]  }
0x23d: {  	v2 =	vadd.f32 $0.0e+00, v2;
	v18 =	vld.idx.msk [tilespmem:v34+s23+$0x0], $0xffff  }
0x23e: {  	v38 =	vld.idx.msk [tilespmem:v34+s25+$0x0], $0xffff  }
0x23f: {  	v7 =	vadd.f32 v31, v2;
	v31 =	vmul.f32 v61, v63;
	v16 =	vadd.f32 v59, v16;
	v59 =	vld.idx.msk [tilespmem:v46+s23+$0x0], $0xffff  }
0x240: {  	v58 =	vadd.f32 v62, v58;
	v62 =	vmul.f32 v44, v63;
	v63 =	vmul.f32 v48, v63;
	v48 =	vld.idx.msk [tilespmem:v46+s25+$0x0], $0xffff  }
0x241: {  	v61 =	vmul.f32 v61, v44;
	v44 =	vld [tilespmem:$0x1F6D0]  }
0x242: {  	v3 =	vmul.f32 v15, v15;
	v46 =	vld [tilespmem:$0x1F6E0]  }
0x243: {  	v34 =	vld [tilespmem:$0x1F650];
	v7 =	vadd.f32 v5, v7  }
0x244: {  	[tilespmem:$0x1F730] =	vst v39;
	v39 =	vmul.f32 v29, v29;
	v33 =	vld.idx.msk [tilespmem:v54+s23+$0x0], $0xffff;
	v42 =	vadd.f32 v3, v1  }
0x245: {  	v3 =	vld.idx.msk [tilespmem:v54+s25+$0x0], $0xffff;
	v54 =	vmul.f32 v45, v45;
	v7 =	vadd.f32 v11, v7  }
0x246: {  	v39 =	vadd.f32 v39, v42;
	v30 =	vadd.f32 v61, v30;
	v61 =	vmul.f32 v50, v14  }
0x247: {  	v7 =	vadd.f32 v31, v7;
	v31 =	vmul.f32 v44, v14;
	v14 =	vmul.f32 v46, v14;
	v46 =	vld [tilespmem:$0x1F6F0]  }
0x248: {  	v1 =	vld.idx.msk [tilespmem:v56+s23+$0x0], $0xffff;
	v42 =	vadd.f32 v54, v4;
	v16 =	vadd.f32 v63, v16;
	v50 =	vmul.f32 v50, v44  }
0x249: {  	v54 =	vmul.f32 v17, v17;
	v2 =	vld.idx.msk [tilespmem:v56+s25+$0x0], $0xffff;
	v56 =	vmul.f32 v57, v57;
	v58 =	vadd.f32 v62, v58  }
0x24a: {  	v60 =	vmul.f32 v53, v53;
	v14 =	vadd.f32 v14, v16;
	v16 =	vadd.f32 v50, v30;
	v50 =	vld [tilespmem:$0x1F700]  }
0x24b: {  	v54 =	vadd.f32 v54, v39;
	v42 =	vadd.f32 v56, v42;
	v56 =	vmul.f32 v28, v28;
	v4 =	vld.idx.msk [tilespmem:v34+s23+$0x0], $0xffff  }
0x24c: {  	v5 =	vld.idx.msk [tilespmem:v34+s25+$0x0], $0xffff;
	v31 =	vadd.f32 v31, v58;
	v58 =	vmul.f32 v46, v19  }
0x24d: {  	v54 =	vadd.f32 v56, v54;
	v42 =	vadd.f32 v60, v42;
	v63 =	vld [tilespmem:$0x1F710]  }
0x24e: {  	v60 =	vmul.f32 v20, v20;
	v56 =	vmul.f32 v52, v52;
	v31 =	vadd.f32 v58, v31;
	v58 =	vld [tilespmem:$0x1F720]  }
0x24f: {  	v34 =	vld [tilespmem:$0x1F690];
	v7 =	vadd.f32 v61, v7;
	v61 =	vmul.f32 v50, v19  }
0x250: {  	v54 =	vadd.f32 v60, v54;
	v42 =	vadd.f32 v56, v42  }
0x251: {  	v60 =	vmul.f32 v27, v27;
	v44 =	vmul.f32 v55, v55;
	v7 =	vadd.f32 v61, v7;
	v61 =	vld [tilespmem:$0x1F730]  }
0x252: {  	v62 =	vmov v27;
	v19 =	vmul.f32 v63, v19;
	v27 =	vmul.f32 v50, v46;
	v63 =	vld [tilespmem:$0x1F740]  }
0x253: {  	v56 =	vld [tilespmem:$0x1F780];
	v42 =	vadd.f32 v60, v42;
	v60 =	vmul.f32 v58, v24  }
0x254: {  	v44 =	vadd.f32 v44, v54;
	v16 =	vadd.f32 v27, v16;
	v27 =	vld [tilespmem:$0x1F770]  }
0x255: {  	v46 =	vmul.f32 v51, v51;
	v50 =	vmul.f32 v32, v32;
	v30 =	vadd.f32 v60, v31;
	v60 =	vld [tilespmem:$0x1F750]  }
0x256: {  	v14 =	vadd.f32 v19, v14;
	v19 =	vmul.f32 v61, v24;
	v23 =	vmul.f32 v61, v58;
	v61 =	vld [tilespmem:$0x1F760]  }
0x257: {  	[tilespmem:$0x1F7D0] =	vst v22;
	v39 =	vld.idx.msk [tilespmem:v34+s23+$0x0], $0xffff;
	v54 =	vmul.f32 v40, v40;
	v22 =	vmul.f32 v63, v24  }
0x258: {  	v11 =	vld.idx.msk [tilespmem:v34+s25+$0x0], $0xffff;
	v34 =	vadd.f32 v46, v44;
	v42 =	vadd.f32 v50, v42;
	v58 =	vmul.f32 v36, v36  }
0x259: {  	v50 =	vmul.f32 v47, v47;
	v44 =	vmul.f32 v49, v49;
	v14 =	vadd.f32 v22, v14  }
0x25a: {  	v16 =	vadd.f32 v23, v16;
	v23 =	vmul.f32 v27, v25;
	v46 =	vadd.f32 v58, v42  }
0x25b: {  	v7 =	vadd.f32 v19, v7;
	v63 =	vmul.f32 v61, v25;
	v24 =	vmul.f32 v61, v60;
	v61 =	vld [tilespmem:$0x1F790]  }
0x25c: {  	v19 =	vmul.f32 v60, v25;
	v25 =	vadd.f32 v50, v34;
	v34 =	vadd.f32 v54, v46;
	v46 =	vld [tilespmem:$0x1F7A0]  }
0x25d: {  	v58 =	vmul.f32 v56, v8;
	v60 =	vmul.f32 v26, v8;
	v54 =	vld [tilespmem:$0x1F7B0];
	v7 =	vadd.f32 v63, v7  }
0x25e: {  	v42 =	vmul.f32 v41, v41;
	v14 =	vadd.f32 v23, v14;
	v19 =	vadd.f32 v19, v30  }
0x25f: {  	v50 =	vmul.f32 v43, v43;
	v7 =	vadd.f32 v60, v7;
	v60 =	vadd.f32 v44, v34;
	v34 =	vld [tilespmem:$0x1F7E0]  }
0x260: {  	v16 =	vadd.f32 v24, v16;
	v63 =	vmul.f32 v26, v56;
	v8 =	vmul.f32 v61, v8  }
0x261: {  	v25 =	vadd.f32 v50, v25;
	v19 =	vadd.f32 v58, v19;
	v50 =	vmul.f32 v46, v9  }
0x262: {  	v56 =	vld [tilespmem:$0x1F7C0];
	v8 =	vadd.f32 v8, v14;
	v14 =	vadd.f32 v63, v16;
	v16 =	vmul.f32 v54, v9  }
0x263: {  	v58 =	vadd.f32 v42, v25  }
0x264: {  	v42 =	vld [tilespmem:$0x1F7F0];
	v19 =	vadd.f32 v50, v19;
	v7 =	vadd.f32 v16, v7;
	v16 =	vmul.f32 v34, v10;
	_ =	sdelay $0x1  }
0x265: {  	v16 =	vadd.f32 v16, v19;
	v19 =	vld [tilespmem:$0x1F810]  }
0x266: {  	v30 =	vld [tilespmem:$0x1F7D0];
	v23 =	vmul.f32 v54, v46;
	v9 =	vmul.f32 v56, v9  }
0x267: {  	v44 =	vld [tilespmem:$0x1F800];
	v61 =	vmul.f32 v6, v6  }
0x268: {  	v8 =	vadd.f32 v9, v8;
	v9 =	vadd.f32 v23, v14;
	v14 =	vmul.f32 v42, v10;
	_ =	sdelay $0x1  }
0x269: {  	v46 =	vadd.f32 v61, v58;
	v58 =	vld [tilespmem:$0x1F820];
	v7 =	vadd.f32 v14, v7;
	v14 =	vmul.f32 v19, v12;
	_ =	sdelay $0x1  }
0x26a: {  	v63 =	vmul.f32 v30, v30;
	v10 =	vmul.f32 v44, v10;
	v14 =	vadd.f32 v14, v16;
	v16 =	vld [tilespmem:$0x1F840]  }
0x26b: {  	v22 =	vmul.f32 v42, v34  }
0x26c: {  	v50 =	vadd.f32 v63, v60;
	v8 =	vadd.f32 v10, v8  }
0x26d: {  	v60 =	vld [tilespmem:$0x1F830];
	v9 =	vadd.f32 v22, v9;
	v10 =	vmul.f32 v58, v12;
	v19 =	vmul.f32 v58, v19;
	_ =	sdelay $0x1  }
0x26e: {  	v7 =	vadd.f32 v10, v7;
	v9 =	vadd.f32 v19, v9;
	v19 =	vld [tilespmem:$0x1F850];
	v10 =	vmul.f32 v16, v13;
	_ =	sdelay $0x1  }
0x26f: {  	v10 =	vadd.f32 v10, v14;
	v14 =	vld [tilespmem:$0x1F870]  }
0x270: {  	v12 =	vmul.f32 v60, v12;
	_ =	sdelay $0x1  }
0x271: {  	v8 =	vadd.f32 v12, v8;
	v12 =	vmul.f32 v35, v13;
	v13 =	vmul.f32 v19, v13;
	_ =	sdelay $0x1  }
0x272: {  	v8 =	vadd.f32 v13, v8;
	v14 =	vmul.f32 v14, v15;
	_ =	sdelay $0x1  }
0x273: {  	v8 =	vadd.f32 v14, v8;
	v14 =	vld [tilespmem:$0x1F890];
	_ =	sdelay $0x4  }
0x274: {  	v14 =	vmul.f32 v14, v29;
	_ =	sdelay $0x1  }
0x275: {  	v31 =	vmul.f32 v1, v1;
	v56 =	vmul.f32 v3, v3;
	v8 =	vadd.f32 v14, v8;
	v14 =	vld [tilespmem:$0x1F8C0]  }
0x276: {  	v24 =	vmul.f32 v11, v11;
	v54 =	vmul.f32 v33, v33  }
0x277: {  	v26 =	vmul.f32 v48, v48;
	v34 =	vmul.f32 v2, v2;
	v63 =	vadd.f32 v56, v50;
	v50 =	vld [tilespmem:$0x1F860]  }
0x278: {  	v61 =	vadd.f32 v54, v46;
	v44 =	vmul.f32 v18, v18;
	v46 =	vmul.f32 v38, v38  }
0x279: {  	v54 =	vmul.f32 v4, v4;
	v56 =	vmul.f32 v5, v5;
	v58 =	vld [tilespmem:$0x1F880]  }
0x27a: {  	v42 =	vadd.f32 v34, v63;
	v60 =	vmul.f32 v21, v21;
	v14 =	vmul.f32 v14, v17  }
0x27b: {  	v7 =	vadd.f32 v12, v7;
	v16 =	vmul.f32 v35, v16;
	v19 =	vadd.f32 v31, v61  }
0x27c: {  	v12 =	vmul.f32 v50, v15;
	v61 =	vmul.f32 v0, v0;
	v8 =	vadd.f32 v14, v8;
	v14 =	vld [tilespmem:$0x1F8E0]  }
0x27d: {  	v9 =	vadd.f32 v16, v9;
	v13 =	vmul.f32 v37, v15;
	v16 =	vadd.f32 v44, v19  }
0x27e: {  	v63 =	vld [tilespmem:$0x1F8B0];
	v19 =	vadd.f32 v46, v42;
	v10 =	vadd.f32 v12, v10;
	v12 =	vmul.f32 v58, v29  }
0x27f: {  	v7 =	vadd.f32 v13, v7;
	v13 =	vmul.f32 v45, v29;
	v16 =	vadd.f32 v54, v16  }
0x280: {  	v19 =	vadd.f32 v56, v19;
	v10 =	vadd.f32 v12, v10;
	v15 =	vmul.f32 v37, v50  }
0x281: {  	v25 =	vld [tilespmem:$0x1F8D0];
	v7 =	vadd.f32 v13, v7;
	v13 =	vmul.f32 v57, v17;
	v14 =	vmul.f32 v14, v28  }
0x282: {  	v16 =	vadd.f32 v60, v16;
	v9 =	vadd.f32 v15, v9;
	v15 =	vmul.f32 v45, v58  }
0x283: {  	v12 =	vmul.f32 v63, v17;
	v7 =	vadd.f32 v13, v7;
	v8 =	vadd.f32 v14, v8;
	v14 =	vld [tilespmem:$0x1F900]  }
0x284: {  	v13 =	vmul.f32 v53, v28;
	v9 =	vadd.f32 v15, v9;
	v15 =	vmul.f32 v57, v63  }
0x285: {  	v10 =	vadd.f32 v12, v10;
	v17 =	vadd.f32 v61, v19;
	v19 =	vmul.f32 v39, v39  }
0x286: {  	v27 =	vld [tilespmem:$0x1F8F0];
	v7 =	vadd.f32 v13, v7;
	v9 =	vadd.f32 v15, v9;
	v15 =	vmul.f32 v53, v25  }
0x287: {  	v16 =	vadd.f32 v19, v16;
	v17 =	vadd.f32 v24, v17;
	v19 =	vmul.f32 v59, v59  }
0x288: {  	v13 =	vmul.f32 v52, v20;
	v9 =	vadd.f32 v15, v9;
	v14 =	vmul.f32 v14, v20  }
0x289: {  	v12 =	vmul.f32 v25, v28;
	v42 =	vadd.f32 v19, v16;
	v16 =	vld [tilespmem:$0x1F910];
	v15 =	vadd.f32 v26, v17  }
0x28a: {  	v7 =	vadd.f32 v13, v7;
	v13 =	vmul.f32 v62, v55;
	v8 =	vadd.f32 v14, v8;
	v14 =	vld [tilespmem:$0x1F920]  }
0x28b: {  	v31 =	vld [tilespmem:$0x1F930];
	v10 =	vadd.f32 v12, v10;
	v12 =	vmul.f32 v27, v20;
	v17 =	vmax.f32 v15, $1.000000020e-24  }
0x28c: {  	v7 =	vadd.f32 v13, v7;
	v29 =	vshrl.u32 v17, $0x1;
	v13 =	vmul.f32 $5.000000000e-01, v17;
	v17 =	vld [tilespmem:$0x1F940];
	_ =	sdelay $0x1  }
0x28d: {  	v34 =	vld [tilespmem:$0x1F960];
	v10 =	vadd.f32 v12, v10;
	v12 =	vmul.f32 v16, v55  }
0x28e: {  	v44 =	vld [tilespmem:$0x1F990];
	v14 =	vmul.f32 v14, v55  }
0x28f: {  	v37 =	vld [tilespmem:$0x1F970];
	v10 =	vadd.f32 v12, v10  }
0x290: {  	v17 =	vmul.f32 v17, v51;
	v8 =	vadd.f32 v14, v8;
	v14 =	vmul.f32 v31, v51  }
0x291: {  	v35 =	vmul.f32 v36, v47;
	v54 =	vmul.f32 v49, v41;
	v53 =	vld [tilespmem:$0x1F9B0]  }
0x292: {  	v10 =	vadd.f32 v14, v10;
	v8 =	vadd.f32 v17, v8;
	v17 =	vmul.f32 v34, v47  }
0x293: {  	v22 =	vmul.f32 v32, v31;
	v28 =	vmul.f32 v52, v27  }
0x294: {  	v23 =	vmul.f32 v37, v47;
	v10 =	vadd.f32 v17, v10;
	v17 =	vmul.f32 v44, v43  }
0x295: {  	v24 =	vmul.f32 v36, v34;
	v9 =	vadd.f32 v28, v9;
	v16 =	vmul.f32 v62, v16  }
0x296: {  	v50 =	vld [tilespmem:$0x1F9A0];
	v52 =	vmul.f32 v40, v44;
	v10 =	vadd.f32 v17, v10;
	v17 =	vmul.f32 v53, v41  }
0x297: {  	v12 =	vmax.f32 v42, $1.000000020e-24;
	v9 =	vadd.f32 v16, v9;
	v16 =	vmul.f32 v32, v51  }
0x298: {  	v19 =	vshrl.u32 v12, $0x1;
	v12 =	vmul.f32 $5.000000000e-01, v12;
	v10 =	vadd.f32 v17, v10;
	v17 =	vld [tilespmem:$0x1F9C0]  }
0x299: {  	v19 =	vsub.s32 $0x5F3759DF, v19;
	v9 =	vadd.f32 v22, v9;
	v20 =	vsub.s32 $0x5F3759DF, v29  }
0x29a: {  	v56 =	vld [tilespmem:$0x1F9D0];
	v7 =	vadd.f32 v16, v7;
	v16 =	vmul.f32 v20, v13;
	v14 =	vmul.f32 v19, v12  }
0x29b: {  	v9 =	vadd.f32 v24, v9;
	v8 =	vadd.f32 v23, v8;
	v23 =	vmul.f32 v50, v43  }
0x29c: {  	v7 =	vadd.f32 v35, v7;
	v47 =	vmul.f32 v40, v43;
	v14 =	vmul.f32 v19, v14  }
0x29d: {  	v9 =	vadd.f32 v52, v9;
	v8 =	vadd.f32 v23, v8;
	v17 =	vmul.f32 v17, v41  }
0x29e: {  	v60 =	vld [tilespmem:$0x1F9F0];
	v16 =	vmul.f32 v20, v16;
	v7 =	vadd.f32 v47, v7;
	v14 =	vsub.f32 $1.500000000e+00, v14  }
0x29f: {  	v57 =	vld [tilespmem:$0x1F9E0];
	v55 =	vmul.f32 v49, v53;
	v8 =	vadd.f32 v17, v8;
	v17 =	vmul.f32 v56, v6  }
0x2a0: {  	v62 =	vld [tilespmem:$0x1FA10];
	v7 =	vadd.f32 v54, v7;
	v14 =	vmul.f32 v19, v14;
	v19 =	vmul.f32 v30, v6  }
0x2a1: {  	v9 =	vadd.f32 v55, v9;
	v10 =	vadd.f32 v17, v10;
	v17 =	vmul.f32 v30, v56  }
0x2a2: {  	v16 =	vsub.f32 $1.500000000e+00, v16;
	v7 =	vadd.f32 v19, v7;
	v19 =	vmul.f32 v3, v33  }
0x2a3: {  	v63 =	vld [tilespmem:$0x1FA20];
	v9 =	vadd.f32 v17, v9;
	v17 =	vmul.f32 v60, v33  }
0x2a4: {  	v16 =	vmul.f32 v20, v16;
	v7 =	vadd.f32 v19, v7  }
0x2a5: {  	v19 =	vmul.f32 v62, v1;
	v6 =	vmul.f32 v57, v6;
	v10 =	vadd.f32 v17, v10  }
0x2a6: {  	v61 =	vld [tilespmem:$0x1FA00];
	v3 =	vmul.f32 v3, v60  }
0x2a7: {  	v6 =	vadd.f32 v6, v8;
	v8 =	vmul.f32 v16, v13;
	v10 =	vadd.f32 v19, v10;
	v19 =	vld [tilespmem:$0x1FA40]  }
0x2a8: {  	v20 =	vmul.f32 v63, v1;
	v58 =	vmul.f32 v14, v12  }
0x2a9: {  	v8 =	vmul.f32 v8, v16;
	v3 =	vadd.f32 v3, v9;
	v9 =	vmul.f32 v2, v1;
	v1 =	vld [tilespmem:$0x1FA50]  }
0x2aa: {  	v17 =	vmul.f32 v58, v14  }
0x2ab: {  	v22 =	vmul.f32 v61, v33;
	v8 =	vsub.f32 $1.500000000e+00, v8  }
0x2ac: {  	v17 =	vsub.f32 $1.500000000e+00, v17;
	v7 =	vadd.f32 v9, v7;
	v9 =	vmul.f32 v19, v18  }
0x2ad: {  	v6 =	vadd.f32 v22, v6;
	v34 =	vmul.f32 v8, v16;
	v16 =	vld [tilespmem:$0x1FA70]  }
0x2ae: {  	v9 =	vadd.f32 v9, v10;
	v10 =	vmul.f32 v1, v18;
	v1 =	vmul.f32 v17, v14;
	v14 =	vld [tilespmem:$0x1FA60];
	_ =	sdelay $0x1  }
0x2af: {  	v6 =	vadd.f32 v20, v6;
	_ =	sdelay $0x1  }
0x2b0: {  	v2 =	vmul.f32 v2, v62;
	v6 =	vadd.f32 v10, v6;
	v10 =	vmul.f32 v5, v4  }
0x2b1: {  	v8 =	vmul.f32 v14, v4;
	v4 =	vmul.f32 v16, v4  }
0x2b2: {  	v2 =	vadd.f32 v2, v3  }
0x2b3: {  	v3 =	vmul.f32 v38, v18;
	v4 =	vadd.f32 v4, v6;
	v6 =	vmul.f32 v34, v13;
	v13 =	vld [tilespmem:$0x1FA80]  }
0x2b4: {  	v18 =	vmul.f32 v38, v19;
	v8 =	vadd.f32 v8, v9;
	v9 =	vmul.f32 v1, v12;
	v12 =	vld [tilespmem:$0x1FA90]  }
0x2b5: {  	v7 =	vadd.f32 v3, v7  }
0x2b6: {  	v2 =	vadd.f32 v18, v2;
	v5 =	vmul.f32 v5, v14  }
0x2b7: {  	v7 =	vadd.f32 v10, v7  }
0x2b8: {  	v10 =	vmul.f32 v0, v21;
	v2 =	vadd.f32 v5, v2;
	v5 =	vmul.f32 v13, v21  }
0x2b9: {  	v12 =	vmul.f32 v12, v21;
	v0 =	vmul.f32 v0, v13  }
0x2ba: {  	v5 =	vadd.f32 v5, v8;
	v8 =	vmul.f32 v9, v1;
	v9 =	vld [tilespmem:$0x1FAA0]  }
0x2bb: {  	v4 =	vadd.f32 v12, v4;
	v12 =	vadd.f32 v0, v2;
	v2 =	vld [tilespmem:$0x1FAB0];
	_ =	sdelay $0x1  }
0x2bc: {  	p0 =	sne.s32 s0, $0x1F0  }
.Ltmp0:
0x2bd: {  	v7 =	vadd.f32 v10, v7;
	v6 =	vmul.f32 v6, v34;
	(pc) =	sbr.rel @p0 .LBB2_2-.Ltmp0, $4  }
0x2be: {  	v46 =	vld [tilespmem:$0x1F980];
	v0 =	vmul.f32 v11, v39;
	v16 =	vsub.f32 $1.500000000e+00, v8;
	v10 =	vmul.f32 v9, v39  }
0x2bf: {  	v45 =	vld [tilespmem:$0x1F8A0];
	v2 =	vmul.f32 v2, v39;
	v11 =	vmul.f32 v11, v9;
	v9 =	vsub.f32 $1.500000000e+00, v6  }
0x2c0: {  	v52 =	vld [tilespmem:$0x1FA30];
	v6 =	vmov s0;
	v17 =	vadd.f32 v10, v5;
	v10 =	vadd.f32 v0, v7  }
0x2c1: {  	v51 =	vld [tilespmem:$0x1F950];
	s0 =	sadd.s32 $0x10, s0;
	v0 =	vshll.u32 v6, $0x5;
	v2 =	vadd.f32 v2, v4;
	v5 =	vadd.f32 v11, v12  }
0x2c2: {  	v4 =	vld [tilespmem:$0x1FFF0];
	_ =	sdelay $0x4  }
0x2c3: {  	v4 =	vor.u32 v4, v0;
	_ =	sdelay $0x1  }
0x2c4: {  	v40 =	vor.u32 $0x1, v4;
	_ =	sdelay $0x2  }
0x2c5: {  	v23 =	vld.idx.msk [tilespmem:v4+s24+$0x0], $0xffff  }
0x2c6: {  	v58 =	vor.u32 $0x2, v4;
	v3 =	vor.u32 $0x4, v4;
	v30 =	vld.idx.msk [tilespmem:v4+s26+$0x0], $0xffff  }
0x2c7: {  	v20 =	vor.u32 $0x5, v4;
	v29 =	vld.idx.msk [tilespmem:v40+s24+$0x0], $0xffff;
	[tilespmem:$0x1DF70] =	vst v3  }
0x2c8: {  	v61 =	vor.u32 $0x3, v4;
	v21 =	vor.u32 $0x6, v4;
	[tilespmem:$0x1DF80] =	vst v20  }
0x2c9: {  	v25 =	vor.u32 $0x7, v4;
	v22 =	vor.u32 $0x8, v4;
	[tilespmem:$0x1DF90] =	vst v21  }
0x2ca: {  	v47 =	vld.idx.msk [tilespmem:v40+s26+$0x0], $0xffff;
	[tilespmem:$0x1DFA0] =	vst v25  }
0x2cb: {  	v24 =	vor.u32 $0x9, v4;
	v32 =	vld.idx.msk [tilespmem:v58+s24+$0x0], $0xffff;
	[tilespmem:$0x1DFB0] =	vst v22  }
0x2cc: {  	v27 =	vor.u32 $0xA, v4;
	v18 =	vld.idx.msk [tilespmem:v58+s26+$0x0], $0xffff;
	[tilespmem:$0x1DFC0] =	vst v24  }
0x2cd: {  	v26 =	vor.u32 $0xC, v4;
	v31 =	vld.idx.msk [tilespmem:v61+s24+$0x0], $0xffff;
	[tilespmem:$0x1DFE0] =	vst v27  }
0x2ce: {  	v38 =	vor.u32 $0xE, v4;
	v36 =	vld.idx.msk [tilespmem:v22+s24+$0x0], $0xffff;
	[tilespmem:$0x1E000] =	vst v26  }
0x2cf: {  	v50 =	vor.u32 $0x10, v4;
	v28 =	vld.idx.msk [tilespmem:v22+s26+$0x0], $0xffff;
	[tilespmem:$0x1E020] =	vst v38  }
0x2d0: {  	v22 =	vor.u32 $0xB, v4;
	v56 =	vld.idx.msk [tilespmem:v24+s24+$0x0], $0xffff;
	[tilespmem:$0x1E040] =	vst v50  }
0x2d1: {  	v55 =	vld.idx.msk [tilespmem:v24+s26+$0x0], $0xffff;
	v24 =	vor.u32 $0xD, v4;
	[tilespmem:$0x1DFF0] =	vst v22  }
0x2d2: {  	v39 =	vld.idx.msk [tilespmem:v61+s26+$0x0], $0xffff;
	[tilespmem:$0x1E010] =	vst v24  }
0x2d3: {  	v33 =	vld.idx.msk [tilespmem:v3+s24+$0x0], $0xffff;
	[tilespmem:$0x1E150] =	vst v23  }
0x2d4: {  	v35 =	vld.idx.msk [tilespmem:v3+s26+$0x0], $0xffff;
	[tilespmem:$0x1E140] =	vst v30  }
0x2d5: {  	v37 =	vld.idx.msk [tilespmem:v20+s24+$0x0], $0xffff;
	v6 =	vmul.f32 v23, v23;
	v8 =	vmul.f32 v29, v29;
	[tilespmem:$0x1E180] =	vst v29  }
0x2d6: {  	v43 =	vld.idx.msk [tilespmem:v20+s26+$0x0], $0xffff;
	v12 =	vmul.f32 v30, v30;
	v13 =	vmul.f32 v47, v47;
	[tilespmem:$0x1E190] =	vst v47  }
0x2d7: {  	v41 =	vld.idx.msk [tilespmem:v21+s24+$0x0], $0xffff;
	[tilespmem:$0x1E1C0] =	vst v32;
	v6 =	vadd.f32 v8, v6;
	v8 =	vmul.f32 v32, v32  }
0x2d8: {  	v19 =	vld.idx.msk [tilespmem:v21+s26+$0x0], $0xffff;
	v3 =	vmov v18;
	[tilespmem:$0x1E1B0] =	vst v18;
	v12 =	vadd.f32 v13, v12  }
0x2d9: {  	[tilespmem:$0x1E1E0] =	vst v31;
	v13 =	vmul.f32 v18, v18;
	v18 =	vmul.f32 v31, v31;
	v6 =	vadd.f32 v8, v6  }
0x2da: {  	v0 =	vmov v27;
	v57 =	vld.idx.msk [tilespmem:v25+s24+$0x0], $0xffff;
	[tilespmem:$0x1E1D0] =	vst v39  }
0x2db: {  	[tilespmem:$0x1E200] =	vst v33;
	v8 =	vadd.f32 v13, v12;
	v13 =	vmul.f32 v33, v33;
	v6 =	vadd.f32 v18, v6  }
0x2dc: {  	v21 =	vld.idx.msk [tilespmem:v25+s26+$0x0], $0xffff;
	[tilespmem:$0x1E1F0] =	vst v35;
	v12 =	vmul.f32 v39, v39  }
0x2dd: {  	[tilespmem:$0x1E220] =	vst v37;
	v18 =	vmul.f32 v37, v37;
	v6 =	vadd.f32 v13, v6  }
0x2de: {  	[tilespmem:$0x1E210] =	vst v43;
	v8 =	vadd.f32 v12, v8;
	v12 =	vmul.f32 v35, v35  }
0x2df: {  	v54 =	vld.idx.msk [tilespmem:v27+s24+$0x0], $0xffff;
	[tilespmem:$0x1E240] =	vst v41;
	v13 =	vmul.f32 v41, v41;
	v6 =	vadd.f32 v18, v6  }
0x2e0: {  	v49 =	vld.idx.msk [tilespmem:v0+s26+$0x0], $0xffff;
	v0 =	vmov v22;
	[tilespmem:$0x1E230] =	vst v19;
	v8 =	vadd.f32 v12, v8;
	v12 =	vmul.f32 v43, v43  }
0x2e1: {  	v53 =	vld.idx.msk [tilespmem:v26+s24+$0x0], $0xffff;
	[tilespmem:$0x1E250] =	vst v21;
	v18 =	vmul.f32 v57, v57;
	v6 =	vadd.f32 v13, v6  }
0x2e2: {  	v11 =	vld.idx.msk [tilespmem:v26+s26+$0x0], $0xffff;
	[tilespmem:$0x1E290] =	vst v36;
	v8 =	vadd.f32 v12, v8;
	v12 =	vmul.f32 v19, v19  }
0x2e3: {  	v14 =	vld.idx.msk [tilespmem:v38+s24+$0x0], $0xffff;
	[tilespmem:$0x1E270] =	vst v28;
	v13 =	vmul.f32 v36, v36;
	v6 =	vadd.f32 v18, v6  }
0x2e4: {  	v20 =	vld.idx.msk [tilespmem:v50+s24+$0x0], $0xffff;
	[tilespmem:$0x1E2B0] =	vst v56;
	v8 =	vadd.f32 v12, v8;
	v12 =	vmul.f32 v21, v21  }
0x2e5: {  	[tilespmem:$0x1E2C0] =	vst v55;
	v62 =	vld.idx.msk [tilespmem:v0+s26+$0x0], $0xffff;
	v6 =	vadd.f32 v13, v6;
	v13 =	vmul.f32 v56, v56  }
0x2e6: {  	v25 =	vmov v19;
	[tilespmem:$0x1E2E0] =	vst v54;
	v0 =	vmov v24;
	v19 =	vld [tilespmem:$0x1FAE0];
	v8 =	vadd.f32 v12, v8  }
0x2e7: {  	[tilespmem:$0x1E370] =	vst v11;
	v12 =	vmul.f32 v28, v28;
	v6 =	vadd.f32 v13, v6;
	v13 =	vmul.f32 v54, v54  }
0x2e8: {  	v44 =	vld.idx.msk [tilespmem:v22+s24+$0x0], $0xffff;
	v22 =	vmov v48;
	v48 =	vor.u32 $0xF, v4;
	[tilespmem:$0x1E3D0] =	vst v14  }
0x2e9: {  	[tilespmem:$0x1E430] =	vst v20;
	v8 =	vadd.f32 v12, v8;
	v12 =	vmul.f32 v55, v55;
	v6 =	vadd.f32 v13, v6;
	v13 =	vld [tilespmem:$0x1FAF0]  }
0x2ea: {  	v1 =	vmul.f32 v16, v1;
	v7 =	vld.idx.msk [tilespmem:v24+s24+$0x0], $0xffff;
	[tilespmem:$0x1E2F0] =	vst v49  }
0x2eb: {  	v26 =	vld.idx.msk [tilespmem:v0+s26+$0x0], $0xffff;
	v0 =	vmul.f32 v22, v19;
	v8 =	vadd.f32 v12, v8;
	v12 =	vmul.f32 v49, v49  }
0x2ec: {  	v27 =	vmov v21;
	[tilespmem:$0x1E030] =	vst v48;
	v43 =	vmul.f32 v43, v37;
	v24 =	vmul.f32 v19, v59  }
0x2ed: {  	v21 =	vld.idx.msk [tilespmem:v48+s26+$0x0], $0xffff;
	[tilespmem:$0x1DF60] =	vst v0;
	v0 =	vor.u32 $0x13, v4;
	v8 =	vadd.f32 v12, v8;
	v12 =	vmul.f32 v44, v44  }
0x2ee: {  	[tilespmem:$0x1E330] =	vst v44;
	v16 =	vadd.f32 v24, v17;
	v18 =	vmul.f32 v13, v59;
	v13 =	vmul.f32 v62, v62  }
0x2ef: {  	v19 =	vld.idx.msk [tilespmem:v38+s26+$0x0], $0xffff;
	v6 =	vadd.f32 v12, v6;
	v12 =	vmul.f32 v53, v53;
	v59 =	vmul.f32 v22, v59  }
0x2f0: {  	[tilespmem:$0x1E3A0] =	vst v7;
	v22 =	vmul.f32 v11, v11;
	v8 =	vadd.f32 v13, v8;
	v13 =	vmul.f32 v30, v23  }
0x2f1: {  	v63 =	vld.idx.msk [tilespmem:v48+s24+$0x0], $0xffff;
	[tilespmem:$0x1E390] =	vst v26;
	v6 =	vadd.f32 v12, v6;
	v12 =	vor.u32 $0x11, v4;
	v23 =	vmul.f32 v7, v7  }
0x2f2: {  	v48 =	vmovc v26;
	[tilespmem:$0x1E400] =	vst v21;
	v8 =	vadd.f32 v22, v8;
	v13 =	vadd.f32 $0.0e+00, v13;
	v22 =	vmul.f32 v47, v29  }
0x2f3: {  	[tilespmem:$0x1E070] =	vst v0;
	v6 =	vadd.f32 v23, v6;
	v23 =	vmul.f32 v14, v14;
	v29 =	vmul.f32 v26, v26  }
0x2f4: {  	v38 =	vmovc v7;
	[tilespmem:$0x1E3E0] =	vst v19;
	v26 =	vor.u32 $0x12, v4;
	v13 =	vadd.f32 v22, v13;
	v22 =	vmul.f32 v3, v32  }
0x2f5: {  	v37 =	vld.idx.msk [tilespmem:v0+s24+$0x0], $0xffff;
	v8 =	vadd.f32 v29, v8;
	v6 =	vadd.f32 v23, v6;
	v23 =	vmul.f32 v19, v19  }
0x2f6: {  	[tilespmem:$0x1E050] =	vst v12;
	v30 =	vmovc v11;
	v11 =	vor.u32 $0x15, v4;
	v47 =	vmov v14;
	v14 =	vld.idx.msk [tilespmem:v50+s26+$0x0], $0xffff;
	v29 =	vmul.f32 v39, v31  }
0x2f7: {  	v60 =	vld.idx.msk [tilespmem:v12+s24+$0x0], $0xffff;
	v31 =	vmul.f32 v21, v21;
	v13 =	vadd.f32 v22, v13;
	v8 =	vadd.f32 v23, v8  }
0x2f8: {  	v7 =	vmov v19;
	[tilespmem:$0x1E090] =	vst v11;
	v19 =	vld.idx.msk [tilespmem:v12+s26+$0x0], $0xffff;
	v3 =	vadd.f32 v59, v10;
	v22 =	vmul.f32 v63, v63  }
0x2f9: {  	v50 =	vmovc v20;
	v29 =	vadd.f32 v29, v13;
	v8 =	vadd.f32 v31, v8;
	v31 =	vmul.f32 v35, v33  }
0x2fa: {  	[tilespmem:$0x1E060] =	vst v26;
	v32 =	vld.idx.msk [tilespmem:v26+s24+$0x0], $0xffff;
	v6 =	vadd.f32 v22, v6;
	v13 =	vmul.f32 v20, v20;
	v20 =	vor.u32 $0x14, v4  }
0x2fb: {  	[tilespmem:$0x1E420] =	vst v14;
	v26 =	vld.idx.msk [tilespmem:v26+s26+$0x0], $0xffff;
	v35 =	vmul.f32 v14, v14;
	v29 =	vadd.f32 v31, v29  }
0x2fc: {  	v33 =	vmovc v14;
	v14 =	vld.idx.msk [tilespmem:v0+s26+$0x0], $0xffff;
	v0 =	vor.u32 $0x16, v4;
	v6 =	vadd.f32 v13, v6;
	v31 =	vmul.f32 v60, v60  }
0x2fd: {  	v22 =	vor.u32 $0x17, v4;
	v24 =	vmul.f32 v19, v19;
	[tilespmem:$0x1E450] =	vst v19;
	v8 =	vadd.f32 v35, v8  }
0x2fe: {  	v35 =	vmul.f32 v25, v41;
	v41 =	vmul.f32 v9, v34;
	v13 =	vld.idx.msk [tilespmem:v11+s24+$0x0], $0xffff;
	v6 =	vadd.f32 v31, v6  }
0x2ff: {  	[tilespmem:$0x1E080] =	vst v20;
	v17 =	vadd.f32 v43, v29;
	v31 =	vmul.f32 v32, v32;
	v29 =	vmov v19;
	v19 =	vld.idx.msk [tilespmem:v20+s24+$0x0], $0xffff  }
0x300: {  	v25 =	vmul.f32 v27, v57;
	v8 =	vadd.f32 v24, v8;
	v10 =	vmul.f32 v26, v26;
	v24 =	vld.idx.msk [tilespmem:v11+s26+$0x0], $0xffff  }
0x301: {  	v59 =	vld.idx.msk [tilespmem:v20+s26+$0x0], $0xffff;
	v6 =	vadd.f32 v31, v6;
	v9 =	vadd.f32 v35, v17;
	v17 =	vmul.f32 v37, v37  }
0x302: {  	v2 =	vadd.f32 v18, v2;
	v23 =	vmov v21;
	v21 =	vor.u32 $0x18, v4;
	[tilespmem:$0x1E0A0] =	vst v0;
	v12 =	vld.idx.msk [tilespmem:v0+s24+$0x0], $0xffff  }
0x303: {  	v27 =	vld.idx.msk [tilespmem:v0+s26+$0x0], $0xffff;
	v8 =	vadd.f32 v10, v8;
	v10 =	vmul.f32 v14, v14;
	v6 =	vadd.f32 v17, v6  }
0x304: {  	v0 =	vmovc v21;
	v9 =	vadd.f32 v25, v9;
	v17 =	vmul.f32 v19, v19;
	v25 =	vmov v19;
	[tilespmem:$0x1E4A0] =	vst v19;
	v19 =	vld [tilespmem:$0x1DF60]  }
0x305: {  	[tilespmem:$0x1E0C0] =	vst v22;
	v20 =	vor.u32 $0x19, v4;
	v31 =	vld.idx.msk [tilespmem:v22+s24+$0x0], $0xffff;
	v35 =	vmul.f32 v1, v2  }
0x306: {  	v22 =	vld.idx.msk [tilespmem:v22+s26+$0x0], $0xffff;
	v8 =	vadd.f32 v10, v8;
	v10 =	vmul.f32 v28, v36;
	v39 =	vmul.f32 v59, v59  }
0x307: {  	[tilespmem:$0x1E4C0] =	vst v13;
	v36 =	vmovc v13;
	v28 =	vmov v20;
	v6 =	vadd.f32 v17, v6;
	v17 =	vmul.f32 v13, v13  }
0x308: {  	v9 =	vadd.f32 v10, v9;
	v10 =	vmul.f32 v55, v56;
	v8 =	vadd.f32 v39, v8;
	v13 =	vld.idx.msk [tilespmem:v21+s24+$0x0], $0xffff  }
0x309: {  	v6 =	vadd.f32 v17, v6;
	v17 =	vmul.f32 v24, v24;
	v34 =	vadd.f32 v19, v5;
	v19 =	vld.idx.msk [tilespmem:v0+s26+$0x0], $0xffff  }
0x30a: {  	v11 =	vmov v59;
	[tilespmem:$0x1E4B0] =	vst v59;
	v9 =	vadd.f32 v10, v9;
	v10 =	vmul.f32 v12, v12;
	v0 =	vld.idx.msk [tilespmem:v40+s25+$0x0], $0xffff  }
0x30b: {  	v59 =	vor.u32 $0x1A, v4;
	v55 =	vmovc v12;
	[tilespmem:$0x1E4E0] =	vst v12;
	v8 =	vadd.f32 v17, v8;
	v17 =	vmul.f32 v49, v54  }
0x30c: {  	v12 =	vld.idx.msk [tilespmem:v20+s24+$0x0], $0xffff;
	v54 =	vmul.f32 v27, v27;
	v5 =	vadd.f32 v10, v6;
	v10 =	vmul.f32 v31, v31  }
0x30d: {  	[tilespmem:$0x1E120] =	vst v20;
	v20 =	vor.u32 $0x1B, v4;
	v49 =	vmul.f32 v1, v3;
	v3 =	vmul.f32 v13, v13  }
0x30e: {  	[tilespmem:$0x1E310] =	vst v62;
	v8 =	vadd.f32 v54, v8;
	v5 =	vadd.f32 v10, v5;
	v10 =	vmul.f32 v1, v16  }
0x30f: {  	v16 =	vmul.f32 v22, v22;
	[tilespmem:$0x1DFD0] =	vst v0;
	v0 =	vmul.f32 v62, v44;
	v44 =	vld.idx.msk [tilespmem:v28+s26+$0x0], $0xffff  }
0x310: {  	v56 =	vmul.f32 v1, v42;
	[tilespmem:$0x1E520] =	vst v13;
	v6 =	vadd.f32 v17, v9;
	v62 =	vmov v13  }
0x311: {  	v8 =	vadd.f32 v16, v8;
	v3 =	vadd.f32 v3, v5;
	v13 =	vld.idx.msk [tilespmem:v59+s26+$0x0], $0xffff;
	v16 =	vmul.f32 v12, v12  }
0x312: {  	v2 =	vmul.f32 v30, v53;
	v54 =	vmul.f32 v19, v19;
	v0 =	vadd.f32 v0, v6  }
0x313: {  	v17 =	vor.u32 $0x1C, v4;
	v1 =	vmul.f32 v56, v1;
	v3 =	vadd.f32 v16, v3;
	v16 =	vld.idx.msk [tilespmem:v20+s26+$0x0], $0xffff  }
0x314: {  	v0 =	vadd.f32 v2, v0;
	v2 =	vadd.f32 v54, v8;
	v42 =	vmul.f32 v44, v44  }
0x315: {  	[tilespmem:$0x1E260] =	vst v57;
	v18 =	vld.idx.msk [tilespmem:v59+s24+$0x0], $0xffff  }
0x316: {  	v57 =	vld.idx.msk [tilespmem:v40+s23+$0x0], $0xffff;
	v1 =	vadd.f32 v1, v45;
	v56 =	vmul.f32 v13, v13;
	v2 =	vadd.f32 v42, v2  }
0x317: {  	v43 =	vmov v32;
	[tilespmem:$0x1E460] =	vst v32;
	v32 =	vld.idx.msk [tilespmem:v4+s23+$0x0], $0xffff;
	v40 =	vor.u32 $0x1D, v4  }
0x318: {  	v9 =	vld.idx.msk [tilespmem:v20+s24+$0x0], $0xffff;
	[tilespmem:$0x1E930] =	vst v1;
	v1 =	vadd.f32 v56, v2;
	v2 =	vmul.f32 v16, v16  }
0x319: {  	[tilespmem:$0x1E0F0] =	vst v21;
	v6 =	vld.idx.msk [tilespmem:v17+s24+$0x0], $0xffff;
	v8 =	vmul.f32 v48, v38;
	v48 =	vor.u32 $0x1E, v4  }
0x31a: {  	[tilespmem:$0x1E4D0] =	vst v24;
	v39 =	vmul.f32 v18, v18;
	v1 =	vadd.f32 v2, v1;
	v2 =	vld [tilespmem:$0x1FAC0]  }
0x31b: {  	[tilespmem:$0x1E540] =	vst v12;
	v54 =	vor.u32 $0x1F, v4;
	v38 =	vld.idx.msk [tilespmem:v4+s25+$0x0], $0xffff;
	v4 =	vmul.f32 v7, v47;
	v0 =	vadd.f32 v8, v0  }
0x31c: {  	v30 =	vmov v12;
	v12 =	vmov v13;
	[tilespmem:$0x1E570] =	vst v13;
	v13 =	vld.idx.msk [tilespmem:v40+s24+$0x0], $0xffff  }
0x31d: {  	v5 =	vld.idx.msk [tilespmem:v17+s26+$0x0], $0xffff;
	v3 =	vadd.f32 v39, v3;
	v0 =	vadd.f32 v4, v0;
	v4 =	vmul.f32 v9, v9  }
0x31e: {  	v21 =	vmov v24;
	[tilespmem:$0x1E170] =	vst v20;
	v8 =	vld.idx.msk [tilespmem:v48+s24+$0x0], $0xffff  }
0x31f: {  	v24 =	vld.idx.msk [tilespmem:v40+s26+$0x0], $0xffff;
	v3 =	vadd.f32 v4, v3;
	v4 =	vmul.f32 v6, v6;
	v2 =	vmul.f32 v46, v2  }
0x320: {  	v20 =	vmov v9;
	[tilespmem:$0x1E580] =	vst v9;
	v9 =	vld.idx.msk [tilespmem:v54+s24+$0x0], $0xffff  }
0x321: {  	[tilespmem:$0x1E360] =	vst v53;
	v3 =	vadd.f32 v4, v3;
	v39 =	vmul.f32 v2, v46;
	v2 =	vmul.f32 v13, v13  }
0x322: {  	[tilespmem:$0x1E410] =	vst v63;
	v4 =	vmul.f32 v5, v5  }
0x323: {  	[tilespmem:$0x1E440] =	vst v60;
	v2 =	vadd.f32 v2, v3;
	v3 =	vmul.f32 v8, v8  }
0x324: {  	v63 =	vmul.f32 v23, v63;
	v1 =	vadd.f32 v4, v1;
	v4 =	vmul.f32 v29, v60;
	v29 =	vld.idx.msk [tilespmem:v58+s23+$0x0], $0xffff  }
0x325: {  	v53 =	vmul.f32 v24, v24;
	v60 =	vld.idx.msk [tilespmem:v58+s25+$0x0], $0xffff;
	v58 =	vmul.f32 v9, v9;
	v3 =	vadd.f32 v3, v2  }
0x326: {  	v47 =	vmul.f32 v33, v50;
	v0 =	vadd.f32 v63, v0  }
0x327: {  	v56 =	vmul.f32 v26, v43;
	v7 =	vadd.f32 v53, v1;
	v1 =	vadd.f32 v58, v3  }
0x328: {  	[tilespmem:$0x1E490] =	vst v14;
	v43 =	vmul.f32 v14, v37;
	v14 =	vmul.f32 v41, v15  }
0x329: {  	v50 =	vadd.f32 v47, v0;
	v0 =	vmul.f32 v46, v10;
	[tilespmem:$0x1E900] =	vst v1;
	v15 =	vmax.f32 v1, $1.000000020e-24;
	v1 =	vld [tilespmem:$0x1DF90];
	_ =	sdelay $0x1  }
0x32a: {  	[tilespmem:$0x1E0D0] =	vst v0;
	v0 =	vld [tilespmem:$0x1FAD0];
	_ =	sdelay $0x4  }
0x32b: {  	v63 =	vmul.f32 v52, v0;
	v0 =	vld [tilespmem:$0x1DF70]  }
0x32c: {  	v47 =	vld.idx.msk [tilespmem:v1+s23+$0x0], $0xffff  }
0x32d: {  	[tilespmem:$0x1E480] =	vst v37;
	v37 =	vld.idx.msk [tilespmem:v1+s25+$0x0], $0xffff;
	v1 =	vmul.f32 v41, v49;
	_ =	sdelay $0x1  }
0x32e: {  	[tilespmem:$0x1E100] =	vst v1;
	v1 =	vld [tilespmem:$0x1DFA0]  }
0x32f: {  	[tilespmem:$0x1E470] =	vst v26  }
0x330: {  	[tilespmem:$0x1E1A0] =	vst v17  }
0x331: {  	v17 =	vmov v16;
	[tilespmem:$0x1E590] =	vst v16;
	v16 =	vld.idx.msk [tilespmem:v48+s26+$0x0], $0xffff  }
0x332: {  	[tilespmem:$0x1E560] =	vst v18;
	v26 =	vld.idx.msk [tilespmem:v0+s23+$0x0], $0xffff  }
0x333: {  	v42 =	vmul.f32 v46, v34;
	[tilespmem:$0x1E5A0] =	vst v6;
	v46 =	vld.idx.msk [tilespmem:v0+s25+$0x0], $0xffff;
	v0 =	vmul.f32 v63, v52  }
0x334: {  	v23 =	vld.idx.msk [tilespmem:v61+s25+$0x0], $0xffff;
	[tilespmem:$0x1E5C0] =	vst v13  }
0x335: {  	v28 =	vmovc v18;
	v18 =	vmov v6;
	v6 =	vmov v13;
	v13 =	vld.idx.msk [tilespmem:v54+s26+$0x0], $0xffff;
	[tilespmem:$0x1E0B0] =	vst v0;
	v0 =	vmul.f32 v52, v35  }
0x336: {  	v53 =	vmul.f32 v11, v25;
	v25 =	vld.idx.msk [tilespmem:v1+s23+$0x0], $0xffff  }
0x337: {  	[tilespmem:$0x1E110] =	vst v0;
	v0 =	vadd.f32 v39, v51;
	v39 =	vld.idx.msk [tilespmem:v1+s25+$0x0], $0xffff;
	v1 =	vmul.f32 v41, v42  }
0x338: {  	v10 =	vld.idx.msk [tilespmem:v61+s23+$0x0], $0xffff;
	v61 =	vmul.f32 v16, v16  }
0x339: {  	[tilespmem:$0x1E130] =	vst v1;
	v1 =	vld [tilespmem:$0x1FF90]  }
0x33a: {  	v4 =	vadd.f32 v4, v50;
	v7 =	vadd.f32 v61, v7;
	v50 =	vmul.f32 v13, v13;
	_ =	sdelay $0x1  }
0x33b: {  	v14 =	vmul.f32 v14, v41;
	[tilespmem:$0x1E960] =	vst v0;
	v0 =	vadd.f32 v50, v7;
	_ =	sdelay $0x1  }
0x33c: {  	[tilespmem:$0x1E9A0] =	vst v0;
	v1 =	vadd.f32 v14, v1;
	v14 =	vmax.f32 v0, $1.000000020e-24;
	v0 =	vld [tilespmem:$0x1DFB0];
	_ =	sdelay $0x7  }
0x33d: {  	v34 =	vld.idx.msk [tilespmem:v0+s23+$0x0], $0xffff  }
0x33e: {  	v41 =	vld.idx.msk [tilespmem:v0+s25+$0x0], $0xffff  }
0x33f: {  	v0 =	vld [tilespmem:$0x1DFC0];
	_ =	sdelay $0x3  }
0x340: {  	v4 =	vadd.f32 v56, v4;
	v56 =	vshrl.u32 v15, $0x1;
	v45 =	vmul.f32 $5.000000000e-01, v15  }
0x341: {  	v15 =	vmul.f32 v21, v36;
	v21 =	vsub.s32 $0x5F3759DF, v56  }
0x342: {  	v11 =	vmul.f32 v21, v45;
	_ =	sdelay $0x1  }
0x343: {  	v49 =	vmul.f32 v21, v11;
	v11 =	vld.idx.msk [tilespmem:v0+s23+$0x0], $0xffff  }
0x344: {  	v42 =	vld.idx.msk [tilespmem:v0+s25+$0x0], $0xffff  }
0x345: {  	v0 =	vld [tilespmem:$0x1DFE0];
	_ =	sdelay $0x2  }
0x346: {  	v4 =	vadd.f32 v43, v4;
	_ =	sdelay $0x1  }
0x347: {  	v7 =	vadd.f32 v53, v4  }
0x348: {  	v58 =	vmul.f32 v27, v55  }
0x349: {  	v15 =	vadd.f32 v15, v7;
	v56 =	vmul.f32 $5.000000000e-01, v14;
	v14 =	vshrl.u32 v14, $0x1  }
0x34a: {  	v52 =	vsub.s32 $0x5F3759DF, v14;
	v14 =	vld.idx.msk [tilespmem:v0+s23+$0x0], $0xffff  }
0x34b: {  	v15 =	vadd.f32 v58, v15;
	v58 =	vld.idx.msk [tilespmem:v0+s25+$0x0], $0xffff  }
0x34c: {  	v0 =	vld [tilespmem:$0x1DFF0];
	_ =	sdelay $0x5  }
0x34d: {  	v2 =	vld [tilespmem:$0x1DF80];
	v63 =	vmul.f32 v22, v31;
	_ =	sdelay $0x1  }
0x34e: {  	v53 =	vadd.f32 v63, v15;
	v15 =	vld.idx.msk [tilespmem:v0+s23+$0x0], $0xffff  }
0x34f: {  	v50 =	vld.idx.msk [tilespmem:v0+s25+$0x0], $0xffff  }
0x350: {  	v0 =	vld [tilespmem:$0x1E000];
	_ =	sdelay $0x3  }
0x351: {  	v61 =	vmul.f32 v32, v32;
	[tilespmem:$0x1E610] =	vst v13;
	v3 =	vmov v13;
	v13 =	vld.idx.msk [tilespmem:v2+s23+$0x0], $0xffff  }
0x352: {  	[tilespmem:$0x1E4F0] =	vst v27;
	v27 =	vmul.f32 v57, v57;
	v35 =	vld.idx.msk [tilespmem:v2+s25+$0x0], $0xffff;
	v36 =	vmul.f32 v52, v56  }
0x353: {  	v7 =	vld [tilespmem:$0x1DFD0];
	v49 =	vsub.f32 $1.500000000e+00, v49  }
0x354: {  	v27 =	vadd.f32 v27, v61;
	v2 =	vld [tilespmem:$0x1E030];
	v51 =	vmul.f32 v52, v36;
	v36 =	vmul.f32 v29, v29  }
0x355: {  	v43 =	vmul.f32 v19, v62;
	v62 =	vmul.f32 v21, v49;
	v21 =	vld.idx.msk [tilespmem:v0+s23+$0x0], $0xffff  }
0x356: {  	v55 =	vadd.f32 v36, v27;
	v36 =	vld.idx.msk [tilespmem:v0+s25+$0x0], $0xffff  }
0x357: {  	v0 =	vld [tilespmem:$0x1E010]  }
0x358: {  	[tilespmem:$0x1E160] =	vst v38;
	v38 =	vmul.f32 v38, v38;
	v33 =	vmul.f32 v7, v7  }
0x359: {  	[tilespmem:$0x1E980] =	vst v1;
	v1 =	vld [tilespmem:$0x1E020]  }
0x35a: {  	v33 =	vadd.f32 v33, v38;
	v38 =	vadd.f32 v43, v53;
	v43 =	vmul.f32 v44, v30;
	_ =	sdelay $0x1  }
0x35b: {  	v49 =	vadd.f32 v43, v38;
	v43 =	vmul.f32 v12, v28;
	v27 =	vsub.f32 $1.500000000e+00, v51  }
0x35c: {  	[tilespmem:$0x1E550] =	vst v44;
	v44 =	vmul.f32 v60, v60  }
0x35d: {  	v38 =	vadd.f32 v43, v49;
	v43 =	vmul.f32 v5, v18;
	v18 =	vld.idx.msk [tilespmem:v2+s25+$0x0], $0xffff;
	v63 =	vmul.f32 v52, v27  }
0x35e: {  	v33 =	vadd.f32 v44, v33;
	v44 =	vmul.f32 v10, v10;
	v27 =	vld.idx.msk [tilespmem:v0+s23+$0x0], $0xffff  }
0x35f: {  	[tilespmem:$0x1E530] =	vst v19;
	v19 =	vld.idx.msk [tilespmem:v0+s25+$0x0], $0xffff;
	v0 =	vmul.f32 v63, v56  }
0x360: {  	v51 =	vmul.f32 v23, v23;
	v61 =	vadd.f32 v44, v55;
	v55 =	vld.idx.msk [tilespmem:v1+s23+$0x0], $0xffff  }
0x361: {  	v12 =	vld.idx.msk [tilespmem:v1+s25+$0x0], $0xffff;
	v1 =	vmul.f32 v0, v63;
	v0 =	vmul.f32 v26, v26  }
0x362: {  	v53 =	vmul.f32 v62, v45;
	v33 =	vadd.f32 v51, v33;
	v51 =	vld.idx.msk [tilespmem:v2+s23+$0x0], $0xffff  }
0x363: {  	v2 =	vadd.f32 v0, v61;
	v0 =	vld [tilespmem:$0x1E040]  }
0x364: {  	v30 =	vmul.f32 v17, v20;
	v53 =	vmul.f32 v53, v62;
	_ =	sdelay $0x1  }
0x365: {  	v30 =	vadd.f32 v30, v38;
	v38 =	vsub.f32 $1.500000000e+00, v53;
	_ =	sdelay $0x1  }
0x366: {  	v62 =	vmul.f32 v38, v62  }
0x367: {  	v38 =	vadd.f32 v43, v30;
	v43 =	vmul.f32 v24, v6;
	v1 =	vsub.f32 $1.500000000e+00, v1  }
0x368: {  	v49 =	vmul.f32 v46, v46  }
0x369: {  	v53 =	vadd.f32 v43, v38;
	v63 =	vmul.f32 v1, v63;
	v30 =	vld.idx.msk [tilespmem:v0+s23+$0x0], $0xffff  }
0x36a: {  	v1 =	vadd.f32 v49, v33;
	v49 =	vmul.f32 v35, v35;
	v20 =	vld.idx.msk [tilespmem:v0+s25+$0x0], $0xffff;
	v0 =	vmul.f32 v16, v8  }
0x36b: {  	v4 =	vld [tilespmem:$0x1E050]  }
0x36c: {  	v0 =	vadd.f32 v0, v53;
	v53 =	vadd.f32 v49, v1;
	v1 =	vld [tilespmem:$0x1E060];
	_ =	sdelay $0x6  }
0x36d: {  	v38 =	vld.idx.msk [tilespmem:v4+s23+$0x0], $0xffff  }
0x36e: {  	v49 =	vld.idx.msk [tilespmem:v1+s23+$0x0], $0xffff  }
0x36f: {  	[tilespmem:$0x1E5F0] =	vst v16;
	v16 =	vld.idx.msk [tilespmem:v1+s25+$0x0], $0xffff  }
0x370: {  	v1 =	vld [tilespmem:$0x1E070]  }
0x371: {  	v33 =	vld.idx.msk [tilespmem:v4+s25+$0x0], $0xffff  }
0x372: {  	v4 =	vld [tilespmem:$0x1E080]  }
0x373: {  	v52 =	vmul.f32 v13, v13  }
0x374: {  	v43 =	vmul.f32 v3, v9  }
0x375: {  	v45 =	vmul.f32 v62, v45;
	v2 =	vadd.f32 v52, v2;
	v52 =	vmul.f32 v47, v47  }
0x376: {  	v3 =	vadd.f32 v43, v0;
	v43 =	vmul.f32 v63, v56;
	v56 =	vmul.f32 v37, v37  }
0x377: {  	[tilespmem:$0x1E5B0] =	vst v5;
	v5 =	vld [tilespmem:$0x1E090];
	v45 =	vmul.f32 v45, v62;
	v61 =	vadd.f32 v52, v2;
	v0 =	vmul.f32 v25, v25  }
0x378: {  	v44 =	vmov v23;
	v23 =	vmul.f32 v39, v39;
	v53 =	vadd.f32 v56, v53;
	v52 =	vld.idx.msk [tilespmem:v1+s23+$0x0], $0xffff  }
0x379: {  	[tilespmem:$0x1E500] =	vst v31;
	v2 =	vadd.f32 v0, v61;
	v31 =	vld.idx.msk [tilespmem:v1+s25+$0x0], $0xffff;
	v1 =	vmul.f32 v34, v34  }
0x37a: {  	[tilespmem:$0x1E510] =	vst v22;
	v22 =	vmul.f32 v41, v41;
	v0 =	vsub.f32 $1.500000000e+00, v45;
	v45 =	vld.idx.msk [tilespmem:v4+s23+$0x0], $0xffff;
	v23 =	vadd.f32 v23, v53  }
0x37b: {  	v61 =	vld.idx.msk [tilespmem:v4+s25+$0x0], $0xffff;
	v2 =	vadd.f32 v1, v2;
	v1 =	vmul.f32 v11, v11  }
0x37c: {  	v0 =	vmul.f32 v0, v62;
	v4 =	vadd.f32 v22, v23;
	v23 =	vld [tilespmem:$0x1FFA0]  }
0x37d: {  	v28 =	vadd.f32 v1, v2;
	v2 =	vld [tilespmem:$0x1E0B0]  }
0x37e: {  	[tilespmem:$0x1E910] =	vst v0;
	v1 =	vmul.f32 v0, v3;
	v0 =	vld [tilespmem:$0x1E0A0];
	_ =	sdelay $0x1  }
0x37f: {  	v22 =	vmul.f32 v42, v42  }
0x380: {  	v43 =	vmul.f32 v43, v63  }
0x381: {  	v23 =	vadd.f32 v2, v23;
	v2 =	vadd.f32 v22, v4;
	v4 =	vld [tilespmem:$0x1E0C0]  }
0x382: {  	v56 =	vsub.f32 $1.500000000e+00, v43;
	v43 =	vld.idx.msk [tilespmem:v5+s23+$0x0], $0xffff  }
0x383: {  	v5 =	vld.idx.msk [tilespmem:v5+s25+$0x0], $0xffff;
	_ =	sdelay $0x1  }
0x384: {  	[tilespmem:$0x1EA30] =	vst v23;
	v23 =	vmul.f32 v58, v58;
	v53 =	vld.idx.msk [tilespmem:v0+s23+$0x0], $0xffff  }
0x385: {  	v0 =	vld.idx.msk [tilespmem:v0+s25+$0x0], $0xffff  }
0x386: {  	v2 =	vadd.f32 v23, v2;
	v23 =	vld [tilespmem:$0x1FF60]  }
0x387: {  	v63 =	vmul.f32 v56, v63;
	[tilespmem:$0x1E280] =	vst v5;
	v5 =	vld [tilespmem:$0x1E0D0]  }
0x388: {  	v3 =	vmul.f32 v14, v14;
	v22 =	vld.idx.msk [tilespmem:v4+s23+$0x0], $0xffff  }
0x389: {  	v1 =	vmul.f32 v63, v1;
	v4 =	vld.idx.msk [tilespmem:v4+s25+$0x0], $0xffff  }
0x38a: {  	[tilespmem:$0x1E2A0] =	vst v0;
	v0 =	vadd.f32 v3, v28;
	v28 =	vld [tilespmem:$0x1FFB0]  }
0x38b: {  	v3 =	vmul.f32 v15, v15;
	v1 =	vadd.f32 v1, v23;
	_ =	sdelay $0x1  }
0x38c: {  	[tilespmem:$0x1E0E0] =	vst v1;
	v1 =	vadd.f32 v3, v0;
	v0 =	vld [tilespmem:$0x1FFC0]  }
0x38d: {  	[tilespmem:$0x1E2D0] =	vst v4;
	v4 =	vld [tilespmem:$0x1E0F0]  }
0x38e: {  	v28 =	vadd.f32 v5, v28;
	v5 =	vld [tilespmem:$0x1E100];
	_ =	sdelay $0x4  }
0x38f: {  	v0 =	vadd.f32 v5, v0;
	_ =	sdelay $0x1  }
0x390: {  	[tilespmem:$0x1EC80] =	vst v0;
	v0 =	vld.idx.msk [tilespmem:v4+s25+$0x0], $0xffff;
	_ =	sdelay $0x2  }
0x391: {  	v23 =	vld.idx.msk [tilespmem:v4+s23+$0x0], $0xffff  }
0x392: {  	v4 =	vld [tilespmem:$0x1E110]  }
0x393: {  	[tilespmem:$0x1E320] =	vst v0;
	v0 =	vld [tilespmem:$0x1FFD0];
	_ =	sdelay $0x4  }
0x394: {  	v5 =	vld [tilespmem:$0x1E130];
	v0 =	vadd.f32 v4, v0  }
0x395: {  	v4 =	vld [tilespmem:$0x1E120]  }
0x396: {  	[tilespmem:$0x1ECF0] =	vst v0;
	v0 =	vld [tilespmem:$0x1FFE0];
	_ =	sdelay $0x4  }
0x397: {  	v0 =	vadd.f32 v5, v0;
	_ =	sdelay $0x1  }
0x398: {  	[tilespmem:$0x1ED60] =	vst v0;
	v0 =	vld.idx.msk [tilespmem:v4+s25+$0x0], $0xffff;
	_ =	sdelay $0x4  }
0x399: {  	[tilespmem:$0x1E350] =	vst v0;
	v0 =	vld [tilespmem:$0x1E140]  }
0x39a: {  	v3 =	vmul.f32 v21, v21  }
0x39b: {  	[tilespmem:$0x1EB90] =	vst v28;
	v28 =	vmul.f32 v50, v50  }
0x39c: {  	[tilespmem:$0x1E380] =	vst v36;
	v1 =	vadd.f32 v3, v1  }
0x39d: {  	v3 =	vmul.f32 v27, v27;
	v2 =	vadd.f32 v28, v2;
	v28 =	vmul.f32 v36, v36;
	v36 =	vld.idx.msk [tilespmem:v4+s23+$0x0], $0xffff  }
0x39e: {  	v4 =	vmul.f32 v0, v32;
	v0 =	vld [tilespmem:$0x1E150]  }
0x39f: {  	v1 =	vadd.f32 v3, v1;
	v3 =	vld [tilespmem:$0x1E160];
	_ =	sdelay $0x1  }
0x3a0: {  	v2 =	vadd.f32 v28, v2;
	v28 =	vmul.f32 v19, v19;
	_ =	sdelay $0x1  }
0x3a1: {  	v2 =	vadd.f32 v28, v2;
	v28 =	vmul.f32 v0, v32  }
0x3a2: {  	v32 =	vmul.f32 v3, v32;
	v3 =	vmul.f32 v3, v0;
	v0 =	vld [tilespmem:$0x1E170];
	_ =	sdelay $0x3  }
0x3a3: {  	[tilespmem:$0x1E340] =	vst v50;
	v50 =	vmul.f32 v55, v55;
	_ =	sdelay $0x1  }
0x3a4: {  	v5 =	vadd.f32 v50, v1;
	v1 =	vld [tilespmem:$0x1E190];
	_ =	sdelay $0x1  }
0x3a5: {  	v56 =	vld.idx.msk [tilespmem:v0+s23+$0x0], $0xffff  }
0x3a6: {  	v0 =	vld.idx.msk [tilespmem:v0+s25+$0x0], $0xffff;
	_ =	sdelay $0x1  }
0x3a7: {  	[tilespmem:$0x1E9B0] =	vst v63;
	v63 =	vmul.f32 v1, v57;
	v1 =	vld [tilespmem:$0x1E1A0];
	_ =	sdelay $0x2  }
0x3a8: {  	[tilespmem:$0x1E3C0] =	vst v0;
	v0 =	vld [tilespmem:$0x1E180]  }
0x3a9: {  	[tilespmem:$0x1E300] =	vst v58;
	v58 =	vmul.f32 v12, v12  }
0x3aa: {  	v6 =	vld [tilespmem:$0x1E1C0]  }
0x3ab: {  	[tilespmem:$0x1E600] =	vst v9;
	v9 =	vld [tilespmem:$0x1E1E0];
	v2 =	vadd.f32 v58, v2  }
0x3ac: {  	v62 =	vld.idx.msk [tilespmem:v59+s23+$0x0], $0xffff;
	v28 =	vadd.f32 $0.0e+00, v28;
	v58 =	vadd.f32 $0.0e+00, v32  }
0x3ad: {  	v32 =	vld.idx.msk [tilespmem:v1+s23+$0x0], $0xffff;
	v3 =	vadd.f32 $0.0e+00, v3;
	v50 =	vmul.f32 v0, v57;
	v0 =	vmul.f32 v7, v0  }
0x3ae: {  	v17 =	vmul.f32 v7, v57;
	v57 =	vld.idx.msk [tilespmem:v1+s25+$0x0], $0xffff  }
0x3af: {  	v1 =	vld [tilespmem:$0x1E1B0];
	v28 =	vadd.f32 v50, v28;
	v3 =	vadd.f32 v0, v3;
	v0 =	vmul.f32 v6, v29  }
0x3b0: {  	[tilespmem:$0x1E3F0] =	vst v12;
	v59 =	vld.idx.msk [tilespmem:v59+s25+$0x0], $0xffff;
	v12 =	vmul.f32 v18, v18  }
0x3b1: {  	[tilespmem:$0x1E5D0] =	vst v24;
	v4 =	vadd.f32 $0.0e+00, v4;
	v24 =	vadd.f32 v0, v28;
	v0 =	vld [tilespmem:$0x1E1D0]  }
0x3b2: {  	[tilespmem:$0x1E3B0] =	vst v19;
	v2 =	vadd.f32 v12, v2;
	v12 =	vld.idx.msk [tilespmem:v48+s25+$0x0], $0xffff  }
0x3b3: {  	v4 =	vadd.f32 v63, v4;
	v63 =	vld.idx.msk [tilespmem:v40+s25+$0x0], $0xffff;
	v19 =	vadd.f32 v17, v58;
	v58 =	vmul.f32 v51, v51  }
0x3b4: {  	v17 =	vld.idx.msk [tilespmem:v40+s23+$0x0], $0xffff;
	v50 =	vmul.f32 v1, v29;
	v1 =	vmul.f32 v60, v29  }
0x3b5: {  	[tilespmem:$0x1E5E0] =	vst v8;
	v8 =	vmul.f32 v44, v10;
	v40 =	vmov v18;
	v18 =	vmul.f32 v30, v30;
	v29 =	vld.idx.msk [tilespmem:v48+s23+$0x0], $0xffff  }
0x3b6: {  	v5 =	vadd.f32 v58, v5;
	v1 =	vadd.f32 v1, v19;
	v19 =	vmul.f32 v0, v10;
	v0 =	vld.idx.msk [tilespmem:v54+s23+$0x0], $0xffff  }
0x3b7: {  	s0 =	simm.s32 $0x0;
	v6 =	vmul.f32 v60, v6;
	v54 =	vld.idx.msk [tilespmem:v54+s25+$0x0], $0xffff  }
0x3b8: {  	v5 =	vadd.f32 v18, v5;
	[tilespmem:s23], [sflag:$0x1] =	stream.indirect.gather [hbm4b:s3+s21], $0x20, s0, s21, $0xb8;
	v1 =	vadd.f32 v8, v1;
	v8 =	vld [tilespmem:$0x1E1F0]  }
0x3b9: {  	v18 =	vmul.f32 v38, v38;
	v3 =	vadd.f32 v6, v3;
	v6 =	vmul.f32 v9, v10;
	v10 =	vld [tilespmem:$0x1E200]  }
0x3ba: {  	[tilespmem:s24], [sflag:$0x1] =	stream.indirect.gather [hbm4b:s4+s21], $0x20, s21, s21, $0xb8;
	[tilespmem:$0x14F00] =	vst v63  }
0x3bb: {  	v5 =	vadd.f32 v18, v5;
	v18 =	vmul.f32 v16, v16;
	v4 =	vadd.f32 v50, v4  }
0x3bc: {  	v58 =	vmov v20;
	v28 =	vmul.f32 v20, v20;
	v20 =	vmul.f32 v44, v9;
	[tilespmem:s25], [sflag:$0x1] =	stream.indirect.gather [hbm4b:s5+s21], $0x20, s21, s21, $0xb8;
	[tilespmem:$0x14F00] =	vst v63  }
0x3bd: {  	v9 =	vmul.f32 v46, v26;
	v6 =	vadd.f32 v6, v24;
	v4 =	vadd.f32 v19, v4  }
0x3be: {  	v8 =	vmul.f32 v8, v26;
	v24 =	vmul.f32 v46, v10;
	v46 =	vmov v16;
	v16 =	vld [tilespmem:$0x1E220];
	[tilespmem:s26], [sflag:$0x1] =	stream.indirect.gather [hbm4b:s4+s21], $0x20, s22, s21, $0xb8  }
0x3bf: {  	v2 =	vadd.f32 v28, v2;
	v19 =	vmul.f32 v33, v33  }
0x3c0: {  	v1 =	vadd.f32 v9, v1;
	v9 =	vld [tilespmem:$0x1E210];
	v4 =	vadd.f32 v8, v4;
	v8 =	vmul.f32 v49, v49;
	[tilespmem:s29], [sflag:$0x1] =	stream.indirect.gather [hbm4b:s5+s21], $0x20, s22, s21, $0xb8  }
0x3c1: {  	v3 =	vadd.f32 v20, v3;
	v20 =	vmul.f32 v10, v26;
	_ =	swait.ge [sflag:s28], $0x4000  }
0x3c2: {  	v2 =	vadd.f32 v19, v2;
	v5 =	vadd.f32 v8, v5;
	v8 =	vld [tilespmem:$0x1E230];
	[sflag:s28] =	ssyncset.done $0x0  }
0x3c3: {  	v6 =	vadd.f32 v20, v6;
	v19 =	vmul.f32 v16, v13;
	v20 =	vmul.f32 v35, v16;
	v16 =	vld [tilespmem:$0x1E240];
	[sflag:s28] =	ssyncadd.s32 $0xFFFFC000  }
0x3c4: {  	_ =	swait.ge [sflag:s28], $0x4000  }
0x3c5: {  	v9 =	vmul.f32 v9, v13;
	[sflag:s28] =	ssyncset.done $0x0  }
0x3c6: {  	v3 =	vadd.f32 v24, v3;
	[sflag:s28] =	ssyncadd.s32 $0xFFFFC000  }
0x3c7: {  	v4 =	vadd.f32 v9, v4;
	v8 =	vmul.f32 v8, v47;
	_ =	swait.ge [sflag:s28], $0x4000  }
0x3c8: {  	v6 =	vadd.f32 v19, v6;
	v3 =	vadd.f32 v20, v3;
	v19 =	vmul.f32 v37, v16;
	[sflag:s28] =	ssyncset.done $0x0  }
0x3c9: {  	v4 =	vadd.f32 v8, v4;
	v8 =	vld [tilespmem:$0x1E250];
	[sflag:s28] =	ssyncadd.s32 $0xFFFFC000  }
0x3ca: {  	v10 =	vmul.f32 v35, v13;
	v3 =	vadd.f32 v19, v3;
	v19 =	vld [tilespmem:$0x1E260];
	_ =	swait.ge [sflag:s28], $0x4000  }
0x3cb: {  	v20 =	vld [tilespmem:$0x1FFF0]  }
0x3cc: {  	v2 =	vadd.f32 v18, v2;
	v1 =	vadd.f32 v10, v1;
	v10 =	vmul.f32 v31, v31  }
0x3cd: {  	v9 =	vmul.f32 v52, v52  }
0x3ce: {  	v2 =	vadd.f32 v10, v2;
	v10 =	vmov s0  }
0x3cf: {  	v10 =	vshll.u32 v10, $0x5;
	v5 =	vadd.f32 v9, v5;
	v9 =	vmul.f32 v45, v45  }
0x3d0: {  	v18 =	vmul.f32 v16, v47;
	v50 =	vor.u32 v20, v10  }
0x3d1: {  	v5 =	vadd.f32 v9, v5;
	[sflag:s28] =	ssyncset.done $0x0;
	v9 =	vor.u32 $0x1, v50  }
0x3d2: {  	v6 =	vadd.f32 v18, v6;
	[sflag:s28] =	ssyncadd.s32 $0xFFFFC000;
	v18 =	vmul.f32 v19, v25  }
0x3d3: {  	v8 =	vmul.f32 v8, v25;
	v10 =	vld [tilespmem:$0x1E270];
	_ =	swait.ge [sflag:s28], $0x4000  }
0x3d4: {  	v13 =	vmul.f32 v37, v47;
	v19 =	vmul.f32 v39, v19;
	v6 =	vadd.f32 v18, v6;
	v18 =	vld [tilespmem:$0x1E290];
	[sflag:s28] =	ssyncset.done $0x0  }
0x3d5: {  	v16 =	vmul.f32 v39, v25;
	v4 =	vadd.f32 v8, v4;
	v8 =	vmul.f32 v43, v43;
	v39 =	vld [tilespmem:$0x1E280];
	[sflag:s28] =	ssyncadd.s32 $0xFFFFC000  }
0x3d6: {  	v1 =	vadd.f32 v13, v1;
	v3 =	vadd.f32 v19, v3;
	v19 =	vld.idx.msk [tilespmem:v9+s23+$0x0], $0xffff  }
0x3d7: {  	v5 =	vadd.f32 v8, v5;
	v8 =	vmul.f32 v53, v53;
	v37 =	vld.idx.msk [tilespmem:v9+s24+$0x0], $0xffff  }
0x3d8: {  	v1 =	vadd.f32 v16, v1;
	v20 =	vld.idx.msk [tilespmem:v9+s25+$0x0], $0xffff  }
0x3d9: {  	v5 =	vadd.f32 v8, v5;
	v16 =	vmul.f32 v18, v34;
	v18 =	vmul.f32 v41, v18;
	v8 =	vld.idx.msk [tilespmem:v9+s26+$0x0], $0xffff  }
0x3da: {  	v13 =	vmul.f32 v61, v61;
	v9 =	vld.idx.msk [tilespmem:v9+s29+$0x0], $0xffff  }
0x3db: {  	v7 =	vmul.f32 v41, v34;
	v3 =	vadd.f32 v18, v3;
	v18 =	vld [tilespmem:$0x1E2B0]  }
0x3dc: {  	v2 =	vadd.f32 v13, v2  }
0x3dd: {  	v1 =	vadd.f32 v7, v1;
	v7 =	vor.u32 $0x2, v50;
	v47 =	vld [tilespmem:$0x1E2A0];
	v13 =	vmul.f32 v39, v39  }
0x3de: {  	[tilespmem:$0x1E620] =	vst v20;
	v20 =	vld [tilespmem:$0x1E2C0]  }
0x3df: {  	v28 =	vld [tilespmem:$0x1E2D0];
	v10 =	vmul.f32 v10, v34;
	v2 =	vadd.f32 v13, v2;
	[tilespmem:$0x1E660] =	vst v9;
	v9 =	vmul.f32 v22, v22  }
0x3e0: {  	v6 =	vadd.f32 v16, v6;
	[tilespmem:$0x1E650] =	vst v8;
	v13 =	vmul.f32 v18, v11;
	v8 =	vmul.f32 v42, v18;
	v18 =	vld [tilespmem:$0x1E2E0]  }
0x3e1: {  	v5 =	vadd.f32 v9, v5;
	v9 =	vld [tilespmem:$0x1E2F0]  }
0x3e2: {  	v4 =	vadd.f32 v10, v4;
	v10 =	vmul.f32 v47, v47;
	v6 =	vadd.f32 v13, v6;
	v13 =	vld.idx.msk [tilespmem:v7+s24+$0x0], $0xffff  }
0x3e3: {  	v16 =	vmul.f32 v42, v11;
	v11 =	vmul.f32 v20, v11;
	v20 =	vld [tilespmem:$0x1E300];
	_ =	sdelay $0x1  }
0x3e4: {  	v2 =	vadd.f32 v10, v2;
	v3 =	vadd.f32 v8, v3;
	v8 =	vmul.f32 v28, v28  }
0x3e5: {  	v1 =	vadd.f32 v16, v1;
	v16 =	vld.idx.msk [tilespmem:v7+s23+$0x0], $0xffff  }
0x3e6: {  	v2 =	vadd.f32 v8, v2;
	v8 =	vld.idx.msk [tilespmem:v7+s26+$0x0], $0xffff;
	v4 =	vadd.f32 v11, v4;
	v11 =	vmul.f32 v18, v14  }
0x3e7: {  	v9 =	vmul.f32 v9, v14;
	[tilespmem:$0x1E630] =	vst v13;
	v13 =	vmul.f32 v20, v14;
	v14 =	vld.idx.msk [tilespmem:v7+s25+$0x0], $0xffff  }
0x3e8: {  	v7 =	vld.idx.msk [tilespmem:v7+s29+$0x0], $0xffff;
	_ =	sdelay $0x1  }
0x3e9: {  	v10 =	vor.u32 $0x3, v50;
	_ =	sdelay $0x2  }
0x3ea: {  	v26 =	vld [tilespmem:$0x1E320];
	[tilespmem:$0x1E680] =	vst v7;
	v7 =	vmul.f32 v23, v23  }
0x3eb: {  	[tilespmem:$0x1E670] =	vst v8;
	v8 =	vld [tilespmem:$0x1E310]  }
0x3ec: {  	v5 =	vadd.f32 v7, v5;
	v7 =	vld.idx.msk [tilespmem:v10+s25+$0x0], $0xffff  }
0x3ed: {  	v24 =	vld [tilespmem:$0x1E340]  }
0x3ee: {  	v34 =	vld [tilespmem:$0x1E350]  }
0x3ef: {  	v6 =	vadd.f32 v11, v6;
	[tilespmem:$0x1E640] =	vst v14;
	v14 =	vmul.f32 v20, v18;
	v20 =	vld [tilespmem:$0x1E330]  }
0x3f0: {  	v4 =	vadd.f32 v9, v4;
	v9 =	vmul.f32 v26, v26;
	v11 =	vor.u32 $0x4, v50  }
0x3f1: {  	v8 =	vmul.f32 v8, v15;
	[tilespmem:$0x1E6A0] =	vst v7;
	v7 =	vld.idx.msk [tilespmem:v10+s26+$0x0], $0xffff  }
0x3f2: {  	v2 =	vadd.f32 v9, v2  }
0x3f3: {  	v1 =	vadd.f32 v13, v1;
	v4 =	vadd.f32 v8, v4;
	v8 =	vmul.f32 v34, v34  }
0x3f4: {  	v3 =	vadd.f32 v14, v3;
	v14 =	vmul.f32 v24, v15;
	v13 =	vmul.f32 v20, v15;
	v15 =	vld.idx.msk [tilespmem:v10+s24+$0x0], $0xffff  }
0x3f5: {  	v2 =	vadd.f32 v8, v2;
	v8 =	vld.idx.msk [tilespmem:v11+s25+$0x0], $0xffff  }
0x3f6: {  	[tilespmem:$0x1E6B0] =	vst v7;
	v7 =	vld.idx.msk [tilespmem:v10+s29+$0x0], $0xffff;
	_ =	sdelay $0x2  }
0x3f7: {  	v1 =	vadd.f32 v14, v1;
	v14 =	vld [tilespmem:$0x1E360];
	[tilespmem:$0x1E690] =	vst v15  }
0x3f8: {  	v15 =	vmul.f32 v24, v20;
	[tilespmem:$0x1E6E0] =	vst v8;
	v8 =	vld.idx.msk [tilespmem:v11+s26+$0x0], $0xffff  }
0x3f9: {  	v20 =	vld.idx.msk [tilespmem:v11+s24+$0x0], $0xffff;
	[tilespmem:$0x1E6C0] =	vst v7;
	v7 =	vmul.f32 v36, v36  }
0x3fa: {  	v3 =	vadd.f32 v15, v3;
	v15 =	vld [tilespmem:$0x1E380]  }
0x3fb: {  	v5 =	vadd.f32 v7, v5;
	v7 =	vld [tilespmem:$0x1E370]  }
0x3fc: {  	v18 =	vld.idx.msk [tilespmem:v10+s23+$0x0], $0xffff  }
0x3fd: {  	[tilespmem:$0x1E6F0] =	vst v8;
	v8 =	vld.idx.msk [tilespmem:v11+s29+$0x0], $0xffff  }
0x3fe: {  	v6 =	vadd.f32 v13, v6;
	v9 =	vmul.f32 v14, v21;
	v10 =	vor.u32 $0x5, v50;
	[tilespmem:$0x1E6D0] =	vst v20;
	v20 =	vld [tilespmem:$0x1E3B0]  }
0x3ff: {  	v13 =	vmul.f32 v15, v21;
	v14 =	vmul.f32 v15, v14;
	v15 =	vld [tilespmem:$0x1E3A0]  }
0x400: {  	v25 =	vld [tilespmem:$0x1E3C0];
	v6 =	vadd.f32 v9, v6;
	v9 =	vmul.f32 v59, v59;
	v7 =	vmul.f32 v7, v21  }
0x401: {  	v24 =	vld.idx.msk [tilespmem:v11+s23+$0x0], $0xffff  }
0x402: {  	v48 =	vmov v33;
	v2 =	vadd.f32 v9, v2;
	v4 =	vadd.f32 v7, v4;
	v7 =	vld [tilespmem:$0x1E390]  }
0x403: {  	v33 =	vmov v61;
	v9 =	vld.idx.msk [tilespmem:v10+s25+$0x0], $0xffff;
	v1 =	vadd.f32 v13, v1;
	[tilespmem:$0x1E700] =	vst v8;
	v8 =	vmul.f32 v62, v62  }
0x404: {  	v61 =	vld.idx.msk [tilespmem:v10+s26+$0x0], $0xffff;
	v3 =	vadd.f32 v14, v3;
	v11 =	vmul.f32 v15, v27;
	v15 =	vmul.f32 v20, v15  }
0x405: {  	v14 =	vor.u32 $0x6, v50;
	v13 =	vmul.f32 v20, v27;
	v5 =	vadd.f32 v8, v5;
	v8 =	vld.idx.msk [tilespmem:v10+s24+$0x0], $0xffff  }
0x406: {  	v3 =	vadd.f32 v15, v3;
	v15 =	vld [tilespmem:$0x1E3F0]  }
0x407: {  	v1 =	vadd.f32 v13, v1;
	v13 =	vld [tilespmem:$0x1E3D0];
	v7 =	vmul.f32 v7, v27  }
0x408: {  	[tilespmem:$0x1E720] =	vst v9;
	v9 =	vld [tilespmem:$0x1E3E0]  }
0x409: {  	v4 =	vadd.f32 v7, v4;
	v7 =	vld.idx.msk [tilespmem:v10+s29+$0x0], $0xffff  }
0x40a: {  	v20 =	vld.idx.msk [tilespmem:v14+s23+$0x0], $0xffff;
	[tilespmem:$0x1E710] =	vst v8;
	v8 =	vmul.f32 v56, v56  }
0x40b: {  	v27 =	vld.idx.msk [tilespmem:v10+s23+$0x0], $0xffff;
	v10 =	vmul.f32 v15, v55  }
0x40c: {  	v5 =	vadd.f32 v8, v5;
	v8 =	vmul.f32 v13, v55;
	v13 =	vmul.f32 v15, v13;
	v15 =	vld [tilespmem:$0x1E410]  }
0x40d: {  	v6 =	vadd.f32 v11, v6;
	v11 =	vor.u32 $0x7, v50;
	v1 =	vadd.f32 v10, v1;
	v10 =	vld.idx.msk [tilespmem:v14+s25+$0x0], $0xffff  }
0x40e: {  	[tilespmem:$0x1E730] =	vst v7;
	v7 =	vmul.f32 v25, v25;
	_ =	sdelay $0x1  }
0x40f: {  	v3 =	vadd.f32 v13, v3;
	v13 =	vmul.f32 v40, v51;
	v2 =	vadd.f32 v7, v2;
	v7 =	vld.idx.msk [tilespmem:v14+s24+$0x0], $0xffff  }
0x410: {  	v9 =	vmul.f32 v9, v55;
	[tilespmem:$0x1EB70] =	vst v20;
	v20 =	vld.idx.msk [tilespmem:v14+s26+$0x0], $0xffff;
	v6 =	vadd.f32 v8, v6  }
0x411: {  	v1 =	vadd.f32 v13, v1;
	v13 =	vld.idx.msk [tilespmem:v11+s25+$0x0], $0xffff;
	[tilespmem:$0x1E750] =	vst v10;
	v10 =	vmul.f32 v15, v51  }
0x412: {  	v14 =	vld.idx.msk [tilespmem:v14+s29+$0x0], $0xffff  }
0x413: {  	v4 =	vadd.f32 v9, v4;
	v9 =	vmul.f32 v57, v57;
	v6 =	vadd.f32 v10, v6;
	v10 =	vld.idx.msk [tilespmem:v11+s24+$0x0], $0xffff  }
0x414: {  	v15 =	vmul.f32 v40, v15;
	[tilespmem:$0x1E740] =	vst v7;
	v7 =	vld [tilespmem:$0x1E400]  }
0x415: {  	v2 =	vadd.f32 v9, v2;
	v9 =	vld [tilespmem:$0x1E420]  }
0x416: {  	v8 =	vmul.f32 v32, v32;
	v3 =	vadd.f32 v15, v3;
	v15 =	vld [tilespmem:$0x1E430]  }
0x417: {  	[tilespmem:$0x1E760] =	vst v20  }
0x418: {  	v60 =	vld.idx.msk [tilespmem:v11+s29+$0x0], $0xffff;
	v5 =	vadd.f32 v8, v5;
	v8 =	vor.u32 $0x8, v50;
	[tilespmem:$0x1E780] =	vst v10;
	v10 =	vmul.f32 v63, v63  }
0x419: {  	v20 =	vld [tilespmem:$0x1E440];
	[tilespmem:$0x1E770] =	vst v14;
	v14 =	vmul.f32 v58, v30;
	v7 =	vmul.f32 v7, v51  }
0x41a: {  	v40 =	vld.idx.msk [tilespmem:v11+s23+$0x0], $0xffff;
	v9 =	vmul.f32 v9, v30;
	v2 =	vadd.f32 v10, v2;
	v10 =	vor.u32 $0x9, v50  }
0x41b: {  	[tilespmem:$0x1E790] =	vst v13;
	v13 =	vmul.f32 v15, v30;
	v7 =	vadd.f32 v7, v4;
	v4 =	vmul.f32 v17, v17  }
0x41c: {  	v30 =	vld.idx.msk [tilespmem:v11+s26+$0x0], $0xffff;
	v15 =	vmul.f32 v58, v15;
	v11 =	vmul.f32 v12, v12  }
0x41d: {  	v5 =	vadd.f32 v4, v5;
	v4 =	vld.idx.msk [tilespmem:v8+s23+$0x0], $0xffff;
	v7 =	vadd.f32 v9, v7;
	v9 =	vmul.f32 v29, v29  }
0x41e: {  	v6 =	vadd.f32 v13, v6;
	v13 =	vadd.f32 v15, v3;
	v15 =	vld [tilespmem:$0x1E450]  }
0x41f: {  	v5 =	vadd.f32 v9, v5;
	v9 =	vadd.f32 v11, v2;
	v11 =	vmul.f32 v48, v20;
	v2 =	vld.idx.msk [tilespmem:v10+s23+$0x0], $0xffff;
	_ =	sdelay $0x1  }
0x420: {  	v11 =	vadd.f32 v11, v13;
	v13 =	vmul.f32 v54, v54  }
0x421: {  	v1 =	vadd.f32 v14, v1;
	v14 =	vmul.f32 v48, v38;
	[tilespmem:$0x1E800] =	vst v4;
	v4 =	vld.idx.msk [tilespmem:v8+s24+$0x0], $0xffff  }
0x422: {  	v3 =	vmul.f32 v20, v38;
	v15 =	vmul.f32 v15, v38;
	v38 =	vadd.f32 v13, v9;
	v9 =	vld.idx.msk [tilespmem:v10+s26+$0x0], $0xffff  }
0x423: {  	[tilespmem:$0x1ECD0] =	vst v2;
	v2 =	vld [tilespmem:$0x1E460];
	_ =	sdelay $0x1  }
0x424: {  	v21 =	vmov v57;
	v57 =	vld.idx.msk [tilespmem:v8+s25+$0x0], $0xffff  }
0x425: {  	[tilespmem:$0x1E7B0] =	vst v4;
	v4 =	vld.idx.msk [tilespmem:v10+s24+$0x0], $0xffff  }
0x426: {  	v42 =	vld.idx.msk [tilespmem:v8+s26+$0x0], $0xffff;
	v7 =	vadd.f32 v15, v7  }
0x427: {  	[tilespmem:$0x1E7E0] =	vst v9;
	v15 =	vmul.f32 v2, v49;
	v9 =	vmul.f32 v46, v2;
	v2 =	vld.idx.msk [tilespmem:v10+s29+$0x0], $0xffff  }
0x428: {  	v6 =	vadd.f32 v3, v6;
	v3 =	vld.idx.msk [tilespmem:v8+s29+$0x0], $0xffff;
	v8 =	vmul.f32 v0, v0;
	_ =	sdelay $0x1  }
0x429: {  	[tilespmem:$0x1E7C0] =	vst v4;
	v4 =	vadd.f32 v8, v5;
	v5 =	vld [tilespmem:$0x1E470];
	_ =	sdelay $0x1  }
0x42a: {  	v1 =	vadd.f32 v14, v1;
	v14 =	vor.u32 $0xA, v50;
	[tilespmem:$0x1E7F0] =	vst v2;
	v2 =	vld [tilespmem:$0x1E480];
	_ =	sdelay $0x2  }
0x42b: {  	v5 =	vmul.f32 v5, v49  }
0x42c: {  	v8 =	vmul.f32 v46, v49  }
0x42d: {  	v5 =	vadd.f32 v5, v7;
	v7 =	vmul.f32 v2, v52;
	v13 =	vmul.f32 v31, v2;
	v2 =	vld.idx.msk [tilespmem:v14+s24+$0x0], $0xffff;
	_ =	sdelay $0x1  }
0x42e: {  	v1 =	vadd.f32 v8, v1;
	v8 =	vmul.f32 v31, v52;
	_ =	sdelay $0x1  }
0x42f: {  	v1 =	vadd.f32 v8, v1;
	v8 =	vld.idx.msk [tilespmem:v14+s25+$0x0], $0xffff  }
0x430: {  	[tilespmem:$0x1E810] =	vst v2;
	v2 =	vld [tilespmem:$0x1E4A0];
	_ =	sdelay $0x1  }
0x431: {  	v6 =	vadd.f32 v15, v6  }
0x432: {  	v9 =	vadd.f32 v9, v11  }
0x433: {  	v6 =	vadd.f32 v7, v6;
	[tilespmem:$0x1E820] =	vst v8  }
0x434: {  	v8 =	vadd.f32 v13, v9;
	v7 =	vmul.f32 v2, v45;
	v13 =	vmul.f32 v33, v2;
	v2 =	vld.idx.msk [tilespmem:v14+s29+$0x0], $0xffff;
	_ =	sdelay $0x3  }
0x435: {  	[tilespmem:$0x1E7A0] =	vst v30;
	v30 =	vld.idx.msk [tilespmem:v10+s25+$0x0], $0xffff  }
0x436: {  	v10 =	vor.u32 $0xB, v50;
	[tilespmem:$0x1E830] =	vst v2;
	v2 =	vld [tilespmem:$0x1E4C0];
	_ =	sdelay $0x3  }
0x437: {  	v11 =	vld [tilespmem:$0x1E490];
	v6 =	vadd.f32 v7, v6  }
0x438: {  	v8 =	vadd.f32 v13, v8;
	v7 =	vmul.f32 v2, v43;
	v13 =	vmul.f32 v39, v2;
	v2 =	vld.idx.msk [tilespmem:v10+s25+$0x0], $0xffff;
	_ =	sdelay $0x4  }
0x439: {  	v11 =	vmul.f32 v11, v52;
	[tilespmem:$0x1E850] =	vst v2;
	v2 =	vld.idx.msk [tilespmem:v10+s26+$0x0], $0xffff;
	_ =	sdelay $0x1  }
0x43a: {  	v5 =	vadd.f32 v11, v5;
	v11 =	vld [tilespmem:$0x1E4B0];
	_ =	sdelay $0x2  }
0x43b: {  	[tilespmem:$0x1E860] =	vst v2;
	v2 =	vld.idx.msk [tilespmem:v10+s29+$0x0], $0xffff  }
0x43c: {  	v15 =	vld.idx.msk [tilespmem:v14+s23+$0x0], $0xffff  }
0x43d: {  	v11 =	vmul.f32 v11, v45  }
0x43e: {  	v9 =	vmul.f32 v33, v45  }
0x43f: {  	v5 =	vadd.f32 v11, v5;
	v11 =	vld [tilespmem:$0x1E4D0]  }
0x440: {  	v1 =	vadd.f32 v9, v1;
	v9 =	vor.u32 $0xC, v50;
	[tilespmem:$0x1E870] =	vst v2;
	v2 =	vld [tilespmem:$0x1E4E0]  }
0x441: {  	[tilespmem:$0x1ED30] =	vst v15;
	v15 =	vld.idx.msk [tilespmem:v14+s26+$0x0], $0xffff  }
0x442: {  	v14 =	vld.idx.msk [tilespmem:v10+s23+$0x0], $0xffff;
	_ =	sdelay $0x1  }
0x443: {  	v11 =	vmul.f32 v11, v43;
	v6 =	vadd.f32 v7, v6  }
0x444: {  	v7 =	vadd.f32 v13, v8;
	v8 =	vmul.f32 v2, v53;
	v13 =	vmul.f32 v47, v2;
	v2 =	vld.idx.msk [tilespmem:v9+s23+$0x0], $0xffff  }
0x445: {  	v5 =	vadd.f32 v11, v5;
	v11 =	vld [tilespmem:$0x1E4F0]  }
0x446: {  	[tilespmem:$0x1EDA0] =	vst v14;
	v14 =	vmul.f32 v39, v43;
	_ =	sdelay $0x1  }
0x447: {  	[tilespmem:$0x1E7D0] =	vst v30;
	v30 =	vld.idx.msk [tilespmem:v10+s24+$0x0], $0xffff;
	v1 =	vadd.f32 v14, v1;
	v10 =	vmul.f32 v47, v53  }
0x448: {  	v14 =	vor.u32 $0xD, v50;
	[tilespmem:$0x1EDF0] =	vst v2;
	v2 =	vld [tilespmem:$0x1E500]  }
0x449: {  	v11 =	vmul.f32 v11, v53;
	v1 =	vadd.f32 v10, v1;
	v10 =	vld.idx.msk [tilespmem:v9+s24+$0x0], $0xffff;
	_ =	sdelay $0x1  }
0x44a: {  	v5 =	vadd.f32 v11, v5;
	v11 =	vmul.f32 v28, v22;
	_ =	sdelay $0x1  }
0x44b: {  	v1 =	vadd.f32 v11, v1;
	v11 =	vld.idx.msk [tilespmem:v14+s23+$0x0], $0xffff;
	v6 =	vadd.f32 v8, v6;
	v8 =	vmul.f32 v2, v22  }
0x44c: {  	[tilespmem:$0x1E880] =	vst v10;
	v10 =	vld [tilespmem:$0x1E510]  }
0x44d: {  	v6 =	vadd.f32 v8, v6;
	v8 =	vmul.f32 v28, v2;
	v2 =	vld [tilespmem:$0x1E520];
	_ =	sdelay $0x1  }
0x44e: {  	v55 =	vld.idx.msk [tilespmem:v9+s26+$0x0], $0xffff  }
0x44f: {  	v48 =	vld.idx.msk [tilespmem:v9+s29+$0x0], $0xffff  }
0x450: {  	[tilespmem:$0x1EE60] =	vst v11;
	v11 =	vld [tilespmem:$0x1E530];
	v10 =	vmul.f32 v10, v22  }
0x451: {  	v22 =	vld.idx.msk [tilespmem:v9+s25+$0x0], $0xffff;
	v9 =	vmul.f32 v2, v23  }
0x452: {  	v58 =	vld.idx.msk [tilespmem:v14+s25+$0x0], $0xffff;
	v5 =	vadd.f32 v10, v5;
	v10 =	vor.u32 $0xE, v50  }
0x453: {  	v6 =	vadd.f32 v9, v6;
	v9 =	vmul.f32 v26, v2;
	v2 =	vld [tilespmem:$0x1E540]  }
0x454: {  	v46 =	vld.idx.msk [tilespmem:v14+s26+$0x0], $0xffff;
	v7 =	vadd.f32 v13, v7  }
0x455: {  	v41 =	vld.idx.msk [tilespmem:v14+s29+$0x0], $0xffff;
	v11 =	vmul.f32 v11, v23  }
0x456: {  	v47 =	vld.idx.msk [tilespmem:v14+s24+$0x0], $0xffff;
	v7 =	vadd.f32 v8, v7;
	v8 =	vmul.f32 v26, v23  }
0x457: {  	v5 =	vadd.f32 v11, v5;
	v14 =	vld.idx.msk [tilespmem:v10+s24+$0x0], $0xffff  }
0x458: {  	v1 =	vadd.f32 v8, v1;
	v8 =	vmul.f32 v2, v36;
	v11 =	vmul.f32 v34, v2;
	v2 =	vld [tilespmem:$0x1E560];
	_ =	sdelay $0x3  }
0x459: {  	v7 =	vadd.f32 v9, v7;
	v9 =	vld [tilespmem:$0x1E550]  }
0x45a: {  	[tilespmem:$0x1E8A0] =	vst v14;
	v6 =	vadd.f32 v8, v6;
	v8 =	vmul.f32 v2, v62;
	v14 =	vmul.f32 v59, v2;
	v2 =	vld [tilespmem:$0x1E580];
	_ =	sdelay $0x1  }
0x45b: {  	v13 =	vmul.f32 v34, v36;
	_ =	sdelay $0x1  }
0x45c: {  	v1 =	vadd.f32 v13, v1;
	v13 =	vld.idx.msk [tilespmem:v10+s23+$0x0], $0xffff;
	v9 =	vmul.f32 v9, v36  }
0x45d: {  	v7 =	vadd.f32 v11, v7;
	v11 =	vld [tilespmem:$0x1E570];
	v6 =	vadd.f32 v8, v6;
	v8 =	vmul.f32 v2, v56;
	_ =	sdelay $0x1  }
0x45e: {  	v5 =	vadd.f32 v9, v5;
	v9 =	vor.u32 $0xF, v50;
	v6 =	vadd.f32 v8, v6;
	v8 =	vld [tilespmem:$0x1E590]  }
0x45f: {  	v45 =	vld.idx.msk [tilespmem:v10+s26+$0x0], $0xffff  }
0x460: {  	v39 =	vld.idx.msk [tilespmem:v10+s29+$0x0], $0xffff  }
0x461: {  	[tilespmem:$0x1EEB0] =	vst v13;
	v13 =	vmul.f32 v59, v62;
	v59 =	vld.idx.msk [tilespmem:v10+s25+$0x0], $0xffff;
	v11 =	vmul.f32 v11, v62  }
0x462: {  	v10 =	vmul.f32 v25, v2;
	v2 =	vld [tilespmem:$0x1E5A0]  }
0x463: {  	v1 =	vadd.f32 v13, v1;
	v5 =	vadd.f32 v11, v5;
	v13 =	vld.idx.msk [tilespmem:v9+s23+$0x0], $0xffff;
	v8 =	vmul.f32 v8, v56  }
0x464: {  	v11 =	vmul.f32 v25, v56;
	v20 =	vld.idx.msk [tilespmem:v9+s24+$0x0], $0xffff  }
0x465: {  	[tilespmem:$0x1E920] =	vst v38;
	v7 =	vadd.f32 v14, v7;
	v5 =	vadd.f32 v8, v5;
	v8 =	vld [tilespmem:$0x1E5B0]  }
0x466: {  	[tilespmem:$0x1E840] =	vst v30;
	v1 =	vadd.f32 v11, v1  }
0x467: {  	[tilespmem:$0x1E890] =	vst v22;
	v7 =	vadd.f32 v10, v7;
	v11 =	vmul.f32 v2, v32;
	v10 =	vmul.f32 v21, v2;
	v2 =	vld [tilespmem:$0x1E5C0]  }
0x468: {  	v44 =	vld.idx.msk [tilespmem:v9+s25+$0x0], $0xffff;
	[tilespmem:$0x1EF20] =	vst v13  }
0x469: {  	v35 =	vld.idx.msk [tilespmem:v9+s26+$0x0], $0xffff;
	[tilespmem:$0x1E8B0] =	vst v20  }
0x46a: {  	v7 =	vadd.f32 v10, v7;
	v10 =	vld [tilespmem:$0x1E5D0];
	v8 =	vmul.f32 v8, v32  }
0x46b: {  	v34 =	vld.idx.msk [tilespmem:v9+s29+$0x0], $0xffff  }
0x46c: {  	v9 =	vmul.f32 v63, v2;
	v5 =	vadd.f32 v8, v5;
	v8 =	vmul.f32 v2, v17;
	v2 =	vld [tilespmem:$0x1E5E0];
	_ =	sdelay $0x1  }
0x46d: {  	v13 =	vmul.f32 v21, v32;
	_ =	sdelay $0x1  }
0x46e: {  	v1 =	vadd.f32 v13, v1;
	v6 =	vadd.f32 v11, v6;
	v11 =	vmul.f32 v63, v17  }
0x46f: {  	v13 =	vmul.f32 v12, v29;
	v7 =	vadd.f32 v9, v7;
	v9 =	vld [tilespmem:$0x1E5F0];
	v12 =	vmul.f32 v12, v2  }
0x470: {  	v1 =	vadd.f32 v11, v1;
	v11 =	vmul.f32 v2, v29;
	v2 =	vld [tilespmem:$0x1E600]  }
0x471: {  	v10 =	vmul.f32 v10, v17;
	v17 =	vor.u32 $0x10, v50;
	v7 =	vadd.f32 v12, v7;
	v12 =	vld [tilespmem:$0x1E610];
	_ =	sdelay $0x2  }
0x472: {  	v9 =	vmul.f32 v9, v29;
	v5 =	vadd.f32 v10, v5  }
0x473: {  	v1 =	vadd.f32 v13, v1;
	v13 =	vmul.f32 v54, v0  }
0x474: {  	v5 =	vadd.f32 v9, v5;
	v9 =	vmul.f32 v2, v0;
	v12 =	vmul.f32 v12, v0;
	v0 =	vld.idx.msk [tilespmem:v17+s23+$0x0], $0xffff;
	_ =	sdelay $0x4  }
0x475: {  	[tilespmem:$0x1EF80] =	vst v0;
	v0 =	vmul.f32 v54, v2;
	_ =	sdelay $0x1  }
0x476: {  	v6 =	vadd.f32 v8, v6;
	v0 =	vadd.f32 v0, v7;
	_ =	sdelay $0x1  }
0x477: {  	v6 =	vadd.f32 v11, v6;
	[tilespmem:$0x1E950] =	vst v0;
	v0 =	vld [tilespmem:$0x1E620]  }
0x478: {  	v14 =	vld.idx.msk [tilespmem:v50+s25+$0x0], $0xffff  }
0x479: {  	v20 =	vld.idx.msk [tilespmem:v50+s23+$0x0], $0xffff;
	v2 =	vadd.f32 v9, v6  }
0x47a: {  	v8 =	vld.idx.msk [tilespmem:v50+s24+$0x0], $0xffff  }
0x47b: {  	v1 =	vadd.f32 v13, v1;
	[tilespmem:$0x1E8D0] =	vst v2;
	v2 =	vld [tilespmem:$0x1E640]  }
0x47c: {  	v6 =	vadd.f32 v0, v37;
	v0 =	vld [tilespmem:$0x1E630]  }
0x47d: {  	[tilespmem:$0x1E8E0] =	vst v1;
	v1 =	vadd.f32 v12, v5  }
0x47e: {  	v10 =	vld.idx.msk [tilespmem:v50+s26+$0x0], $0xffff  }
0x47f: {  	v11 =	vld.idx.msk [tilespmem:v50+s29+$0x0], $0xffff;
	[tilespmem:$0x1E8F0] =	vst v1;
	v1 =	vadd.f32 v14, v8  }
0x480: {  	v7 =	vld [tilespmem:$0x1E660]  }
0x481: {  	v21 =	vor.u32 $0x11, v50;
	[tilespmem:$0x1EA00] =	vst v1;
	v2 =	vadd.f32 v2, v0;
	v0 =	vmul.f32 v1, v20;
	v1 =	vld [tilespmem:$0x1E650];
	_ =	sdelay $0x4  }
0x482: {  	v5 =	vadd.f32 v11, v10;
	v10 =	vadd.f32 v7, v1;
	v7 =	vld.idx.msk [tilespmem:v21+s23+$0x0], $0xffff;
	_ =	sdelay $0x3  }
0x483: {  	v8 =	vld [tilespmem:$0x1E680]  }
0x484: {  	[tilespmem:$0x1EFB0] =	vst v7;
	v7 =	vld [tilespmem:$0x1E670]  }
0x485: {  	[tilespmem:$0x1EA20] =	vst v5  }
0x486: {  	v5 =	vmul.f32 v5, v20;
	[tilespmem:$0x1E9F0] =	vst v6;
	v6 =	vmul.f32 v6, v19;
	v0 =	vadd.f32 $0.0e+00, v0;
	_ =	sdelay $0x1  }
0x487: {  	v9 =	vld [tilespmem:$0x1E690];
	v5 =	vadd.f32 $0.0e+00, v5;
	v0 =	vadd.f32 v6, v0  }
0x488: {  	[tilespmem:$0x1EA50] =	vst v2;
	v6 =	vmul.f32 v2, v16;
	v2 =	vld [tilespmem:$0x1E6D0];
	v8 =	vadd.f32 v8, v7;
	v7 =	vmul.f32 v10, v19  }
0x489: {  	[tilespmem:$0x1EA10] =	vst v10;
	v10 =	vld [tilespmem:$0x1E6A0]  }
0x48a: {  	v1 =	vor.u32 $0x12, v50;
	v5 =	vadd.f32 v7, v5;
	v7 =	vld [tilespmem:$0x1E6E0];
	_ =	sdelay $0x1  }
0x48b: {  	v56 =	vld.idx.msk [tilespmem:v21+s24+$0x0], $0xffff  }
0x48c: {  	v11 =	vld [tilespmem:$0x1E6C0]  }
0x48d: {  	v9 =	vadd.f32 v10, v9;
	v10 =	vld [tilespmem:$0x1E6B0]  }
0x48e: {  	v2 =	vadd.f32 v7, v2;
	v7 =	vld.idx.msk [tilespmem:v1+s23+$0x0], $0xffff  }
0x48f: {  	v28 =	vld.idx.msk [tilespmem:v21+s25+$0x0], $0xffff  }
0x490: {  	v51 =	vld.idx.msk [tilespmem:v21+s26+$0x0], $0xffff  }
0x491: {  	v25 =	vld.idx.msk [tilespmem:v21+s29+$0x0], $0xffff  }
0x492: {  	v36 =	vld.idx.msk [tilespmem:v1+s24+$0x0], $0xffff  }
0x493: {  	v26 =	vld.idx.msk [tilespmem:v1+s25+$0x0], $0xffff;
	v10 =	vadd.f32 v11, v10;
	[tilespmem:$0x1F000] =	vst v7;
	v7 =	vmul.f32 v8, v16  }
0x494: {  	v0 =	vadd.f32 v6, v0;
	v30 =	vld.idx.msk [tilespmem:v1+s26+$0x0], $0xffff  }
0x495: {  	v21 =	vld.idx.msk [tilespmem:v1+s29+$0x0], $0xffff;
	v6 =	vmul.f32 v9, v18;
	v5 =	vadd.f32 v7, v5;
	v7 =	vmul.f32 v10, v18  }
0x496: {  	[tilespmem:$0x1EAE0] =	vst v2;
	v1 =	vmul.f32 v2, v24;
	v2 =	vld [tilespmem:$0x1E740]  }
0x497: {  	v29 =	vor.u32 $0x13, v50;
	v0 =	vadd.f32 v6, v0;
	v6 =	vadd.f32 v7, v5;
	v5 =	vld [tilespmem:$0x1E750];
	_ =	sdelay $0x4  }
0x498: {  	v13 =	vadd.f32 v5, v2;
	v2 =	vld.idx.msk [tilespmem:v29+s23+$0x0], $0xffff;
	_ =	sdelay $0x1  }
0x499: {  	v11 =	vld [tilespmem:$0x1E700]  }
0x49a: {  	[tilespmem:$0x1EA60] =	vst v8;
	v8 =	vld [tilespmem:$0x1E6F0]  }
0x49b: {  	v5 =	vld [tilespmem:$0x1E770]  }
0x49c: {  	[tilespmem:$0x1E8C0] =	vst v2;
	v2 =	vld [tilespmem:$0x1E760];
	_ =	sdelay $0x1  }
0x49d: {  	[tilespmem:$0x1EA90] =	vst v9;
	v9 =	vld [tilespmem:$0x1E710]  }
0x49e: {  	v0 =	vadd.f32 v1, v0;
	v1 =	vld [tilespmem:$0x1E780];
	v8 =	vadd.f32 v11, v8  }
0x49f: {  	[tilespmem:$0x1EAA0] =	vst v10;
	v10 =	vld [tilespmem:$0x1E720]  }
0x4a0: {  	[tilespmem:$0x1EB10] =	vst v8;
	v63 =	vmul.f32 v8, v24;
	v8 =	vadd.f32 v5, v2;
	v2 =	vld [tilespmem:$0x1E790];
	_ =	sdelay $0x4  }
0x4a1: {  	v10 =	vadd.f32 v10, v9;
	v11 =	vadd.f32 v2, v1;
	v2 =	vld [tilespmem:$0x1E7A0];
	_ =	sdelay $0x1  }
0x4a2: {  	v1 =	vmul.f32 v10, v27  }
0x4a3: {  	v32 =	vmax.f32 v4, $1.000000020e-24  }
0x4a4: {  	v62 =	vmov v4;
	v4 =	vadd.f32 v1, v0;
	v1 =	vshrl.u32 v32, $0x1  }
0x4a5: {  	v7 =	vadd.f32 v60, v2;
	v60 =	vsub.s32 $0x5F3759DF, v1;
	v1 =	vld [tilespmem:$0x1E7B0];
	_ =	sdelay $0x4  }
0x4a6: {  	v12 =	vadd.f32 v57, v1;
	v1 =	vld [tilespmem:$0x1EB70];
	_ =	sdelay $0x3  }
0x4a7: {  	v14 =	vmul.f32 $5.000000000e-01, v32  }
0x4a8: {  	v37 =	vmul.f32 v13, v1  }
0x4a9: {  	v54 =	vadd.f32 v63, v6;
	v6 =	vld [tilespmem:$0x1E7D0];
	v2 =	vmul.f32 v60, v14  }
0x4aa: {  	[tilespmem:$0x1EB80] =	vst v13;
	v13 =	vadd.f32 v3, v42;
	v42 =	vmax.f32 v38, $1.000000020e-24;
	v38 =	vadd.f32 v37, v4;
	v4 =	vld [tilespmem:$0x1E7C0]  }
0x4ab: {  	v9 =	vld [tilespmem:$0x1E730]  }
0x4ac: {  	v2 =	vmul.f32 v60, v2;
	_ =	sdelay $0x1  }
0x4ad: {  	[tilespmem:$0x1EC10] =	vst v7;
	v37 =	vsub.f32 $1.500000000e+00, v2;
	v2 =	vmul.f32 v7, v40;
	v7 =	vld [tilespmem:$0x1E7F0]  }
0x4ae: {  	[tilespmem:$0x1EBC0] =	vst v8;
	v1 =	vmul.f32 v8, v1;
	v8 =	vadd.f32 v6, v4;
	v6 =	vld [tilespmem:$0x1E7E0]  }
0x4af: {  	v9 =	vadd.f32 v9, v61;
	_ =	sdelay $0x1  }
0x4b0: {  	v53 =	vor.u32 $0x14, v50;
	v61 =	vmul.f32 v9, v27  }
0x4b1: {  	v0 =	vor.u32 $0x15, v50  }
0x4b2: {  	v54 =	vadd.f32 v61, v54;
	v61 =	vadd.f32 v7, v6;
	v6 =	vld [tilespmem:$0x1E810]  }
0x4b3: {  	v7 =	vld [tilespmem:$0x1E820];
	_ =	sdelay $0x1  }
0x4b4: {  	v23 =	vld.idx.msk [tilespmem:v53+s26+$0x0], $0xffff;
	v3 =	vmul.f32 v11, v40  }
0x4b5: {  	[tilespmem:$0x1EA70] =	vst v18;
	v18 =	vld.idx.msk [tilespmem:v0+s24+$0x0], $0xffff  }
0x4b6: {  	[tilespmem:$0x1E9E0] =	vst v16;
	v3 =	vadd.f32 v3, v38;
	v38 =	vld [tilespmem:$0x1E800]  }
0x4b7: {  	[tilespmem:$0x1EB40] =	vst v9;
	v9 =	vmul.f32 v60, v37;
	v60 =	vadd.f32 v7, v6;
	v6 =	vld [tilespmem:$0x1E830]  }
0x4b8: {  	[tilespmem:$0x1EB20] =	vst v10;
	v16 =	vld.idx.msk [tilespmem:v0+s25+$0x0], $0xffff  }
0x4b9: {  	[tilespmem:$0x1EC00] =	vst v11;
	v11 =	vld.idx.msk [tilespmem:v0+s29+$0x0], $0xffff;
	v32 =	vshrl.u32 v42, $0x1;
	v5 =	vadd.f32 v1, v54  }
0x4ba: {  	[tilespmem:$0x1EC50] =	vst v12;
	v10 =	vmul.f32 $5.000000000e-01, v42;
	v42 =	vsub.s32 $0x5F3759DF, v32;
	v54 =	vld.idx.msk [tilespmem:v0+s23+$0x0], $0xffff  }
0x4bb: {  	v2 =	vadd.f32 v2, v5;
	v5 =	vmul.f32 v12, v38;
	v12 =	vld.idx.msk [tilespmem:v0+s26+$0x0], $0xffff;
	v0 =	vmul.f32 v13, v38  }
0x4bc: {  	v52 =	vld.idx.msk [tilespmem:v17+s24+$0x0], $0xffff;
	v4 =	vmul.f32 v42, v10;
	v7 =	vadd.f32 v6, v15  }
0x4bd: {  	v6 =	vadd.f32 v5, v3;
	v3 =	vadd.f32 v0, v2;
	v2 =	vld [tilespmem:$0x1ECD0]  }
0x4be: {  	v31 =	vld.idx.msk [tilespmem:v17+s25+$0x0], $0xffff;
	v4 =	vmul.f32 v42, v4  }
0x4bf: {  	v49 =	vld.idx.msk [tilespmem:v17+s26+$0x0], $0xffff  }
0x4c0: {  	v33 =	vld.idx.msk [tilespmem:v17+s29+$0x0], $0xffff;
	v4 =	vsub.f32 $1.500000000e+00, v4  }
0x4c1: {  	[tilespmem:$0x1EC60] =	vst v13;
	v13 =	vld [tilespmem:$0x1E850]  }
0x4c2: {  	[tilespmem:$0x1ECC0] =	vst v8;
	v0 =	vmul.f32 v8, v2;
	v8 =	vmul.f32 v42, v4;
	v4 =	vld [tilespmem:$0x1E840]  }
0x4c3: {  	v17 =	vld.idx.msk [tilespmem:v53+s29+$0x0], $0xffff  }
0x4c4: {  	[tilespmem:$0x1E9D0] =	vst v19;
	v19 =	vld.idx.msk [tilespmem:v53+s25+$0x0], $0xffff  }
0x4c5: {  	v63 =	vld.idx.msk [tilespmem:v53+s23+$0x0], $0xffff;
	v1 =	vor.u32 $0x16, v50  }
0x4c6: {  	v57 =	vld.idx.msk [tilespmem:v53+s24+$0x0], $0xffff  }
0x4c7: {  	v53 =	vadd.f32 v13, v4;
	v4 =	vld [tilespmem:$0x1E860]  }
0x4c8: {  	v13 =	vld [tilespmem:$0x1E870];
	_ =	sdelay $0x1  }
0x4c9: {  	v32 =	vld.idx.msk [tilespmem:v1+s23+$0x0], $0xffff  }
0x4ca: {  	[tilespmem:$0x1EB00] =	vst v27;
	v2 =	vmul.f32 v61, v2;
	v27 =	vadd.f32 v0, v6;
	v0 =	vld [tilespmem:$0x1E880]  }
0x4cb: {  	v6 =	vld [tilespmem:$0x1E890]  }
0x4cc: {  	v37 =	vadd.f32 v13, v4;
	v4 =	vadd.f32 v2, v3;
	v2 =	vld [tilespmem:$0x1ED30]  }
0x4cd: {  	[tilespmem:$0x1E9C0] =	vst v20;
	v20 =	vld.idx.msk [tilespmem:v1+s24+$0x0], $0xffff  }
0x4ce: {  	v15 =	vld.idx.msk [tilespmem:v1+s25+$0x0], $0xffff  }
0x4cf: {  	v42 =	vld [tilespmem:$0x1EDA0]  }
0x4d0: {  	v0 =	vadd.f32 v6, v0;
	v6 =	vadd.f32 v48, v55;
	v55 =	vld.idx.msk [tilespmem:v1+s29+$0x0], $0xffff  }
0x4d1: {  	v13 =	vld.idx.msk [tilespmem:v1+s26+$0x0], $0xffff;
	v1 =	vmul.f32 v7, v2;
	_ =	sdelay $0x1  }
0x4d2: {  	[tilespmem:$0x1ED40] =	vst v7;
	v7 =	vadd.f32 v1, v4;
	v1 =	vadd.f32 v58, v47;
	v58 =	vld [tilespmem:$0x1EDF0];
	_ =	sdelay $0x2  }
0x4d3: {  	v4 =	vmul.f32 v37, v42  }
0x4d4: {  	v5 =	vor.u32 $0x17, v50  }
0x4d5: {  	[tilespmem:$0x1EE00] =	vst v0;
	v7 =	vadd.f32 v4, v7;
	v4 =	vmul.f32 v0, v58;
	v0 =	vld [tilespmem:$0x1E8A0];
	_ =	sdelay $0x3  }
0x4d6: {  	[tilespmem:$0x1EBF0] =	vst v40;
	v40 =	vadd.f32 v39, v45;
	v45 =	vld.idx.msk [tilespmem:v5+s29+$0x0], $0xffff;
	v3 =	vmul.f32 v60, v2  }
0x4d7: {  	v0 =	vadd.f32 v59, v0;
	v59 =	vld [tilespmem:$0x1EE60]  }
0x4d8: {  	v2 =	vadd.f32 v3, v27;
	v27 =	vld.idx.msk [tilespmem:v5+s23+$0x0], $0xffff  }
0x4d9: {  	v47 =	vld.idx.msk [tilespmem:v5+s24+$0x0], $0xffff  }
0x4da: {  	v48 =	vmul.f32 v53, v42;
	v42 =	vadd.f32 v41, v46;
	v41 =	vld.idx.msk [tilespmem:v5+s25+$0x0], $0xffff  }
0x4db: {  	[tilespmem:$0x1EDB0] =	vst v37;
	v3 =	vor.u32 $0x18, v50;
	v37 =	vmul.f32 v6, v58;
	v58 =	vld.idx.msk [tilespmem:v5+s26+$0x0], $0xffff  }
0x4dc: {  	[tilespmem:$0x1EE30] =	vst v1;
	v48 =	vadd.f32 v48, v2;
	v2 =	vmul.f32 v9, v14;
	v5 =	vmul.f32 v1, v59;
	v1 =	vld [tilespmem:$0x1E8B0];
	_ =	sdelay $0x1  }
0x4dd: {  	v2 =	vmul.f32 v2, v9  }
0x4de: {  	v7 =	vadd.f32 v37, v7;
	v59 =	vmul.f32 v42, v59  }
0x4df: {  	v46 =	vld.idx.msk [tilespmem:v3+s24+$0x0], $0xffff;
	v2 =	vsub.f32 $1.500000000e+00, v2  }
0x4e0: {  	[tilespmem:$0x1EE70] =	vst v42;
	v42 =	vadd.f32 v44, v1;
	v1 =	vadd.f32 v59, v7;
	v7 =	vld [tilespmem:$0x1EEB0]  }
0x4e1: {  	v39 =	vadd.f32 v34, v35;
	v35 =	vld.idx.msk [tilespmem:v3+s25+$0x0], $0xffff  }
0x4e2: {  	v2 =	vmul.f32 v2, v9;
	v9 =	vadd.f32 v31, v52;
	v31 =	vld [tilespmem:$0x1EF20]  }
0x4e3: {  	v34 =	vld.idx.msk [tilespmem:v3+s29+$0x0], $0xffff  }
0x4e4: {  	[tilespmem:$0x1EE10] =	vst v6;
	v6 =	vadd.f32 v4, v48;
	v37 =	vld.idx.msk [tilespmem:v3+s23+$0x0], $0xffff  }
0x4e5: {  	v4 =	vor.u32 $0x19, v50;
	v44 =	vld.idx.msk [tilespmem:v3+s26+$0x0], $0xffff;
	v3 =	vmul.f32 v0, v7;
	v7 =	vmul.f32 v40, v7;
	_ =	sdelay $0x1  }
0x4e6: {  	v1 =	vadd.f32 v7, v1;
	v7 =	vmul.f32 v39, v31  }
0x4e7: {  	v48 =	vmul.f32 v8, v10  }
0x4e8: {  	v1 =	vadd.f32 v7, v1;
	v7 =	vld [tilespmem:$0x1EF80]  }
0x4e9: {  	v52 =	vadd.f32 v28, v56;
	v28 =	vld.idx.msk [tilespmem:v4+s25+$0x0], $0xffff;
	v6 =	vadd.f32 v5, v6;
	v5 =	vmul.f32 v48, v8  }
0x4ea: {  	v56 =	vadd.f32 v26, v36;
	v26 =	vld.idx.msk [tilespmem:v4+s29+$0x0], $0xffff  }
0x4eb: {  	v48 =	vld.idx.msk [tilespmem:v4+s23+$0x0], $0xffff;
	v6 =	vadd.f32 v3, v6;
	v3 =	vsub.f32 $1.500000000e+00, v5;
	v5 =	vmul.f32 v42, v31  }
0x4ec: {  	[tilespmem:$0x1EEC0] =	vst v0;
	v59 =	vld.idx.msk [tilespmem:v4+s24+$0x0], $0xffff;
	v0 =	vadd.f32 v33, v49  }
0x4ed: {  	v31 =	vadd.f32 v25, v51;
	v25 =	vld.idx.msk [tilespmem:v4+s26+$0x0], $0xffff;
	v6 =	vadd.f32 v5, v6;
	v4 =	vmul.f32 v9, v7;
	_ =	sdelay $0x1  }
0x4ee: {  	[tilespmem:$0x1EF90] =	vst v0;
	v7 =	vmul.f32 v0, v7;
	v0 =	vadd.f32 v4, v6;
	v6 =	vld [tilespmem:$0x1EFB0];
	_ =	sdelay $0x1  }
0x4ef: {  	v4 =	vmul.f32 v2, v14;
	v14 =	vld [tilespmem:$0x1F000]  }
0x4f0: {  	v43 =	vld.idx.msk [tilespmem:v29+s24+$0x0], $0xffff;
	v3 =	vmul.f32 v3, v8  }
0x4f1: {  	[tilespmem:$0x1EAC0] =	vst v24;
	v24 =	vld.idx.msk [tilespmem:v29+s25+$0x0], $0xffff;
	v36 =	vadd.f32 v21, v30;
	v33 =	vor.u32 $0x1A, v50  }
0x4f2: {  	v49 =	vor.u32 $0x1C, v50;
	v8 =	vmul.f32 v3, v10;
	v21 =	vmul.f32 v52, v6  }
0x4f3: {  	v22 =	vld.idx.msk [tilespmem:v29+s26+$0x0], $0xffff;
	[tilespmem:$0x1EED0] =	vst v40;
	v55 =	vadd.f32 v55, v13  }
0x4f4: {  	[tilespmem:$0x1EFF0] =	vst v56;
	v8 =	vmul.f32 v8, v3;
	v0 =	vadd.f32 v21, v0;
	v21 =	vmul.f32 v56, v14;
	v56 =	vld [tilespmem:$0x1E8C0]  }
0x4f5: {  	v29 =	vld.idx.msk [tilespmem:v29+s29+$0x0], $0xffff;
	[tilespmem:$0x1EFA0] =	vst v52;
	v5 =	vor.u32 $0x1B, v50;
	v1 =	vadd.f32 v7, v1;
	v30 =	vmul.f32 v31, v6  }
0x4f6: {  	[tilespmem:$0x1EEF0] =	vst v42;
	v42 =	vld.idx.msk [tilespmem:v33+s23+$0x0], $0xffff;
	v8 =	vsub.f32 $1.500000000e+00, v8;
	v7 =	vadd.f32 v24, v43  }
0x4f7: {  	v13 =	vld.idx.msk [tilespmem:v49+s26+$0x0], $0xffff;
	v52 =	vadd.f32 v19, v57;
	v19 =	vmul.f32 v36, v14;
	v1 =	vadd.f32 v30, v1  }
0x4f8: {  	[tilespmem:$0x1EF50] =	vst v9;
	v10 =	vld.idx.msk [tilespmem:v33+s25+$0x0], $0xffff;
	v0 =	vadd.f32 v21, v0  }
0x4f9: {  	v9 =	vld.idx.msk [tilespmem:v33+s24+$0x0], $0xffff;
	v21 =	vmul.f32 v8, v3;
	v3 =	vadd.f32 v19, v1;
	v1 =	vmul.f32 v7, v56  }
0x4fa: {  	v40 =	vadd.f32 v17, v23;
	v17 =	vld.idx.msk [tilespmem:v5+s25+$0x0], $0xffff;
	v4 =	vmul.f32 v4, v2;
	v6 =	vadd.f32 v29, v22  }
0x4fb: {  	v29 =	vadd.f32 v16, v18;
	v18 =	vadd.f32 v1, v0;
	v0 =	vld [tilespmem:$0x1E8E0]  }
0x4fc: {  	v23 =	vadd.f32 v11, v12;
	v11 =	vld.idx.msk [tilespmem:v5+s29+$0x0], $0xffff;
	v4 =	vsub.f32 $1.500000000e+00, v4  }
0x4fd: {  	v24 =	vld.idx.msk [tilespmem:v33+s29+$0x0], $0xffff  }
0x4fe: {  	v43 =	vld.idx.msk [tilespmem:v49+s23+$0x0], $0xffff;
	v2 =	vmul.f32 v4, v2  }
0x4ff: {  	v22 =	vld.idx.msk [tilespmem:v33+s26+$0x0], $0xffff  }
0x500: {  	[tilespmem:$0x1F050] =	vst v7;
	v7 =	vmul.f32 v2, v0;
	v0 =	vld [tilespmem:$0x1E8F0]  }
0x501: {  	[tilespmem:$0x1EFE0] =	vst v31;
	v31 =	vld.idx.msk [tilespmem:v5+s23+$0x0], $0xffff  }
0x502: {  	v16 =	vor.u32 $0x1D, v50;
	v4 =	vld [tilespmem:$0x1E8D0]  }
0x503: {  	[tilespmem:$0x1F020] =	vst v36;
	v57 =	vld.idx.msk [tilespmem:v5+s24+$0x0], $0xffff  }
0x504: {  	v59 =	vadd.f32 v28, v59;
	v14 =	vld.idx.msk [tilespmem:v5+s26+$0x0], $0xffff;
	v8 =	vmul.f32 v2, v62;
	v5 =	vmul.f32 v6, v56  }
0x505: {  	v36 =	vadd.f32 v15, v20;
	v15 =	vld.idx.msk [tilespmem:v49+s29+$0x0], $0xffff;
	v19 =	vmul.f32 v2, v0;
	v0 =	vmul.f32 v52, v63  }
0x506: {  	[tilespmem:$0x1F060] =	vst v6;
	v62 =	vadd.f32 v35, v46;
	v3 =	vadd.f32 v5, v3;
	v1 =	vmul.f32 v40, v63  }
0x507: {  	v30 =	vld.idx.msk [tilespmem:v16+s23+$0x0], $0xffff;
	v12 =	vmul.f32 v2, v4;
	v6 =	vmul.f32 v29, v54;
	v0 =	vadd.f32 v0, v18  }
0x508: {  	v46 =	vld.idx.msk [tilespmem:v16+s25+$0x0], $0xffff;
	v1 =	vadd.f32 v1, v3;
	v3 =	vadd.f32 v41, v47;
	v18 =	vmul.f32 v23, v54  }
0x509: {  	[tilespmem:$0x1EF30] =	vst v39;
	v28 =	vld.idx.msk [tilespmem:v16+s29+$0x0], $0xffff;
	v47 =	vor.u32 $0x1E, v50;
	v0 =	vadd.f32 v6, v0;
	v6 =	vmul.f32 v36, v32  }
0x50a: {  	v4 =	vld.idx.msk [tilespmem:v49+s24+$0x0], $0xffff;
	v41 =	vadd.f32 v45, v58;
	v1 =	vadd.f32 v18, v1;
	v18 =	vmul.f32 v55, v32  }
0x50b: {  	v9 =	vadd.f32 v10, v9;
	v5 =	vld.idx.msk [tilespmem:v49+s25+$0x0], $0xffff;
	v0 =	vadd.f32 v6, v0;
	v6 =	vmul.f32 v3, v27  }
0x50c: {  	v58 =	vld.idx.msk [tilespmem:v16+s24+$0x0], $0xffff;
	v45 =	vadd.f32 v34, v44;
	v39 =	vmul.f32 v41, v27;
	v1 =	vadd.f32 v18, v1  }
0x50d: {  	[tilespmem:$0x1F120] =	vst v32;
	v34 =	vld.idx.msk [tilespmem:v16+s26+$0x0], $0xffff;
	v50 =	vor.u32 $0x1F, v50;
	v0 =	vadd.f32 v6, v0;
	v6 =	vmul.f32 v62, v37  }
0x50e: {  	v51 =	vmul.f32 v45, v37;
	v16 =	vld.idx.msk [tilespmem:v47+s23+$0x0], $0xffff;
	v18 =	vadd.f32 v26, v25;
	v1 =	vadd.f32 v39, v1  }
0x50f: {  	v8 =	vmul.f32 v8, v2;
	v10 =	vld.idx.msk [tilespmem:v47+s25+$0x0], $0xffff;
	v0 =	vadd.f32 v6, v0;
	v6 =	vmul.f32 v59, v48  }
0x510: {  	v2 =	vld.idx.msk [tilespmem:v47+s26+$0x0], $0xffff;
	v25 =	vadd.f32 v24, v22;
	v24 =	vmul.f32 v18, v48;
	v1 =	vadd.f32 v51, v1  }
0x511: {  	v32 =	vmul.f32 v9, v42;
	v26 =	vld.idx.msk [tilespmem:v47+s24+$0x0], $0xffff;
	v22 =	vadd.f32 v17, v57;
	v0 =	vadd.f32 v6, v0  }
0x512: {  	v17 =	vld.idx.msk [tilespmem:v47+s29+$0x0], $0xffff;
	v6 =	vadd.f32 v11, v14;
	v1 =	vadd.f32 v24, v1;
	v11 =	vmul.f32 v25, v42  }
0x513: {  	v57 =	vadd.f32 v5, v4;
	v4 =	vld.idx.msk [tilespmem:v50+s25+$0x0], $0xffff;
	v5 =	vmul.f32 v22, v31;
	v0 =	vadd.f32 v32, v0  }
0x514: {  	v24 =	vld.idx.msk [tilespmem:v50+s24+$0x0], $0xffff;
	v14 =	vadd.f32 v15, v13;
	v1 =	vadd.f32 v11, v1;
	v15 =	vmul.f32 v6, v31  }
0x515: {  	v33 =	vmul.f32 v57, v43;
	v13 =	vld.idx.msk [tilespmem:v50+s26+$0x0], $0xffff;
	v11 =	vadd.f32 v46, v58;
	v0 =	vadd.f32 v5, v0  }
0x516: {  	v20 =	vadd.f32 v28, v34;
	v5 =	vld.idx.msk [tilespmem:v50+s29+$0x0], $0xffff;
	v1 =	vadd.f32 v15, v1;
	v15 =	vmul.f32 v14, v43  }
0x517: {  	[tilespmem:$0x1F0E0] =	vst v23;
	v23 =	vadd.f32 v10, v26;
	v10 =	vmul.f32 v11, v30;
	v0 =	vadd.f32 v33, v0  }
0x518: {  	v58 =	vld.idx.msk [tilespmem:v50+s23+$0x0], $0xffff;
	v50 =	vadd.f32 v17, v2;
	v2 =	vmul.f32 v20, v30;
	v1 =	vadd.f32 v15, v1  }
0x519: {  	v17 =	vadd.f32 v4, v24;
	v4 =	vmul.f32 v23, v16;
	v0 =	vadd.f32 v10, v0  }
0x51a: {  	v15 =	vld [tilespmem:$0x1E910];
	v1 =	vadd.f32 v2, v1  }
0x51b: {  	v2 =	vmul.f32 v50, v16;
	v10 =	vadd.f32 v5, v13;
	v0 =	vadd.f32 v4, v0;
	v4 =	vld [tilespmem:$0x1E900];
	_ =	sdelay $0x1  }
0x51c: {  	v1 =	vadd.f32 v2, v1;
	[tilespmem:$0x1F220] =	vst v10;
	v10 =	vmul.f32 v10, v58;
	_ =	sdelay $0x1  }
0x51d: {  	v1 =	vadd.f32 v10, v1;
	v10 =	vld [tilespmem:$0x1E960]  }
0x51e: {  	v4 =	vmul.f32 v15, v4;
	_ =	sdelay $0x1  }
0x51f: {  	v5 =	vld [tilespmem:$0x1E920];
	v4 =	vmul.f32 v4, v15;
	_ =	sdelay $0x1  }
0x520: {  	v4 =	vadd.f32 v4, v10;
	_ =	sdelay $0x1  }
0x521: {  	[tilespmem:$0x1E970] =	vst v4;
	v4 =	vld [tilespmem:$0x1E980]  }
0x522: {  	v5 =	vmul.f32 v21, v5  }
0x523: {  	v13 =	vld [tilespmem:$0x1E930]  }
0x524: {  	v5 =	vmul.f32 v5, v21  }
0x525: {  	v10 =	vld [tilespmem:$0x1E9D0]  }
0x526: {  	v2 =	vmul.f32 v17, v58;
	v4 =	vadd.f32 v5, v4;
	v5 =	vld [tilespmem:$0x1E9C0];
	_ =	sdelay $0x1  }
0x527: {  	v0 =	vadd.f32 v2, v0;
	v8 =	vadd.f32 v8, v13;
	v13 =	vld [tilespmem:$0x1FFF0]  }
0x528: {  	[tilespmem:$0x1F200] =	vst v23;
	v23 =	vld [tilespmem:$0x1E9B0]  }
0x529: {  	s0 =	simm.s32 $0x10;
	v0 =	vsub.f32 v1, v0;
	v1 =	vld [tilespmem:$0x1E9A0]  }
0x52a: {  	v10 =	vmul.f32 v10, v10;
	[tilespmem:$0x1E990] =	vst v4;
	v4 =	vmov s0;
	v5 =	vmul.f32 v5, v5  }
0x52b: {  	[tilespmem:$0x1F210] =	vst v17;
	v17 =	vld [tilespmem:$0x1EA30];
	v4 =	vshll.u32 v4, $0x5  }
0x52c: {  	v51 =	vor.u32 v13, v4;
	v4 =	vadd.f32 v10, v5;
	v5 =	vld [tilespmem:$0x1E9F0]  }
0x52d: {  	v10 =	vld [tilespmem:$0x1EA00]  }
0x52e: {  	v1 =	vmul.f32 v23, v1;
	_ =	sdelay $0x1  }
0x52f: {  	v1 =	vmul.f32 v1, v23  }
0x530: {  	[tilespmem:$0x1E940] =	vst v8;
	v8 =	vmul.f32 v15, v12;
	v12 =	vld [tilespmem:$0x1E9E0]  }
0x531: {  	v2 =	vld [tilespmem:$0x1E950];
	v1 =	vadd.f32 v1, v17;
	v5 =	vmul.f32 v5, v5;
	v10 =	vmul.f32 v10, v10;
	_ =	sdelay $0x1  }
0x532: {  	[tilespmem:$0x1EA40] =	vst v1;
	v1 =	vadd.f32 v5, v10;
	v5 =	vld [tilespmem:$0x1EA50];
	_ =	sdelay $0x1  }
0x533: {  	v12 =	vmul.f32 v12, v12  }
0x534: {  	v2 =	vmul.f32 v15, v2;
	v15 =	vld [tilespmem:$0x1EA20]  }
0x535: {  	v0 =	vadd.f32 $0.0e+00, v0;
	v4 =	vadd.f32 v12, v4;
	v12 =	vld.idx.msk [tilespmem:v51+s24+$0x0], $0xffff  }
0x536: {  	v13 =	vld [tilespmem:$0x1EA10];
	v5 =	vmul.f32 v5, v5  }
0x537: {  	v0 =	vmul.f32 $1.442695020e+00, v0  }
0x538: {  	v1 =	vadd.f32 v5, v1;
	v5 =	vld [tilespmem:$0x1EA60]  }
0x539: {  	(erf) = vpow2.f32 v0;
	v0 =	vld [tilespmem:$0x1EA70]  }
0x53a: {  	[tilespmem:$0x1EA80] =	vst v12;
	v12 =	vld [tilespmem:$0x1EAA0]  }
0x53b: {  	v15 =	vmul.f32 v15, v15;
	v13 =	vmul.f32 v13, v13;
	_ =	sdelay $0x1  }
0x53c: {  	v10 =	vadd.f32 v13, v15;
	v5 =	vmul.f32 v5, v5  }
0x53d: {  	v0 =	vmul.f32 v0, v0  }
0x53e: {  	v12 =	vmul.f32 v12, v12;
	v5 =	vadd.f32 v5, v10  }
0x53f: {  	v0 =	vadd.f32 v0, v4;
	v4 =	vld [tilespmem:$0x1EAC0]  }
0x540: {  	v5 =	vadd.f32 v12, v5;
	v12 =	vld.idx.msk [tilespmem:v51+s29+$0x0], $0xffff  }
0x541: {  	v10 =	vld [tilespmem:$0x1EA90];
	_ =	sdelay $0x2  }
0x542: {  	v4 =	vmul.f32 v4, v4  }
0x543: {  	[tilespmem:$0x1EAF0] =	vst v12;
	v12 =	vld [tilespmem:$0x1EB10]  }
0x544: {  	v0 =	vadd.f32 v4, v0;
	v4 =	vld [tilespmem:$0x1EB00];
	v10 =	vmul.f32 v10, v10  }
0x545: {  	v15 =	vor.u32 $0x1F, v51  }
0x546: {  	v1 =	vadd.f32 v10, v1;
	v10 =	vld [tilespmem:$0x1EAE0];
	_ =	sdelay $0x1  }
0x547: {  	v12 =	vmul.f32 v12, v12  }
0x548: {  	v13 =	vld.idx.msk [tilespmem:v51+s25+$0x0], $0xffff;
	v4 =	vmul.f32 v4, v4  }
0x549: {  	v5 =	vadd.f32 v12, v5;
	v12 =	vld.idx.msk [tilespmem:v15+s25+$0x0], $0xffff  }
0x54a: {  	v0 =	vadd.f32 v4, v0;
	v4 =	vld [tilespmem:$0x1EB40];
	v10 =	vmul.f32 v10, v10;
	_ =	sdelay $0x1  }
0x54b: {  	v17 =	vor.u32 $0x1E, v51;
	v1 =	vadd.f32 v10, v1;
	v10 =	vld [tilespmem:$0x1EB20]  }
0x54c: {  	[tilespmem:$0x1EAB0] =	vst v13;
	v13 =	vld.idx.msk [tilespmem:v51+s26+$0x0], $0xffff  }
0x54d: {  	[tilespmem:$0x1EB60] =	vst v12;
	v12 =	vld [tilespmem:$0x1EB80]  }
0x54e: {  	v4 =	vmul.f32 v4, v4;
	_ =	sdelay $0x1  }
0x54f: {  	v4 =	vadd.f32 v4, v5;
	v5 =	vld.idx.msk [tilespmem:v17+s24+$0x0], $0xffff;
	v10 =	vmul.f32 v10, v10  }
0x550: {  	[tilespmem:$0x1EAD0] =	vst v13;
	v13 =	vld.idx.msk [tilespmem:v15+s24+$0x0], $0xffff  }
0x551: {  	v1 =	vadd.f32 v10, v1;
	v12 =	vmul.f32 v12, v12;
	_ =	sdelay $0x1  }
0x552: {  	v1 =	vadd.f32 v12, v1;
	v12 =	vld [tilespmem:$0x1EC00]  }
0x553: {  	[tilespmem:$0x1EBB0] =	vst v5;
	v5 =	vld [tilespmem:$0x1EBC0]  }
0x554: {  	v24 =	vor.u32 $0x1C, v51;
	[tilespmem:$0x1EB30] =	vst v13;
	v13 =	vld [tilespmem:$0x1EB90];
	_ =	sdelay $0x2  }
0x555: {  	v12 =	vmul.f32 v12, v12  }
0x556: {  	v5 =	vmul.f32 v5, v5  }
0x557: {  	v8 =	vadd.f32 v8, v13;
	v1 =	vadd.f32 v12, v1;
	v12 =	vld.idx.msk [tilespmem:v24+s24+$0x0], $0xffff  }
0x558: {  	v4 =	vadd.f32 v5, v4;
	v5 =	vld [tilespmem:$0x1EC10]  }
0x559: {  	[tilespmem:$0x1EBA0] =	vst v8;
	v8 =	vld.idx.msk [tilespmem:v17+s25+$0x0], $0xffff;
	_ =	sdelay $0x1  }
0x55a: {  	v10 =	vld [tilespmem:$0x1EB70]  }
0x55b: {  	v28 =	vor.u32 $0x1D, v51;
	[tilespmem:$0x1EC70] =	vst v12;
	v12 =	vmul.f32 v23, v19;
	v19 =	vld [tilespmem:$0x1EC80]  }
0x55c: {  	v5 =	vmul.f32 v5, v5  }
0x55d: {  	[tilespmem:$0x1EBE0] =	vst v8;
	v8 =	vpop (erf)  }
0x55e: {  	v8 =	vadd.f32 $1.000000000e+00, v8;
	v4 =	vadd.f32 v5, v4;
	v5 =	vmul.f32 v21, v7  }
0x55f: {  	v10 =	vmul.f32 v10, v10  }
0x560: {  	(erf) = vrcp.f32 v8;
	v8 =	vld.idx.msk [tilespmem:v28+s25+$0x0], $0xffff;
	v5 =	vadd.f32 v5, v19  }
0x561: {  	v0 =	vadd.f32 v10, v0;
	v10 =	vld [tilespmem:$0x1EBF0]  }
0x562: {  	[tilespmem:$0x1EC90] =	vst v5;
	v5 =	vld.idx.msk [tilespmem:v24+s25+$0x0], $0xffff;
	_ =	sdelay $0x2  }
0x563: {  	[tilespmem:$0x1EC40] =	vst v8;
	v8 =	vld [tilespmem:$0x1EC50]  }
0x564: {  	v10 =	vmul.f32 v10, v10  }
0x565: {  	[tilespmem:$0x1ECB0] =	vst v5;
	v5 =	vld [tilespmem:$0x1ECC0]  }
0x566: {  	v0 =	vadd.f32 v10, v0;
	v10 =	vld [tilespmem:$0x1EC60]  }
0x567: {  	[tilespmem:$0x1EB50] =	vst v15;
	v15 =	vor.u32 $0x1B, v51  }
0x568: {  	v8 =	vmul.f32 v8, v8;
	_ =	sdelay $0x1  }
0x569: {  	v1 =	vadd.f32 v8, v1;
	v5 =	vmul.f32 v5, v5  }
0x56a: {  	v10 =	vmul.f32 v10, v10  }
0x56b: {  	v1 =	vadd.f32 v5, v1;
	v5 =	vld.idx.msk [tilespmem:v15+s25+$0x0], $0xffff  }
0x56c: {  	[tilespmem:$0x1F0D0] =	vst v29;
	v7 =	vmul.f32 v38, v38;
	v4 =	vadd.f32 v10, v4;
	v10 =	vld.idx.msk [tilespmem:v15+s24+$0x0], $0xffff  }
0x56d: {  	[tilespmem:$0x1EBD0] =	vst v17;
	v29 =	vld.idx.msk [tilespmem:v17+s23+$0x0], $0xffff;
	v17 =	vor.u32 $0x1A, v51  }
0x56e: {  	v0 =	vadd.f32 v7, v0;
	v7 =	vld [tilespmem:$0x1ECD0];
	_ =	sdelay $0x1  }
0x56f: {  	[tilespmem:$0x1ED20] =	vst v5;
	v5 =	vmul.f32 v60, v60  }
0x570: {  	[tilespmem:$0x1ECE0] =	vst v10;
	v10 =	vld [tilespmem:$0x1ECF0]  }
0x571: {  	v1 =	vadd.f32 v5, v1;
	v5 =	vld.idx.msk [tilespmem:v17+s25+$0x0], $0xffff  }
0x572: {  	v7 =	vmul.f32 v7, v7  }
0x573: {  	v13 =	vld.idx.msk [tilespmem:v28+s24+$0x0], $0xffff  }
0x574: {  	v0 =	vadd.f32 v7, v0;
	v7 =	vld [tilespmem:$0x1ED30]  }
0x575: {  	v10 =	vadd.f32 v12, v10  }
0x576: {  	[tilespmem:$0x1ED90] =	vst v5;
	v5 =	vld [tilespmem:$0x1EDA0]  }
0x577: {  	[tilespmem:$0x1ED00] =	vst v10;
	v10 =	vld.idx.msk [tilespmem:v17+s24+$0x0], $0xffff  }
0x578: {  	[tilespmem:$0x1EC20] =	vst v13;
	v13 =	vor.u32 $0x19, v51  }
0x579: {  	v7 =	vmul.f32 v7, v7;
	_ =	sdelay $0x1  }
0x57a: {  	v0 =	vadd.f32 v7, v0;
	v5 =	vmul.f32 v5, v5  }
0x57b: {  	[tilespmem:$0x1ED50] =	vst v10;
	v10 =	vld [tilespmem:$0x1ED60]  }
0x57c: {  	v0 =	vadd.f32 v5, v0;
	v5 =	vld.idx.msk [tilespmem:v13+s25+$0x0], $0xffff;
	_ =	sdelay $0x1  }
0x57d: {  	v2 =	vmul.f32 v21, v2;
	_ =	sdelay $0x1  }
0x57e: {  	v8 =	vmul.f32 v61, v61;
	v2 =	vadd.f32 v2, v10  }
0x57f: {  	[tilespmem:$0x1EDE0] =	vst v5;
	v5 =	vld [tilespmem:$0x1EE00]  }
0x580: {  	v4 =	vadd.f32 v8, v4;
	v8 =	vld [tilespmem:$0x1ED40];
	[tilespmem:$0x1ED70] =	vst v2;
	v2 =	vmul.f32 v53, v53  }
0x581: {  	v19 =	vor.u32 $0x18, v51;
	v7 =	vld.idx.msk [tilespmem:v13+s24+$0x0], $0xffff  }
0x582: {  	v1 =	vadd.f32 v2, v1;
	v2 =	vld [tilespmem:$0x1EDB0];
	_ =	sdelay $0x1  }
0x583: {  	v5 =	vmul.f32 v5, v5  }
0x584: {  	v8 =	vmul.f32 v8, v8  }
0x585: {  	v1 =	vadd.f32 v5, v1;
	v5 =	vld.idx.msk [tilespmem:v19+s25+$0x0], $0xffff  }
0x586: {  	v4 =	vadd.f32 v8, v4;
	v8 =	vld.idx.msk [tilespmem:v19+s24+$0x0], $0xffff;
	[tilespmem:$0x1EDC0] =	vst v7;
	v7 =	vpop (erf);
	v2 =	vmul.f32 v2, v2  }
0x587: {  	v10 =	vadd.f32 $1.000000010e-10, v7;
	v7 =	vld [tilespmem:$0x1EE10]  }
0x588: {  	v2 =	vadd.f32 v2, v4;
	v4 =	vld [tilespmem:$0x1EDF0];
	_ =	sdelay $0x1  }
0x589: {  	[tilespmem:$0x1EE50] =	vst v5;
	v5 =	vld [tilespmem:$0x1EE60];
	_ =	sdelay $0x1  }
0x58a: {  	[tilespmem:$0x1ED10] =	vst v15;
	v38 =	vld.idx.msk [tilespmem:v15+s23+$0x0], $0xffff;
	v15 =	vor.u32 $0x17, v51;
	v7 =	vmul.f32 v7, v7  }
0x58b: {  	[tilespmem:$0x1EE20] =	vst v8;
	v8 =	vcvt.s32.f32 v10;
	v4 =	vmul.f32 v4, v4  }
0x58c: {  	v2 =	vadd.f32 v7, v2  }
0x58d: {  	v7 =	vmul.f32 $8.262958320e-08, v8;
	v0 =	vadd.f32 v4, v0;
	v5 =	vmul.f32 v5, v5  }
0x58e: {  	v4 =	vld [tilespmem:$0x1EE30]  }
0x58f: {  	v0 =	vadd.f32 v5, v0;
	v5 =	vadd.f32 $-8.805949400e+01, v7;
	v7 =	vld.idx.msk [tilespmem:v15+s25+$0x0], $0xffff;
	_ =	sdelay $0x4  }
0x590: {  	v4 =	vmul.f32 v4, v4;
	[tilespmem:$0x1EEA0] =	vst v7;
	v7 =	vld [tilespmem:$0x1EEC0]  }
0x591: {  	v33 =	vld.idx.msk [tilespmem:v17+s23+$0x0], $0xffff  }
0x592: {  	[tilespmem:$0x1ED80] =	vst v17;
	v17 =	vor.u32 $0x16, v51;
	v1 =	vadd.f32 v4, v1;
	v4 =	vld [tilespmem:$0x1EE70];
	_ =	sdelay $0x2  }
0x593: {  	v7 =	vmul.f32 v7, v7  }
0x594: {  	v8 =	vld.idx.msk [tilespmem:v15+s24+$0x0], $0xffff  }
0x595: {  	v4 =	vmul.f32 v4, v4;
	v1 =	vadd.f32 v7, v1;
	v7 =	vld.idx.msk [tilespmem:v17+s25+$0x0], $0xffff  }
0x596: {  	v32 =	vld.idx.msk [tilespmem:v13+s23+$0x0], $0xffff  }
0x597: {  	v2 =	vadd.f32 v4, v2;
	v4 =	vld [tilespmem:$0x1EEB0]  }
0x598: {  	[tilespmem:$0x1EDD0] =	vst v13;
	v13 =	vld.idx.msk [tilespmem:v17+s24+$0x0], $0xffff  }
0x599: {  	[tilespmem:$0x1EE80] =	vst v8;
	v8 =	vld [tilespmem:$0x1EED0]  }
0x59a: {  	[tilespmem:$0x1EF10] =	vst v7;
	v7 =	vld [tilespmem:$0x1EF20];
	_ =	sdelay $0x1  }
0x59b: {  	v4 =	vmul.f32 v4, v4  }
0x59c: {  	v21 =	vor.u32 $0x15, v51  }
0x59d: {  	[tilespmem:$0x1EEE0] =	vst v13;
	v8 =	vmul.f32 v8, v8;
	v13 =	vsub.f32 $0.0e+00, v5;
	v0 =	vadd.f32 v4, v0;
	v4 =	vld [tilespmem:$0x1EEF0]  }
0x59e: {  	v7 =	vmul.f32 v7, v7  }
0x59f: {  	v2 =	vadd.f32 v8, v2;
	v8 =	vmul.f32 $1.442695020e+00, v13  }
0x5a0: {  	v0 =	vadd.f32 v7, v0;
	v7 =	vld [tilespmem:$0x1EF50]  }
0x5a1: {  	(erf) = vpow2.f32 v8;
	v8 =	vld.idx.msk [tilespmem:v21+s25+$0x0], $0xffff  }
0x5a2: {  	v4 =	vmul.f32 v4, v4;
	_ =	sdelay $0x1  }
0x5a3: {  	v1 =	vadd.f32 v4, v1;
	v4 =	vld [tilespmem:$0x1EF30]  }
0x5a4: {  	v7 =	vmul.f32 v7, v7  }
0x5a5: {  	[tilespmem:$0x1EF70] =	vst v8;
	v8 =	vld [tilespmem:$0x1EF90]  }
0x5a6: {  	v1 =	vadd.f32 v7, v1;
	v7 =	vld [tilespmem:$0x1EFA0]  }
0x5a7: {  	[tilespmem:$0x1EE40] =	vst v19;
	v12 =	vld.idx.msk [tilespmem:v19+s23+$0x0], $0xffff;
	v19 =	vor.u32 $0x14, v51  }
0x5a8: {  	v4 =	vmul.f32 v4, v4;
	_ =	sdelay $0x1  }
0x5a9: {  	v8 =	vmul.f32 v8, v8;
	v2 =	vadd.f32 v4, v2  }
0x5aa: {  	v7 =	vmul.f32 v7, v7  }
0x5ab: {  	v2 =	vadd.f32 v8, v2;
	v8 =	vld.idx.msk [tilespmem:v19+s25+$0x0], $0xffff  }
0x5ac: {  	v7 =	vadd.f32 v7, v1;
	v1 =	vld [tilespmem:$0x1EFE0]  }
0x5ad: {  	v4 =	vld [tilespmem:$0x1EF80];
	_ =	sdelay $0x2  }
0x5ae: {  	v13 =	vld.idx.msk [tilespmem:v21+s24+$0x0], $0xffff  }
0x5af: {  	[tilespmem:$0x1EFD0] =	vst v8;
	v8 =	vmul.f32 v1, v1;
	v1 =	vld [tilespmem:$0x1EFF0]  }
0x5b0: {  	v4 =	vmul.f32 v4, v4;
	_ =	sdelay $0x1  }
0x5b1: {  	v0 =	vadd.f32 v4, v0;
	v4 =	vld [tilespmem:$0x1EFB0];
	_ =	sdelay $0x1  }
0x5b2: {  	[tilespmem:$0x1EF40] =	vst v13;
	v13 =	vmul.f32 v1, v1;
	v1 =	vld [tilespmem:$0x1F000];
	_ =	sdelay $0x2  }
0x5b3: {  	v4 =	vmul.f32 v4, v4  }
0x5b4: {  	v34 =	vor.u32 $0x12, v51  }
0x5b5: {  	v0 =	vadd.f32 v4, v0;
	v4 =	vmul.f32 v1, v1;
	_ =	sdelay $0x1  }
0x5b6: {  	[tilespmem:$0x1F0B0] =	vst v54;
	v0 =	vadd.f32 v4, v0;
	v4 =	vmul.f32 v56, v56  }
0x5b7: {  	v54 =	vmov v27;
	[tilespmem:$0x1EE90] =	vst v15;
	v27 =	vld.idx.msk [tilespmem:v15+s23+$0x0], $0xffff;
	v15 =	vor.u32 $0x13, v51  }
0x5b8: {  	v0 =	vadd.f32 v4, v0;
	v4 =	vld.idx.msk [tilespmem:v34+s25+$0x0], $0xffff  }
0x5b9: {  	v1 =	vld [tilespmem:$0x1F020]  }
0x5ba: {  	v44 =	vor.u32 $0x11, v51  }
0x5bb: {  	v26 =	vld.idx.msk [tilespmem:v17+s23+$0x0], $0xffff  }
0x5bc: {  	[tilespmem:$0x1EF00] =	vst v17;
	v17 =	vld.idx.msk [tilespmem:v15+s24+$0x0], $0xffff;
	v2 =	vadd.f32 v8, v2  }
0x5bd: {  	v8 =	vadd.f32 v13, v7;
	v13 =	vld.idx.msk [tilespmem:v15+s25+$0x0], $0xffff;
	[tilespmem:$0x1F090] =	vst v4;
	v4 =	vmul.f32 v63, v63  }
0x5be: {  	v7 =	vmul.f32 v1, v1;
	v1 =	vld [tilespmem:$0x1F050]  }
0x5bf: {  	[tilespmem:$0x1F1F0] =	vst v20;
	v20 =	vor.u32 $0x10, v51;
	v0 =	vadd.f32 v4, v0;
	v4 =	vld.idx.msk [tilespmem:v44+s25+$0x0], $0xffff;
	_ =	sdelay $0x2  }
0x5c0: {  	[tilespmem:$0x1F010] =	vst v17;
	v17 =	vld.idx.msk [tilespmem:v34+s24+$0x0], $0xffff  }
0x5c1: {  	[tilespmem:$0x1F040] =	vst v13;
	v13 =	vmul.f32 v1, v1;
	v1 =	vld [tilespmem:$0x1F060]  }
0x5c2: {  	[tilespmem:$0x1F0C0] =	vst v4;
	v4 =	vld.idx.msk [tilespmem:v20+s24+$0x0], $0xffff;
	_ =	sdelay $0x1  }
0x5c3: {  	[tilespmem:$0x1EC30] =	vst v28;
	v39 =	vld.idx.msk [tilespmem:v28+s23+$0x0], $0xffff  }
0x5c4: {  	[tilespmem:$0x1F030] =	vst v15;
	v28 =	vld.idx.msk [tilespmem:v15+s23+$0x0], $0xffff  }
0x5c5: {  	[tilespmem:$0x1F070] =	vst v17;
	v15 =	vmul.f32 v1, v1;
	v1 =	vld [tilespmem:$0x1F0B0]  }
0x5c6: {  	v17 =	vor.u32 $0xE, v51;
	[tilespmem:$0x1F0F0] =	vst v4;
	v4 =	vld.idx.msk [tilespmem:v20+s25+$0x0], $0xffff;
	_ =	sdelay $0x1  }
0x5c7: {  	v8 =	vadd.f32 v13, v8;
	v13 =	vmul.f32 v52, v52;
	_ =	sdelay $0x1  }
0x5c8: {  	v8 =	vadd.f32 v13, v8;
	v13 =	vmul.f32 v1, v1;
	v1 =	vld [tilespmem:$0x1F0D0]  }
0x5c9: {  	v2 =	vadd.f32 v7, v2;
	[tilespmem:$0x1F110] =	vst v4;
	v4 =	vld.idx.msk [tilespmem:v17+s24+$0x0], $0xffff;
	_ =	sdelay $0x1  }
0x5ca: {  	v2 =	vadd.f32 v15, v2;
	v15 =	vpop (erf)  }
0x5cb: {  	v15 =	vmul.f32 v15, v10;
	_ =	sdelay $0x1  }
0x5cc: {  	v5 =	vadd.f32 v15, v5;
	v15 =	vmul.f32 v1, v1;
	v1 =	vor.u32 $0xD, v51;
	[tilespmem:$0x1F150] =	vst v4;
	v4 =	vld.idx.msk [tilespmem:v17+s25+$0x0], $0xffff;
	_ =	sdelay $0x4  }
0x5cd: {  	[tilespmem:$0x1F160] =	vst v4;
	v4 =	vld.idx.msk [tilespmem:v1+s24+$0x0], $0xffff;
	_ =	sdelay $0x3  }
0x5ce: {  	v49 =	vld.idx.msk [tilespmem:v24+s23+$0x0], $0xffff  }
0x5cf: {  	v8 =	vadd.f32 v15, v8;
	v15 =	vmul.f32 v36, v36;
	v36 =	vor.u32 $0xC, v51;
	[tilespmem:$0x1F170] =	vst v4;
	v4 =	vld.idx.msk [tilespmem:v1+s25+$0x0], $0xffff  }
0x5d0: {  	v13 =	vadd.f32 v13, v0;
	v0 =	vld [tilespmem:$0x1F0E0]  }
0x5d1: {  	v60 =	vld.idx.msk [tilespmem:v21+s23+$0x0], $0xffff  }
0x5d2: {  	[tilespmem:$0x1ECA0] =	vst v24;
	v24 =	vld.idx.msk [tilespmem:v19+s23+$0x0], $0xffff  }
0x5d3: {  	[tilespmem:$0x1EFC0] =	vst v19;
	v46 =	vld.idx.msk [tilespmem:v19+s24+$0x0], $0xffff;
	v19 =	vmul.f32 v40, v40  }
0x5d4: {  	[tilespmem:$0x1F180] =	vst v4;
	v4 =	vld.idx.msk [tilespmem:v36+s24+$0x0], $0xffff  }
0x5d5: {  	[tilespmem:$0x1EF60] =	vst v21;
	v21 =	vld.idx.msk [tilespmem:v44+s24+$0x0], $0xffff;
	v2 =	vadd.f32 v19, v2;
	v0 =	vmul.f32 v0, v0;
	_ =	sdelay $0x1  }
0x5d6: {  	v2 =	vadd.f32 v0, v2;
	v0 =	vld [tilespmem:$0x1F120];
	_ =	sdelay $0x1  }
0x5d7: {  	v40 =	vor.u32 $0xB, v51;
	[tilespmem:$0x1F190] =	vst v4;
	v4 =	vld.idx.msk [tilespmem:v36+s25+$0x0], $0xffff  }
0x5d8: {  	[tilespmem:$0x1F0A0] =	vst v21;
	v21 =	vadd.f32 $-1.000000000e+00, v5;
	_ =	sdelay $0x1  }
0x5d9: {  	[tilespmem:$0x1F100] =	vst v20;
	v63 =	vld.idx.msk [tilespmem:v20+s23+$0x0], $0xffff;
	v20 =	vsub.f32 $0.0e+00, v21;
	v5 =	vmul.f32 v0, v0  }
0x5da: {  	v3 =	vmul.f32 v3, v3;
	v19 =	vmul.f32 v55, v55;
	v8 =	vadd.f32 v15, v8  }
0x5db: {  	v15 =	vmul.f32 $1.442695020e+00, v20;
	v5 =	vadd.f32 v5, v13;
	v13 =	vmul.f32 v54, v54;
	[tilespmem:$0x1F1A0] =	vst v4;
	v4 =	vld.idx.msk [tilespmem:v40+s24+$0x0], $0xffff  }
0x5dc: {  	v35 =	vld.idx.msk [tilespmem:v51+s23+$0x0], $0xffff;
	v2 =	vadd.f32 v19, v2;
	v3 =	vadd.f32 v3, v8;
	v8 =	vmul.f32 v41, v41  }
0x5dd: {  	v5 =	vadd.f32 v13, v5;
	v13 =	vmul.f32 v37, v37  }
0x5de: {  	[tilespmem:$0x1F080] =	vst v34;
	(erf) = vpow2.f32 v15;
	v2 =	vadd.f32 v8, v2;
	v8 =	vmul.f32 v62, v62  }
0x5df: {  	v52 =	vmovc v24;
	v19 =	vmul.f32 v45, v45;
	v5 =	vadd.f32 v13, v5;
	v13 =	vmul.f32 v48, v48  }
0x5e0: {  	v24 =	vor.u32 $0xA, v51;
	v3 =	vadd.f32 v8, v3;
	v8 =	vmul.f32 v59, v59;
	[tilespmem:$0x1F1B0] =	vst v4;
	v4 =	vld.idx.msk [tilespmem:v40+s25+$0x0], $0xffff  }
0x5e1: {  	v18 =	vmul.f32 v18, v18;
	[tilespmem:$0x1F230] =	vst v35;
	v5 =	vadd.f32 v13, v5;
	v13 =	vmul.f32 v42, v42  }
0x5e2: {  	[tilespmem:$0x1F410] =	vst v49;
	v2 =	vadd.f32 v19, v2;
	v3 =	vadd.f32 v8, v3;
	v8 =	vmul.f32 v9, v9  }
0x5e3: {  	[tilespmem:$0x1F450] =	vst v39;
	v9 =	vadd.f32 v13, v5  }
0x5e4: {  	[tilespmem:$0x1F490] =	vst v29;
	v2 =	vadd.f32 v18, v2;
	v3 =	vadd.f32 v8, v3;
	v5 =	vmul.f32 v25, v25  }
0x5e5: {  	v8 =	vmul.f32 v31, v31;
	v13 =	vmul.f32 v22, v22;
	[tilespmem:$0x1F1C0] =	vst v4;
	v4 =	vld.idx.msk [tilespmem:v24+s24+$0x0], $0xffff  }
0x5e6: {  	v6 =	vmul.f32 v6, v6;
	[tilespmem:$0x1F380] =	vst v32;
	v7 =	vor.u32 $0xF, v51;
	v2 =	vadd.f32 v5, v2  }
0x5e7: {  	[tilespmem:$0x1F3B0] =	vst v33;
	v8 =	vadd.f32 v8, v9;
	v3 =	vadd.f32 v13, v3;
	v13 =	vmul.f32 v57, v57;
	v9 =	vpop (erf)  }
0x5e8: {  	v61 =	vld.idx.msk [tilespmem:v34+s23+$0x0], $0xffff;
	v2 =	vadd.f32 v6, v2;
	v6 =	vmul.f32 v43, v43;
	v9 =	vmul.f32 v9, v10  }
0x5e9: {  	v11 =	vmul.f32 v11, v11;
	[tilespmem:$0x1F3E0] =	vst v38;
	v34 =	vld.idx.msk [tilespmem:v17+s23+$0x0], $0xffff;
	v3 =	vadd.f32 v13, v3  }
0x5ea: {  	v6 =	vadd.f32 v6, v8;
	v8 =	vadd.f32 v9, v21;
	[tilespmem:$0x1F1D0] =	vst v4;
	v4 =	vld.idx.msk [tilespmem:v24+s25+$0x0], $0xffff  }
0x5eb: {  	[tilespmem:$0x1F2B0] =	vst v60  }
0x5ec: {  	[tilespmem:$0x1F330] =	vst v27;
	v56 =	vadd.f32 $-1.000000000e+00, v8;
	v8 =	vadd.f32 v11, v3;
	v3 =	vld [tilespmem:$0x1F1F0]  }
0x5ed: {  	[tilespmem:$0x1F2F0] =	vst v26;
	v0 =	vld.idx.msk [tilespmem:v7+s24+$0x0], $0xffff  }
0x5ee: {  	v14 =	vmul.f32 v14, v14;
	[tilespmem:$0x1F310] =	vst v34;
	v23 =	vld.idx.msk [tilespmem:v7+s23+$0x0], $0xffff;
	v9 =	vmul.f32 v30, v30  }
0x5ef: {  	v30 =	vmul.f32 v58, v58;
	v58 =	vmov v12;
	v12 =	vmul.f32 v35, v35;
	[tilespmem:$0x1F1E0] =	vst v4;
	v4 =	vld [tilespmem:$0x1F200]  }
0x5f0: {  	v53 =	vld.idx.msk [tilespmem:v44+s23+$0x0], $0xffff;
	[tilespmem:$0x1F290] =	vst v63;
	v37 =	vmov v61  }
0x5f1: {  	v2 =	vadd.f32 v14, v2;
	[tilespmem:$0x1F240] =	vst v12;
	v12 =	vmul.f32 v37, v37;
	v3 =	vmul.f32 v3, v3  }
0x5f2: {  	v45 =	vmov v28;
	[tilespmem:$0x1F130] =	vst v0;
	v0 =	vld.idx.msk [tilespmem:v7+s25+$0x0], $0xffff;
	v6 =	vadd.f32 v9, v6;
	v11 =	vmul.f32 v16, v16  }
0x5f3: {  	[tilespmem:$0x1F250] =	vst v12;
	v12 =	vmul.f32 v45, v45;
	v2 =	vadd.f32 v3, v2;
	v3 =	vld [tilespmem:$0x1F220]  }
0x5f4: {  	[tilespmem:$0x1F2D0] =	vst v23;
	v6 =	vadd.f32 v11, v6;
	v11 =	vmul.f32 v60, v60;
	v13 =	vmul.f32 v4, v4;
	v4 =	vld [tilespmem:$0x1F210]  }
0x5f5: {  	[tilespmem:$0x1F260] =	vst v12;
	v12 =	vmul.f32 v53, v53  }
0x5f6: {  	[tilespmem:$0x1F2C0] =	vst v11;
	v11 =	vmul.f32 v23, v23  }
0x5f7: {  	v47 =	vor.u32 $0x9, v51;
	v14 =	vmul.f32 v50, v50;
	[tilespmem:$0x1F270] =	vst v12  }
0x5f8: {  	v54 =	vld.idx.msk [tilespmem:v24+s23+$0x0], $0xffff;
	v12 =	vmul.f32 v52, v52;
	[tilespmem:$0x1F2E0] =	vst v11;
	v11 =	vmul.f32 v26, v26  }
0x5f9: {  	[tilespmem:$0x1F140] =	vst v0;
	v2 =	vadd.f32 v14, v2;
	v22 =	vmul.f32 v4, v4;
	v4 =	vmul.f32 v3, v3  }
0x5fa: {  	[tilespmem:$0x1F280] =	vst v12;
	v12 =	vmul.f32 v63, v63  }
0x5fb: {  	v0 =	vld.idx.msk [tilespmem:v1+s23+$0x0], $0xffff;
	v5 =	vor.u32 $0x8, v51;
	[tilespmem:$0x1F300] =	vst v11;
	v4 =	vadd.f32 v4, v2;
	v2 =	vmul.f32 v33, v33  }
0x5fc: {  	v61 =	vld.idx.msk [tilespmem:v47+s23+$0x0], $0xffff;
	v48 =	vor.u32 $0x5, v51;
	v11 =	vmul.f32 v34, v34;
	[tilespmem:$0x1F2A0] =	vst v12;
	v8 =	vadd.f32 v13, v8  }
0x5fd: {  	v28 =	vor.u32 $0x7, v51;
	[tilespmem:$0x1F3C0] =	vst v2;
	v2 =	vmul.f32 v54, v54  }
0x5fe: {  	v15 =	vld.idx.msk [tilespmem:v36+s23+$0x0], $0xffff;
	[tilespmem:$0x1F320] =	vst v11;
	v22 =	vadd.f32 v22, v8;
	v8 =	vmul.f32 v27, v27  }
0x5ff: {  	v19 =	vld.idx.msk [tilespmem:v40+s23+$0x0], $0xffff;
	v31 =	vor.u32 $0x6, v51;
	[tilespmem:$0x1F3D0] =	vst v2;
	v2 =	vmul.f32 v38, v38  }
0x600: {  	v62 =	vld.idx.msk [tilespmem:v5+s23+$0x0], $0xffff;
	[tilespmem:$0x1F340] =	vst v8;
	v8 =	vmul.f32 v0, v0  }
0x601: {  	v60 =	vld.idx.msk [tilespmem:v48+s23+$0x0], $0xffff;
	v12 =	vimm.f32 $0.0e+00;
	[tilespmem:$0x1F3F0] =	vst v2;
	v2 =	vmul.f32 v61, v61  }
0x602: {  	v59 =	vld.idx.msk [tilespmem:v28+s25+$0x0], $0xffff;
	v4 =	vadd.f32 v4, v12;
	[tilespmem:$0x1F350] =	vst v8  }
0x603: {  	v25 =	vld.idx.msk [tilespmem:v47+s25+$0x0], $0xffff;
	[tilespmem:$0x1F400] =	vst v2;
	v2 =	vmul.f32 v49, v49  }
0x604: {  	v55 =	vld.idx.msk [tilespmem:v31+s23+$0x0], $0xffff;
	v21 =	vor.u32 $0x4, v51;
	v8 =	vmul.f32 v58, v58;
	[tilespmem:$0x1F4D0] =	vst v4  }
0x605: {  	v57 =	vld.idx.msk [tilespmem:v28+s24+$0x0], $0xffff;
	[tilespmem:$0x1F420] =	vst v2;
	v2 =	vmul.f32 v62, v62  }
0x606: {  	v50 =	vld.idx.msk [tilespmem:v28+s23+$0x0], $0xffff;
	v4 =	vmul.f32 v60, v60;
	[tilespmem:$0x1F360] =	vst v8  }
0x607: {  	v18 =	vor.u32 $0x3, v51;
	v43 =	vld.idx.msk [tilespmem:v47+s24+$0x0], $0xffff;
	[tilespmem:$0x1F430] =	vst v2;
	v2 =	vadd.f32 v22, v12  }
0x608: {  	v41 =	vld.idx.msk [tilespmem:v5+s25+$0x0], $0xffff;
	v8 =	vmul.f32 v15, v15;
	[tilespmem:$0x1F4E0] =	vst v4  }
0x609: {  	v13 =	vld.idx.msk [tilespmem:v21+s23+$0x0], $0xffff;
	[tilespmem:$0x1F440] =	vst v2;
	v2 =	vmul.f32 v39, v39  }
0x60a: {  	v9 =	vld.idx.msk [tilespmem:v5+s24+$0x0], $0xffff;
	[tilespmem:$0x1F370] =	vst v8;
	v8 =	vmul.f32 v32, v32  }
0x60b: {  	v35 =	vmov v53;
	v6 =	vadd.f32 v30, v6;
	v53 =	vld.idx.msk [tilespmem:v48+s24+$0x0], $0xffff;
	[tilespmem:$0x1F460] =	vst v2;
	v2 =	vmul.f32 v50, v50  }
0x60c: {  	v30 =	vld.idx.msk [tilespmem:v18+s23+$0x0], $0xffff;
	[tilespmem:$0x1F390] =	vst v8;
	v8 =	vmul.f32 v19, v19  }
0x60d: {  	v63 =	vld.idx.msk [tilespmem:v31+s24+$0x0], $0xffff;
	[tilespmem:$0x1F470] =	vst v2;
	v2 =	vadd.f32 v6, v12  }
0x60e: {  	v14 =	vld.idx.msk [tilespmem:v48+s25+$0x0], $0xffff;
	v4 =	vmul.f32 v13, v13;
	[tilespmem:$0x1F3A0] =	vst v8;
	v8 =	vor.u32 $0x2, v51  }
0x60f: {  	v11 =	vld.idx.msk [tilespmem:v31+s25+$0x0], $0xffff;
	[tilespmem:$0x1F480] =	vst v2;
	v2 =	vmul.f32 v29, v29  }
0x610: {  	v38 =	vld.idx.msk [tilespmem:v21+s24+$0x0], $0xffff;
	[tilespmem:$0x1F4F0] =	vst v4  }
0x611: {  	v16 =	vsub.f32 $0.0e+00, v56;
	v32 =	vmovc v56;
	v56 =	vld.idx.msk [tilespmem:v21+s25+$0x0], $0xffff;
	v6 =	vimm.f32 $0.0e+00;
	[tilespmem:$0x1F4A0] =	vst v2;
	v2 =	vmul.f32 v55, v55  }
0x612: {  	v49 =	vld.idx.msk [tilespmem:v18+s24+$0x0], $0xffff;
	[tilespmem:$0x1F4C0] =	vst v6  }
0x613: {  	s0 =	simm.s32 $0x20;
	v42 =	vmov v15;
	v3 =	vmul.f32 $1.442695020e+00, v16;
	v16 =	vor.u32 $0x1, v51;
	[tilespmem:$0x1F4B0] =	vst v2;
	v2 =	vld.idx.msk [tilespmem:v8+s23+$0x0], $0xffff  }
.LBB2_4:
0x614: {  	_ =	sdelay $0x3  }
0x615: {  	v20 =	vmov v35;
	v35 =	vld.idx.msk [tilespmem:v16+s23+$0x0], $0xffff  }
0x616: {  	v51 =	vld.idx.msk [tilespmem:v8+s24+$0x0], $0xffff  }
0x617: {  	v34 =	vmov v37;
	v37 =	vld.idx.msk [tilespmem:v8+s25+$0x0], $0xffff;
	(erf) = vpow2.f32 v3  }
0x618: {  	v39 =	vld.idx.msk [tilespmem:v8+s26+$0x0], $0xffff  }
0x619: {  	v6 =	vld.idx.msk [tilespmem:v16+s24+$0x0], $0xffff  }
0x61a: {  	v23 =	vld.idx.msk [tilespmem:v8+s29+$0x0], $0xffff;
	v3 =	vmul.f32 v30, v30  }
0x61b: {  	[tilespmem:$0x1DD90] =	vst v46;
	v8 =	vld [tilespmem:$0x1FFF0]  }
0x61c: {  	v46 =	vmov v52;
	v52 =	vld.idx.msk [tilespmem:v16+s25+$0x0], $0xffff;
	[tilespmem:$0x1DE10] =	vst v3;
	v3 =	vmul.f32 v2, v2  }
0x61d: {  	v12 =	vld.idx.msk [tilespmem:v16+s26+$0x0], $0xffff  }
0x61e: {  	v22 =	vmov s0;
	v4 =	vld.idx.msk [tilespmem:v16+s29+$0x0], $0xffff  }
0x61f: {  	v15 =	vld [tilespmem:$0x1F240];
	v16 =	vshll.u32 v22, $0x5  }
0x620: {  	v16 =	vor.u32 v8, v16;
	[tilespmem:$0x1DDD0] =	vst v3;
	v3 =	vpop (erf)  }
0x621: {  	v33 =	vmul.f32 v3, v10;
	v3 =	vor.u32 $0x1F, v16;
	v10 =	vld [tilespmem:$0x1EAB0]  }
0x622: {  	v26 =	vmul.f32 v35, v35;
	[tilespmem:$0x1DDB0] =	vst v3;
	v3 =	vld [tilespmem:$0x1EA80];
	_ =	sdelay $0x1  }
0x623: {  	v22 =	vadd.f32 v26, v15;
	_ =	sdelay $0x1  }
0x624: {  	[tilespmem:$0x1DDE0] =	vst v22;
	v22 =	vld [tilespmem:$0x1EAF0]  }
0x625: {  	v15 =	vmov v19;
	v19 =	vadd.f32 v10, v3;
	v3 =	vld [tilespmem:$0x1EAD0];
	_ =	sdelay $0x2  }
0x626: {  	[tilespmem:$0x1DDA0] =	vst v58;
	v58 =	vld.idx.msk [tilespmem:v18+s25+$0x0], $0xffff  }
0x627: {  	v27 =	vld.idx.msk [tilespmem:v18+s26+$0x0], $0xffff  }
0x628: {  	v8 =	vmov v0;
	v0 =	vadd.f32 v22, v3;
	v3 =	vld [tilespmem:$0x1F230]  }
0x629: {  	v18 =	vld.idx.msk [tilespmem:v18+s29+$0x0], $0xffff  }
0x62a: {  	v26 =	vld.idx.msk [tilespmem:v21+s26+$0x0], $0xffff  }
0x62b: {  	v22 =	vadd.f32 v52, v6;
	v6 =	vadd.f32 v37, v51;
	v37 =	vld.idx.msk [tilespmem:v21+s29+$0x0], $0xffff  }
0x62c: {  	v33 =	vadd.f32 v33, v32;
	v21 =	vadd.f32 v4, v12;
	v4 =	vld.idx.msk [tilespmem:v48+s26+$0x0], $0xffff  }
0x62d: {  	v49 =	vadd.f32 v58, v49;
	v32 =	vmul.f32 v19, v3;
	v52 =	vmul.f32 v0, v3;
	v3 =	vld [tilespmem:$0x1F4C0]  }
0x62e: {  	v12 =	vadd.f32 $-1.000000000e+00, v33;
	v51 =	vadd.f32 v23, v39;
	v23 =	vld.idx.msk [tilespmem:v48+s29+$0x0], $0xffff;
	v33 =	vmul.f32 v22, v35  }
0x62f: {  	v35 =	vmul.f32 v21, v35;
	v32 =	vadd.f32 $0.0e+00, v32;
	v39 =	vadd.f32 $0.0e+00, v52  }
0x630: {  	v56 =	vadd.f32 v56, v38;
	v58 =	vadd.f32 v18, v27;
	v18 =	vld.idx.msk [tilespmem:v31+s29+$0x0], $0xffff  }
0x631: {  	v48 =	vmul.f32 v49, v30;
	v52 =	vld.idx.msk [tilespmem:v31+s26+$0x0], $0xffff;
	v27 =	vadd.f32 v33, v32;
	v31 =	vadd.f32 v35, v39  }
0x632: {  	v3 =	vsub.f32 v3, v12;
	v12 =	vmul.f32 v6, v2;
	v2 =	vmul.f32 v51, v2  }
0x633: {  	[tilespmem:$0x1DDF0] =	vst v0;
	v38 =	vadd.f32 v37, v26;
	v26 =	vld.idx.msk [tilespmem:v28+s29+$0x0], $0xffff;
	v0 =	vadd.f32 v23, v4  }
0x634: {  	v4 =	vld.idx.msk [tilespmem:v5+s29+$0x0], $0xffff;
	v12 =	vadd.f32 v12, v27;
	v2 =	vadd.f32 v2, v31;
	v27 =	vmul.f32 v58, v30  }
0x635: {  	v32 =	vld.idx.msk [tilespmem:v28+s26+$0x0], $0xffff  }
0x636: {  	v30 =	vld.idx.msk [tilespmem:v5+s26+$0x0], $0xffff;
	v5 =	vadd.f32 v48, v12;
	v2 =	vadd.f32 v27, v2;
	v12 =	vmul.f32 v38, v13  }
0x637: {  	v53 =	vadd.f32 v14, v53;
	v39 =	vmul.f32 v56, v13;
	[tilespmem:$0x1F4C0] =	vst v3  }
0x638: {  	v3 =	vadd.f32 v18, v52;
	v13 =	vld.idx.msk [tilespmem:v47+s26+$0x0], $0xffff;
	v2 =	vadd.f32 v12, v2;
	v12 =	vmul.f32 v0, v60  }
0x639: {  	v14 =	vmul.f32 v53, v60;
	v48 =	vadd.f32 v11, v63;
	v11 =	vld.idx.msk [tilespmem:v47+s29+$0x0], $0xffff;
	v5 =	vadd.f32 v39, v5  }
0x63a: {  	[tilespmem:$0x1DE20] =	vst v0;
	v0 =	vadd.f32 v26, v32;
	v2 =	vadd.f32 v12, v2;
	v12 =	vmul.f32 v3, v55  }
0x63b: {  	v23 =	vmul.f32 v48, v55;
	v5 =	vadd.f32 v14, v5;
	v14 =	vld.idx.msk [tilespmem:v40+s26+$0x0], $0xffff;
	v55 =	vadd.f32 v41, v9  }
0x63c: {  	v41 =	vadd.f32 v4, v30;
	v4 =	vld.idx.msk [tilespmem:v40+s29+$0x0], $0xffff;
	v2 =	vadd.f32 v12, v2;
	v12 =	vmul.f32 v0, v50  }
0x63d: {  	[tilespmem:$0x1DE30] =	vst v3;
	v3 =	vld [tilespmem:$0x1F1E0]  }
0x63e: {  	v40 =	vadd.f32 v11, v13;
	v11 =	vadd.f32 v12, v2;
	v2 =	vld [tilespmem:$0x1F1D0];
	_ =	sdelay $0x2  }
0x63f: {  	v18 =	vld.idx.msk [tilespmem:v24+s26+$0x0], $0xffff  }
0x640: {  	v24 =	vld.idx.msk [tilespmem:v24+s29+$0x0], $0xffff  }
0x641: {  	v28 =	vadd.f32 v3, v2;
	v2 =	vld [tilespmem:$0x1F1B0]  }
0x642: {  	v3 =	vld [tilespmem:$0x1F1C0];
	_ =	sdelay $0x2  }
0x643: {  	v24 =	vadd.f32 v24, v18;
	v18 =	vld.idx.msk [tilespmem:v1+s29+$0x0], $0xffff  }
0x644: {  	v57 =	vadd.f32 v59, v57;
	[tilespmem:$0x1DE40] =	vst v0;
	v0 =	vld [tilespmem:$0x1F100]  }
0x645: {  	v59 =	vadd.f32 v25, v43;
	v25 =	vadd.f32 v3, v2;
	v2 =	vld [tilespmem:$0x1F190]  }
0x646: {  	v3 =	vld [tilespmem:$0x1F1A0]  }
0x647: {  	v9 =	vld.idx.msk [tilespmem:v36+s29+$0x0], $0xffff  }
0x648: {  	v26 =	vmul.f32 v57, v50;
	v13 =	vld.idx.msk [tilespmem:v1+s26+$0x0], $0xffff;
	v5 =	vadd.f32 v23, v5  }
0x649: {  	v23 =	vld.idx.msk [tilespmem:v36+s26+$0x0], $0xffff;
	v12 =	vmul.f32 v41, v62  }
0x64a: {  	v27 =	vmul.f32 v55, v62;
	v5 =	vadd.f32 v26, v5;
	v36 =	vadd.f32 v4, v14;
	v4 =	vld.idx.msk [tilespmem:v17+s29+$0x0], $0xffff  }
0x64b: {  	v11 =	vadd.f32 v12, v11;
	v12 =	vmul.f32 v40, v61;
	v47 =	vadd.f32 v3, v2;
	v2 =	vld [tilespmem:$0x1F170]  }
0x64c: {  	v3 =	vld [tilespmem:$0x1F180]  }
0x64d: {  	v5 =	vadd.f32 v27, v5;
	v27 =	vld.idx.msk [tilespmem:v17+s26+$0x0], $0xffff;
	v11 =	vadd.f32 v12, v11;
	v12 =	vmul.f32 v24, v54  }
0x64e: {  	v26 =	vmul.f32 v59, v61;
	v1 =	vld.idx.msk [tilespmem:v0+s29+$0x0], $0xffff  }
0x64f: {  	v30 =	vmul.f32 v28, v54;
	v54 =	vadd.f32 v9, v23;
	v9 =	vadd.f32 v12, v11;
	v12 =	vld.idx.msk [tilespmem:v0+s26+$0x0], $0xffff  }
0x650: {  	v5 =	vadd.f32 v26, v5;
	v0 =	vld [tilespmem:$0x1F080]  }
0x651: {  	v61 =	vadd.f32 v3, v2;
	v2 =	vld [tilespmem:$0x1F150]  }
0x652: {  	v5 =	vadd.f32 v30, v5;
	v17 =	vmul.f32 v25, v15;
	v3 =	vld [tilespmem:$0x1F160];
	_ =	sdelay $0x1  }
0x653: {  	[tilespmem:$0x1DDC0] =	vst v19;
	v14 =	vld.idx.msk [tilespmem:v7+s26+$0x0], $0xffff;
	v5 =	vadd.f32 v17, v5;
	v19 =	vmul.f32 v47, v42  }
0x654: {  	v7 =	vld.idx.msk [tilespmem:v7+s29+$0x0], $0xffff  }
0x655: {  	v5 =	vadd.f32 v19, v5;
	v19 =	vld [tilespmem:$0x1F140]  }
0x656: {  	v52 =	vadd.f32 v3, v2;
	v2 =	vld [tilespmem:$0x1F310]  }
0x657: {  	v3 =	vld [tilespmem:$0x1F130]  }
0x658: {  	v11 =	vmul.f32 v36, v15;
	v17 =	vld.idx.msk [tilespmem:v0+s26+$0x0], $0xffff;
	v15 =	vmul.f32 v61, v8  }
0x659: {  	v39 =	vadd.f32 v7, v14;
	v37 =	vadd.f32 v4, v27;
	v7 =	vld.idx.msk [tilespmem:v0+s29+$0x0], $0xffff  }
0x65a: {  	v5 =	vadd.f32 v15, v5;
	v15 =	vld [tilespmem:$0x1F0F0]  }
0x65b: {  	v35 =	vadd.f32 v18, v13;
	v18 =	vmul.f32 v52, v2;
	v0 =	vmul.f32 v37, v2;
	v2 =	vld [tilespmem:$0x1F030]  }
0x65c: {  	v9 =	vadd.f32 v11, v9;
	v11 =	vmul.f32 v54, v42;
	v63 =	vadd.f32 v19, v3;
	v19 =	vld [tilespmem:$0x1F110]  }
0x65d: {  	v3 =	vld [tilespmem:$0x1F2D0]  }
0x65e: {  	v13 =	vld.idx.msk [tilespmem:v44+s26+$0x0], $0xffff;
	v9 =	vadd.f32 v11, v9;
	v11 =	vmul.f32 v35, v8  }
0x65f: {  	v4 =	vld.idx.msk [tilespmem:v44+s29+$0x0], $0xffff  }
0x660: {  	v23 =	vld [tilespmem:$0x1F0C0];
	v9 =	vadd.f32 v11, v9  }
0x661: {  	v60 =	vadd.f32 v19, v15;
	v19 =	vadd.f32 v1, v12;
	v1 =	vld [tilespmem:$0x1EFC0]  }
0x662: {  	v0 =	vadd.f32 v0, v9;
	v14 =	vmul.f32 v63, v3;
	v9 =	vmul.f32 v39, v3;
	v3 =	vld [tilespmem:$0x1F0A0]  }
0x663: {  	v11 =	vld.idx.msk [tilespmem:v2+s26+$0x0], $0xffff  }
0x664: {  	v12 =	vld.idx.msk [tilespmem:v2+s29+$0x0], $0xffff  }
0x665: {  	v2 =	vld [tilespmem:$0x1F290];
	_ =	sdelay $0x2  }
0x666: {  	v5 =	vadd.f32 v18, v5;
	v42 =	vadd.f32 v23, v3;
	v3 =	vld [tilespmem:$0x1F090]  }
0x667: {  	v31 =	vadd.f32 v4, v13;
	v15 =	vld.idx.msk [tilespmem:v1+s26+$0x0], $0xffff  }
0x668: {  	v4 =	vadd.f32 v14, v5;
	v18 =	vmul.f32 v60, v2;
	v5 =	vmul.f32 v19, v2;
	v2 =	vld [tilespmem:$0x1F070]  }
0x669: {  	v0 =	vadd.f32 v9, v0;
	v13 =	vld.idx.msk [tilespmem:v1+s29+$0x0], $0xffff  }
0x66a: {  	v1 =	vld [tilespmem:$0x1EF60]  }
0x66b: {  	v0 =	vadd.f32 v5, v0;
	v5 =	vmul.f32 v31, v20;
	_ =	sdelay $0x1  }
0x66c: {  	v5 =	vadd.f32 v5, v0;
	v0 =	vld [tilespmem:$0x1EE90];
	v2 =	vadd.f32 v3, v2  }
0x66d: {  	v3 =	vld [tilespmem:$0x1F040]  }
0x66e: {  	[tilespmem:$0x1DE50] =	vst v2;
	v27 =	vmul.f32 v2, v34;
	v2 =	vld [tilespmem:$0x1F010];
	_ =	sdelay $0x2  }
0x66f: {  	v9 =	vld.idx.msk [tilespmem:v1+s26+$0x0], $0xffff  }
0x670: {  	v14 =	vmul.f32 v42, v20;
	v18 =	vadd.f32 v18, v4;
	v23 =	vld.idx.msk [tilespmem:v1+s29+$0x0], $0xffff  }
0x671: {  	v7 =	vadd.f32 v7, v17;
	v1 =	vld [tilespmem:$0x1EF00];
	v17 =	vadd.f32 v3, v2  }
0x672: {  	v2 =	vadd.f32 v12, v11;
	v11 =	vadd.f32 v14, v18;
	v18 =	vld.idx.msk [tilespmem:v0+s26+$0x0], $0xffff  }
0x673: {  	v62 =	vld.idx.msk [tilespmem:v0+s29+$0x0], $0xffff  }
0x674: {  	v0 =	vld [tilespmem:$0x1EE40];
	_ =	sdelay $0x3  }
0x675: {  	v3 =	vld [tilespmem:$0x1DD90]  }
0x676: {  	v26 =	vld.idx.msk [tilespmem:v1+s26+$0x0], $0xffff  }
0x677: {  	v12 =	vld.idx.msk [tilespmem:v1+s29+$0x0], $0xffff  }
0x678: {  	v1 =	vld [tilespmem:$0x1EFD0]  }
0x679: {  	v13 =	vadd.f32 v13, v15;
	v15 =	vadd.f32 v27, v11;
	v27 =	vld.idx.msk [tilespmem:v0+s26+$0x0], $0xffff  }
0x67a: {  	v14 =	vmul.f32 v7, v34;
	v34 =	vld.idx.msk [tilespmem:v0+s29+$0x0], $0xffff  }
0x67b: {  	v0 =	vld [tilespmem:$0x1EDD0];
	_ =	sdelay $0x1  }
0x67c: {  	v1 =	vadd.f32 v1, v3  }
0x67d: {  	[tilespmem:$0x1DE60] =	vst v2;
	v5 =	vadd.f32 v14, v5;
	v14 =	vmul.f32 v2, v45;
	v2 =	vld [tilespmem:$0x1EF70]  }
0x67e: {  	v30 =	vmul.f32 v17, v45;
	[tilespmem:$0x1DE70] =	vst v1;
	v45 =	vmul.f32 v1, v46;
	v1 =	vld [tilespmem:$0x1EF40];
	_ =	sdelay $0x2  }
0x67f: {  	v3 =	vld [tilespmem:$0x1EF10]  }
0x680: {  	v43 =	vld.idx.msk [tilespmem:v0+s26+$0x0], $0xffff  }
0x681: {  	v11 =	vadd.f32 v2, v1;
	v1 =	vld [tilespmem:$0x1F2B0]  }
0x682: {  	v5 =	vadd.f32 v14, v5;
	v14 =	vadd.f32 v12, v26;
	v12 =	vld.idx.msk [tilespmem:v0+s29+$0x0], $0xffff  }
0x683: {  	v0 =	vld [tilespmem:$0x1ED80]  }
0x684: {  	v2 =	vld [tilespmem:$0x1EEE0];
	_ =	sdelay $0x1  }
0x685: {  	v4 =	vadd.f32 v23, v9;
	_ =	sdelay $0x1  }
0x686: {  	v9 =	vadd.f32 v30, v15;
	v30 =	vmul.f32 v11, v1;
	v50 =	vmul.f32 v4, v1;
	v1 =	vld [tilespmem:$0x1F2F0]  }
0x687: {  	v15 =	vadd.f32 v3, v2;
	v2 =	vld [tilespmem:$0x1EE80]  }
0x688: {  	v23 =	vmul.f32 v13, v46;
	v3 =	vld [tilespmem:$0x1EEA0]  }
0x689: {  	v46 =	vld.idx.msk [tilespmem:v0+s26+$0x0], $0xffff  }
0x68a: {  	v23 =	vadd.f32 v23, v5;
	v5 =	vadd.f32 v62, v18;
	v18 =	vld.idx.msk [tilespmem:v0+s29+$0x0], $0xffff  }
0x68b: {  	v0 =	vld [tilespmem:$0x1ED10]  }
0x68c: {  	v26 =	vadd.f32 v45, v9;
	v45 =	vmul.f32 v15, v1;
	v62 =	vmul.f32 v14, v1;
	v1 =	vld [tilespmem:$0x1F330]  }
0x68d: {  	v9 =	vadd.f32 v3, v2;
	v2 =	vld [tilespmem:$0x1EE20]  }
0x68e: {  	v3 =	vld [tilespmem:$0x1EE50];
	_ =	sdelay $0x2  }
0x68f: {  	v26 =	vadd.f32 v30, v26  }
0x690: {  	v30 =	vadd.f32 v50, v23;
	v50 =	vmul.f32 v9, v1;
	v33 =	vmul.f32 v5, v1;
	v1 =	vld [tilespmem:$0x1ECA0]  }
0x691: {  	v23 =	vadd.f32 v3, v2;
	v2 =	vld [tilespmem:$0x1EDC0]  }
0x692: {  	v3 =	vld [tilespmem:$0x1EDE0]  }
0x693: {  	[tilespmem:$0x1DE90] =	vst v5;
	v5 =	vld [tilespmem:$0x1DDA0]  }
0x694: {  	[tilespmem:$0x1DE80] =	vst v4;
	v32 =	vadd.f32 v62, v30;
	v4 =	vld.idx.msk [tilespmem:v0+s26+$0x0], $0xffff  }
0x695: {  	v27 =	vadd.f32 v34, v27;
	v34 =	vld.idx.msk [tilespmem:v0+s29+$0x0], $0xffff  }
0x696: {  	v26 =	vadd.f32 v45, v26;
	v32 =	vadd.f32 v33, v32;
	v33 =	vld [tilespmem:$0x1ED90]  }
0x697: {  	v30 =	vadd.f32 v3, v2;
	v2 =	vld [tilespmem:$0x1EC30]  }
0x698: {  	v26 =	vadd.f32 v50, v26;
	v0 =	vmul.f32 v23, v5;
	v50 =	vmul.f32 v27, v5;
	v5 =	vld [tilespmem:$0x1ED50];
	_ =	sdelay $0x1  }
0x699: {  	v44 =	vld [tilespmem:$0x1ED20]  }
0x69a: {  	v45 =	vld [tilespmem:$0x1ECE0]  }
0x69b: {  	v3 =	vld [tilespmem:$0x1F380]  }
0x69c: {  	v20 =	vadd.f32 v33, v5;
	v33 =	vadd.f32 v18, v46;
	v18 =	vld [tilespmem:$0x1F3B0]  }
0x69d: {  	v62 =	vld.idx.msk [tilespmem:v1+s26+$0x0], $0xffff  }
0x69e: {  	v43 =	vadd.f32 v12, v43;
	v12 =	vld.idx.msk [tilespmem:v1+s29+$0x0], $0xffff  }
0x69f: {  	[tilespmem:$0x1DE00] =	vst v6;
	v6 =	vld.idx.msk [tilespmem:v2+s26+$0x0], $0xffff  }
0x6a0: {  	v0 =	vadd.f32 v0, v26;
	v26 =	vadd.f32 v50, v32;
	v32 =	vmul.f32 v43, v3;
	v46 =	vld.idx.msk [tilespmem:v2+s29+$0x0], $0xffff  }
0x6a1: {  	v1 =	vmul.f32 v30, v3;
	v2 =	vld [tilespmem:$0x1EBD0];
	v3 =	vmul.f32 v20, v18  }
0x6a2: {  	[tilespmem:$0x1DEA0] =	vst v20;
	v20 =	vadd.f32 v34, v4;
	v4 =	vadd.f32 v32, v26;
	v26 =	vmul.f32 v33, v18;
	v18 =	vld [tilespmem:$0x1F3E0];
	_ =	sdelay $0x1  }
0x6a3: {  	v50 =	vadd.f32 v44, v45;
	_ =	sdelay $0x1  }
0x6a4: {  	v45 =	vld [tilespmem:$0x1ECB0];
	[tilespmem:$0x1DEC0] =	vst v50  }
0x6a5: {  	[tilespmem:$0x1DEB0] =	vst v33;
	v33 =	vmul.f32 v50, v18;
	v50 =	vld [tilespmem:$0x1EC70]  }
0x6a6: {  	v4 =	vadd.f32 v26, v4;
	v26 =	vmul.f32 v20, v18;
	v18 =	vld [tilespmem:$0x1F410]  }
0x6a7: {  	v5 =	vld.idx.msk [tilespmem:v2+s26+$0x0], $0xffff  }
0x6a8: {  	v34 =	vld.idx.msk [tilespmem:v2+s29+$0x0], $0xffff  }
0x6a9: {  	v2 =	vadd.f32 v1, v0;
	v0 =	vld [tilespmem:$0x1EB50];
	_ =	sdelay $0x1  }
0x6aa: {  	[tilespmem:$0x1DED0] =	vst v20;
	v20 =	vadd.f32 v46, v6;
	v6 =	vadd.f32 v26, v4;
	v4 =	vld.idx.msk [tilespmem:v16+s25+$0x0], $0xffff  }
0x6ab: {  	v45 =	vadd.f32 v45, v50  }
0x6ac: {  	v3 =	vadd.f32 v3, v2;
	v2 =	vld [tilespmem:$0x1EC20]  }
0x6ad: {  	v1 =	vadd.f32 v12, v62;
	[tilespmem:$0x1DEE0] =	vst v45;
	v62 =	vmul.f32 v45, v18;
	v45 =	vld [tilespmem:$0x1EC40];
	_ =	sdelay $0x1  }
0x6ae: {  	[tilespmem:$0x1EAB0] =	vst v4;
	v4 =	vld [tilespmem:$0x1F450]  }
0x6af: {  	v32 =	vld.idx.msk [tilespmem:v0+s26+$0x0], $0xffff  }
0x6b0: {  	v12 =	vld.idx.msk [tilespmem:v0+s29+$0x0], $0xffff  }
0x6b1: {  	v50 =	vadd.f32 v45, v2;
	v2 =	vld.idx.msk [tilespmem:v0+s23+$0x0], $0xffff  }
0x6b2: {  	v0 =	vld.idx.msk [tilespmem:v16+s24+$0x0], $0xffff;
	_ =	sdelay $0x3  }
0x6b3: {  	[tilespmem:$0x1DF00] =	vst v50;
	v26 =	vmul.f32 v50, v4;
	v50 =	vld [tilespmem:$0x1EBE0]  }
0x6b4: {  	[tilespmem:$0x1EA80] =	vst v0;
	v0 =	vadd.f32 v33, v3;
	v33 =	vld [tilespmem:$0x1EBB0]  }
0x6b5: {  	v8 =	vld [tilespmem:$0x1DDB0];
	v3 =	vmul.f32 v1, v18  }
0x6b6: {  	v45 =	vadd.f32 v34, v5;
	v5 =	vld.idx.msk [tilespmem:v16+s26+$0x0], $0xffff  }
0x6b7: {  	[tilespmem:$0x1DEF0] =	vst v1;
	v1 =	vadd.f32 v3, v6;
	v3 =	vmul.f32 v20, v4;
	v4 =	vld.idx.msk [tilespmem:v16+s29+$0x0], $0xffff  }
0x6b8: {  	v0 =	vadd.f32 v62, v0;
	v62 =	vld [tilespmem:$0x1EB60]  }
0x6b9: {  	v18 =	vadd.f32 v50, v33;
	v33 =	vld [tilespmem:$0x1F490]  }
0x6ba: {  	v50 =	vld [tilespmem:$0x1EB30];
	_ =	sdelay $0x1  }
0x6bb: {  	[tilespmem:$0x1DF10] =	vst v20  }
0x6bc: {  	[tilespmem:$0x1DF20] =	vst v18  }
0x6bd: {  	v29 =	vor.u32 $0x1E, v16;
	[tilespmem:$0x1EAF0] =	vst v4;
	v4 =	vmul.f32 v18, v33;
	v18 =	vadd.f32 v12, v32;
	v12 =	vld.idx.msk [tilespmem:v8+s24+$0x0], $0xffff  }
0x6be: {  	[tilespmem:$0x1EAD0] =	vst v5;
	v5 =	vmov v29;
	v20 =	vadd.f32 v62, v50  }
0x6bf: {  	[tilespmem:$0x1EBD0] =	vst v5  }
0x6c0: {  	v5 =	vld [tilespmem:$0x1DDD0];
	[tilespmem:$0x1DF40] =	vst v20  }
0x6c1: {  	v0 =	vadd.f32 v26, v0;
	v26 =	vld.idx.msk [tilespmem:v8+s25+$0x0], $0xffff;
	[tilespmem:$0x1DF50] =	vst v18  }
0x6c2: {  	[tilespmem:$0x1EB30] =	vst v12;
	v12 =	vmul.f32 v20, v2;
	v20 =	vmul.f32 v18, v2;
	v18 =	vld [tilespmem:$0x1DDE0];
	_ =	sdelay $0x3  }
0x6c3: {  	v44 =	vld.idx.msk [tilespmem:v16+s23+$0x0], $0xffff;
	v1 =	vadd.f32 v3, v1;
	v3 =	vmul.f32 v45, v33  }
0x6c4: {  	[tilespmem:$0x1EB60] =	vst v26;
	v26 =	vadd.f32 v5, v18;
	v5 =	vld.idx.msk [tilespmem:v29+s24+$0x0], $0xffff;
	_ =	sdelay $0x2  }
0x6c5: {  	v0 =	vadd.f32 v4, v0;
	v1 =	vadd.f32 v3, v1;
	v4 =	vld [tilespmem:$0x1DDC0];
	v3 =	vmov v8  }
0x6c6: {  	[tilespmem:$0x1EB50] =	vst v3  }
0x6c7: {  	v3 =	vmul.f32 v44, v44;
	[tilespmem:$0x1EBB0] =	vst v5;
	v5 =	vld [tilespmem:$0x1DE00]  }
0x6c8: {  	v10 =	vor.u32 $0x1D, v16  }
0x6c9: {  	[tilespmem:$0x1F240] =	vst v3;
	v3 =	vld.idx.msk [tilespmem:v29+s25+$0x0], $0xffff  }
0x6ca: {  	v6 =	vmul.f32 v22, v22;
	v4 =	vmul.f32 v4, v4;
	_ =	sdelay $0x1  }
0x6cb: {  	v4 =	vadd.f32 v6, v4;
	v6 =	vmul.f32 v5, v5;
	v5 =	vmov v10  }
0x6cc: {  	[tilespmem:$0x1EC30] =	vst v5;
	v5 =	vld.idx.msk [tilespmem:v10+s25+$0x0], $0xffff  }
0x6cd: {  	v0 =	vadd.f32 v12, v0;
	v1 =	vadd.f32 v20, v1;
	[tilespmem:$0x1EBE0] =	vst v3;
	v3 =	vld [tilespmem:$0x1DDF0];
	_ =	sdelay $0x1  }
0x6ce: {  	v0 =	vsub.f32 v1, v0;
	v1 =	vld.idx.msk [tilespmem:v10+s24+$0x0], $0xffff;
	_ =	sdelay $0x1  }
0x6cf: {  	v50 =	vor.u32 $0x1C, v16;
	[tilespmem:$0x1EC40] =	vst v5;
	v5 =	vld [tilespmem:$0x1DE10]  }
0x6d0: {  	v21 =	vmul.f32 v21, v21;
	v3 =	vmul.f32 v3, v3;
	_ =	sdelay $0x1  }
0x6d1: {  	v8 =	vmul.f32 v51, v51;
	[tilespmem:$0x1EC20] =	vst v1;
	v1 =	vadd.f32 v21, v3;
	_ =	sdelay $0x1  }
0x6d2: {  	v62 =	vor.u32 $0x1B, v16;
	v1 =	vadd.f32 v8, v1;
	v8 =	vadd.f32 v5, v26;
	v5 =	vld.idx.msk [tilespmem:v50+s24+$0x0], $0xffff  }
0x6d3: {  	v3 =	vmul.f32 v49, v49;
	v4 =	vadd.f32 v6, v4;
	_ =	sdelay $0x1  }
0x6d4: {  	v3 =	vadd.f32 v3, v4;
	v4 =	vld.idx.msk [tilespmem:v50+s25+$0x0], $0xffff;
	_ =	sdelay $0x1  }
0x6d5: {  	[tilespmem:$0x1EC70] =	vst v5;
	v5 =	vld.idx.msk [tilespmem:v62+s25+$0x0], $0xffff;
	_ =	sdelay $0x2  }
0x6d6: {  	[tilespmem:$0x1ECB0] =	vst v4;
	v4 =	vld [tilespmem:$0x1F4F0];
	_ =	sdelay $0x1  }
0x6d7: {  	v12 =	vor.u32 $0x1A, v16;
	[tilespmem:$0x1ED20] =	vst v5;
	v5 =	vld [tilespmem:$0x1F4E0];
	_ =	sdelay $0x2  }
0x6d8: {  	v4 =	vadd.f32 v4, v8;
	_ =	sdelay $0x1  }
0x6d9: {  	v4 =	vadd.f32 v5, v4;
	v5 =	vld.idx.msk [tilespmem:v12+s24+$0x0], $0xffff;
	_ =	sdelay $0x4  }
0x6da: {  	[tilespmem:$0x1ED50] =	vst v5;
	v5 =	vld [tilespmem:$0x1F4B0];
	_ =	sdelay $0x2  }
0x6db: {  	v0 =	vadd.f32 $0.0e+00, v0;
	_ =	sdelay $0x1  }
0x6dc: {  	v0 =	vmul.f32 $1.442695020e+00, v0;
	v4 =	vadd.f32 v5, v4;
	v5 =	vld.idx.msk [tilespmem:v12+s25+$0x0], $0xffff;
	_ =	sdelay $0x1  }
0x6dd: {  	(erf) = vpow2.f32 v0;
	v0 =	vld.idx.msk [tilespmem:v62+s24+$0x0], $0xffff  }
0x6de: {  	v6 =	vmul.f32 v58, v58;
	_ =	sdelay $0x1  }
0x6df: {  	v20 =	vor.u32 $0x19, v16;
	v1 =	vadd.f32 v6, v1;
	v6 =	vmul.f32 v38, v38;
	[tilespmem:$0x1ED90] =	vst v5;
	v5 =	vld [tilespmem:$0x1F470];
	_ =	sdelay $0x1  }
0x6e0: {  	[tilespmem:$0x1ECE0] =	vst v0;
	v0 =	vadd.f32 v6, v1;
	v1 =	vld [tilespmem:$0x1DE20];
	_ =	sdelay $0x2  }
0x6e1: {  	v4 =	vadd.f32 v5, v4;
	v5 =	vld.idx.msk [tilespmem:v20+s24+$0x0], $0xffff;
	_ =	sdelay $0x1  }
0x6e2: {  	v1 =	vmul.f32 v1, v1;
	_ =	sdelay $0x1  }
0x6e3: {  	v0 =	vadd.f32 v1, v0;
	v1 =	vld [tilespmem:$0x1DE30]  }
0x6e4: {  	[tilespmem:$0x1EDC0] =	vst v5;
	v5 =	vld.idx.msk [tilespmem:v20+s25+$0x0], $0xffff;
	_ =	sdelay $0x3  }
0x6e5: {  	v33 =	vld.idx.msk [tilespmem:v10+s23+$0x0], $0xffff;
	v10 =	vmul.f32 v56, v56  }
0x6e6: {  	v49 =	vor.u32 $0x18, v16;
	v1 =	vmul.f32 v1, v1;
	[tilespmem:$0x1EDE0] =	vst v5;
	v5 =	vld [tilespmem:$0x1F430]  }
0x6e7: {  	v3 =	vadd.f32 v10, v3;
	v8 =	vmul.f32 v53, v53  }
0x6e8: {  	v0 =	vadd.f32 v1, v0;
	v1 =	vld [tilespmem:$0x1DE40]  }
0x6e9: {  	v6 =	vmul.f32 v48, v48;
	v3 =	vadd.f32 v8, v3;
	_ =	sdelay $0x1  }
0x6ea: {  	v8 =	vmul.f32 v57, v57;
	v3 =	vadd.f32 v6, v3;
	v4 =	vadd.f32 v5, v4;
	v5 =	vld.idx.msk [tilespmem:v49+s24+$0x0], $0xffff;
	_ =	sdelay $0x1  }
0x6eb: {  	v6 =	vmul.f32 v55, v55;
	v3 =	vadd.f32 v8, v3;
	v1 =	vmul.f32 v1, v1  }
0x6ec: {  	[tilespmem:$0x1ED80] =	vst v12;
	v53 =	vor.u32 $0x17, v16  }
0x6ed: {  	v26 =	vld.idx.msk [tilespmem:v12+s23+$0x0], $0xffff;
	v3 =	vadd.f32 v6, v3;
	v0 =	vadd.f32 v1, v0;
	v1 =	vmul.f32 v59, v59  }
0x6ee: {  	v12 =	vpop (erf);
	[tilespmem:$0x1EE20] =	vst v5;
	v5 =	vld.idx.msk [tilespmem:v49+s25+$0x0], $0xffff  }
0x6ef: {  	v1 =	vadd.f32 v1, v3;
	v3 =	vadd.f32 $1.000000000e+00, v12;
	_ =	sdelay $0x1  }
0x6f0: {  	(erf) = vrcp.f32 v3;
	v3 =	vld.idx.msk [tilespmem:v53+s24+$0x0], $0xffff;
	_ =	sdelay $0x1  }
0x6f1: {  	[tilespmem:$0x1EE50] =	vst v5;
	v5 =	vld [tilespmem:$0x1F400];
	_ =	sdelay $0x2  }
0x6f2: {  	[tilespmem:$0x1EE80] =	vst v3;
	v3 =	vld [tilespmem:$0x1F3D0];
	_ =	sdelay $0x1  }
0x6f3: {  	v57 =	vor.u32 $0x16, v16;
	v4 =	vadd.f32 v5, v4;
	v5 =	vld [tilespmem:$0x1F3A0];
	_ =	sdelay $0x2  }
0x6f4: {  	v3 =	vadd.f32 v3, v4;
	_ =	sdelay $0x1  }
0x6f5: {  	v3 =	vadd.f32 v5, v3;
	v5 =	vld.idx.msk [tilespmem:v57+s24+$0x0], $0xffff;
	_ =	sdelay $0x4  }
0x6f6: {  	[tilespmem:$0x1EEE0] =	vst v5;
	v5 =	vld.idx.msk [tilespmem:v57+s25+$0x0], $0xffff;
	_ =	sdelay $0x2  }
0x6f7: {  	[tilespmem:$0x1ECA0] =	vst v50;
	v18 =	vld.idx.msk [tilespmem:v50+s23+$0x0], $0xffff  }
0x6f8: {  	[tilespmem:$0x1EDD0] =	vst v20;
	v50 =	vld.idx.msk [tilespmem:v20+s23+$0x0], $0xffff  }
0x6f9: {  	v20 =	vor.u32 $0x15, v16;
	[tilespmem:$0x1EF10] =	vst v5;
	v5 =	vld [tilespmem:$0x1F370];
	_ =	sdelay $0x4  }
0x6fa: {  	v3 =	vadd.f32 v5, v3;
	v5 =	vld.idx.msk [tilespmem:v20+s24+$0x0], $0xffff;
	_ =	sdelay $0x4  }
0x6fb: {  	v8 =	vmul.f32 v41, v41;
	[tilespmem:$0x1EF40] =	vst v5;
	v5 =	vld [tilespmem:$0x1F350];
	_ =	sdelay $0x1  }
0x6fc: {  	v6 =	vmul.f32 v40, v40;
	v0 =	vadd.f32 v8, v0;
	_ =	sdelay $0x1  }
0x6fd: {  	v0 =	vadd.f32 v6, v0  }
0x6fe: {  	v6 =	vmul.f32 v25, v25;
	v25 =	vor.u32 $0x14, v16;
	v3 =	vadd.f32 v5, v3;
	v5 =	vld [tilespmem:$0x1F320];
	_ =	sdelay $0x4  }
0x6ff: {  	v3 =	vadd.f32 v5, v3;
	v5 =	vld.idx.msk [tilespmem:v25+s25+$0x0], $0xffff;
	_ =	sdelay $0x4  }
0x700: {  	v8 =	vmul.f32 v28, v28;
	v28 =	vor.u32 $0x13, v16;
	[tilespmem:$0x1EFD0] =	vst v5;
	v5 =	vld [tilespmem:$0x1F2E0];
	_ =	sdelay $0x4  }
0x701: {  	v3 =	vadd.f32 v5, v3;
	v5 =	vld.idx.msk [tilespmem:v28+s24+$0x0], $0xffff;
	_ =	sdelay $0x4  }
0x702: {  	[tilespmem:$0x1F010] =	vst v5;
	v5 =	vld [tilespmem:$0x1F2A0];
	_ =	sdelay $0x4  }
0x703: {  	v3 =	vadd.f32 v5, v3;
	v5 =	vld.idx.msk [tilespmem:v28+s25+$0x0], $0xffff;
	_ =	sdelay $0x3  }
0x704: {  	v32 =	vld.idx.msk [tilespmem:v29+s23+$0x0], $0xffff  }
0x705: {  	v29 =	vor.u32 $0x12, v16;
	[tilespmem:$0x1F040] =	vst v5;
	v5 =	vld [tilespmem:$0x1F270];
	_ =	sdelay $0x3  }
0x706: {  	v4 =	vld.idx.msk [tilespmem:v53+s25+$0x0], $0xffff  }
0x707: {  	v3 =	vadd.f32 v5, v3;
	v5 =	vld.idx.msk [tilespmem:v29+s24+$0x0], $0xffff;
	_ =	sdelay $0x1  }
0x708: {  	v10 =	vmul.f32 v24, v24  }
0x709: {  	v1 =	vadd.f32 v8, v1  }
0x70a: {  	v8 =	vmul.f32 v36, v36;
	v0 =	vadd.f32 v10, v0;
	[tilespmem:$0x1EEA0] =	vst v4  }
0x70b: {  	v1 =	vadd.f32 v6, v1;
	v4 =	vmul.f32 v47, v47;
	[tilespmem:$0x1F070] =	vst v5;
	v5 =	vld.idx.msk [tilespmem:v29+s25+$0x0], $0xffff;
	_ =	sdelay $0x1  }
0x70c: {  	v0 =	vadd.f32 v8, v0;
	v8 =	vmul.f32 v61, v61;
	v1 =	vadd.f32 v4, v1;
	_ =	sdelay $0x1  }
0x70d: {  	v1 =	vadd.f32 v8, v1;
	v8 =	vmul.f32 v37, v37;
	v37 =	vld.idx.msk [tilespmem:v29+s23+$0x0], $0xffff  }
0x70e: {  	[tilespmem:$0x1F090] =	vst v5;
	v5 =	vld [tilespmem:$0x1F250];
	_ =	sdelay $0x1  }
0x70f: {  	[tilespmem:$0x1F230] =	vst v44;
	v44 =	vor.u32 $0x11, v16;
	_ =	sdelay $0x2  }
0x710: {  	v3 =	vadd.f32 v5, v3;
	v5 =	vmul.f32 v37, v37;
	_ =	sdelay $0x1  }
0x711: {  	[tilespmem:$0x1F250] =	vst v5;
	v5 =	vld.idx.msk [tilespmem:v44+s24+$0x0], $0xffff;
	_ =	sdelay $0x3  }
0x712: {  	v6 =	vmul.f32 v54, v54  }
0x713: {  	[tilespmem:$0x1F0A0] =	vst v5;
	v5 =	vld.idx.msk [tilespmem:v44+s25+$0x0], $0xffff  }
0x714: {  	v0 =	vadd.f32 v6, v0;
	v6 =	vmul.f32 v52, v52;
	_ =	sdelay $0x1  }
0x715: {  	[tilespmem:$0x1DF30] =	vst v45;
	v10 =	vmul.f32 v63, v63;
	v45 =	vld.idx.msk [tilespmem:v28+s23+$0x0], $0xffff;
	v1 =	vadd.f32 v6, v1;
	_ =	sdelay $0x1  }
0x716: {  	v12 =	vpop (erf);
	v4 =	vmul.f32 v35, v35;
	v1 =	vadd.f32 v10, v1;
	[tilespmem:$0x1F0C0] =	vst v5;
	v5 =	vld [tilespmem:$0x1F260]  }
0x717: {  	v10 =	vadd.f32 $1.000000010e-10, v12;
	v12 =	vmul.f32 v31, v31;
	v31 =	vor.u32 $0x10, v16  }
0x718: {  	v24 =	vld.idx.msk [tilespmem:v20+s23+$0x0], $0xffff  }
0x719: {  	[tilespmem:$0x1EF60] =	vst v20;
	v0 =	vadd.f32 v4, v0;
	v4 =	vld.idx.msk [tilespmem:v20+s25+$0x0], $0xffff;
	v20 =	vmul.f32 v45, v45;
	_ =	sdelay $0x1  }
0x71a: {  	v3 =	vadd.f32 v5, v3;
	v5 =	vmov v20  }
0x71b: {  	[tilespmem:$0x1F260] =	vst v5;
	v5 =	vld.idx.msk [tilespmem:v31+s24+$0x0], $0xffff;
	_ =	sdelay $0x4  }
0x71c: {  	[tilespmem:$0x1F0F0] =	vst v5;
	v5 =	vld.idx.msk [tilespmem:v31+s25+$0x0], $0xffff;
	_ =	sdelay $0x2  }
0x71d: {  	v46 =	vld.idx.msk [tilespmem:v25+s24+$0x0], $0xffff;
	v0 =	vadd.f32 v8, v0;
	[tilespmem:$0x1EF70] =	vst v4;
	v4 =	vmul.f32 v39, v39  }
0x71e: {  	v52 =	vld.idx.msk [tilespmem:v25+s23+$0x0], $0xffff;
	v6 =	vmul.f32 v60, v60  }
0x71f: {  	v8 =	vmul.f32 v19, v19;
	v0 =	vadd.f32 v4, v0;
	[tilespmem:$0x1F110] =	vst v5;
	v5 =	vld [tilespmem:$0x1F280]  }
0x720: {  	v6 =	vadd.f32 v6, v1;
	v1 =	vld [tilespmem:$0x1DE50]  }
0x721: {  	[tilespmem:$0x1EFC0] =	vst v25;
	v0 =	vadd.f32 v8, v0;
	v25 =	vld.idx.msk [tilespmem:v31+s23+$0x0], $0xffff;
	_ =	sdelay $0x1  }
0x722: {  	v0 =	vadd.f32 v12, v0;
	v12 =	vmul.f32 v7, v7;
	v7 =	vor.u32 $0xF, v16  }
0x723: {  	v4 =	vmul.f32 v42, v42;
	v3 =	vadd.f32 v5, v3;
	v5 =	vmul.f32 v52, v52;
	_ =	sdelay $0x1  }
0x724: {  	v4 =	vadd.f32 v4, v6;
	v6 =	vmul.f32 v1, v1;
	v1 =	vld [tilespmem:$0x1DE60];
	[tilespmem:$0x1F280] =	vst v5;
	v5 =	vmul.f32 v25, v25;
	_ =	sdelay $0x1  }
0x725: {  	[tilespmem:$0x1F2A0] =	vst v5;
	v5 =	vld.idx.msk [tilespmem:v7+s24+$0x0], $0xffff;
	_ =	sdelay $0x1  }
0x726: {  	v19 =	vcvt.s32.f32 v10  }
0x727: {  	v0 =	vadd.f32 v12, v0;
	v12 =	vmul.f32 v1, v1;
	v1 =	vld [tilespmem:$0x1DE70]  }
0x728: {  	v8 =	vmul.f32 $8.262958320e-08, v19  }
0x729: {  	[tilespmem:$0x1F130] =	vst v5;
	v5 =	vld [tilespmem:$0x1DE80]  }
0x72a: {  	v4 =	vadd.f32 v6, v4;
	v6 =	vadd.f32 $-8.805949400e+01, v8;
	v8 =	vmul.f32 v17, v17;
	_ =	sdelay $0x1  }
0x72b: {  	v4 =	vadd.f32 v8, v4;
	v0 =	vadd.f32 v12, v0;
	v12 =	vmul.f32 v1, v1;
	_ =	sdelay $0x1  }
0x72c: {  	v4 =	vadd.f32 v12, v4;
	v12 =	vmul.f32 v5, v5;
	v5 =	vld.idx.msk [tilespmem:v7+s25+$0x0], $0xffff;
	_ =	sdelay $0x1  }
0x72d: {  	v19 =	vsub.f32 $0.0e+00, v6;
	_ =	sdelay $0x1  }
0x72e: {  	v8 =	vmul.f32 $1.442695020e+00, v19;
	v19 =	vld.idx.msk [tilespmem:v7+s23+$0x0], $0xffff  }
0x72f: {  	[tilespmem:$0x1F140] =	vst v5;
	v5 =	vld [tilespmem:$0x1F2C0];
	_ =	sdelay $0x1  }
0x730: {  	v17 =	vor.u32 $0xE, v16;
	_ =	sdelay $0x2  }
0x731: {  	v3 =	vadd.f32 v5, v3;
	v5 =	vmul.f32 v19, v19;
	_ =	sdelay $0x1  }
0x732: {  	[tilespmem:$0x1F2E0] =	vst v5;
	v5 =	vld.idx.msk [tilespmem:v17+s24+$0x0], $0xffff  }
0x733: {  	v13 =	vmul.f32 v13, v13  }
0x734: {  	(erf) = vpow2.f32 v8  }
0x735: {  	v8 =	vadd.f32 v13, v0;
	v0 =	vmul.f32 v11, v11;
	v11 =	vmul.f32 v24, v24;
	_ =	sdelay $0x1  }
0x736: {  	[tilespmem:$0x1F150] =	vst v5;
	v5 =	vmov v11  }
0x737: {  	[tilespmem:$0x1F2C0] =	vst v5;
	v5 =	vld.idx.msk [tilespmem:v17+s25+$0x0], $0xffff;
	_ =	sdelay $0x3  }
0x738: {  	v20 =	vld.idx.msk [tilespmem:v17+s23+$0x0], $0xffff  }
0x739: {  	[tilespmem:$0x1F160] =	vst v5;
	v5 =	vld [tilespmem:$0x1F300];
	_ =	sdelay $0x1  }
0x73a: {  	v22 =	vld.idx.msk [tilespmem:v57+s23+$0x0], $0xffff  }
0x73b: {  	v13 =	vmul.f32 v15, v15;
	v1 =	vor.u32 $0xD, v16  }
0x73c: {  	v4 =	vadd.f32 v0, v4;
	v8 =	vadd.f32 v12, v8;
	v12 =	vmul.f32 v14, v14  }
0x73d: {  	v3 =	vadd.f32 v5, v3;
	v5 =	vmul.f32 v20, v20  }
0x73e: {  	v21 =	vld.idx.msk [tilespmem:v62+s23+$0x0], $0xffff;
	v4 =	vadd.f32 v13, v4;
	v8 =	vadd.f32 v12, v8;
	v12 =	vmul.f32 v9, v9  }
0x73f: {  	v14 =	vmul.f32 v22, v22;
	[tilespmem:$0x1F320] =	vst v5;
	v5 =	vld [tilespmem:$0x1DE90]  }
0x740: {  	v4 =	vadd.f32 v12, v4;
	v12 =	vld.idx.msk [tilespmem:v1+s25+$0x0], $0xffff  }
0x741: {  	[tilespmem:$0x1ED10] =	vst v62;
	v62 =	vld.idx.msk [tilespmem:v53+s23+$0x0], $0xffff;
	v11 =	vmov v14  }
0x742: {  	[tilespmem:$0x1F300] =	vst v11;
	v11 =	vld.idx.msk [tilespmem:v1+s24+$0x0], $0xffff  }
0x743: {  	v36 =	vor.u32 $0xC, v16;
	v0 =	vld.idx.msk [tilespmem:v1+s23+$0x0], $0xffff  }
0x744: {  	v5 =	vmul.f32 v5, v5  }
0x745: {  	v9 =	vpop (erf);
	[tilespmem:$0x1F180] =	vst v12;
	v12 =	vld [tilespmem:$0x1F340]  }
0x746: {  	v40 =	vor.u32 $0xB, v16;
	v5 =	vadd.f32 v5, v8;
	v8 =	vmul.f32 v9, v10  }
0x747: {  	[tilespmem:$0x1F170] =	vst v11  }
0x748: {  	v11 =	vmul.f32 v62, v62;
	v9 =	vmul.f32 v0, v0;
	v6 =	vadd.f32 v8, v6;
	v8 =	vld.idx.msk [tilespmem:v36+s25+$0x0], $0xffff;
	_ =	sdelay $0x1  }
0x749: {  	v58 =	vld.idx.msk [tilespmem:v49+s23+$0x0], $0xffff;
	v3 =	vadd.f32 v12, v3;
	v12 =	vmov v11;
	[tilespmem:$0x1F350] =	vst v9;
	v9 =	vmul.f32 v23, v23  }
0x74a: {  	[tilespmem:$0x1F340] =	vst v12;
	v12 =	vld.idx.msk [tilespmem:v40+s25+$0x0], $0xffff  }
0x74b: {  	v4 =	vadd.f32 v9, v4;
	v9 =	vld.idx.msk [tilespmem:v40+s24+$0x0], $0xffff  }
0x74c: {  	[tilespmem:$0x1F1A0] =	vst v8;
	v8 =	vld [tilespmem:$0x1F360]  }
0x74d: {  	[tilespmem:$0x1F2B0] =	vst v24;
	v24 =	vor.u32 $0xA, v16;
	v11 =	vld.idx.msk [tilespmem:v36+s24+$0x0], $0xffff  }
0x74e: {  	v42 =	vld.idx.msk [tilespmem:v36+s23+$0x0], $0xffff  }
0x74f: {  	[tilespmem:$0x1F1C0] =	vst v12;
	v12 =	vld [tilespmem:$0x1F390]  }
0x750: {  	[tilespmem:$0x1F1B0] =	vst v9;
	v9 =	vmul.f32 v30, v30  }
0x751: {  	v3 =	vadd.f32 v8, v3;
	v8 =	vmul.f32 v58, v58  }
0x752: {  	[tilespmem:$0x1F190] =	vst v11;
	v4 =	vadd.f32 v9, v4;
	v9 =	vld.idx.msk [tilespmem:v24+s24+$0x0], $0xffff  }
0x753: {  	v11 =	vmul.f32 v27, v27;
	[tilespmem:$0x1F360] =	vst v8;
	v8 =	vmul.f32 v42, v42  }
0x754: {  	v6 =	vadd.f32 $-1.000000000e+00, v6;
	v3 =	vadd.f32 v12, v3;
	v12 =	vmul.f32 v50, v50  }
0x755: {  	[tilespmem:$0x1F370] =	vst v8  }
0x756: {  	v8 =	vadd.f32 v11, v5;
	v11 =	vmul.f32 v43, v43;
	[tilespmem:$0x1F390] =	vst v12;
	v12 =	vsub.f32 $0.0e+00, v6  }
0x757: {  	[tilespmem:$0x1F1D0] =	vst v9;
	v9 =	vld [tilespmem:$0x1DEA0]  }
0x758: {  	v8 =	vadd.f32 v11, v8;
	v11 =	vmul.f32 $1.442695020e+00, v12;
	v12 =	vld.idx.msk [tilespmem:v24+s25+$0x0], $0xffff;
	_ =	sdelay $0x4  }
0x759: {  	v9 =	vmul.f32 v9, v9;
	[tilespmem:$0x1F1E0] =	vst v12;
	v12 =	vld [tilespmem:$0x1F3C0];
	_ =	sdelay $0x1  }
0x75a: {  	v4 =	vadd.f32 v9, v4;
	v9 =	vld [tilespmem:$0x1DEC0];
	_ =	sdelay $0x2  }
0x75b: {  	v3 =	vadd.f32 v12, v3;
	v12 =	vmul.f32 v26, v26  }
0x75c: {  	v5 =	vor.u32 $0x8, v16  }
0x75d: {  	(erf) = vpow2.f32 v11;
	v11 =	vmul.f32 v9, v9;
	[tilespmem:$0x1F3C0] =	vst v12;
	v12 =	vld [tilespmem:$0x1DEB0];
	_ =	sdelay $0x1  }
0x75e: {  	v4 =	vadd.f32 v11, v4;
	v11 =	vld [tilespmem:$0x1DEE0]  }
0x75f: {  	[tilespmem:$0x1F2D0] =	vst v19;
	v19 =	vld.idx.msk [tilespmem:v40+s23+$0x0], $0xffff  }
0x760: {  	[tilespmem:$0x1F330] =	vst v62;
	v47 =	vor.u32 $0x9, v16;
	v62 =	vld.idx.msk [tilespmem:v5+s23+$0x0], $0xffff  }
0x761: {  	v35 =	vld.idx.msk [tilespmem:v44+s23+$0x0], $0xffff;
	v12 =	vmul.f32 v12, v12  }
0x762: {  	v54 =	vld.idx.msk [tilespmem:v24+s23+$0x0], $0xffff  }
0x763: {  	v11 =	vmul.f32 v11, v11;
	v8 =	vadd.f32 v12, v8;
	v12 =	vld [tilespmem:$0x1F3F0]  }
0x764: {  	v13 =	vmul.f32 v19, v19  }
0x765: {  	[tilespmem:$0x1F030] =	vst v28;
	v61 =	vld.idx.msk [tilespmem:v47+s23+$0x0], $0xffff;
	v4 =	vadd.f32 v11, v4;
	v11 =	vmul.f32 v62, v62  }
0x766: {  	v28 =	vmul.f32 v35, v35;
	[tilespmem:$0x1F3A0] =	vst v13  }
0x767: {  	v13 =	vmul.f32 v54, v54;
	[tilespmem:$0x1F430] =	vst v11;
	v11 =	vld [tilespmem:$0x1DF00]  }
0x768: {  	[tilespmem:$0x1F270] =	vst v28;
	v28 =	vor.u32 $0x7, v16;
	v3 =	vadd.f32 v12, v3;
	v12 =	vmul.f32 v21, v21  }
0x769: {  	[tilespmem:$0x1F3D0] =	vst v13  }
0x76a: {  	v13 =	vmul.f32 v61, v61;
	[tilespmem:$0x1F3F0] =	vst v12;
	v12 =	vld [tilespmem:$0x1DED0]  }
0x76b: {  	v14 =	vld [tilespmem:$0x1F460]  }
0x76c: {  	[tilespmem:$0x1F400] =	vst v13;
	v13 =	vld [tilespmem:$0x1F420];
	v11 =	vmul.f32 v11, v11  }
0x76d: {  	[tilespmem:$0x1F380] =	vst v50;
	v50 =	vld.idx.msk [tilespmem:v28+s23+$0x0], $0xffff  }
0x76e: {  	v4 =	vadd.f32 v11, v4;
	v11 =	vld [tilespmem:$0x1DF20]  }
0x76f: {  	v12 =	vmul.f32 v12, v12;
	_ =	sdelay $0x1  }
0x770: {  	v3 =	vadd.f32 v13, v3;
	v13 =	vmul.f32 v18, v18;
	v8 =	vadd.f32 v12, v8;
	v12 =	vld [tilespmem:$0x1DEF0];
	_ =	sdelay $0x1  }
0x771: {  	[tilespmem:$0x1F420] =	vst v13;
	v13 =	vld [tilespmem:$0x1DF10];
	v3 =	vadd.f32 v14, v3;
	v14 =	vmul.f32 v11, v11;
	v11 =	vmul.f32 v50, v50;
	_ =	sdelay $0x1  }
0x772: {  	[tilespmem:$0x1F470] =	vst v11;
	v11 =	vld [tilespmem:$0x1DF30]  }
0x773: {  	[tilespmem:$0x1F100] =	vst v31;
	v31 =	vor.u32 $0x6, v16;
	v12 =	vmul.f32 v12, v12;
	_ =	sdelay $0x1  }
0x774: {  	v13 =	vmul.f32 v13, v13;
	v8 =	vadd.f32 v12, v8;
	_ =	sdelay $0x1  }
0x775: {  	v12 =	vmul.f32 v33, v33;
	v8 =	vadd.f32 v13, v8;
	v13 =	vmul.f32 v11, v11  }
0x776: {  	v55 =	vld.idx.msk [tilespmem:v31+s23+$0x0], $0xffff;
	v11 =	vpop (erf)  }
0x777: {  	[tilespmem:$0x1F2F0] =	vst v22;
	v22 =	vmul.f32 v11, v10;
	v11 =	vmov v12;
	v12 =	vadd.f32 v13, v8;
	v8 =	vld [tilespmem:$0x1DF40];
	_ =	sdelay $0x4  }
0x778: {  	v23 =	vmul.f32 v8, v8;
	v8 =	vmul.f32 v55, v55  }
0x779: {  	v4 =	vadd.f32 v14, v4;
	v14 =	vld [tilespmem:$0x1DF50]  }
0x77a: {  	[tilespmem:$0x1F4B0] =	vst v8;
	v8 =	vld [tilespmem:$0x1F4A0]  }
0x77b: {  	v48 =	vor.u32 $0x5, v16;
	_ =	sdelay $0x2  }
0x77c: {  	v2 =	vmul.f32 v2, v2  }
0x77d: {  	v6 =	vadd.f32 v22, v6;
	v22 =	vmul.f32 v14, v14;
	v3 =	vadd.f32 v8, v3  }
0x77e: {  	[tilespmem:$0x1EE90] =	vst v53;
	v53 =	vld.idx.msk [tilespmem:v48+s24+$0x0], $0xffff  }
0x77f: {  	v2 =	vadd.f32 v2, v3;
	v3 =	vadd.f32 v22, v12;
	v12 =	vld [tilespmem:$0x1F440]  }
0x780: {  	v60 =	vld.idx.msk [tilespmem:v48+s23+$0x0], $0xffff  }
0x781: {  	[tilespmem:$0x1EF00] =	vst v57;
	v57 =	vld.idx.msk [tilespmem:v28+s24+$0x0], $0xffff  }
0x782: {  	[tilespmem:$0x1F450] =	vst v33;
	v59 =	vld.idx.msk [tilespmem:v28+s25+$0x0], $0xffff;
	v4 =	vadd.f32 v23, v4  }
0x783: {  	[tilespmem:$0x1F490] =	vst v32;
	v63 =	vld.idx.msk [tilespmem:v31+s24+$0x0], $0xffff  }
0x784: {  	[tilespmem:$0x1F3E0] =	vst v21;
	v12 =	vadd.f32 v4, v12;
	v4 =	vld [tilespmem:$0x1F480]  }
0x785: {  	[tilespmem:$0x1F290] =	vst v25;
	v25 =	vld.idx.msk [tilespmem:v47+s25+$0x0], $0xffff;
	v21 =	vor.u32 $0x4, v16  }
0x786: {  	[tilespmem:$0x1F080] =	vst v29;
	v43 =	vld.idx.msk [tilespmem:v47+s24+$0x0], $0xffff  }
0x787: {  	[tilespmem:$0x1F410] =	vst v18;
	v41 =	vld.idx.msk [tilespmem:v5+s25+$0x0], $0xffff  }
0x788: {  	[tilespmem:$0x1EE40] =	vst v49;
	v9 =	vld.idx.msk [tilespmem:v5+s24+$0x0], $0xffff;
	v18 =	vor.u32 $0x3, v16  }
0x789: {  	[tilespmem:$0x1F3B0] =	vst v26;
	v4 =	vadd.f32 v2, v4;
	v2 =	vld [tilespmem:$0x1F4D0]  }
0x78a: {  	[tilespmem:$0x1F310] =	vst v20;
	v20 =	vmul.f32 v32, v32;
	v13 =	vld.idx.msk [tilespmem:v21+s23+$0x0], $0xffff;
	v32 =	vadd.f32 $-1.000000000e+00, v6;
	v6 =	vmul.f32 v60, v60  }
0x78b: {  	v38 =	vld.idx.msk [tilespmem:v21+s24+$0x0], $0xffff;
	[tilespmem:$0x1F460] =	vst v11  }
0x78c: {  	p0 =	sne.s32 s0, $0x1F0;
	v56 =	vld.idx.msk [tilespmem:v21+s25+$0x0], $0xffff;
	v14 =	vmov v20;
	[tilespmem:$0x1F4E0] =	vst v6;
	v8 =	vor.u32 $0x2, v16  }
.Ltmp1:
0x78d: {  	v30 =	vld.idx.msk [tilespmem:v18+s23+$0x0], $0xffff;
	[tilespmem:$0x1F4A0] =	vst v14;
	(pc) =	sbr.rel @p0 .LBB2_4-.Ltmp1, $4  }
0x78e: {  	v49 =	vld.idx.msk [tilespmem:v18+s24+$0x0], $0xffff;
	[tilespmem:$0x1F440] =	vst v12;
	v2 =	vadd.f32 v3, v2  }
0x78f: {  	v11 =	vld.idx.msk [tilespmem:v31+s25+$0x0], $0xffff;
	v6 =	vsub.f32 $0.0e+00, v32;
	[tilespmem:$0x1F480] =	vst v4;
	v3 =	vmul.f32 v13, v13  }
0x790: {  	v14 =	vld.idx.msk [tilespmem:v48+s25+$0x0], $0xffff;
	[tilespmem:$0x1F4D0] =	vst v2  }
0x791: {  	s0 =	sadd.s32 $0x10, s0;
	v16 =	vor.u32 $0x1, v16;
	v2 =	vld.idx.msk [tilespmem:v8+s23+$0x0], $0xffff;
	[tilespmem:$0x1F4F0] =	vst v3;
	v3 =	vmul.f32 $1.442695020e+00, v6  }
0x792: {  	_ =	sdelay $0x3  }
0x793: {  	v34 =	vld.idx.msk [tilespmem:v16+s23+$0x0], $0xffff  }
0x794: {  	v4 =	vld.idx.msk [tilespmem:v16+s24+$0x0], $0xffff  }
0x795: {  	v12 =	vld.idx.msk [tilespmem:v16+s25+$0x0], $0xffff  }
0x796: {  	v20 =	vld.idx.msk [tilespmem:v16+s26+$0x0], $0xffff  }
0x797: {  	v16 =	vld.idx.msk [tilespmem:v16+s29+$0x0], $0xffff  }
0x798: {  	v22 =	vld.idx.msk [tilespmem:v8+s24+$0x0], $0xffff  }
0x799: {  	v23 =	vld.idx.msk [tilespmem:v8+s25+$0x0], $0xffff  }
0x79a: {  	v26 =	vld.idx.msk [tilespmem:v8+s26+$0x0], $0xffff  }
0x79b: {  	v27 =	vld [tilespmem:$0x1EA80]  }
0x79c: {  	v15 =	vld [tilespmem:$0x1EAB0]  }
0x79d: {  	v29 =	vld [tilespmem:$0x1EAD0]  }
0x79e: {  	v33 =	vld [tilespmem:$0x1EAF0]  }
0x79f: {  	v8 =	vld.idx.msk [tilespmem:v8+s29+$0x0], $0xffff  }
0x7a0: {  	v39 =	vld [tilespmem:$0x1F230]  }
0x7a1: {  	[tilespmem:$0x1DD80] =	vst v32;
	v32 =	vld.idx.msk [tilespmem:v18+s26+$0x0], $0xffff  }
0x7a2: {  	v6 =	vadd.f32 v15, v27;
	v27 =	vld.idx.msk [tilespmem:v18+s25+$0x0], $0xffff  }
0x7a3: {  	v15 =	vadd.f32 v33, v29;
	v29 =	vadd.f32 v12, v4;
	v4 =	vld.idx.msk [tilespmem:v18+s29+$0x0], $0xffff  }
0x7a4: {  	v18 =	vld.idx.msk [tilespmem:v21+s26+$0x0], $0xffff  }
0x7a5: {  	v33 =	vadd.f32 v16, v20;
	v20 =	vld.idx.msk [tilespmem:v21+s29+$0x0], $0xffff;
	v51 =	vmul.f32 v6, v39  }
0x7a6: {  	v16 =	vld.idx.msk [tilespmem:v48+s26+$0x0], $0xffff;
	[tilespmem:$0x1DCC0] =	vst v6;
	v6 =	vadd.f32 v23, v22  }
0x7a7: {  	[tilespmem:$0x1DCB0] =	vst v29;
	v39 =	vmul.f32 v15, v39;
	v12 =	vadd.f32 $0.0e+00, v51;
	v51 =	vadd.f32 v8, v26;
	v8 =	vld.idx.msk [tilespmem:v31+s26+$0x0], $0xffff  }
0x7a8: {  	v21 =	vmul.f32 v29, v34;
	[tilespmem:$0x1DCF0] =	vst v6;
	v23 =	vmul.f32 v6, v2;
	v6 =	vld [tilespmem:$0x1EF70]  }
0x7a9: {  	[tilespmem:$0x1DCD0] =	vst v33;
	v33 =	vmul.f32 v33, v34;
	v29 =	vadd.f32 $0.0e+00, v39;
	v39 =	vadd.f32 v27, v49;
	v27 =	vld.idx.msk [tilespmem:v5+s26+$0x0], $0xffff  }
0x7aa: {  	v12 =	vadd.f32 v21, v12;
	v21 =	vld.idx.msk [tilespmem:v48+s29+$0x0], $0xffff  }
0x7ab: {  	v48 =	vadd.f32 v4, v32;
	v49 =	vadd.f32 v33, v29;
	v33 =	vld.idx.msk [tilespmem:v31+s29+$0x0], $0xffff  }
0x7ac: {  	v32 =	vadd.f32 v56, v38;
	v38 =	vadd.f32 v20, v18;
	v18 =	vld.idx.msk [tilespmem:v28+s26+$0x0], $0xffff  }
0x7ad: {  	[tilespmem:$0x1DD00] =	vst v51;
	v51 =	vmul.f32 v51, v2;
	v31 =	vld.idx.msk [tilespmem:v5+s29+$0x0], $0xffff  }
0x7ae: {  	v5 =	vld.idx.msk [tilespmem:v44+s26+$0x0], $0xffff  }
0x7af: {  	v26 =	vmul.f32 v39, v30;
	v12 =	vadd.f32 v23, v12;
	v4 =	vadd.f32 v51, v49;
	v49 =	vld.idx.msk [tilespmem:v28+s29+$0x0], $0xffff  }
0x7b0: {  	[tilespmem:$0x1DD10] =	vst v39;
	v39 =	vmul.f32 v48, v30;
	v28 =	vadd.f32 v11, v63;
	v63 =	vld.idx.msk [tilespmem:v40+s29+$0x0], $0xffff  }
0x7b1: {  	[tilespmem:$0x1DD40] =	vst v38;
	v12 =	vadd.f32 v26, v12;
	v26 =	vmul.f32 v38, v13;
	v38 =	vld.idx.msk [tilespmem:v47+s26+$0x0], $0xffff  }
0x7b2: {  	[tilespmem:$0x1DD20] =	vst v48;
	v4 =	vadd.f32 v39, v4;
	v39 =	vld.idx.msk [tilespmem:v47+s29+$0x0], $0xffff  }
0x7b3: {  	v48 =	vadd.f32 v14, v53;
	[tilespmem:$0x1DD70] =	vst v28;
	v20 =	vmul.f32 v28, v55;
	v28 =	vld.idx.msk [tilespmem:v24+s29+$0x0], $0xffff  }
0x7b4: {  	[tilespmem:$0x1DD30] =	vst v32;
	v53 =	vmul.f32 v32, v13;
	v47 =	vadd.f32 v25, v43;
	v25 =	vld [tilespmem:$0x1F1D0]  }
0x7b5: {  	[tilespmem:$0x1DD50] =	vst v48;
	v13 =	vld [tilespmem:$0x1F380];
	v56 =	vadd.f32 v21, v16  }
0x7b6: {  	v32 =	vmul.f32 v48, v60;
	v48 =	vadd.f32 v31, v27;
	v27 =	vld.idx.msk [tilespmem:v36+s29+$0x0], $0xffff;
	v29 =	vadd.f32 v53, v12  }
0x7b7: {  	v53 =	vadd.f32 v33, v8;
	v4 =	vadd.f32 v26, v4;
	v26 =	vld [tilespmem:$0x1F1E0]  }
0x7b8: {  	[tilespmem:$0x1DD60] =	vst v56;
	v33 =	vmul.f32 v56, v60;
	v56 =	vadd.f32 v59, v57;
	v59 =	vld.idx.msk [tilespmem:v24+s26+$0x0], $0xffff  }
0x7b9: {  	v24 =	vld.idx.msk [tilespmem:v36+s26+$0x0], $0xffff  }
0x7ba: {  	v51 =	vadd.f32 v49, v18;
	v11 =	vadd.f32 v32, v29;
	v32 =	vld.idx.msk [tilespmem:v40+s26+$0x0], $0xffff  }
0x7bb: {  	v49 =	vadd.f32 v41, v9;
	v57 =	vmul.f32 v53, v55;
	v55 =	vld [tilespmem:$0x1F1B0]  }
0x7bc: {  	v29 =	vmul.f32 v56, v50;
	v31 =	vmul.f32 v51, v50;
	v50 =	vld.idx.msk [tilespmem:v1+s26+$0x0], $0xffff  }
0x7bd: {  	v23 =	vmul.f32 v48, v62;
	v4 =	vadd.f32 v33, v4;
	v22 =	vmul.f32 v49, v62;
	v62 =	vld.idx.msk [tilespmem:v17+s29+$0x0], $0xffff  }
0x7be: {  	v40 =	vadd.f32 v39, v38;
	v39 =	vld.idx.msk [tilespmem:v7+s29+$0x0], $0xffff  }
0x7bf: {  	v4 =	vadd.f32 v57, v4;
	v57 =	vld [tilespmem:$0x1F1C0]  }
0x7c0: {  	v33 =	vmul.f32 v47, v61;
	v43 =	vmul.f32 v40, v61;
	v61 =	vld [tilespmem:$0x1F1A0]  }
0x7c1: {  	v11 =	vadd.f32 v20, v11;
	v41 =	vadd.f32 v26, v25;
	v25 =	vld [tilespmem:$0x1F310]  }
0x7c2: {  	v38 =	vadd.f32 v28, v59;
	v59 =	vld.idx.msk [tilespmem:v1+s29+$0x0], $0xffff  }
0x7c3: {  	v60 =	vadd.f32 v29, v11;
	v29 =	vld [tilespmem:$0x1F170]  }
0x7c4: {  	v1 =	vld [tilespmem:$0x1F100]  }
0x7c5: {  	v4 =	vadd.f32 v31, v4;
	v31 =	vadd.f32 v63, v32;
	v32 =	vld [tilespmem:$0x1F180]  }
0x7c6: {  	v9 =	vadd.f32 v22, v60;
	v60 =	vld [tilespmem:$0x1F190]  }
0x7c7: {  	v4 =	vadd.f32 v23, v4;
	v23 =	vld.idx.msk [tilespmem:v17+s26+$0x0], $0xffff  }
0x7c8: {  	v36 =	vadd.f32 v57, v55;
	v55 =	vld [tilespmem:$0x1F150]  }
0x7c9: {  	v57 =	vld [tilespmem:$0x1F160]  }
0x7ca: {  	v18 =	vmul.f32 v31, v19;
	v63 =	vmul.f32 v36, v19;
	v19 =	vld.idx.msk [tilespmem:v7+s26+$0x0], $0xffff  }
0x7cb: {  	v21 =	vmul.f32 v41, v54;
	v9 =	vadd.f32 v33, v9;
	v33 =	vadd.f32 v61, v60;
	v60 =	vld [tilespmem:$0x1F130]  }
0x7cc: {  	v61 =	vld [tilespmem:$0x1F140]  }
0x7cd: {  	v22 =	vmul.f32 v38, v54;
	v9 =	vadd.f32 v21, v9;
	v54 =	vld.idx.msk [tilespmem:v1+s26+$0x0], $0xffff  }
0x7ce: {  	v1 =	vld.idx.msk [tilespmem:v1+s29+$0x0], $0xffff  }
0x7cf: {  	v28 =	vadd.f32 v27, v24;
	v9 =	vadd.f32 v63, v9;
	v63 =	vld.idx.msk [tilespmem:v44+s29+$0x0], $0xffff  }
0x7d0: {  	v4 =	vadd.f32 v43, v4;
	v44 =	vld [tilespmem:$0x1F2D0]  }
0x7d1: {  	v24 =	vadd.f32 v59, v50;
	v50 =	vmul.f32 v28, v42;
	v43 =	vmul.f32 v33, v42;
	v42 =	vld [tilespmem:$0x1F0F0]  }
0x7d2: {  	v27 =	vadd.f32 v57, v55;
	v55 =	vld [tilespmem:$0x1F0A0]  }
0x7d3: {  	v4 =	vadd.f32 v22, v4;
	v57 =	vld [tilespmem:$0x1F0C0]  }
0x7d4: {  	v29 =	vadd.f32 v32, v29;
	v19 =	vadd.f32 v39, v19;
	v39 =	vld [tilespmem:$0x1F080]  }
0x7d5: {  	v4 =	vadd.f32 v18, v4;
	v9 =	vadd.f32 v43, v9;
	v43 =	vld [tilespmem:$0x1F110]  }
0x7d6: {  	v59 =	vmul.f32 v29, v0;
	v23 =	vadd.f32 v62, v23;
	v22 =	vadd.f32 v61, v60;
	v60 =	vld [tilespmem:$0x1F290]  }
0x7d7: {  	v4 =	vadd.f32 v50, v4;
	v26 =	vmul.f32 v27, v25;
	v17 =	vadd.f32 v1, v54;
	v54 =	vld [tilespmem:$0x1F030]  }
0x7d8: {  	v62 =	vadd.f32 v59, v9;
	v1 =	vmul.f32 v19, v44;
	v50 =	vmul.f32 v22, v44;
	v44 =	vld [tilespmem:$0x1EF60]  }
0x7d9: {  	v16 =	vadd.f32 v57, v55;
	v57 =	vld [tilespmem:$0x1EF00]  }
0x7da: {  	v8 =	vadd.f32 v26, v62;
	v62 =	vld [tilespmem:$0x1EFC0]  }
0x7db: {  	v18 =	vadd.f32 v43, v42;
	v42 =	vld [tilespmem:$0x1F090]  }
0x7dc: {  	v8 =	vadd.f32 v50, v8;
	v50 =	vld [tilespmem:$0x1F010]  }
0x7dd: {  	v7 =	vld.idx.msk [tilespmem:v39+s26+$0x0], $0xffff  }
0x7de: {  	v0 =	vmul.f32 v24, v0;
	v12 =	vld.idx.msk [tilespmem:v39+s29+$0x0], $0xffff  }
0x7df: {  	v39 =	vld [tilespmem:$0x1F070]  }
0x7e0: {  	v32 =	vmul.f32 v23, v25;
	v0 =	vadd.f32 v0, v4;
	v4 =	vld.idx.msk [tilespmem:v54+s26+$0x0], $0xffff  }
0x7e1: {  	v59 =	vld.idx.msk [tilespmem:v54+s29+$0x0], $0xffff  }
0x7e2: {  	v0 =	vadd.f32 v32, v0;
	v54 =	vld [tilespmem:$0x1F040]  }
0x7e3: {  	v55 =	vld.idx.msk [tilespmem:v44+s29+$0x0], $0xffff  }
0x7e4: {  	v0 =	vadd.f32 v1, v0;
	v1 =	vmul.f32 v17, v60;
	v61 =	vmul.f32 v18, v60;
	v60 =	vld.idx.msk [tilespmem:v57+s29+$0x0], $0xffff  }
0x7e5: {  	v20 =	vadd.f32 v63, v5;
	v63 =	vld.idx.msk [tilespmem:v62+s26+$0x0], $0xffff  }
0x7e6: {  	v9 =	vld.idx.msk [tilespmem:v62+s29+$0x0], $0xffff  }
0x7e7: {  	v62 =	vld [tilespmem:$0x1EE90]  }
0x7e8: {  	[tilespmem:$0x1DCE0] =	vst v15;
	v8 =	vadd.f32 v61, v8;
	v26 =	vadd.f32 v12, v7;
	v7 =	vld.idx.msk [tilespmem:v44+s26+$0x0], $0xffff  }
0x7e9: {  	v43 =	vmul.f32 v16, v35;
	v15 =	vadd.f32 v42, v39;
	v14 =	vadd.f32 v59, v4;
	v4 =	vld.idx.msk [tilespmem:v57+s26+$0x0], $0xffff  }
0x7ea: {  	v0 =	vadd.f32 v1, v0;
	v1 =	vmul.f32 v20, v35;
	v59 =	vld [tilespmem:$0x1EFD0]  }
0x7eb: {  	v8 =	vadd.f32 v43, v8;
	v35 =	vadd.f32 v54, v50;
	v39 =	vmul.f32 v15, v37;
	v50 =	vld [tilespmem:$0x1EE40]  }
0x7ec: {  	v54 =	vld [tilespmem:$0x1EF10]  }
0x7ed: {  	v8 =	vadd.f32 v39, v8;
	v61 =	vmul.f32 v35, v45;
	v39 =	vadd.f32 v9, v63;
	v63 =	vld [tilespmem:$0x1EF40]  }
0x7ee: {  	v43 =	vadd.f32 v55, v7;
	v55 =	vld [tilespmem:$0x1F2B0]  }
0x7ef: {  	v8 =	vadd.f32 v61, v8;
	v61 =	vld [tilespmem:$0x1EEA0]  }
0x7f0: {  	v5 =	vld.idx.msk [tilespmem:v62+s26+$0x0], $0xffff  }
0x7f1: {  	v0 =	vadd.f32 v1, v0;
	v1 =	vmul.f32 v26, v37;
	v9 =	vld.idx.msk [tilespmem:v62+s29+$0x0], $0xffff  }
0x7f2: {  	v37 =	vadd.f32 v59, v46;
	v59 =	vld [tilespmem:$0x1EDD0]  }
0x7f3: {  	v0 =	vadd.f32 v1, v0;
	v1 =	vmul.f32 v14, v45;
	v45 =	vadd.f32 v60, v4;
	v60 =	vld [tilespmem:$0x1EE80]  }
0x7f4: {  	v62 =	vld [tilespmem:$0x1F2F0]  }
0x7f5: {  	v0 =	vadd.f32 v1, v0;
	v1 =	vmul.f32 v39, v52;
	v25 =	vmul.f32 v37, v52;
	v52 =	vld [tilespmem:$0x1EEE0]  }
0x7f6: {  	v42 =	vadd.f32 v6, v63;
	v7 =	vld.idx.msk [tilespmem:v50+s26+$0x0], $0xffff  }
0x7f7: {  	v32 =	vld.idx.msk [tilespmem:v50+s29+$0x0], $0xffff  }
0x7f8: {  	v8 =	vadd.f32 v25, v8;
	v57 =	vmul.f32 v42, v55;
	v25 =	vld [tilespmem:$0x1ED80]  }
0x7f9: {  	v46 =	vadd.f32 v61, v60;
	v60 =	vld [tilespmem:$0x1F330]  }
0x7fa: {  	v8 =	vadd.f32 v57, v8;
	v57 =	vld [tilespmem:$0x1EE20]  }
0x7fb: {  	v4 =	vld.idx.msk [tilespmem:v59+s26+$0x0], $0xffff  }
0x7fc: {  	v44 =	vadd.f32 v54, v52;
	v21 =	vld.idx.msk [tilespmem:v59+s29+$0x0], $0xffff  }
0x7fd: {  	v0 =	vadd.f32 v1, v0;
	v1 =	vmul.f32 v43, v55;
	v59 =	vld [tilespmem:$0x1EE50]  }
0x7fe: {  	v6 =	vld [tilespmem:$0x1EDE0];
	v63 =	vmul.f32 v44, v62  }
0x7ff: {  	v0 =	vadd.f32 v1, v0;
	v1 =	vmul.f32 v45, v62;
	v62 =	vld [tilespmem:$0x1ED10]  }
0x800: {  	v50 =	vadd.f32 v9, v5;
	v8 =	vadd.f32 v63, v8;
	v63 =	vld [tilespmem:$0x1EDC0]  }
0x801: {  	v0 =	vadd.f32 v1, v0;
	v61 =	vmul.f32 v46, v60;
	v5 =	vld.idx.msk [tilespmem:v25+s26+$0x0], $0xffff  }
0x802: {  	v54 =	vadd.f32 v32, v7;
	v1 =	vmul.f32 v50, v60;
	v9 =	vld.idx.msk [tilespmem:v25+s29+$0x0], $0xffff;
	v52 =	vadd.f32 v59, v57  }
0x803: {  	v8 =	vadd.f32 v61, v8;
	v61 =	vld [tilespmem:$0x1EC30]  }
0x804: {  	v0 =	vadd.f32 v1, v0;
	v1 =	vmul.f32 v54, v58;
	v25 =	vmul.f32 v52, v58;
	v58 =	vld [tilespmem:$0x1ECA0]  }
0x805: {  	v55 =	vadd.f32 v6, v63;
	v63 =	vld [tilespmem:$0x1ED50]  }
0x806: {  	v6 =	vld [tilespmem:$0x1ED90]  }
0x807: {  	v59 =	vadd.f32 v21, v4;
	v7 =	vld.idx.msk [tilespmem:v62+s26+$0x0], $0xffff  }
0x808: {  	v32 =	vld.idx.msk [tilespmem:v62+s29+$0x0], $0xffff  }
0x809: {  	v0 =	vadd.f32 v1, v0;
	v1 =	vmul.f32 v59, v13;
	v62 =	vld [tilespmem:$0x1ECE0]  }
0x80a: {  	v4 =	vadd.f32 v25, v8;
	v8 =	vld [tilespmem:$0x1F3B0]  }
0x80b: {  	v1 =	vadd.f32 v1, v0;
	v0 =	vld [tilespmem:$0x1EBD0]  }
0x80c: {  	v11 =	vld.idx.msk [tilespmem:v61+s26+$0x0], $0xffff  }
0x80d: {  	v25 =	vmul.f32 v55, v13;
	v21 =	vld.idx.msk [tilespmem:v58+s26+$0x0], $0xffff  }
0x80e: {  	v60 =	vadd.f32 v6, v63;
	v57 =	vld.idx.msk [tilespmem:v58+s29+$0x0], $0xffff  }
0x80f: {  	v63 =	vadd.f32 v9, v5;
	v9 =	vadd.f32 v25, v4;
	v25 =	vld [tilespmem:$0x1EC70]  }
0x810: {  	v58 =	vld.idx.msk [tilespmem:v61+s29+$0x0], $0xffff  }
0x811: {  	v12 =	vadd.f32 v32, v7;
	v61 =	vmul.f32 v60, v8;
	v32 =	vmul.f32 v63, v8;
	v8 =	vld [tilespmem:$0x1ECB0]  }
0x812: {  	v4 =	vld [tilespmem:$0x1EC20]  }
0x813: {  	v7 =	vadd.f32 v57, v21;
	v57 =	vld [tilespmem:$0x1EC40]  }
0x814: {  	v6 =	vld [tilespmem:$0x1ED20];
	_ =	sdelay $0x1  }
0x815: {  	v8 =	vadd.f32 v8, v25;
	v25 =	vld [tilespmem:$0x1F3E0];
	_ =	sdelay $0x1  }
0x816: {  	v21 =	vadd.f32 v57, v4;
	v4 =	vld [tilespmem:$0x1F410]  }
0x817: {  	v9 =	vadd.f32 v61, v9;
	v61 =	vld.idx.msk [tilespmem:v0+s29+$0x0], $0xffff;
	v13 =	vadd.f32 v6, v62  }
0x818: {  	v62 =	vld.idx.msk [tilespmem:v0+s26+$0x0], $0xffff  }
0x819: {  	v1 =	vadd.f32 v32, v1;
	v0 =	vmul.f32 v13, v25;
	v32 =	vmul.f32 v12, v25;
	v25 =	vld [tilespmem:$0x1EB50]  }
0x81a: {  	v6 =	vld [tilespmem:$0x1EBE0];
	v11 =	vadd.f32 v58, v11  }
0x81b: {  	v58 =	vadd.f32 v32, v1;
	v57 =	vmul.f32 v8, v4;
	v1 =	vmul.f32 v7, v4;
	v4 =	vld [tilespmem:$0x1EBB0];
	_ =	sdelay $0x4  }
0x81c: {  	v32 =	vadd.f32 v6, v4;
	v6 =	vld [tilespmem:$0x1F450]  }
0x81d: {  	v0 =	vadd.f32 v0, v9;
	v5 =	vld.idx.msk [tilespmem:v25+s26+$0x0], $0xffff  }
0x81e: {  	v9 =	vld.idx.msk [tilespmem:v25+s29+$0x0], $0xffff  }
0x81f: {  	v4 =	vadd.f32 v57, v0;
	v57 =	vld.idx.msk [tilespmem:v25+s23+$0x0], $0xffff  }
0x820: {  	v25 =	vld [tilespmem:$0x1EB30]  }
0x821: {  	v1 =	vadd.f32 v1, v58;
	v0 =	vmul.f32 v21, v6;
	v58 =	vmul.f32 v11, v6;
	v6 =	vld [tilespmem:$0x1EB60];
	_ =	sdelay $0x4  }
0x822: {  	v61 =	vadd.f32 v61, v62;
	v62 =	vadd.f32 v6, v25;
	v25 =	vld [tilespmem:$0x1F490];
	_ =	sdelay $0x3  }
0x823: {  	v5 =	vadd.f32 v9, v5;
	v0 =	vadd.f32 v0, v4  }
0x824: {  	v1 =	vadd.f32 v58, v1;
	v4 =	vmul.f32 v32, v25;
	v25 =	vmul.f32 v61, v25  }
0x825: {  	v6 =	vmul.f32 v5, v57  }
0x826: {  	v58 =	vmul.f32 v62, v57;
	v0 =	vadd.f32 v4, v0;
	v1 =	vadd.f32 v25, v1;
	_ =	sdelay $0x1  }
0x827: {  	v0 =	vadd.f32 v58, v0;
	v1 =	vadd.f32 v6, v1;
	_ =	sdelay $0x1  }
0x828: {  	v0 =	vsub.f32 v1, v0;
	_ =	sdelay $0x1  }
0x829: {  	v0 =	vadd.f32 $0.0e+00, v0;
	_ =	sdelay $0x1  }
0x82a: {  	v0 =	vmul.f32 $1.442695020e+00, v0  }
0x82b: {  	(erf) = vpow2.f32 v3  }
0x82c: {  	(erf) = vpow2.f32 v0;
	v0 =	vld [tilespmem:$0x1F240];
	_ =	sdelay $0x2  }
0x82d: {  	v9 =	vmul.f32 v34, v34;
	_ =	sdelay $0x1  }
0x82e: {  	v4 =	vadd.f32 v9, v0;
	v0 =	vld [tilespmem:$0x1DCB0];
	_ =	sdelay $0x4  }
0x82f: {  	v25 =	vpop (erf);
	v6 =	vmul.f32 v0, v0;
	v0 =	vld [tilespmem:$0x1DCC0]  }
0x830: {  	v1 =	vpop (erf)  }
0x831: {  	v1 =	vadd.f32 $1.000000000e+00, v1;
	_ =	sdelay $0x1  }
0x832: {  	(erf) = vrcp.f32 v1  }
0x833: {  	v34 =	vmul.f32 v0, v0;
	v0 =	vld [tilespmem:$0x1DCD0];
	_ =	sdelay $0x1  }
0x834: {  	v2 =	vmul.f32 v2, v2;
	_ =	sdelay $0x1  }
0x835: {  	v2 =	vadd.f32 v2, v4;
	v4 =	vadd.f32 v6, v34;
	v34 =	vld [tilespmem:$0x1DCF0]  }
0x836: {  	v58 =	vmul.f32 v0, v0;
	v0 =	vld [tilespmem:$0x1DCE0];
	_ =	sdelay $0x2  }
0x837: {  	v1 =	vpop (erf)  }
0x838: {  	v3 =	vadd.f32 $1.000000010e-10, v1  }
0x839: {  	v6 =	vmul.f32 v34, v34;
	v34 =	vld [tilespmem:$0x1DD10];
	v0 =	vmul.f32 v0, v0  }
0x83a: {  	v1 =	vcvt.s32.f32 v3  }
0x83b: {  	v0 =	vadd.f32 v58, v0;
	v58 =	vld [tilespmem:$0x1DD00]  }
0x83c: {  	v1 =	vmul.f32 $8.262958320e-08, v1  }
0x83d: {  	v4 =	vadd.f32 v6, v4  }
0x83e: {  	v6 =	vmul.f32 v30, v30;
	v30 =	vmul.f32 v34, v34;
	v34 =	vld [tilespmem:$0x1DD20];
	v1 =	vadd.f32 $-8.805949400e+01, v1;
	_ =	sdelay $0x1  }
0x83f: {  	v9 =	vmul.f32 v58, v58;
	v58 =	vsub.f32 $0.0e+00, v1;
	_ =	sdelay $0x1  }
0x840: {  	v58 =	vmul.f32 $1.442695020e+00, v58  }
0x841: {  	v0 =	vadd.f32 v9, v0;
	v9 =	vmul.f32 v34, v34;
	v34 =	vld [tilespmem:$0x1DD40]  }
0x842: {  	(erf) = vpow2.f32 v58;
	v58 =	vld [tilespmem:$0x1F4F0];
	_ =	sdelay $0x1  }
0x843: {  	v4 =	vadd.f32 v30, v4;
	v30 =	vld [tilespmem:$0x1DD30]  }
0x844: {  	v2 =	vadd.f32 v6, v2  }
0x845: {  	v0 =	vadd.f32 v9, v0;
	v9 =	vmul.f32 v34, v34;
	v34 =	vld [tilespmem:$0x1DD60]  }
0x846: {  	v2 =	vadd.f32 v58, v2;
	v58 =	vld [tilespmem:$0x1F4E0];
	_ =	sdelay $0x1  }
0x847: {  	v6 =	vmul.f32 v30, v30;
	v30 =	vld [tilespmem:$0x1DD50];
	_ =	sdelay $0x1  }
0x848: {  	v0 =	vadd.f32 v9, v0;
	v9 =	vmul.f32 v34, v34;
	v34 =	vld [tilespmem:$0x1DD70]  }
0x849: {  	v2 =	vadd.f32 v58, v2;
	v58 =	vld [tilespmem:$0x1F4B0];
	_ =	sdelay $0x1  }
0x84a: {  	v4 =	vadd.f32 v6, v4;
	v6 =	vmul.f32 v30, v30  }
0x84b: {  	v53 =	vmul.f32 v53, v53;
	v0 =	vadd.f32 v9, v0  }
0x84c: {  	v4 =	vadd.f32 v6, v4;
	v6 =	vmul.f32 v34, v34  }
0x84d: {  	v0 =	vadd.f32 v53, v0;
	v2 =	vadd.f32 v58, v2;
	v58 =	vmul.f32 v48, v48;
	v48 =	vpop (erf)  }
0x84e: {  	v53 =	vld [tilespmem:$0x1F470];
	v34 =	vmul.f32 v56, v56;
	v4 =	vadd.f32 v6, v4;
	v30 =	vmul.f32 v48, v3  }
0x84f: {  	v51 =	vmul.f32 v51, v51  }
0x850: {  	v56 =	vmul.f32 v49, v49;
	v4 =	vadd.f32 v34, v4;
	v34 =	vld [tilespmem:$0x1F430];
	v1 =	vadd.f32 v30, v1  }
0x851: {  	v0 =	vadd.f32 v51, v0  }
0x852: {  	v47 =	vmul.f32 v47, v47;
	v51 =	vld [tilespmem:$0x1F400];
	v4 =	vadd.f32 v56, v4;
	v1 =	vadd.f32 $-1.000000000e+00, v1  }
0x853: {  	v49 =	vmul.f32 v40, v40;
	v2 =	vadd.f32 v53, v2;
	v0 =	vadd.f32 v58, v0  }
0x854: {  	v53 =	vmul.f32 v41, v41;
	v58 =	vld [tilespmem:$0x1F3D0];
	v4 =	vadd.f32 v47, v4;
	v40 =	vsub.f32 $0.0e+00, v1  }
0x855: {  	v0 =	vadd.f32 v49, v0;
	v56 =	vmul.f32 v38, v38;
	v2 =	vadd.f32 v34, v2  }
0x856: {  	v30 =	vmul.f32 v36, v36;
	v34 =	vld [tilespmem:$0x1F3A0];
	v4 =	vadd.f32 v53, v4;
	v49 =	vmul.f32 $1.442695020e+00, v40  }
0x857: {  	v31 =	vmul.f32 v31, v31;
	v0 =	vadd.f32 v56, v0;
	v2 =	vadd.f32 v51, v2  }
0x858: {  	v41 =	vld [tilespmem:$0x1F370];
	v36 =	vmul.f32 v33, v33;
	v4 =	vadd.f32 v30, v4;
	(erf) = vpow2.f32 v49  }
0x859: {  	v38 =	vmul.f32 v28, v28;
	v0 =	vadd.f32 v31, v0;
	v2 =	vadd.f32 v58, v2  }
0x85a: {  	v47 =	vmul.f32 v29, v29;
	v51 =	vld [tilespmem:$0x1F350];
	v4 =	vadd.f32 v36, v4  }
0x85b: {  	v48 =	vmul.f32 v24, v24;
	v0 =	vadd.f32 v38, v0;
	v2 =	vadd.f32 v34, v2  }
0x85c: {  	v53 =	vmul.f32 v27, v27;
	v58 =	vld [tilespmem:$0x1F320];
	v4 =	vadd.f32 v47, v4  }
0x85d: {  	v56 =	vmul.f32 v23, v23;
	v0 =	vadd.f32 v48, v0;
	v2 =	vadd.f32 v41, v2  }
0x85e: {  	v24 =	vmul.f32 v19, v19;
	v23 =	vmul.f32 v22, v22;
	v27 =	vld [tilespmem:$0x1F2E0];
	v4 =	vadd.f32 v53, v4  }
0x85f: {  	v19 =	vmul.f32 v44, v44;
	v0 =	vadd.f32 v56, v0;
	v2 =	vadd.f32 v51, v2  }
0x860: {  	v33 =	vmul.f32 v20, v20;
	v28 =	vmul.f32 v18, v18;
	v30 =	vld [tilespmem:$0x1F2A0];
	v4 =	vadd.f32 v23, v4  }
0x861: {  	v29 =	vmul.f32 v17, v17;
	v0 =	vadd.f32 v24, v0;
	v2 =	vadd.f32 v58, v2;
	v47 =	vpop (erf)  }
0x862: {  	v31 =	vmul.f32 v16, v16;
	v34 =	vld [tilespmem:$0x1F270];
	v4 =	vadd.f32 v28, v4;
	v49 =	vmul.f32 v47, v3  }
0x863: {  	v20 =	vmul.f32 v45, v45;
	v0 =	vadd.f32 v29, v0;
	v2 =	vadd.f32 v27, v2  }
0x864: {  	v40 =	vld [tilespmem:$0x1F250];
	v36 =	vmul.f32 v15, v15;
	v4 =	vadd.f32 v31, v4;
	v1 =	vadd.f32 v49, v1  }
0x865: {  	v38 =	vmul.f32 v26, v26;
	v0 =	vadd.f32 v33, v0;
	v2 =	vadd.f32 v30, v2  }
0x866: {  	v41 =	vmul.f32 v35, v35;
	v51 =	vld [tilespmem:$0x1F260];
	v4 =	vadd.f32 v36, v4;
	v1 =	vadd.f32 $-1.000000000e+00, v1  }
0x867: {  	v48 =	vmul.f32 v14, v14;
	v0 =	vadd.f32 v38, v0;
	v2 =	vadd.f32 v34, v2  }
0x868: {  	v53 =	vmul.f32 v37, v37;
	v58 =	vld [tilespmem:$0x1F280];
	v4 =	vadd.f32 v41, v4;
	v22 =	vsub.f32 $0.0e+00, v1  }
0x869: {  	v44 =	vld [tilespmem:$0x1F4C0];
	v56 =	vmul.f32 v39, v39;
	v0 =	vadd.f32 v48, v0;
	v2 =	vadd.f32 v40, v2  }
0x86a: {  	v18 =	vld [tilespmem:$0x1F2C0];
	v16 =	vmul.f32 v42, v42;
	v4 =	vadd.f32 v53, v4;
	v14 =	vmul.f32 $1.442695020e+00, v22  }
0x86b: {  	v45 =	vld [tilespmem:$0x1F420];
	v17 =	vmul.f32 v43, v43;
	v0 =	vadd.f32 v56, v0;
	v2 =	vadd.f32 v51, v2  }
0x86c: {  	v23 =	vld [tilespmem:$0x1F300];
	v4 =	vadd.f32 v16, v4;
	(erf) = vpow2.f32 v14  }
0x86d: {  	v42 =	vld [tilespmem:$0x1F3F0];
	v0 =	vadd.f32 v17, v0;
	v2 =	vadd.f32 v58, v2  }
0x86e: {  	v10 =	vmul.f32 v25, v10;
	v24 =	vmul.f32 v46, v46;
	v27 =	vld [tilespmem:$0x1F340];
	v4 =	vadd.f32 v19, v4  }
0x86f: {  	v26 =	vmul.f32 v50, v50;
	v36 =	vld [tilespmem:$0x1DD80];
	v0 =	vadd.f32 v20, v0;
	v2 =	vadd.f32 v18, v2  }
0x870: {  	v35 =	vmul.f32 v60, v60;
	v28 =	vmul.f32 v52, v52;
	v30 =	vld [tilespmem:$0x1F360];
	v4 =	vadd.f32 v24, v4  }
0x871: {  	v60 =	vld [tilespmem:$0x1ED70];
	v29 =	vmul.f32 v54, v54;
	v0 =	vadd.f32 v26, v0;
	v2 =	vadd.f32 v23, v2  }
0x872: {  	v37 =	vmul.f32 v63, v63;
	v31 =	vmul.f32 v55, v55;
	v34 =	vld [tilespmem:$0x1F390];
	v4 =	vadd.f32 v28, v4  }
0x873: {  	v63 =	vld [tilespmem:$0x1F440];
	v33 =	vmul.f32 v59, v59;
	v0 =	vadd.f32 v29, v0;
	v2 =	vadd.f32 v27, v2  }
0x874: {  	v38 =	vld [tilespmem:$0x1F3C0];
	v10 =	vadd.f32 v10, v36;
	v4 =	vadd.f32 v31, v4  }
0x875: {  	v39 =	vmul.f32 v13, v13;
	v54 =	vld [tilespmem:$0x1EBA0];
	v0 =	vadd.f32 v33, v0;
	v2 =	vadd.f32 v30, v2;
	v48 =	vpop (erf)  }
0x876: {  	v52 =	vld [tilespmem:$0x1E990];
	v40 =	vadd.f32 $-1.000000000e+00, v10;
	v4 =	vadd.f32 v35, v4;
	v3 =	vmul.f32 v48, v3  }
0x877: {  	v43 =	vmul.f32 v8, v8;
	v59 =	vld [tilespmem:$0x1ED00];
	v0 =	vadd.f32 v37, v0;
	v2 =	vadd.f32 v34, v2  }
0x878: {  	v41 =	vmul.f32 v12, v12;
	v4 =	vadd.f32 v39, v4;
	v1 =	vadd.f32 v3, v1;
	v3 =	vld [tilespmem:$0x1EA40]  }
0x879: {  	v7 =	vmul.f32 v7, v7;
	v47 =	vld [tilespmem:$0x1E940];
	v8 =	vsub.f32 v44, v40;
	v2 =	vadd.f32 v38, v2  }
0x87a: {  	v46 =	vmul.f32 v21, v21;
	v51 =	vld [tilespmem:$0x1F460];
	v0 =	vadd.f32 v41, v0;
	v4 =	vadd.f32 v43, v4  }
0x87b: {  	v50 =	vmul.f32 v11, v11;
	[tilespmem:$0x14E70] =	vst v60;
	v49 =	vld [tilespmem:$0x1E970];
	v2 =	vadd.f32 v42, v2;
	v1 =	vadd.f32 $-1.000000000e+00, v1  }
0x87c: {  	[tilespmem:$0x14E40] =	vst v54;
	v56 =	vmul.f32 v57, v57;
	v53 =	vld [tilespmem:$0x1F4A0];
	v0 =	vadd.f32 v7, v0;
	v4 =	vadd.f32 v46, v4  }
0x87d: {  	v57 =	vld [tilespmem:$0x1EC90];
	v2 =	vadd.f32 v45, v2;
	v1 =	vsub.f32 v8, v1;
	[tilespmem:$0x14E30] =	vst v3;
	v3 =	vmul.f32 v32, v32  }
0x87e: {  	v55 =	vmul.f32 v61, v61;
	[tilespmem:$0x14E20] =	vst v52;
	v58 =	vmul.f32 v62, v62;
	v62 =	vld [tilespmem:$0x1E0E0];
	v0 =	vadd.f32 v50, v0  }
0x87f: {  	v2 =	vadd.f32 v51, v2;
	[tilespmem:$0x14E90] =	vst v1;
	v1 =	vld [tilespmem:$0x1F4D0];
	v3 =	vadd.f32 v3, v4  }
0x880: {  	v5 =	vmul.f32 v5, v5;
	v61 =	vld [tilespmem:$0x1F480];
	[tilespmem:$0x14E60] =	vst v59;
	v0 =	vadd.f32 v55, v0  }
0x881: {  	[tilespmem:$0x14E00] =	vst v47;
	v2 =	vadd.f32 v53, v2;
	v3 =	vadd.f32 v58, v3  }
0x882: {  	[tilespmem:$0x14E10] =	vst v49;
	v0 =	vadd.f32 v5, v0  }
0x883: {  	[tilespmem:$0x14E50] =	vst v57;
	v2 =	vadd.f32 v56, v2;
	v3 =	vadd.f32 v3, v63  }
0x884: {  	[tilespmem:$0x14E80] =	vst v62;
	v0 =	vadd.f32 v0, v1  }
0x885: {  	v2 =	vadd.f32 v2, v61;
	[tilespmem:$0x14EB0] =	vst v3  }
0x886: {  	[tilespmem:$0x14EC0] =	vst v0  }
0x887: {  	v0 =	vimm.f32 $0.0e+00;
	[tilespmem:$0x14EA0] =	vst v2  }
0x888: {  	s31 =	sadd.s32 $0x1, s31;
	[tilespmem:$0x14ED0] =	vst v0  }
0x889: {  	p0 =	sne.s32 s31, s15;
	[tilespmem:$0x14EE0] =	vst v0  }
.Ltmp2:
0x88a: {  	[tilespmem:$0x14EF0] =	vst v0;
	(pc) =	sbr.rel @p0 .LBB2_1-.Ltmp2, $4  }
0x88b: {  	[hbm4b:s14+s1] =	stream.linear.scatter [tilespmem:s30], [sflag:$0x2], $0x100, $0x38;
	[tilespmem:$0x14F00] =	vst v63  }
0x88c: {  	_ =	swait.ge [sflag:s17], $0x100  }
0x88d: {  	[sflag:s17] =	ssyncset.done $0x0  }
0x88e: {  	v1 =	vld [tilespmem:$0x1FFF0];
	[sflag:s17] =	ssyncadd.s32 $0xFFFFFF00  }
0x88f: {  	_ =	sfence.sel $0x180000  }
0x890: {  	[bflag:$0x0] =	sbarrier.arrive $0xFFFF  }
0x891: {  	_ =	strace $0x90000047  }
0x892: {  	[bflag:$0x2] =	sbarrier.arrive $0xFFFF  }
0x893: {  	p0 =	sne.s32 s2, $0x0;
	s0 =	rddreg [dreg:$0x8]  }
0x894: {  	s0 =	sadd.s32 @!p0 $0x100000, s0  }
0x895: {  	[sflag:s0] =	ssyncadd.tile.s32 @!p0 $0x1;
	_ =	shalt  }
.Lfunc_end2:
_tile_overlayer_lowered:
.L_overlay_start_2:
0x896: {  	(tag) =	ssettag $0x2  }
0x897: {  	s0 =	rddreg [dreg:$0x0];
	s2 =	stileid.u32  }
0x898: {  	s1 =	rddreg [dreg:$0x1];
	p0 =	sne.s32 s2, $0x0  }
0x899: {  	s3 =	rddreg [dreg:$0x2];
	[bflag:$0x3] =	sbarrier.arrive $0xFFFF;
	s2 =	simm.s32 @!p0 $0x1C02  }
0x89a: {  	[timem:s3], [sflag:s2] =	dma.local @!p0 [hbm:s0], s1  }
0x89b: {  	s0 =	simm.s32 @!p0 $0x2  }
0x89c: {  	_ =	swait.ge @!p0 [sflag:s0], s1  }
0x89d: {  	s1 =	ssub.s32 @!p0 $0x0, s1;
	[sflag:s0] =	ssyncset.done @!p0 $0x0  }
0x89e: {  	[sflag:s0] =	ssyncadd.s32 @!p0 s1  }
0x89f: {  	[bflag:$0x3] =	sbarrier.arrive $0xFFFF  }
0x8a0: {  	_ =	shalt  }

</sc_bundles>
